<compile_context>
chip_gen: v7x
topology: tpu7x:2x2x1
jax: 0.10.2.dev20260603
libtpu: 0.0.44.dev20260713+nightly
codegen_flags: <defaults>
</compile_context>

<pallas_src>
import functools

import jax
import jax.numpy as jnp
from jax import lax
from jax.experimental import pallas as pl
from jax.experimental.pallas import tpu as pltpu
from jax.experimental.pallas import tpu_sc as plsc

_N = 10000
_E = 320000
_D = 128
_NC = 2
_NS = 16
_NW = _NC * _NS
_EP = _E // _NW
_K = 128
_NCH = _EP // _K
_KT = _EP - _NCH * _K
_NP = 10240
_RPT = _NP // _NS
_ZR = 32
_BR = 1024
_NB = (_N + _BR - 1) // _BR

_DOT = functools.partial(
    lax.dot_general,
    dimension_numbers=(((1,), (0,)), ((), ())),
    preferred_element_type=jnp.float32,
    precision=lax.Precision.HIGHEST,
)



def _fill_rows(ref, nrows, ncol16, value):
    def row(i, _):
        def col(q, _):
            ref[i, pl.ds(q * 16, 16)] = jnp.full((16,), value, jnp.float32)
            return 0
        return lax.fori_loop(0, ncol16, col, 0)
    lax.fori_loop(0, nrows, row, 0)


def _mesh():
    return plsc.VectorSubcoreMesh(core_axis_name="c", subcore_axis_name="s",
                                  num_cores=_NC, num_subcores=_NS)


@functools.lru_cache(maxsize=None)
def _make_sc_scatter(with_deg):
    out_type = [jax.ShapeDtypeStruct((_NC, _NP, _D), jnp.float32)]
    scratch = (
        [pltpu.VMEM_SHARED((_NP, _D), jnp.float32)]
        + [pltpu.VMEM((_K,), jnp.int32) for _ in range(2)]
        + [pltpu.VMEM((_K,), jnp.int32) for _ in range(2)]
        + [pltpu.VMEM((2 * _K, _D), jnp.float32)]
        + [pltpu.VMEM((_KT,), jnp.int32) for _ in range(2)]
        + [pltpu.VMEM((_KT, _D), jnp.float32)]
        + [pltpu.VMEM((_ZR, _D), jnp.float32)]
        + [pltpu.SemaphoreType.DMA] * 5
    )
    if with_deg:
        out_type.append(jax.ShapeDtypeStruct((_NC, _NP), jnp.float32))
        scratch += [
            pltpu.VMEM_SHARED((_NP,), jnp.float32),
            pltpu.VMEM((_K,), jnp.float32),
            pltpu.VMEM((_RPT,), jnp.float32),
        ]

    def body(g, srcv, dstv, *refs):
        if with_deg:
            s_out, deg_out = refs[0], refs[1]
            deg_acc, ones, zb1 = refs[-3], refs[-2], refs[-1]
            refs = refs[2:-3]
        else:
            s_out = refs[0]
            refs = refs[1:]
        (acc, src_c0, src_c1, dst_c0, dst_c1, rows2,
         src_t, dst_t, rows_t, zbuf, semi0, semi1, semg0, semg1, semt) = refs
        src_c = (src_c0, src_c1)
        dst_c = (dst_c0, dst_c1)
        rows = (rows2.at[pl.ds(0, _K)], rows2.at[pl.ds(_K, _K)])
        sem_i = (semi0, semi1)
        sem_g = (semg0, semg1)
        c = lax.axis_index("c")
        t = lax.axis_index("s")
        wid = t * _NC + c
        rbase = t * _RPT
        ebase = wid * _EP

        def idx_fetch(j, b):
            off = ebase + j * _K
            pltpu.async_copy(srcv.at[pl.ds(off, _K)], src_c[b], sem_i[b])
            pltpu.async_copy(dstv.at[pl.ds(off, _K)], dst_c[b], sem_i[b])

        def idx_wait(b):
            pltpu.make_async_copy(srcv.at[pl.ds(0, _K)], src_c[b],
                                  sem_i[b]).wait()
            pltpu.make_async_copy(dstv.at[pl.ds(0, _K)], dst_c[b],
                                  sem_i[b]).wait()

        def gather_start(b):
            pltpu.async_copy(g.at[src_c[b]], rows[b], sem_g[b])

        def gather_wait(b):
            pltpu.make_async_copy(g.at[src_c[b]], rows[b], sem_g[b]).wait()

        def scatter(b):
            pltpu.sync_copy(rows[b], acc.at[dst_c[b]], add=True)
            if with_deg:
                pltpu.sync_copy(ones, deg_acc.at[dst_c[b]], add=True)

        idx_fetch(0, 0)
        idx_fetch(1, 1)
        toff = ebase + _NCH * _K
        pltpu.async_copy(srcv.at[pl.ds(toff, _KT)], src_t, semt)
        pltpu.async_copy(dstv.at[pl.ds(toff, _KT)], dst_t, semt)

        _fill_rows(zbuf, _ZR, _D // 16, 0.0)
        for k in range(_RPT // _ZR):
            pltpu.sync_copy(zbuf, acc.at[pl.ds(rbase + k * _ZR, _ZR)])
        if with_deg:
            def v1row(i, _):
                zb1[pl.ds(i * 16, 16)] = jnp.zeros((16,), jnp.float32)
                return 0
            lax.fori_loop(0, _RPT // 16, v1row, 0)
            for q in range(_K // 16):
                ones[pl.ds(q * 16, 16)] = jnp.ones((16,), jnp.float32)
            pltpu.sync_copy(zb1, deg_acc.at[pl.ds(rbase, _RPT)])

        idx_wait(0)
        gather_start(0)
        plsc.subcore_barrier()

        def pair(i, _):
            for b in range(2):
                j = 2 * i + b
                bn = 1 - b
                @pl.when(j + 1 < _NCH)
                def _():
                    idx_wait(bn)
                    gather_start(bn)
                gather_wait(b)
                scatter(b)
                @pl.when(j + 2 < _NCH)
                def _():
                    idx_fetch(j + 2, b)
            return 0
        lax.fori_loop(0, _NCH // 2, pair, 0)

        pltpu.make_async_copy(srcv.at[pl.ds(0, _KT)], src_t, semt).wait()
        pltpu.make_async_copy(dstv.at[pl.ds(0, _KT)], dst_t, semt).wait()
        pltpu.async_copy(g.at[src_t], rows_t, semt).wait()
        pltpu.sync_copy(rows_t, acc.at[dst_t], add=True)
        if with_deg:
            pltpu.sync_copy(ones.at[pl.ds(0, _KT)], deg_acc.at[dst_t],
                            add=True)

        plsc.subcore_barrier()
        for k in range(_RPT // 128):
            r = rbase + k * 128
            pltpu.sync_copy(acc.at[pl.ds(r, 128)], s_out.at[c, pl.ds(r, 128)])
        if with_deg:
            pltpu.sync_copy(deg_acc.at[pl.ds(rbase, _RPT)],
                            deg_out.at[c, pl.ds(rbase, _RPT)])

    return pl.kernel(body, out_type=tuple(out_type), mesh=_mesh(),
                     scratch_types=tuple(scratch))



def _mm_body(h_ref, w_ref, o_ref):
    o_ref[...] = _DOT(h_ref[...], w_ref[...])


def _inv_deg(d_ref):
    deg = jnp.sum(d_ref[...], axis=0)[:, None]
    return 1.0 / jnp.maximum(deg, 1.0)


def _step_body(h_ref, s_ref, d_ref, ws_ref, wn_ref, b_ref, h1_ref, g1_ref):
    agg = (s_ref[0] + s_ref[1]) * _inv_deg(d_ref)
    z = _DOT(h_ref[...], ws_ref[...]) + agg + b_ref[...]
    h1 = jnp.maximum(z, 0.0)
    h1_ref[...] = h1
    g1_ref[...] = _DOT(h1, wn_ref[...])


def _final_body(h_ref, s_ref, d_ref, ws_ref, b_ref, o_ref):
    agg = (s_ref[0] + s_ref[1]) * _inv_deg(d_ref)
    o_ref[...] = _DOT(h_ref[...], ws_ref[...]) + agg + b_ref[...]


_b_h = pl.BlockSpec((_BR, _D), lambda i: (i, 0))
_b_w = pl.BlockSpec((_D, _D), lambda i: (0, 0))
_b_b = pl.BlockSpec((1, _D), lambda i: (0, 0))
_b_s = pl.BlockSpec((_NC, _BR, _D), lambda i: (0, i, 0))
_b_d = pl.BlockSpec((_NC, _BR), lambda i: (0, i))
_o_h = jax.ShapeDtypeStruct((_N, _D), jnp.float32)

_mm = pl.pallas_call(
    _mm_body, grid=(_NB,),
    in_specs=[_b_h, _b_w], out_specs=_b_h, out_shape=_o_h)

_step = pl.pallas_call(
    _step_body, grid=(_NB,),
    in_specs=[_b_h, _b_s, _b_d, _b_w, _b_w, _b_b],
    out_specs=(_b_h, _b_h), out_shape=(_o_h, _o_h))

_final = pl.pallas_call(
    _final_body, grid=(_NB,),
    in_specs=[_b_h, _b_s, _b_d, _b_w, _b_b],
    out_specs=_b_h, out_shape=_o_h)


def kernel(feats, edge_index, W_self_0, W_neigh_0, b_0,
           W_self_1, W_neigh_1, b_1, W_self_2, W_neigh_2, b_2):
    src = edge_index[0]
    dst = edge_index[1]
    b0 = b_0.reshape(1, _D)
    b1 = b_1.reshape(1, _D)
    b2 = b_2.reshape(1, _D)

    g0 = _mm(feats, W_neigh_0)
    s0, deg = _make_sc_scatter(True)(g0, src, dst)
    h1, g1 = _step(feats, s0, deg, W_self_0, W_neigh_1, b0)
    (s1,) = _make_sc_scatter(False)(g1, src, dst)
    h2, g2 = _step(h1, s1, deg, W_self_1, W_neigh_2, b1)
    (s2,) = _make_sc_scatter(False)(g2, src, dst)
    h3 = _final(h2, s2, deg, W_self_2, b2)
    return h3

# --- scband reference (transcript-rebuilt; emitter-appended) ---
"""Pipeline reference for scband-graph-sage-47571057770577 (READ-ONLY COPY).

The authoritative reference and input builder live on the scoring server;
editing this copy changes nothing except your own understanding.
"""

import jax, jax.numpy as jnp
import numpy as np

N = 10000
E = 320000
D = 128


def setup_inputs(seed: int = 0) -> dict:
    key = jax.random.key(seed)
    inp = {}
    inp["feats"] = jax.random.normal(jax.random.fold_in(key, 0), (N, D), dtype=jnp.float32)
    inp["edge_index"] = jax.random.randint(jax.random.fold_in(key, 1), (2, E), 0, N, dtype=jnp.int32)
    scale = 1.0 / np.sqrt(D)
    for i in range(3):
        inp[f"W_self_{i}"] = jax.random.normal(jax.random.fold_in(key, 10 + i), (D, D), dtype=jnp.float32) * scale
        inp[f"W_neigh_{i}"] = jax.random.normal(jax.random.fold_in(key, 20 + i), (D, D), dtype=jnp.float32) * scale
        inp[f"b_{i}"] = jnp.zeros((D,), dtype=jnp.float32)
    return inp


def _sage_layer(h, src, dst, Ws, Wn, b, apply_act):
    # DGL SAGEConv with mean aggregator: h' = fc_self(h) + fc_neigh(mean_{u in N(v)} h_u) + bias
    msg = h[src]  # gather: [E, d]
    agg = jax.ops.segment_sum(msg, dst, num_segments=N)  # scatter-add: [N, d]
    deg = jax.ops.segment_sum(jnp.ones((src.shape[0],), dtype=jnp.float32), dst, num_segments=N)
    agg = agg / jnp.clip(deg, 1.0)[:, None]
    out = h @ Ws + agg @ Wn + b
    if apply_act:
        out = jax.nn.relu(out)
    return out


def reference(feats, edge_index, W_self_0, W_neigh_0, b_0, W_self_1, W_neigh_1, b_1, W_self_2, W_neigh_2, b_2):
    src = edge_index[0]
    dst = edge_index[1]
    params = [(W_self_0, W_neigh_0, b_0), (W_self_1, W_neigh_1, b_1), (W_self_2, W_neigh_2, b_2)]
    h = feats
    for i, (Ws, Wn, b) in enumerate(params):
        h = _sage_layer(h, src, dst, Ws, Wn, b, apply_act=(i < len(params) - 1))
    return h

if __name__ == "__main__":
    import jax
    _d = setup_inputs()
    print(jax.jit(kernel)(*tuple(_d.values())))

</pallas_src>

<mosaic_0001>
#map = affine_map<(d0, d1) -> (0, 0)>
#map1 = affine_map<(d0, d1) -> (0)>
#map2 = affine_map<(d0, d1) -> (0, 0, 0)>
module attributes {stable_mosaic.version = 14 : i64} {
  func.func @body(%arg0: i32, %arg1: i32, %arg2: memref<10000x128xf32, #tpu.memory_space<hbm>>, %arg3: memref<320000xi32, #tpu.memory_space<hbm>>, %arg4: memref<320000xi32, #tpu.memory_space<hbm>>, %arg5: memref<2x10240x128xf32, #tpu.memory_space<hbm>>, %arg6: memref<2x10240xf32, #tpu.memory_space<hbm>>, %arg7: memref<10240x128xf32, #tpu.memory_space<vmem_shared>>, %arg8: memref<128xi32, #tpu.memory_space<vmem>>, %arg9: memref<128xi32, #tpu.memory_space<vmem>>, %arg10: memref<128xi32, #tpu.memory_space<vmem>>, %arg11: memref<128xi32, #tpu.memory_space<vmem>>, %arg12: memref<256x128xf32, #tpu.memory_space<vmem>>, %arg13: memref<16xi32, #tpu.memory_space<vmem>>, %arg14: memref<16xi32, #tpu.memory_space<vmem>>, %arg15: memref<16x128xf32, #tpu.memory_space<vmem>>, %arg16: memref<32x128xf32, #tpu.memory_space<vmem>>, %arg17: memref<!tpu.dma_semaphore, #tpu.memory_space<semaphore_mem>>, %arg18: memref<!tpu.dma_semaphore, #tpu.memory_space<semaphore_mem>>, %arg19: memref<!tpu.dma_semaphore, #tpu.memory_space<semaphore_mem>>, %arg20: memref<!tpu.dma_semaphore, #tpu.memory_space<semaphore_mem>>, %arg21: memref<!tpu.dma_semaphore, #tpu.memory_space<semaphore_mem>>, %arg22: memref<10240xf32, #tpu.memory_space<vmem_shared>>, %arg23: memref<128xf32, #tpu.memory_space<vmem>>, %arg24: memref<640xf32, #tpu.memory_space<vmem>>) attributes {dimension_semantics = [#tpu.dimension_semantics<core_parallel>, #tpu.dimension_semantics<subcore_parallel>], iteration_bounds = array<i64: 2, 16>, scalar_prefetch = 0 : i64, scratch_operands = 18 : i64, tpu.core_type = #tpu.core_type<sc_vector_subcore>, window_params = [{transform_indices = #map}, {transform_indices = #map1}, {transform_indices = #map1}, {transform_indices = #map2}, {transform_indices = #map}]} {
    %mul3A = arith.constant 2 : i32
    %mul3A_0 = arith.muli %arg1, %mul3A : i32
    %add3A = arith.addi %mul3A_0, %arg0 : i32
    %mul3A_1 = arith.constant 640 : i32
    %mul3A_2 = arith.muli %arg1, %mul3A_1 : i32
    %mul3A_3 = arith.constant 10000 : i32
    %mul3A_4 = arith.muli %add3A, %mul3A_3 : i32
    %add3A_5 = arith.constant 0 : i32
    %add3A_6 = arith.addi %mul3A_4, %add3A_5 : i32
    %dma_start3A = tpu.memref_slice %arg3[%add3A_6] : memref<320000xi32, #tpu.memory_space<hbm>> -> memref<128xi32, #tpu.memory_space<hbm>>
    %dma_start3A_7 = tpu.memref_slice %arg3[%add3A_6] : memref<320000xi32, #tpu.memory_space<hbm>> -> memref<128xi32, #tpu.memory_space<hbm>>
    tpu.enqueue_dma source(%dma_start3A_7 : memref<128xi32, #tpu.memory_space<hbm>>) target(%arg8 : memref<128xi32, #tpu.memory_space<vmem>>) target_semaphore(%arg17 : memref<!tpu.dma_semaphore, #tpu.memory_space<semaphore_mem>>)
    %dma_start3A_8 = tpu.memref_slice %arg4[%add3A_6] : memref<320000xi32, #tpu.memory_space<hbm>> -> memref<128xi32, #tpu.memory_space<hbm>>
    %dma_start3A_9 = tpu.memref_slice %arg4[%add3A_6] : memref<320000xi32, #tpu.memory_space<hbm>> -> memref<128xi32, #tpu.memory_space<hbm>>
    tpu.enqueue_dma source(%dma_start3A_9 : memref<128xi32, #tpu.memory_space<hbm>>) target(%arg10 : memref<128xi32, #tpu.memory_space<vmem>>) target_semaphore(%arg17 : memref<!tpu.dma_semaphore, #tpu.memory_space<semaphore_mem>>)
    %add3A_10 = arith.constant 128 : i32
    %add3A_11 = arith.addi %mul3A_4, %add3A_10 : i32
    %dma_start3A_12 = tpu.memref_slice %arg3[%add3A_11] : memref<320000xi32, #tpu.memory_space<hbm>> -> memref<128xi32, #tpu.memory_space<hbm>>
    %dma_start3A_13 = tpu.memref_slice %arg3[%add3A_11] : memref<320000xi32, #tpu.memory_space<hbm>> -> memref<128xi32, #tpu.memory_space<hbm>>
    tpu.enqueue_dma source(%dma_start3A_13 : memref<128xi32, #tpu.memory_space<hbm>>) target(%arg9 : memref<128xi32, #tpu.memory_space<vmem>>) target_semaphore(%arg18 : memref<!tpu.dma_semaphore, #tpu.memory_space<semaphore_mem>>)
    %dma_start3A_14 = tpu.memref_slice %arg4[%add3A_11] : memref<320000xi32, #tpu.memory_space<hbm>> -> memref<128xi32, #tpu.memory_space<hbm>>
    %dma_start3A_15 = tpu.memref_slice %arg4[%add3A_11] : memref<320000xi32, #tpu.memory_space<hbm>> -> memref<128xi32, #tpu.memory_space<hbm>>
    tpu.enqueue_dma source(%dma_start3A_15 : memref<128xi32, #tpu.memory_space<hbm>>) target(%arg11 : memref<128xi32, #tpu.memory_space<vmem>>) target_semaphore(%arg18 : memref<!tpu.dma_semaphore, #tpu.memory_space<semaphore_mem>>)
    %add3A_16 = arith.constant 9984 : i32
    %add3A_17 = arith.addi %mul3A_4, %add3A_16 : i32
    %dma_start3A_18 = tpu.memref_slice %arg3[%add3A_17] : memref<320000xi32, #tpu.memory_space<hbm>> -> memref<16xi32, #tpu.memory_space<hbm>>
    %dma_start3A_19 = tpu.memref_slice %arg3[%add3A_17] : memref<320000xi32, #tpu.memory_space<hbm>> -> memref<16xi32, #tpu.memory_space<hbm>>
    tpu.enqueue_dma source(%dma_start3A_19 : memref<16xi32, #tpu.memory_space<hbm>>) target(%arg13 : memref<16xi32, #tpu.memory_space<vmem>>) target_semaphore(%arg21 : memref<!tpu.dma_semaphore, #tpu.memory_space<semaphore_mem>>)
    %dma_start3A_20 = tpu.memref_slice %arg4[%add3A_17] : memref<320000xi32, #tpu.memory_space<hbm>> -> memref<16xi32, #tpu.memory_space<hbm>>
    %dma_start3A_21 = tpu.memref_slice %arg4[%add3A_17] : memref<320000xi32, #tpu.memory_space<hbm>> -> memref<16xi32, #tpu.memory_space<hbm>>
    tpu.enqueue_dma source(%dma_start3A_21 : memref<16xi32, #tpu.memory_space<hbm>>) target(%arg14 : memref<16xi32, #tpu.memory_space<vmem>>) target_semaphore(%arg21 : memref<!tpu.dma_semaphore, #tpu.memory_space<semaphore_mem>>)
    %scan3A = arith.constant 0 : i32
    %scan3A_22 = arith.constant 0 : i32
    %scan3A_23 = arith.constant 32 : i32
    %scan3A_24 = arith.addi %scan3A_22, %scan3A_23 : i32
    %scan3A_25 = arith.constant 1 : i32
    %scan3A_26 = scf.for %scan3A_166 = %scan3A_22 to %scan3A_24 step %scan3A_25 iter_args(%scan3A_167 = %scan3A) -> (i32)  : i32 {
      %scan3A_168 = arith.constant 0 : i32
      %scan3A_169 = arith.constant 0 : i32
      %scan3A_170 = arith.constant 8 : i32
      %scan3A_171 = arith.addi %scan3A_169, %scan3A_170 : i32
      %scan3A_172 = arith.constant 1 : i32
      %scan3A_173 = scf.for %scan3A_175 = %scan3A_169 to %scan3A_171 step %scan3A_172 iter_args(%scan3A_176 = %scan3A_168) -> (i32)  : i32 {
        %broadcast_in_dim3A_177 = arith.constant 0.000000e+00 : f32
        %broadcast_in_dim3A_178 = vector.broadcast %broadcast_in_dim3A_177 : f32 to vector<16xf32>
        %mul3A_179 = arith.constant 16 : i32
        %mul3A_180 = arith.muli %scan3A_175, %mul3A_179 : i32
        %swap3A_181 = arith.index_cast %scan3A_166 : i32 to index
        %swap3A_182 = arith.index_cast %mul3A_180 : i32 to index
        %swap3A_183 = tpu.vector_load %arg16[%swap3A_181, %swap3A_182] {strides = array<i32>} : memref<32x128xf32, #tpu.memory_space<vmem>>, vector<1x16xf32>,
        %swap3A_184 = vector.shape_cast %swap3A_183 : vector<1x16xf32> to vector<16xf32>
        %swap3A_185 = vector.shape_cast %broadcast_in_dim3A_178 : vector<16xf32> to vector<1x16xf32>
        tpu.vector_store %arg16[%swap3A_181, %swap3A_182], %swap3A_185 {strides = array<i32>} : memref<32x128xf32, #tpu.memory_space<vmem>>, vector<1x16xf32>,
        %scan3A_186 = arith.constant 0 : i32
        scf.yield %scan3A_186 : i32
      }
      %scan3A_174 = arith.constant 8 : i32
      scf.yield %scan3A_173 : i32
    }
    %scan3A_27 = arith.constant 32 : i32
    %add3A_28 = arith.constant 0 : i32
    %add3A_29 = arith.addi %mul3A_2, %add3A_28 : i32
    "tpu.region"() ({
      %run_scoped3A = tpu.sem_alloc : memref<!tpu.dma_semaphore, #tpu.memory_space<semaphore_mem>>
      %dma_start3A_166 = arith.constant 0 : i32
      %dma_start3A_167 = tpu.memref_slice %arg7[%add3A_29, %dma_start3A_166] : memref<10240x128xf32, #tpu.memory_space<vmem_shared>> -> memref<32x128xf32, #tpu.memory_space<vmem_shared>>
      %dma_start3A_168 = arith.constant 0 : i32
      %dma_start3A_169 = tpu.memref_slice %arg7[%add3A_29, %dma_start3A_168] : memref<10240x128xf32, #tpu.memory_space<vmem_shared>> -> memref<32x128xf32, #tpu.memory_space<vmem_shared>>
      tpu.enqueue_dma source(%arg16 : memref<32x128xf32, #tpu.memory_space<vmem>>) target(%dma_start3A_169 : memref<32x128xf32, #tpu.memory_space<vmem_shared>>) target_semaphore(%run_scoped3A : memref<!tpu.dma_semaphore, #tpu.memory_space<semaphore_mem>>)
      %dma_wait3A_170 = arith.constant 0 : i32
      %dma_wait3A_171 = tpu.memref_slice %arg7[%add3A_29, %dma_wait3A_170] : memref<10240x128xf32, #tpu.memory_space<vmem_shared>> -> memref<32x128xf32, #tpu.memory_space<vmem_shared>>
      %dma_wait3A_172 = arith.constant 0 : i32
      %dma_wait3A_173 = tpu.memref_slice %arg7[%add3A_29, %dma_wait3A_172] : memref<10240x128xf32, #tpu.memory_space<vmem_shared>> -> memref<32x128xf32, #tpu.memory_space<vmem_shared>>
      tpu.wait_dma2 semaphore(%run_scoped3A : memref<!tpu.dma_semaphore, #tpu.memory_space<semaphore_mem>>) src(%arg16 : memref<32x128xf32, #tpu.memory_space<vmem>>) dst(%dma_wait3A_173 : memref<32x128xf32, #tpu.memory_space<vmem_shared>>)
      tpu.yield
    }) : () -> ()
    %add3A_30 = arith.constant 32 : i32
    %add3A_31 = arith.addi %mul3A_2, %add3A_30 : i32
    "tpu.region"() ({
      %run_scoped3A = tpu.sem_alloc : memref<!tpu.dma_semaphore, #tpu.memory_space<semaphore_mem>>
      %dma_start3A_166 = arith.constant 0 : i32
      %dma_start3A_167 = tpu.memref_slice %arg7[%add3A_31, %dma_start3A_166] : memref<10240x128xf32, #tpu.memory_space<vmem_shared>> -> memref<32x128xf32, #tpu.memory_space<vmem_shared>>
      %dma_start3A_168 = arith.constant 0 : i32
      %dma_start3A_169 = tpu.memref_slice %arg7[%add3A_31, %dma_start3A_168] : memref<10240x128xf32, #tpu.memory_space<vmem_shared>> -> memref<32x128xf32, #tpu.memory_space<vmem_shared>>
      tpu.enqueue_dma source(%arg16 : memref<32x128xf32, #tpu.memory_space<vmem>>) target(%dma_start3A_169 : memref<32x128xf32, #tpu.memory_space<vmem_shared>>) target_semaphore(%run_scoped3A : memref<!tpu.dma_semaphore, #tpu.memory_space<semaphore_mem>>)
      %dma_wait3A_170 = arith.constant 0 : i32
      %dma_wait3A_171 = tpu.memref_slice %arg7[%add3A_31, %dma_wait3A_170] : memref<10240x128xf32, #tpu.memory_space<vmem_shared>> -> memref<32x128xf32, #tpu.memory_space<vmem_shared>>
      %dma_wait3A_172 = arith.constant 0 : i32
      %dma_wait3A_173 = tpu.memref_slice %arg7[%add3A_31, %dma_wait3A_172] : memref<10240x128xf32, #tpu.memory_space<vmem_shared>> -> memref<32x128xf32, #tpu.memory_space<vmem_shared>>
      tpu.wait_dma2 semaphore(%run_scoped3A : memref<!tpu.dma_semaphore, #tpu.memory_space<semaphore_mem>>) src(%arg16 : memref<32x128xf32, #tpu.memory_space<vmem>>) dst(%dma_wait3A_173 : memref<32x128xf32, #tpu.memory_space<vmem_shared>>)
      tpu.yield
    }) : () -> ()
    %add3A_32 = arith.constant 64 : i32
    %add3A_33 = arith.addi %mul3A_2, %add3A_32 : i32
    "tpu.region"() ({
      %run_scoped3A = tpu.sem_alloc : memref<!tpu.dma_semaphore, #tpu.memory_space<semaphore_mem>>
      %dma_start3A_166 = arith.constant 0 : i32
      %dma_start3A_167 = tpu.memref_slice %arg7[%add3A_33, %dma_start3A_166] : memref<10240x128xf32, #tpu.memory_space<vmem_shared>> -> memref<32x128xf32, #tpu.memory_space<vmem_shared>>
      %dma_start3A_168 = arith.constant 0 : i32
      %dma_start3A_169 = tpu.memref_slice %arg7[%add3A_33, %dma_start3A_168] : memref<10240x128xf32, #tpu.memory_space<vmem_shared>> -> memref<32x128xf32, #tpu.memory_space<vmem_shared>>
      tpu.enqueue_dma source(%arg16 : memref<32x128xf32, #tpu.memory_space<vmem>>) target(%dma_start3A_169 : memref<32x128xf32, #tpu.memory_space<vmem_shared>>) target_semaphore(%run_scoped3A : memref<!tpu.dma_semaphore, #tpu.memory_space<semaphore_mem>>)
      %dma_wait3A_170 = arith.constant 0 : i32
      %dma_wait3A_171 = tpu.memref_slice %arg7[%add3A_33, %dma_wait3A_170] : memref<10240x128xf32, #tpu.memory_space<vmem_shared>> -> memref<32x128xf32, #tpu.memory_space<vmem_shared>>
      %dma_wait3A_172 = arith.constant 0 : i32
      %dma_wait3A_173 = tpu.memref_slice %arg7[%add3A_33, %dma_wait3A_172] : memref<10240x128xf32, #tpu.memory_space<vmem_shared>> -> memref<32x128xf32, #tpu.memory_space<vmem_shared>>
      tpu.wait_dma2 semaphore(%run_scoped3A : memref<!tpu.dma_semaphore, #tpu.memory_space<semaphore_mem>>) src(%arg16 : memref<32x128xf32, #tpu.memory_space<vmem>>) dst(%dma_wait3A_173 : memref<32x128xf32, #tpu.memory_space<vmem_shared>>)
      tpu.yield
    }) : () -> ()
    %add3A_34 = arith.constant 96 : i32
    %add3A_35 = arith.addi %mul3A_2, %add3A_34 : i32
    "tpu.region"() ({
      %run_scoped3A = tpu.sem_alloc : memref<!tpu.dma_semaphore, #tpu.memory_space<semaphore_mem>>
      %dma_start3A_166 = arith.constant 0 : i32
      %dma_start3A_167 = tpu.memref_slice %arg7[%add3A_35, %dma_start3A_166] : memref<10240x128xf32, #tpu.memory_space<vmem_shared>> -> memref<32x128xf32, #tpu.memory_space<vmem_shared>>
      %dma_start3A_168 = arith.constant 0 : i32
      %dma_start3A_169 = tpu.memref_slice %arg7[%add3A_35, %dma_start3A_168] : memref<10240x128xf32, #tpu.memory_space<vmem_shared>> -> memref<32x128xf32, #tpu.memory_space<vmem_shared>>
      tpu.enqueue_dma source(%arg16 : memref<32x128xf32, #tpu.memory_space<vmem>>) target(%dma_start3A_169 : memref<32x128xf32, #tpu.memory_space<vmem_shared>>) target_semaphore(%run_scoped3A : memref<!tpu.dma_semaphore, #tpu.memory_space<semaphore_mem>>)
      %dma_wait3A_170 = arith.constant 0 : i32
      %dma_wait3A_171 = tpu.memref_slice %arg7[%add3A_35, %dma_wait3A_170] : memref<10240x128xf32, #tpu.memory_space<vmem_shared>> -> memref<32x128xf32, #tpu.memory_space<vmem_shared>>
      %dma_wait3A_172 = arith.constant 0 : i32
      %dma_wait3A_173 = tpu.memref_slice %arg7[%add3A_35, %dma_wait3A_172] : memref<10240x128xf32, #tpu.memory_space<vmem_shared>> -> memref<32x128xf32, #tpu.memory_space<vmem_shared>>
      tpu.wait_dma2 semaphore(%run_scoped3A : memref<!tpu.dma_semaphore, #tpu.memory_space<semaphore_mem>>) src(%arg16 : memref<32x128xf32, #tpu.memory_space<vmem>>) dst(%dma_wait3A_173 : memref<32x128xf32, #tpu.memory_space<vmem_shared>>)
      tpu.yield
    }) : () -> ()
    %add3A_36 = arith.constant 128 : i32
    %add3A_37 = arith.addi %mul3A_2, %add3A_36 : i32
    "tpu.region"() ({
      %run_scoped3A = tpu.sem_alloc : memref<!tpu.dma_semaphore, #tpu.memory_space<semaphore_mem>>
      %dma_start3A_166 = arith.constant 0 : i32
      %dma_start3A_167 = tpu.memref_slice %arg7[%add3A_37, %dma_start3A_166] : memref<10240x128xf32, #tpu.memory_space<vmem_shared>> -> memref<32x128xf32, #tpu.memory_space<vmem_shared>>
      %dma_start3A_168 = arith.constant 0 : i32
      %dma_start3A_169 = tpu.memref_slice %arg7[%add3A_37, %dma_start3A_168] : memref<10240x128xf32, #tpu.memory_space<vmem_shared>> -> memref<32x128xf32, #tpu.memory_space<vmem_shared>>
      tpu.enqueue_dma source(%arg16 : memref<32x128xf32, #tpu.memory_space<vmem>>) target(%dma_start3A_169 : memref<32x128xf32, #tpu.memory_space<vmem_shared>>) target_semaphore(%run_scoped3A : memref<!tpu.dma_semaphore, #tpu.memory_space<semaphore_mem>>)
      %dma_wait3A_170 = arith.constant 0 : i32
      %dma_wait3A_171 = tpu.memref_slice %arg7[%add3A_37, %dma_wait3A_170] : memref<10240x128xf32, #tpu.memory_space<vmem_shared>> -> memref<32x128xf32, #tpu.memory_space<vmem_shared>>
      %dma_wait3A_172 = arith.constant 0 : i32
      %dma_wait3A_173 = tpu.memref_slice %arg7[%add3A_37, %dma_wait3A_172] : memref<10240x128xf32, #tpu.memory_space<vmem_shared>> -> memref<32x128xf32, #tpu.memory_space<vmem_shared>>
      tpu.wait_dma2 semaphore(%run_scoped3A : memref<!tpu.dma_semaphore, #tpu.memory_space<semaphore_mem>>) src(%arg16 : memref<32x128xf32, #tpu.memory_space<vmem>>) dst(%dma_wait3A_173 : memref<32x128xf32, #tpu.memory_space<vmem_shared>>)
      tpu.yield
    }) : () -> ()
    %add3A_38 = arith.constant 160 : i32
    %add3A_39 = arith.addi %mul3A_2, %add3A_38 : i32
    "tpu.region"() ({
      %run_scoped3A = tpu.sem_alloc : memref<!tpu.dma_semaphore, #tpu.memory_space<semaphore_mem>>
      %dma_start3A_166 = arith.constant 0 : i32
      %dma_start3A_167 = tpu.memref_slice %arg7[%add3A_39, %dma_start3A_166] : memref<10240x128xf32, #tpu.memory_space<vmem_shared>> -> memref<32x128xf32, #tpu.memory_space<vmem_shared>>
      %dma_start3A_168 = arith.constant 0 : i32
      %dma_start3A_169 = tpu.memref_slice %arg7[%add3A_39, %dma_start3A_168] : memref<10240x128xf32, #tpu.memory_space<vmem_shared>> -> memref<32x128xf32, #tpu.memory_space<vmem_shared>>
      tpu.enqueue_dma source(%arg16 : memref<32x128xf32, #tpu.memory_space<vmem>>) target(%dma_start3A_169 : memref<32x128xf32, #tpu.memory_space<vmem_shared>>) target_semaphore(%run_scoped3A : memref<!tpu.dma_semaphore, #tpu.memory_space<semaphore_mem>>)
      %dma_wait3A_170 = arith.constant 0 : i32
      %dma_wait3A_171 = tpu.memref_slice %arg7[%add3A_39, %dma_wait3A_170] : memref<10240x128xf32, #tpu.memory_space<vmem_shared>> -> memref<32x128xf32, #tpu.memory_space<vmem_shared>>
      %dma_wait3A_172 = arith.constant 0 : i32
      %dma_wait3A_173 = tpu.memref_slice %arg7[%add3A_39, %dma_wait3A_172] : memref<10240x128xf32, #tpu.memory_space<vmem_shared>> -> memref<32x128xf32, #tpu.memory_space<vmem_shared>>
      tpu.wait_dma2 semaphore(%run_scoped3A : memref<!tpu.dma_semaphore, #tpu.memory_space<semaphore_mem>>) src(%arg16 : memref<32x128xf32, #tpu.memory_space<vmem>>) dst(%dma_wait3A_173 : memref<32x128xf32, #tpu.memory_space<vmem_shared>>)
      tpu.yield
    }) : () -> ()
    %add3A_40 = arith.constant 192 : i32
    %add3A_41 = arith.addi %mul3A_2, %add3A_40 : i32
    "tpu.region"() ({
      %run_scoped3A = tpu.sem_alloc : memref<!tpu.dma_semaphore, #tpu.memory_space<semaphore_mem>>
      %dma_start3A_166 = arith.constant 0 : i32
      %dma_start3A_167 = tpu.memref_slice %arg7[%add3A_41, %dma_start3A_166] : memref<10240x128xf32, #tpu.memory_space<vmem_shared>> -> memref<32x128xf32, #tpu.memory_space<vmem_shared>>
      %dma_start3A_168 = arith.constant 0 : i32
      %dma_start3A_169 = tpu.memref_slice %arg7[%add3A_41, %dma_start3A_168] : memref<10240x128xf32, #tpu.memory_space<vmem_shared>> -> memref<32x128xf32, #tpu.memory_space<vmem_shared>>
      tpu.enqueue_dma source(%arg16 : memref<32x128xf32, #tpu.memory_space<vmem>>) target(%dma_start3A_169 : memref<32x128xf32, #tpu.memory_space<vmem_shared>>) target_semaphore(%run_scoped3A : memref<!tpu.dma_semaphore, #tpu.memory_space<semaphore_mem>>)
      %dma_wait3A_170 = arith.constant 0 : i32
      %dma_wait3A_171 = tpu.memref_slice %arg7[%add3A_41, %dma_wait3A_170] : memref<10240x128xf32, #tpu.memory_space<vmem_shared>> -> memref<32x128xf32, #tpu.memory_space<vmem_shared>>
      %dma_wait3A_172 = arith.constant 0 : i32
      %dma_wait3A_173 = tpu.memref_slice %arg7[%add3A_41, %dma_wait3A_172] : memref<10240x128xf32, #tpu.memory_space<vmem_shared>> -> memref<32x128xf32, #tpu.memory_space<vmem_shared>>
      tpu.wait_dma2 semaphore(%run_scoped3A : memref<!tpu.dma_semaphore, #tpu.memory_space<semaphore_mem>>) src(%arg16 : memref<32x128xf32, #tpu.memory_space<vmem>>) dst(%dma_wait3A_173 : memref<32x128xf32, #tpu.memory_space<vmem_shared>>)
      tpu.yield
    }) : () -> ()
    %add3A_42 = arith.constant 224 : i32
    %add3A_43 = arith.addi %mul3A_2, %add3A_42 : i32
    "tpu.region"() ({
      %run_scoped3A = tpu.sem_alloc : memref<!tpu.dma_semaphore, #tpu.memory_space<semaphore_mem>>
      %dma_start3A_166 = arith.constant 0 : i32
      %dma_start3A_167 = tpu.memref_slice %arg7[%add3A_43, %dma_start3A_166] : memref<10240x128xf32, #tpu.memory_space<vmem_shared>> -> memref<32x128xf32, #tpu.memory_space<vmem_shared>>
      %dma_start3A_168 = arith.constant 0 : i32
      %dma_start3A_169 = tpu.memref_slice %arg7[%add3A_43, %dma_start3A_168] : memref<10240x128xf32, #tpu.memory_space<vmem_shared>> -> memref<32x128xf32, #tpu.memory_space<vmem_shared>>
      tpu.enqueue_dma source(%arg16 : memref<32x128xf32, #tpu.memory_space<vmem>>) target(%dma_start3A_169 : memref<32x128xf32, #tpu.memory_space<vmem_shared>>) target_semaphore(%run_scoped3A : memref<!tpu.dma_semaphore, #tpu.memory_space<semaphore_mem>>)
      %dma_wait3A_170 = arith.constant 0 : i32
      %dma_wait3A_171 = tpu.memref_slice %arg7[%add3A_43, %dma_wait3A_170] : memref<10240x128xf32, #tpu.memory_space<vmem_shared>> -> memref<32x128xf32, #tpu.memory_space<vmem_shared>>
      %dma_wait3A_172 = arith.constant 0 : i32
      %dma_wait3A_173 = tpu.memref_slice %arg7[%add3A_43, %dma_wait3A_172] : memref<10240x128xf32, #tpu.memory_space<vmem_shared>> -> memref<32x128xf32, #tpu.memory_space<vmem_shared>>
      tpu.wait_dma2 semaphore(%run_scoped3A : memref<!tpu.dma_semaphore, #tpu.memory_space<semaphore_mem>>) src(%arg16 : memref<32x128xf32, #tpu.memory_space<vmem>>) dst(%dma_wait3A_173 : memref<32x128xf32, #tpu.memory_space<vmem_shared>>)
      tpu.yield
    }) : () -> ()
    %add3A_44 = arith.constant 256 : i32
    %add3A_45 = arith.addi %mul3A_2, %add3A_44 : i32
    "tpu.region"() ({
      %run_scoped3A = tpu.sem_alloc : memref<!tpu.dma_semaphore, #tpu.memory_space<semaphore_mem>>
      %dma_start3A_166 = arith.constant 0 : i32
      %dma_start3A_167 = tpu.memref_slice %arg7[%add3A_45, %dma_start3A_166] : memref<10240x128xf32, #tpu.memory_space<vmem_shared>> -> memref<32x128xf32, #tpu.memory_space<vmem_shared>>
      %dma_start3A_168 = arith.constant 0 : i32
      %dma_start3A_169 = tpu.memref_slice %arg7[%add3A_45, %dma_start3A_168] : memref<10240x128xf32, #tpu.memory_space<vmem_shared>> -> memref<32x128xf32, #tpu.memory_space<vmem_shared>>
      tpu.enqueue_dma source(%arg16 : memref<32x128xf32, #tpu.memory_space<vmem>>) target(%dma_start3A_169 : memref<32x128xf32, #tpu.memory_space<vmem_shared>>) target_semaphore(%run_scoped3A : memref<!tpu.dma_semaphore, #tpu.memory_space<semaphore_mem>>)
      %dma_wait3A_170 = arith.constant 0 : i32
      %dma_wait3A_171 = tpu.memref_slice %arg7[%add3A_45, %dma_wait3A_170] : memref<10240x128xf32, #tpu.memory_space<vmem_shared>> -> memref<32x128xf32, #tpu.memory_space<vmem_shared>>
      %dma_wait3A_172 = arith.constant 0 : i32
      %dma_wait3A_173 = tpu.memref_slice %arg7[%add3A_45, %dma_wait3A_172] : memref<10240x128xf32, #tpu.memory_space<vmem_shared>> -> memref<32x128xf32, #tpu.memory_space<vmem_shared>>
      tpu.wait_dma2 semaphore(%run_scoped3A : memref<!tpu.dma_semaphore, #tpu.memory_space<semaphore_mem>>) src(%arg16 : memref<32x128xf32, #tpu.memory_space<vmem>>) dst(%dma_wait3A_173 : memref<32x128xf32, #tpu.memory_space<vmem_shared>>)
      tpu.yield
    }) : () -> ()
    %add3A_46 = arith.constant 288 : i32
    %add3A_47 = arith.addi %mul3A_2, %add3A_46 : i32
    "tpu.region"() ({
      %run_scoped3A = tpu.sem_alloc : memref<!tpu.dma_semaphore, #tpu.memory_space<semaphore_mem>>
      %dma_start3A_166 = arith.constant 0 : i32
      %dma_start3A_167 = tpu.memref_slice %arg7[%add3A_47, %dma_start3A_166] : memref<10240x128xf32, #tpu.memory_space<vmem_shared>> -> memref<32x128xf32, #tpu.memory_space<vmem_shared>>
      %dma_start3A_168 = arith.constant 0 : i32
      %dma_start3A_169 = tpu.memref_slice %arg7[%add3A_47, %dma_start3A_168] : memref<10240x128xf32, #tpu.memory_space<vmem_shared>> -> memref<32x128xf32, #tpu.memory_space<vmem_shared>>
      tpu.enqueue_dma source(%arg16 : memref<32x128xf32, #tpu.memory_space<vmem>>) target(%dma_start3A_169 : memref<32x128xf32, #tpu.memory_space<vmem_shared>>) target_semaphore(%run_scoped3A : memref<!tpu.dma_semaphore, #tpu.memory_space<semaphore_mem>>)
      %dma_wait3A_170 = arith.constant 0 : i32
      %dma_wait3A_171 = tpu.memref_slice %arg7[%add3A_47, %dma_wait3A_170] : memref<10240x128xf32, #tpu.memory_space<vmem_shared>> -> memref<32x128xf32, #tpu.memory_space<vmem_shared>>
      %dma_wait3A_172 = arith.constant 0 : i32
      %dma_wait3A_173 = tpu.memref_slice %arg7[%add3A_47, %dma_wait3A_172] : memref<10240x128xf32, #tpu.memory_space<vmem_shared>> -> memref<32x128xf32, #tpu.memory_space<vmem_shared>>
      tpu.wait_dma2 semaphore(%run_scoped3A : memref<!tpu.dma_semaphore, #tpu.memory_space<semaphore_mem>>) src(%arg16 : memref<32x128xf32, #tpu.memory_space<vmem>>) dst(%dma_wait3A_173 : memref<32x128xf32, #tpu.memory_space<vmem_shared>>)
      tpu.yield
    }) : () -> ()
    %add3A_48 = arith.constant 320 : i32
    %add3A_49 = arith.addi %mul3A_2, %add3A_48 : i32
    "tpu.region"() ({
      %run_scoped3A = tpu.sem_alloc : memref<!tpu.dma_semaphore, #tpu.memory_space<semaphore_mem>>
      %dma_start3A_166 = arith.constant 0 : i32
      %dma_start3A_167 = tpu.memref_slice %arg7[%add3A_49, %dma_start3A_166] : memref<10240x128xf32, #tpu.memory_space<vmem_shared>> -> memref<32x128xf32, #tpu.memory_space<vmem_shared>>
      %dma_start3A_168 = arith.constant 0 : i32
      %dma_start3A_169 = tpu.memref_slice %arg7[%add3A_49, %dma_start3A_168] : memref<10240x128xf32, #tpu.memory_space<vmem_shared>> -> memref<32x128xf32, #tpu.memory_space<vmem_shared>>
      tpu.enqueue_dma source(%arg16 : memref<32x128xf32, #tpu.memory_space<vmem>>) target(%dma_start3A_169 : memref<32x128xf32, #tpu.memory_space<vmem_shared>>) target_semaphore(%run_scoped3A : memref<!tpu.dma_semaphore, #tpu.memory_space<semaphore_mem>>)
      %dma_wait3A_170 = arith.constant 0 : i32
      %dma_wait3A_171 = tpu.memref_slice %arg7[%add3A_49, %dma_wait3A_170] : memref<10240x128xf32, #tpu.memory_space<vmem_shared>> -> memref<32x128xf32, #tpu.memory_space<vmem_shared>>
      %dma_wait3A_172 = arith.constant 0 : i32
      %dma_wait3A_173 = tpu.memref_slice %arg7[%add3A_49, %dma_wait3A_172] : memref<10240x128xf32, #tpu.memory_space<vmem_shared>> -> memref<32x128xf32, #tpu.memory_space<vmem_shared>>
      tpu.wait_dma2 semaphore(%run_scoped3A : memref<!tpu.dma_semaphore, #tpu.memory_space<semaphore_mem>>) src(%arg16 : memref<32x128xf32, #tpu.memory_space<vmem>>) dst(%dma_wait3A_173 : memref<32x128xf32, #tpu.memory_space<vmem_shared>>)
      tpu.yield
    }) : () -> ()
    %add3A_50 = arith.constant 352 : i32
    %add3A_51 = arith.addi %mul3A_2, %add3A_50 : i32
    "tpu.region"() ({
      %run_scoped3A = tpu.sem_alloc : memref<!tpu.dma_semaphore, #tpu.memory_space<semaphore_mem>>
      %dma_start3A_166 = arith.constant 0 : i32
      %dma_start3A_167 = tpu.memref_slice %arg7[%add3A_51, %dma_start3A_166] : memref<10240x128xf32, #tpu.memory_space<vmem_shared>> -> memref<32x128xf32, #tpu.memory_space<vmem_shared>>
      %dma_start3A_168 = arith.constant 0 : i32
      %dma_start3A_169 = tpu.memref_slice %arg7[%add3A_51, %dma_start3A_168] : memref<10240x128xf32, #tpu.memory_space<vmem_shared>> -> memref<32x128xf32, #tpu.memory_space<vmem_shared>>
      tpu.enqueue_dma source(%arg16 : memref<32x128xf32, #tpu.memory_space<vmem>>) target(%dma_start3A_169 : memref<32x128xf32, #tpu.memory_space<vmem_shared>>) target_semaphore(%run_scoped3A : memref<!tpu.dma_semaphore, #tpu.memory_space<semaphore_mem>>)
      %dma_wait3A_170 = arith.constant 0 : i32
      %dma_wait3A_171 = tpu.memref_slice %arg7[%add3A_51, %dma_wait3A_170] : memref<10240x128xf32, #tpu.memory_space<vmem_shared>> -> memref<32x128xf32, #tpu.memory_space<vmem_shared>>
      %dma_wait3A_172 = arith.constant 0 : i32
      %dma_wait3A_173 = tpu.memref_slice %arg7[%add3A_51, %dma_wait3A_172] : memref<10240x128xf32, #tpu.memory_space<vmem_shared>> -> memref<32x128xf32, #tpu.memory_space<vmem_shared>>
      tpu.wait_dma2 semaphore(%run_scoped3A : memref<!tpu.dma_semaphore, #tpu.memory_space<semaphore_mem>>) src(%arg16 : memref<32x128xf32, #tpu.memory_space<vmem>>) dst(%dma_wait3A_173 : memref<32x128xf32, #tpu.memory_space<vmem_shared>>)
      tpu.yield
    }) : () -> ()
    %add3A_52 = arith.constant 384 : i32
    %add3A_53 = arith.addi %mul3A_2, %add3A_52 : i32
    "tpu.region"() ({
      %run_scoped3A = tpu.sem_alloc : memref<!tpu.dma_semaphore, #tpu.memory_space<semaphore_mem>>
      %dma_start3A_166 = arith.constant 0 : i32
      %dma_start3A_167 = tpu.memref_slice %arg7[%add3A_53, %dma_start3A_166] : memref<10240x128xf32, #tpu.memory_space<vmem_shared>> -> memref<32x128xf32, #tpu.memory_space<vmem_shared>>
      %dma_start3A_168 = arith.constant 0 : i32
      %dma_start3A_169 = tpu.memref_slice %arg7[%add3A_53, %dma_start3A_168] : memref<10240x128xf32, #tpu.memory_space<vmem_shared>> -> memref<32x128xf32, #tpu.memory_space<vmem_shared>>
      tpu.enqueue_dma source(%arg16 : memref<32x128xf32, #tpu.memory_space<vmem>>) target(%dma_start3A_169 : memref<32x128xf32, #tpu.memory_space<vmem_shared>>) target_semaphore(%run_scoped3A : memref<!tpu.dma_semaphore, #tpu.memory_space<semaphore_mem>>)
      %dma_wait3A_170 = arith.constant 0 : i32
      %dma_wait3A_171 = tpu.memref_slice %arg7[%add3A_53, %dma_wait3A_170] : memref<10240x128xf32, #tpu.memory_space<vmem_shared>> -> memref<32x128xf32, #tpu.memory_space<vmem_shared>>
      %dma_wait3A_172 = arith.constant 0 : i32
      %dma_wait3A_173 = tpu.memref_slice %arg7[%add3A_53, %dma_wait3A_172] : memref<10240x128xf32, #tpu.memory_space<vmem_shared>> -> memref<32x128xf32, #tpu.memory_space<vmem_shared>>
      tpu.wait_dma2 semaphore(%run_scoped3A : memref<!tpu.dma_semaphore, #tpu.memory_space<semaphore_mem>>) src(%arg16 : memref<32x128xf32, #tpu.memory_space<vmem>>) dst(%dma_wait3A_173 : memref<32x128xf32, #tpu.memory_space<vmem_shared>>)
      tpu.yield
    }) : () -> ()
    %add3A_54 = arith.constant 416 : i32
    %add3A_55 = arith.addi %mul3A_2, %add3A_54 : i32
    "tpu.region"() ({
      %run_scoped3A = tpu.sem_alloc : memref<!tpu.dma_semaphore, #tpu.memory_space<semaphore_mem>>
      %dma_start3A_166 = arith.constant 0 : i32
      %dma_start3A_167 = tpu.memref_slice %arg7[%add3A_55, %dma_start3A_166] : memref<10240x128xf32, #tpu.memory_space<vmem_shared>> -> memref<32x128xf32, #tpu.memory_space<vmem_shared>>
      %dma_start3A_168 = arith.constant 0 : i32
      %dma_start3A_169 = tpu.memref_slice %arg7[%add3A_55, %dma_start3A_168] : memref<10240x128xf32, #tpu.memory_space<vmem_shared>> -> memref<32x128xf32, #tpu.memory_space<vmem_shared>>
      tpu.enqueue_dma source(%arg16 : memref<32x128xf32, #tpu.memory_space<vmem>>) target(%dma_start3A_169 : memref<32x128xf32, #tpu.memory_space<vmem_shared>>) target_semaphore(%run_scoped3A : memref<!tpu.dma_semaphore, #tpu.memory_space<semaphore_mem>>)
      %dma_wait3A_170 = arith.constant 0 : i32
      %dma_wait3A_171 = tpu.memref_slice %arg7[%add3A_55, %dma_wait3A_170] : memref<10240x128xf32, #tpu.memory_space<vmem_shared>> -> memref<32x128xf32, #tpu.memory_space<vmem_shared>>
      %dma_wait3A_172 = arith.constant 0 : i32
      %dma_wait3A_173 = tpu.memref_slice %arg7[%add3A_55, %dma_wait3A_172] : memref<10240x128xf32, #tpu.memory_space<vmem_shared>> -> memref<32x128xf32, #tpu.memory_space<vmem_shared>>
      tpu.wait_dma2 semaphore(%run_scoped3A : memref<!tpu.dma_semaphore, #tpu.memory_space<semaphore_mem>>) src(%arg16 : memref<32x128xf32, #tpu.memory_space<vmem>>) dst(%dma_wait3A_173 : memref<32x128xf32, #tpu.memory_space<vmem_shared>>)
      tpu.yield
    }) : () -> ()
    %add3A_56 = arith.constant 448 : i32
    %add3A_57 = arith.addi %mul3A_2, %add3A_56 : i32
    "tpu.region"() ({
      %run_scoped3A = tpu.sem_alloc : memref<!tpu.dma_semaphore, #tpu.memory_space<semaphore_mem>>
      %dma_start3A_166 = arith.constant 0 : i32
      %dma_start3A_167 = tpu.memref_slice %arg7[%add3A_57, %dma_start3A_166] : memref<10240x128xf32, #tpu.memory_space<vmem_shared>> -> memref<32x128xf32, #tpu.memory_space<vmem_shared>>
      %dma_start3A_168 = arith.constant 0 : i32
      %dma_start3A_169 = tpu.memref_slice %arg7[%add3A_57, %dma_start3A_168] : memref<10240x128xf32, #tpu.memory_space<vmem_shared>> -> memref<32x128xf32, #tpu.memory_space<vmem_shared>>
      tpu.enqueue_dma source(%arg16 : memref<32x128xf32, #tpu.memory_space<vmem>>) target(%dma_start3A_169 : memref<32x128xf32, #tpu.memory_space<vmem_shared>>) target_semaphore(%run_scoped3A : memref<!tpu.dma_semaphore, #tpu.memory_space<semaphore_mem>>)
      %dma_wait3A_170 = arith.constant 0 : i32
      %dma_wait3A_171 = tpu.memref_slice %arg7[%add3A_57, %dma_wait3A_170] : memref<10240x128xf32, #tpu.memory_space<vmem_shared>> -> memref<32x128xf32, #tpu.memory_space<vmem_shared>>
      %dma_wait3A_172 = arith.constant 0 : i32
      %dma_wait3A_173 = tpu.memref_slice %arg7[%add3A_57, %dma_wait3A_172] : memref<10240x128xf32, #tpu.memory_space<vmem_shared>> -> memref<32x128xf32, #tpu.memory_space<vmem_shared>>
      tpu.wait_dma2 semaphore(%run_scoped3A : memref<!tpu.dma_semaphore, #tpu.memory_space<semaphore_mem>>) src(%arg16 : memref<32x128xf32, #tpu.memory_space<vmem>>) dst(%dma_wait3A_173 : memref<32x128xf32, #tpu.memory_space<vmem_shared>>)
      tpu.yield
    }) : () -> ()
    %add3A_58 = arith.constant 480 : i32
    %add3A_59 = arith.addi %mul3A_2, %add3A_58 : i32
    "tpu.region"() ({
      %run_scoped3A = tpu.sem_alloc : memref<!tpu.dma_semaphore, #tpu.memory_space<semaphore_mem>>
      %dma_start3A_166 = arith.constant 0 : i32
      %dma_start3A_167 = tpu.memref_slice %arg7[%add3A_59, %dma_start3A_166] : memref<10240x128xf32, #tpu.memory_space<vmem_shared>> -> memref<32x128xf32, #tpu.memory_space<vmem_shared>>
      %dma_start3A_168 = arith.constant 0 : i32
      %dma_start3A_169 = tpu.memref_slice %arg7[%add3A_59, %dma_start3A_168] : memref<10240x128xf32, #tpu.memory_space<vmem_shared>> -> memref<32x128xf32, #tpu.memory_space<vmem_shared>>
      tpu.enqueue_dma source(%arg16 : memref<32x128xf32, #tpu.memory_space<vmem>>) target(%dma_start3A_169 : memref<32x128xf32, #tpu.memory_space<vmem_shared>>) target_semaphore(%run_scoped3A : memref<!tpu.dma_semaphore, #tpu.memory_space<semaphore_mem>>)
      %dma_wait3A_170 = arith.constant 0 : i32
      %dma_wait3A_171 = tpu.memref_slice %arg7[%add3A_59, %dma_wait3A_170] : memref<10240x128xf32, #tpu.memory_space<vmem_shared>> -> memref<32x128xf32, #tpu.memory_space<vmem_shared>>
      %dma_wait3A_172 = arith.constant 0 : i32
      %dma_wait3A_173 = tpu.memref_slice %arg7[%add3A_59, %dma_wait3A_172] : memref<10240x128xf32, #tpu.memory_space<vmem_shared>> -> memref<32x128xf32, #tpu.memory_space<vmem_shared>>
      tpu.wait_dma2 semaphore(%run_scoped3A : memref<!tpu.dma_semaphore, #tpu.memory_space<semaphore_mem>>) src(%arg16 : memref<32x128xf32, #tpu.memory_space<vmem>>) dst(%dma_wait3A_173 : memref<32x128xf32, #tpu.memory_space<vmem_shared>>)
      tpu.yield
    }) : () -> ()
    %add3A_60 = arith.constant 512 : i32
    %add3A_61 = arith.addi %mul3A_2, %add3A_60 : i32
    "tpu.region"() ({
      %run_scoped3A = tpu.sem_alloc : memref<!tpu.dma_semaphore, #tpu.memory_space<semaphore_mem>>
      %dma_start3A_166 = arith.constant 0 : i32
      %dma_start3A_167 = tpu.memref_slice %arg7[%add3A_61, %dma_start3A_166] : memref<10240x128xf32, #tpu.memory_space<vmem_shared>> -> memref<32x128xf32, #tpu.memory_space<vmem_shared>>
      %dma_start3A_168 = arith.constant 0 : i32
      %dma_start3A_169 = tpu.memref_slice %arg7[%add3A_61, %dma_start3A_168] : memref<10240x128xf32, #tpu.memory_space<vmem_shared>> -> memref<32x128xf32, #tpu.memory_space<vmem_shared>>
      tpu.enqueue_dma source(%arg16 : memref<32x128xf32, #tpu.memory_space<vmem>>) target(%dma_start3A_169 : memref<32x128xf32, #tpu.memory_space<vmem_shared>>) target_semaphore(%run_scoped3A : memref<!tpu.dma_semaphore, #tpu.memory_space<semaphore_mem>>)
      %dma_wait3A_170 = arith.constant 0 : i32
      %dma_wait3A_171 = tpu.memref_slice %arg7[%add3A_61, %dma_wait3A_170] : memref<10240x128xf32, #tpu.memory_space<vmem_shared>> -> memref<32x128xf32, #tpu.memory_space<vmem_shared>>
      %dma_wait3A_172 = arith.constant 0 : i32
      %dma_wait3A_173 = tpu.memref_slice %arg7[%add3A_61, %dma_wait3A_172] : memref<10240x128xf32, #tpu.memory_space<vmem_shared>> -> memref<32x128xf32, #tpu.memory_space<vmem_shared>>
      tpu.wait_dma2 semaphore(%run_scoped3A : memref<!tpu.dma_semaphore, #tpu.memory_space<semaphore_mem>>) src(%arg16 : memref<32x128xf32, #tpu.memory_space<vmem>>) dst(%dma_wait3A_173 : memref<32x128xf32, #tpu.memory_space<vmem_shared>>)
      tpu.yield
    }) : () -> ()
    %add3A_62 = arith.constant 544 : i32
    %add3A_63 = arith.addi %mul3A_2, %add3A_62 : i32
    "tpu.region"() ({
      %run_scoped3A = tpu.sem_alloc : memref<!tpu.dma_semaphore, #tpu.memory_space<semaphore_mem>>
      %dma_start3A_166 = arith.constant 0 : i32
      %dma_start3A_167 = tpu.memref_slice %arg7[%add3A_63, %dma_start3A_166] : memref<10240x128xf32, #tpu.memory_space<vmem_shared>> -> memref<32x128xf32, #tpu.memory_space<vmem_shared>>
      %dma_start3A_168 = arith.constant 0 : i32
      %dma_start3A_169 = tpu.memref_slice %arg7[%add3A_63, %dma_start3A_168] : memref<10240x128xf32, #tpu.memory_space<vmem_shared>> -> memref<32x128xf32, #tpu.memory_space<vmem_shared>>
      tpu.enqueue_dma source(%arg16 : memref<32x128xf32, #tpu.memory_space<vmem>>) target(%dma_start3A_169 : memref<32x128xf32, #tpu.memory_space<vmem_shared>>) target_semaphore(%run_scoped3A : memref<!tpu.dma_semaphore, #tpu.memory_space<semaphore_mem>>)
      %dma_wait3A_170 = arith.constant 0 : i32
      %dma_wait3A_171 = tpu.memref_slice %arg7[%add3A_63, %dma_wait3A_170] : memref<10240x128xf32, #tpu.memory_space<vmem_shared>> -> memref<32x128xf32, #tpu.memory_space<vmem_shared>>
      %dma_wait3A_172 = arith.constant 0 : i32
      %dma_wait3A_173 = tpu.memref_slice %arg7[%add3A_63, %dma_wait3A_172] : memref<10240x128xf32, #tpu.memory_space<vmem_shared>> -> memref<32x128xf32, #tpu.memory_space<vmem_shared>>
      tpu.wait_dma2 semaphore(%run_scoped3A : memref<!tpu.dma_semaphore, #tpu.memory_space<semaphore_mem>>) src(%arg16 : memref<32x128xf32, #tpu.memory_space<vmem>>) dst(%dma_wait3A_173 : memref<32x128xf32, #tpu.memory_space<vmem_shared>>)
      tpu.yield
    }) : () -> ()
    %add3A_64 = arith.constant 576 : i32
    %add3A_65 = arith.addi %mul3A_2, %add3A_64 : i32
    "tpu.region"() ({
      %run_scoped3A = tpu.sem_alloc : memref<!tpu.dma_semaphore, #tpu.memory_space<semaphore_mem>>
      %dma_start3A_166 = arith.constant 0 : i32
      %dma_start3A_167 = tpu.memref_slice %arg7[%add3A_65, %dma_start3A_166] : memref<10240x128xf32, #tpu.memory_space<vmem_shared>> -> memref<32x128xf32, #tpu.memory_space<vmem_shared>>
      %dma_start3A_168 = arith.constant 0 : i32
      %dma_start3A_169 = tpu.memref_slice %arg7[%add3A_65, %dma_start3A_168] : memref<10240x128xf32, #tpu.memory_space<vmem_shared>> -> memref<32x128xf32, #tpu.memory_space<vmem_shared>>
      tpu.enqueue_dma source(%arg16 : memref<32x128xf32, #tpu.memory_space<vmem>>) target(%dma_start3A_169 : memref<32x128xf32, #tpu.memory_space<vmem_shared>>) target_semaphore(%run_scoped3A : memref<!tpu.dma_semaphore, #tpu.memory_space<semaphore_mem>>)
      %dma_wait3A_170 = arith.constant 0 : i32
      %dma_wait3A_171 = tpu.memref_slice %arg7[%add3A_65, %dma_wait3A_170] : memref<10240x128xf32, #tpu.memory_space<vmem_shared>> -> memref<32x128xf32, #tpu.memory_space<vmem_shared>>
      %dma_wait3A_172 = arith.constant 0 : i32
      %dma_wait3A_173 = tpu.memref_slice %arg7[%add3A_65, %dma_wait3A_172] : memref<10240x128xf32, #tpu.memory_space<vmem_shared>> -> memref<32x128xf32, #tpu.memory_space<vmem_shared>>
      tpu.wait_dma2 semaphore(%run_scoped3A : memref<!tpu.dma_semaphore, #tpu.memory_space<semaphore_mem>>) src(%arg16 : memref<32x128xf32, #tpu.memory_space<vmem>>) dst(%dma_wait3A_173 : memref<32x128xf32, #tpu.memory_space<vmem_shared>>)
      tpu.yield
    }) : () -> ()
    %add3A_66 = arith.constant 608 : i32
    %add3A_67 = arith.addi %mul3A_2, %add3A_66 : i32
    "tpu.region"() ({
      %run_scoped3A = tpu.sem_alloc : memref<!tpu.dma_semaphore, #tpu.memory_space<semaphore_mem>>
      %dma_start3A_166 = arith.constant 0 : i32
      %dma_start3A_167 = tpu.memref_slice %arg7[%add3A_67, %dma_start3A_166] : memref<10240x128xf32, #tpu.memory_space<vmem_shared>> -> memref<32x128xf32, #tpu.memory_space<vmem_shared>>
      %dma_start3A_168 = arith.constant 0 : i32
      %dma_start3A_169 = tpu.memref_slice %arg7[%add3A_67, %dma_start3A_168] : memref<10240x128xf32, #tpu.memory_space<vmem_shared>> -> memref<32x128xf32, #tpu.memory_space<vmem_shared>>
      tpu.enqueue_dma source(%arg16 : memref<32x128xf32, #tpu.memory_space<vmem>>) target(%dma_start3A_169 : memref<32x128xf32, #tpu.memory_space<vmem_shared>>) target_semaphore(%run_scoped3A : memref<!tpu.dma_semaphore, #tpu.memory_space<semaphore_mem>>)
      %dma_wait3A_170 = arith.constant 0 : i32
      %dma_wait3A_171 = tpu.memref_slice %arg7[%add3A_67, %dma_wait3A_170] : memref<10240x128xf32, #tpu.memory_space<vmem_shared>> -> memref<32x128xf32, #tpu.memory_space<vmem_shared>>
      %dma_wait3A_172 = arith.constant 0 : i32
      %dma_wait3A_173 = tpu.memref_slice %arg7[%add3A_67, %dma_wait3A_172] : memref<10240x128xf32, #tpu.memory_space<vmem_shared>> -> memref<32x128xf32, #tpu.memory_space<vmem_shared>>
      tpu.wait_dma2 semaphore(%run_scoped3A : memref<!tpu.dma_semaphore, #tpu.memory_space<semaphore_mem>>) src(%arg16 : memref<32x128xf32, #tpu.memory_space<vmem>>) dst(%dma_wait3A_173 : memref<32x128xf32, #tpu.memory_space<vmem_shared>>)
      tpu.yield
    }) : () -> ()
    %scan3A_68 = arith.constant 0 : i32
    %scan3A_69 = arith.constant 0 : i32
    %scan3A_70 = arith.constant 40 : i32
    %scan3A_71 = arith.addi %scan3A_69, %scan3A_70 : i32
    %scan3A_72 = arith.constant 1 : i32
    %scan3A_73 = scf.for %scan3A_166 = %scan3A_69 to %scan3A_71 step %scan3A_72 iter_args(%scan3A_167 = %scan3A_68) -> (i32)  : i32 {
      %broadcast_in_dim3A_168 = arith.constant 0.000000e+00 : f32
      %broadcast_in_dim3A_169 = vector.broadcast %broadcast_in_dim3A_168 : f32 to vector<16xf32>
      %mul3A_170 = arith.constant 16 : i32
      %mul3A_171 = arith.muli %scan3A_166, %mul3A_170 : i32
      %swap3A_172 = arith.index_cast %mul3A_171 : i32 to index
      %swap3A_173 = tpu.vector_load %arg24[%swap3A_172] {strides = array<i32>} : memref<640xf32, #tpu.memory_space<vmem>>, vector<16xf32>,
      %swap3A_174 = vector.shape_cast %swap3A_173 : vector<16xf32> to vector<16xf32>
      %swap3A_175 = vector.shape_cast %broadcast_in_dim3A_169 : vector<16xf32> to vector<16xf32>
      tpu.vector_store %arg24[%swap3A_172], %swap3A_175 {strides = array<i32>} : memref<640xf32, #tpu.memory_space<vmem>>, vector<16xf32>,
      %scan3A_176 = arith.constant 0 : i32
      scf.yield %scan3A_176 : i32
    }
    %scan3A_74 = arith.constant 40 : i32
    %broadcast_in_dim3A = arith.constant 1.000000e+00 : f32
    %broadcast_in_dim3A_75 = vector.broadcast %broadcast_in_dim3A : f32 to vector<16xf32>
    %swap3A = arith.constant 0 : index
    %swap3A_76 = tpu.vector_load %arg23[%swap3A] {strides = array<i32>} : memref<128xf32, #tpu.memory_space<vmem>>, vector<16xf32>,
    %swap3A_77 = vector.shape_cast %swap3A_76 : vector<16xf32> to vector<16xf32>
    %swap3A_78 = vector.shape_cast %broadcast_in_dim3A_75 : vector<16xf32> to vector<16xf32>
    tpu.vector_store %arg23[%swap3A], %swap3A_78 {strides = array<i32>} : memref<128xf32, #tpu.memory_space<vmem>>, vector<16xf32>,
    %broadcast_in_dim3A_79 = arith.constant 1.000000e+00 : f32
    %broadcast_in_dim3A_80 = vector.broadcast %broadcast_in_dim3A_79 : f32 to vector<16xf32>
    %swap3A_81 = arith.constant 16 : index
    %swap3A_82 = tpu.vector_load %arg23[%swap3A_81] {strides = array<i32>} : memref<128xf32, #tpu.memory_space<vmem>>, vector<16xf32>,
    %swap3A_83 = vector.shape_cast %swap3A_82 : vector<16xf32> to vector<16xf32>
    %swap3A_84 = vector.shape_cast %broadcast_in_dim3A_80 : vector<16xf32> to vector<16xf32>
    tpu.vector_store %arg23[%swap3A_81], %swap3A_84 {strides = array<i32>} : memref<128xf32, #tpu.memory_space<vmem>>, vector<16xf32>,
    %broadcast_in_dim3A_85 = arith.constant 1.000000e+00 : f32
    %broadcast_in_dim3A_86 = vector.broadcast %broadcast_in_dim3A_85 : f32 to vector<16xf32>
    %swap3A_87 = arith.constant 32 : index
    %swap3A_88 = tpu.vector_load %arg23[%swap3A_87] {strides = array<i32>} : memref<128xf32, #tpu.memory_space<vmem>>, vector<16xf32>,
    %swap3A_89 = vector.shape_cast %swap3A_88 : vector<16xf32> to vector<16xf32>
    %swap3A_90 = vector.shape_cast %broadcast_in_dim3A_86 : vector<16xf32> to vector<16xf32>
    tpu.vector_store %arg23[%swap3A_87], %swap3A_90 {strides = array<i32>} : memref<128xf32, #tpu.memory_space<vmem>>, vector<16xf32>,
    %broadcast_in_dim3A_91 = arith.constant 1.000000e+00 : f32
    %broadcast_in_dim3A_92 = vector.broadcast %broadcast_in_dim3A_91 : f32 to vector<16xf32>
    %swap3A_93 = arith.constant 48 : index
    %swap3A_94 = tpu.vector_load %arg23[%swap3A_93] {strides = array<i32>} : memref<128xf32, #tpu.memory_space<vmem>>, vector<16xf32>,
    %swap3A_95 = vector.shape_cast %swap3A_94 : vector<16xf32> to vector<16xf32>
    %swap3A_96 = vector.shape_cast %broadcast_in_dim3A_92 : vector<16xf32> to vector<16xf32>
    tpu.vector_store %arg23[%swap3A_93], %swap3A_96 {strides = array<i32>} : memref<128xf32, #tpu.memory_space<vmem>>, vector<16xf32>,
    %broadcast_in_dim3A_97 = arith.constant 1.000000e+00 : f32
    %broadcast_in_dim3A_98 = vector.broadcast %broadcast_in_dim3A_97 : f32 to vector<16xf32>
    %swap3A_99 = arith.constant 64 : index
    %swap3A_100 = tpu.vector_load %arg23[%swap3A_99] {strides = array<i32>} : memref<128xf32, #tpu.memory_space<vmem>>, vector<16xf32>,
    %swap3A_101 = vector.shape_cast %swap3A_100 : vector<16xf32> to vector<16xf32>
    %swap3A_102 = vector.shape_cast %broadcast_in_dim3A_98 : vector<16xf32> to vector<16xf32>
    tpu.vector_store %arg23[%swap3A_99], %swap3A_102 {strides = array<i32>} : memref<128xf32, #tpu.memory_space<vmem>>, vector<16xf32>,
    %broadcast_in_dim3A_103 = arith.constant 1.000000e+00 : f32
    %broadcast_in_dim3A_104 = vector.broadcast %broadcast_in_dim3A_103 : f32 to vector<16xf32>
    %swap3A_105 = arith.constant 80 : index
    %swap3A_106 = tpu.vector_load %arg23[%swap3A_105] {strides = array<i32>} : memref<128xf32, #tpu.memory_space<vmem>>, vector<16xf32>,
    %swap3A_107 = vector.shape_cast %swap3A_106 : vector<16xf32> to vector<16xf32>
    %swap3A_108 = vector.shape_cast %broadcast_in_dim3A_104 : vector<16xf32> to vector<16xf32>
    tpu.vector_store %arg23[%swap3A_105], %swap3A_108 {strides = array<i32>} : memref<128xf32, #tpu.memory_space<vmem>>, vector<16xf32>,
    %broadcast_in_dim3A_109 = arith.constant 1.000000e+00 : f32
    %broadcast_in_dim3A_110 = vector.broadcast %broadcast_in_dim3A_109 : f32 to vector<16xf32>
    %swap3A_111 = arith.constant 96 : index
    %swap3A_112 = tpu.vector_load %arg23[%swap3A_111] {strides = array<i32>} : memref<128xf32, #tpu.memory_space<vmem>>, vector<16xf32>,
    %swap3A_113 = vector.shape_cast %swap3A_112 : vector<16xf32> to vector<16xf32>
    %swap3A_114 = vector.shape_cast %broadcast_in_dim3A_110 : vector<16xf32> to vector<16xf32>
    tpu.vector_store %arg23[%swap3A_111], %swap3A_114 {strides = array<i32>} : memref<128xf32, #tpu.memory_space<vmem>>, vector<16xf32>,
    %broadcast_in_dim3A_115 = arith.constant 1.000000e+00 : f32
    %broadcast_in_dim3A_116 = vector.broadcast %broadcast_in_dim3A_115 : f32 to vector<16xf32>
    %swap3A_117 = arith.constant 112 : index
    %swap3A_118 = tpu.vector_load %arg23[%swap3A_117] {strides = array<i32>} : memref<128xf32, #tpu.memory_space<vmem>>, vector<16xf32>,
    %swap3A_119 = vector.shape_cast %swap3A_118 : vector<16xf32> to vector<16xf32>
    %swap3A_120 = vector.shape_cast %broadcast_in_dim3A_116 : vector<16xf32> to vector<16xf32>
    tpu.vector_store %arg23[%swap3A_117], %swap3A_120 {strides = array<i32>} : memref<128xf32, #tpu.memory_space<vmem>>, vector<16xf32>,
    "tpu.region"() ({
      %run_scoped3A = tpu.sem_alloc : memref<!tpu.dma_semaphore, #tpu.memory_space<semaphore_mem>>
      %dma_start3A_166 = tpu.memref_slice %arg22[%mul3A_2] : memref<10240xf32, #tpu.memory_space<vmem_shared>> -> memref<640xf32, #tpu.memory_space<vmem_shared>>
      %dma_start3A_167 = tpu.memref_slice %arg22[%mul3A_2] : memref<10240xf32, #tpu.memory_space<vmem_shared>> -> memref<640xf32, #tpu.memory_space<vmem_shared>>
      tpu.enqueue_dma source(%arg24 : memref<640xf32, #tpu.memory_space<vmem>>) target(%dma_start3A_167 : memref<640xf32, #tpu.memory_space<vmem_shared>>) target_semaphore(%run_scoped3A : memref<!tpu.dma_semaphore, #tpu.memory_space<semaphore_mem>>)
      %dma_wait3A_168 = tpu.memref_slice %arg22[%mul3A_2] : memref<10240xf32, #tpu.memory_space<vmem_shared>> -> memref<640xf32, #tpu.memory_space<vmem_shared>>
      %dma_wait3A_169 = tpu.memref_slice %arg22[%mul3A_2] : memref<10240xf32, #tpu.memory_space<vmem_shared>> -> memref<640xf32, #tpu.memory_space<vmem_shared>>
      tpu.wait_dma2 semaphore(%run_scoped3A : memref<!tpu.dma_semaphore, #tpu.memory_space<semaphore_mem>>) src(%arg24 : memref<640xf32, #tpu.memory_space<vmem>>) dst(%dma_wait3A_169 : memref<640xf32, #tpu.memory_space<vmem_shared>>)
      tpu.yield
    }) : () -> ()
    %dma_wait3A = arith.constant 0 : i32
    %dma_wait3A_121 = tpu.memref_slice %arg3[%dma_wait3A] : memref<320000xi32, #tpu.memory_space<hbm>> -> memref<128xi32, #tpu.memory_space<hbm>>
    %dma_wait3A_122 = arith.constant 0 : i32
    %dma_wait3A_123 = tpu.memref_slice %arg3[%dma_wait3A_122] : memref<320000xi32, #tpu.memory_space<hbm>> -> memref<128xi32, #tpu.memory_space<hbm>>
    tpu.wait_dma2 semaphore(%arg17 : memref<!tpu.dma_semaphore, #tpu.memory_space<semaphore_mem>>) src(%dma_wait3A_123 : memref<128xi32, #tpu.memory_space<hbm>>) dst(%arg8 : memref<128xi32, #tpu.memory_space<vmem>>)
    %dma_wait3A_124 = arith.constant 0 : i32
    %dma_wait3A_125 = tpu.memref_slice %arg4[%dma_wait3A_124] : memref<320000xi32, #tpu.memory_space<hbm>> -> memref<128xi32, #tpu.memory_space<hbm>>
    %dma_wait3A_126 = arith.constant 0 : i32
    %dma_wait3A_127 = tpu.memref_slice %arg4[%dma_wait3A_126] : memref<320000xi32, #tpu.memory_space<hbm>> -> memref<128xi32, #tpu.memory_space<hbm>>
    tpu.wait_dma2 semaphore(%arg17 : memref<!tpu.dma_semaphore, #tpu.memory_space<semaphore_mem>>) src(%dma_wait3A_127 : memref<128xi32, #tpu.memory_space<hbm>>) dst(%arg10 : memref<128xi32, #tpu.memory_space<vmem>>)
    %dma_start3A_128 = arith.constant 0 : i32
    %dma_start3A_129 = arith.constant 0 : i32
    %dma_start3A_130 = tpu.memref_slice %arg12[%dma_start3A_128, %dma_start3A_129] : memref<256x128xf32, #tpu.memory_space<vmem>> -> memref<128x128xf32, #tpu.memory_space<vmem>>
    %dma_start3A_131 = arith.constant 0 : i32
    %dma_start3A_132 = arith.constant 0 : i32
    %dma_start3A_133 = tpu.memref_slice %arg2[%dma_start3A_131, %dma_start3A_132] : memref<10000x128xf32, #tpu.memory_space<hbm>> -> memref<10000x128xf32, #tpu.memory_space<hbm>>
    tpu.enqueue_indirect_dma source(%dma_start3A_133 : memref<10000x128xf32, #tpu.memory_space<hbm>>) target(%dma_start3A_130 : memref<128x128xf32, #tpu.memory_space<vmem>>) offsets(%arg8 : memref<128xi32, #tpu.memory_space<vmem>>) semaphore(%arg19 : memref<!tpu.dma_semaphore, #tpu.memory_space<semaphore_mem>>)
    %barrier3A = arith.constant 0 : index
    tpu.barrier barrier_id(%barrier3A)
    %scan3A_134 = arith.constant 0 : i32
    %scan3A_135 = arith.constant 0 : i32
    %scan3A_136 = arith.constant 39 : i32
    %scan3A_137 = arith.addi %scan3A_135, %scan3A_136 : i32
    %scan3A_138 = arith.constant 1 : i32
    %scan3A_139 = scf.for %scan3A_166 = %scan3A_135 to %scan3A_137 step %scan3A_138 iter_args(%scan3A_167 = %scan3A_134) -> (i32)  : i32 {
      %mul3A_168 = arith.constant 2 : i32
      %mul3A_169 = arith.muli %mul3A_168, %scan3A_166 : i32
      %add3A_170 = arith.constant 0 : i32
      %add3A_171 = arith.addi %mul3A_169, %add3A_170 : i32
      %add3A_172 = arith.constant 1 : i32
      %add3A_173 = arith.addi %add3A_171, %add3A_172 : i32
      %lt3A = arith.constant 78 : i32
      %lt3A_174 = arith.cmpi slt, %add3A_173, %lt3A : i32
      %convert_element_type3A = arith.extui %lt3A_174 : i1 to i32
      %cond3A = arith.constant 0 : i32
      %cond3A_175 = arith.cmpi ne, %convert_element_type3A, %cond3A : i32
      scf.if %cond3A_175 {
        %dma_wait3A_214 = arith.constant 0 : i32
        %dma_wait3A_215 = tpu.memref_slice %arg3[%dma_wait3A_214] : memref<320000xi32, #tpu.memory_space<hbm>> -> memref<128xi32, #tpu.memory_space<hbm>>
        %dma_wait3A_216 = arith.constant 0 : i32
        %dma_wait3A_217 = tpu.memref_slice %arg3[%dma_wait3A_216] : memref<320000xi32, #tpu.memory_space<hbm>> -> memref<128xi32, #tpu.memory_space<hbm>>
        tpu.wait_dma2 semaphore(%arg18 : memref<!tpu.dma_semaphore, #tpu.memory_space<semaphore_mem>>) src(%dma_wait3A_217 : memref<128xi32, #tpu.memory_space<hbm>>) dst(%arg9 : memref<128xi32, #tpu.memory_space<vmem>>)
        %dma_wait3A_218 = arith.constant 0 : i32
        %dma_wait3A_219 = tpu.memref_slice %arg4[%dma_wait3A_218] : memref<320000xi32, #tpu.memory_space<hbm>> -> memref<128xi32, #tpu.memory_space<hbm>>
        %dma_wait3A_220 = arith.constant 0 : i32
        %dma_wait3A_221 = tpu.memref_slice %arg4[%dma_wait3A_220] : memref<320000xi32, #tpu.memory_space<hbm>> -> memref<128xi32, #tpu.memory_space<hbm>>
        tpu.wait_dma2 semaphore(%arg18 : memref<!tpu.dma_semaphore, #tpu.memory_space<semaphore_mem>>) src(%dma_wait3A_221 : memref<128xi32, #tpu.memory_space<hbm>>) dst(%arg11 : memref<128xi32, #tpu.memory_space<vmem>>)
        %dma_start3A_222 = arith.constant 128 : i32
        %dma_start3A_223 = arith.constant 0 : i32
        %dma_start3A_224 = tpu.memref_slice %arg12[%dma_start3A_222, %dma_start3A_223] : memref<256x128xf32, #tpu.memory_space<vmem>> -> memref<128x128xf32, #tpu.memory_space<vmem>>
        %dma_start3A_225 = arith.constant 0 : i32
        %dma_start3A_226 = arith.constant 0 : i32
        %dma_start3A_227 = tpu.memref_slice %arg2[%dma_start3A_225, %dma_start3A_226] : memref<10000x128xf32, #tpu.memory_space<hbm>> -> memref<10000x128xf32, #tpu.memory_space<hbm>>
        tpu.enqueue_indirect_dma source(%dma_start3A_227 : memref<10000x128xf32, #tpu.memory_space<hbm>>) target(%dma_start3A_224 : memref<128x128xf32, #tpu.memory_space<vmem>>) offsets(%arg9 : memref<128xi32, #tpu.memory_space<vmem>>) semaphore(%arg20 : memref<!tpu.dma_semaphore, #tpu.memory_space<semaphore_mem>>)
      } else {
      }
      %dma_wait3A_176 = arith.constant 0 : i32
      %dma_wait3A_177 = arith.constant 0 : i32
      %dma_wait3A_178 = tpu.memref_slice %arg12[%dma_wait3A_176, %dma_wait3A_177] : memref<256x128xf32, #tpu.memory_space<vmem>> -> memref<128x128xf32, #tpu.memory_space<vmem>>
      %dma_wait3A_179 = arith.constant 0 : i32
      %dma_wait3A_180 = arith.constant 0 : i32
      %dma_wait3A_181 = tpu.memref_slice %arg2[%dma_wait3A_179, %dma_wait3A_180] : memref<10000x128xf32, #tpu.memory_space<hbm>> -> memref<10000x128xf32, #tpu.memory_space<hbm>>
      tpu.wait_indirect_dma semaphore(%arg19 : memref<!tpu.dma_semaphore, #tpu.memory_space<semaphore_mem>>) src(%dma_wait3A_181 : memref<10000x128xf32, #tpu.memory_space<hbm>>) dst(%dma_wait3A_178 : memref<128x128xf32, #tpu.memory_space<vmem>>)
      "tpu.region"() ({
        %run_scoped3A = tpu.sem_alloc : memref<!tpu.dma_semaphore, #tpu.memory_space<semaphore_mem>>
        %dma_start3A_214 = arith.constant 0 : i32
        %dma_start3A_215 = arith.constant 0 : i32
        %dma_start3A_216 = tpu.memref_slice %arg12[%dma_start3A_214, %dma_start3A_215] : memref<256x128xf32, #tpu.memory_space<vmem>> -> memref<128x128xf32, #tpu.memory_space<vmem>>
        %dma_start3A_217 = arith.constant 0 : i32
        %dma_start3A_218 = arith.constant 0 : i32
        %dma_start3A_219 = tpu.memref_slice %arg7[%dma_start3A_217, %dma_start3A_218] : memref<10240x128xf32, #tpu.memory_space<vmem_shared>> -> memref<10240x128xf32, #tpu.memory_space<vmem_shared>>
        tpu.enqueue_indirect_dma source(%dma_start3A_216 : memref<128x128xf32, #tpu.memory_space<vmem>>) target(%dma_start3A_219 : memref<10240x128xf32, #tpu.memory_space<vmem_shared>>) offsets(%arg10 : memref<128xi32, #tpu.memory_space<vmem>>) semaphore(%run_scoped3A : memref<!tpu.dma_semaphore, #tpu.memory_space<semaphore_mem>>) {add = true}
        %dma_wait3A_220 = arith.constant 0 : i32
        %dma_wait3A_221 = arith.constant 0 : i32
        %dma_wait3A_222 = tpu.memref_slice %arg12[%dma_wait3A_220, %dma_wait3A_221] : memref<256x128xf32, #tpu.memory_space<vmem>> -> memref<128x128xf32, #tpu.memory_space<vmem>>
        %dma_wait3A_223 = arith.constant 0 : i32
        %dma_wait3A_224 = arith.constant 0 : i32
        %dma_wait3A_225 = tpu.memref_slice %arg7[%dma_wait3A_223, %dma_wait3A_224] : memref<10240x128xf32, #tpu.memory_space<vmem_shared>> -> memref<10240x128xf32, #tpu.memory_space<vmem_shared>>
        tpu.wait_indirect_dma semaphore(%run_scoped3A : memref<!tpu.dma_semaphore, #tpu.memory_space<semaphore_mem>>) src(%dma_wait3A_222 : memref<128x128xf32, #tpu.memory_space<vmem>>) dst(%dma_wait3A_225 : memref<10240x128xf32, #tpu.memory_space<vmem_shared>>)
        tpu.yield
      }) : () -> ()
      "tpu.region"() ({
        %run_scoped3A = tpu.sem_alloc : memref<!tpu.dma_semaphore, #tpu.memory_space<semaphore_mem>>
        %dma_start3A_214 = arith.constant 0 : i32
        %dma_start3A_215 = tpu.memref_slice %arg22[%dma_start3A_214] : memref<10240xf32, #tpu.memory_space<vmem_shared>> -> memref<10240xf32, #tpu.memory_space<vmem_shared>>
        tpu.enqueue_indirect_dma source(%arg23 : memref<128xf32, #tpu.memory_space<vmem>>) target(%dma_start3A_215 : memref<10240xf32, #tpu.memory_space<vmem_shared>>) offsets(%arg10 : memref<128xi32, #tpu.memory_space<vmem>>) semaphore(%run_scoped3A : memref<!tpu.dma_semaphore, #tpu.memory_space<semaphore_mem>>) {add = true}
        %dma_wait3A_216 = arith.constant 0 : i32
        %dma_wait3A_217 = tpu.memref_slice %arg22[%dma_wait3A_216] : memref<10240xf32, #tpu.memory_space<vmem_shared>> -> memref<10240xf32, #tpu.memory_space<vmem_shared>>
        tpu.wait_indirect_dma semaphore(%run_scoped3A : memref<!tpu.dma_semaphore, #tpu.memory_space<semaphore_mem>>) src(%arg23 : memref<128xf32, #tpu.memory_space<vmem>>) dst(%dma_wait3A_217 : memref<10240xf32, #tpu.memory_space<vmem_shared>>)
        tpu.yield
      }) : () -> ()
      %add3A_182 = arith.constant 2 : i32
      %add3A_183 = arith.addi %add3A_171, %add3A_182 : i32
      %lt3A_184 = arith.constant 78 : i32
      %lt3A_185 = arith.cmpi slt, %add3A_183, %lt3A_184 : i32
      %convert_element_type3A_186 = arith.extui %lt3A_185 : i1 to i32
      %cond3A_187 = arith.constant 0 : i32
      %cond3A_188 = arith.cmpi ne, %convert_element_type3A_186, %cond3A_187 : i32
      scf.if %cond3A_188 {
        %add3A_214 = arith.constant 2 : i32
        %add3A_215 = arith.addi %add3A_171, %add3A_214 : i32
        %mul3A_216 = arith.constant 128 : i32
        %mul3A_217 = arith.muli %add3A_215, %mul3A_216 : i32
        %add3A_218 = arith.addi %mul3A_4, %mul3A_217 : i32
        %dma_start3A_219 = tpu.memref_slice %arg3[%add3A_218] : memref<320000xi32, #tpu.memory_space<hbm>> -> memref<128xi32, #tpu.memory_space<hbm>>
        %dma_start3A_220 = tpu.memref_slice %arg3[%add3A_218] : memref<320000xi32, #tpu.memory_space<hbm>> -> memref<128xi32, #tpu.memory_space<hbm>>
        tpu.enqueue_dma source(%dma_start3A_220 : memref<128xi32, #tpu.memory_space<hbm>>) target(%arg8 : memref<128xi32, #tpu.memory_space<vmem>>) target_semaphore(%arg17 : memref<!tpu.dma_semaphore, #tpu.memory_space<semaphore_mem>>)
        %dma_start3A_221 = tpu.memref_slice %arg4[%add3A_218] : memref<320000xi32, #tpu.memory_space<hbm>> -> memref<128xi32, #tpu.memory_space<hbm>>
        %dma_start3A_222 = tpu.memref_slice %arg4[%add3A_218] : memref<320000xi32, #tpu.memory_space<hbm>> -> memref<128xi32, #tpu.memory_space<hbm>>
        tpu.enqueue_dma source(%dma_start3A_222 : memref<128xi32, #tpu.memory_space<hbm>>) target(%arg10 : memref<128xi32, #tpu.memory_space<vmem>>) target_semaphore(%arg17 : memref<!tpu.dma_semaphore, #tpu.memory_space<semaphore_mem>>)
      } else {
      }
      %mul3A_189 = arith.constant 2 : i32
      %mul3A_190 = arith.muli %mul3A_189, %scan3A_166 : i32
      %add3A_191 = arith.constant 1 : i32
      %add3A_192 = arith.addi %mul3A_190, %add3A_191 : i32
      %add3A_193 = arith.constant 1 : i32
      %add3A_194 = arith.addi %add3A_192, %add3A_193 : i32
      %lt3A_195 = arith.constant 78 : i32
      %lt3A_196 = arith.cmpi slt, %add3A_194, %lt3A_195 : i32
      %convert_element_type3A_197 = arith.extui %lt3A_196 : i1 to i32
      %cond3A_198 = arith.constant 0 : i32
      %cond3A_199 = arith.cmpi ne, %convert_element_type3A_197, %cond3A_198 : i32
      scf.if %cond3A_199 {
        %dma_wait3A_214 = arith.constant 0 : i32
        %dma_wait3A_215 = tpu.memref_slice %arg3[%dma_wait3A_214] : memref<320000xi32, #tpu.memory_space<hbm>> -> memref<128xi32, #tpu.memory_space<hbm>>
        %dma_wait3A_216 = arith.constant 0 : i32
        %dma_wait3A_217 = tpu.memref_slice %arg3[%dma_wait3A_216] : memref<320000xi32, #tpu.memory_space<hbm>> -> memref<128xi32, #tpu.memory_space<hbm>>
        tpu.wait_dma2 semaphore(%arg17 : memref<!tpu.dma_semaphore, #tpu.memory_space<semaphore_mem>>) src(%dma_wait3A_217 : memref<128xi32, #tpu.memory_space<hbm>>) dst(%arg8 : memref<128xi32, #tpu.memory_space<vmem>>)
        %dma_wait3A_218 = arith.constant 0 : i32
        %dma_wait3A_219 = tpu.memref_slice %arg4[%dma_wait3A_218] : memref<320000xi32, #tpu.memory_space<hbm>> -> memref<128xi32, #tpu.memory_space<hbm>>
        %dma_wait3A_220 = arith.constant 0 : i32
        %dma_wait3A_221 = tpu.memref_slice %arg4[%dma_wait3A_220] : memref<320000xi32, #tpu.memory_space<hbm>> -> memref<128xi32, #tpu.memory_space<hbm>>
        tpu.wait_dma2 semaphore(%arg17 : memref<!tpu.dma_semaphore, #tpu.memory_space<semaphore_mem>>) src(%dma_wait3A_221 : memref<128xi32, #tpu.memory_space<hbm>>) dst(%arg10 : memref<128xi32, #tpu.memory_space<vmem>>)
        %dma_start3A_222 = arith.constant 0 : i32
        %dma_start3A_223 = arith.constant 0 : i32
        %dma_start3A_224 = tpu.memref_slice %arg12[%dma_start3A_222, %dma_start3A_223] : memref<256x128xf32, #tpu.memory_space<vmem>> -> memref<128x128xf32, #tpu.memory_space<vmem>>
        %dma_start3A_225 = arith.constant 0 : i32
        %dma_start3A_226 = arith.constant 0 : i32
        %dma_start3A_227 = tpu.memref_slice %arg2[%dma_start3A_225, %dma_start3A_226] : memref<10000x128xf32, #tpu.memory_space<hbm>> -> memref<10000x128xf32, #tpu.memory_space<hbm>>
        tpu.enqueue_indirect_dma source(%dma_start3A_227 : memref<10000x128xf32, #tpu.memory_space<hbm>>) target(%dma_start3A_224 : memref<128x128xf32, #tpu.memory_space<vmem>>) offsets(%arg8 : memref<128xi32, #tpu.memory_space<vmem>>) semaphore(%arg19 : memref<!tpu.dma_semaphore, #tpu.memory_space<semaphore_mem>>)
      } else {
      }
      %dma_wait3A_200 = arith.constant 128 : i32
      %dma_wait3A_201 = arith.constant 0 : i32
      %dma_wait3A_202 = tpu.memref_slice %arg12[%dma_wait3A_200, %dma_wait3A_201] : memref<256x128xf32, #tpu.memory_space<vmem>> -> memref<128x128xf32, #tpu.memory_space<vmem>>
      %dma_wait3A_203 = arith.constant 0 : i32
      %dma_wait3A_204 = arith.constant 0 : i32
      %dma_wait3A_205 = tpu.memref_slice %arg2[%dma_wait3A_203, %dma_wait3A_204] : memref<10000x128xf32, #tpu.memory_space<hbm>> -> memref<10000x128xf32, #tpu.memory_space<hbm>>
      tpu.wait_indirect_dma semaphore(%arg20 : memref<!tpu.dma_semaphore, #tpu.memory_space<semaphore_mem>>) src(%dma_wait3A_205 : memref<10000x128xf32, #tpu.memory_space<hbm>>) dst(%dma_wait3A_202 : memref<128x128xf32, #tpu.memory_space<vmem>>)
      "tpu.region"() ({
        %run_scoped3A = tpu.sem_alloc : memref<!tpu.dma_semaphore, #tpu.memory_space<semaphore_mem>>
        %dma_start3A_214 = arith.constant 128 : i32
        %dma_start3A_215 = arith.constant 0 : i32
        %dma_start3A_216 = tpu.memref_slice %arg12[%dma_start3A_214, %dma_start3A_215] : memref<256x128xf32, #tpu.memory_space<vmem>> -> memref<128x128xf32, #tpu.memory_space<vmem>>
        %dma_start3A_217 = arith.constant 0 : i32
        %dma_start3A_218 = arith.constant 0 : i32
        %dma_start3A_219 = tpu.memref_slice %arg7[%dma_start3A_217, %dma_start3A_218] : memref<10240x128xf32, #tpu.memory_space<vmem_shared>> -> memref<10240x128xf32, #tpu.memory_space<vmem_shared>>
        tpu.enqueue_indirect_dma source(%dma_start3A_216 : memref<128x128xf32, #tpu.memory_space<vmem>>) target(%dma_start3A_219 : memref<10240x128xf32, #tpu.memory_space<vmem_shared>>) offsets(%arg11 : memref<128xi32, #tpu.memory_space<vmem>>) semaphore(%run_scoped3A : memref<!tpu.dma_semaphore, #tpu.memory_space<semaphore_mem>>) {add = true}
        %dma_wait3A_220 = arith.constant 128 : i32
        %dma_wait3A_221 = arith.constant 0 : i32
        %dma_wait3A_222 = tpu.memref_slice %arg12[%dma_wait3A_220, %dma_wait3A_221] : memref<256x128xf32, #tpu.memory_space<vmem>> -> memref<128x128xf32, #tpu.memory_space<vmem>>
        %dma_wait3A_223 = arith.constant 0 : i32
        %dma_wait3A_224 = arith.constant 0 : i32
        %dma_wait3A_225 = tpu.memref_slice %arg7[%dma_wait3A_223, %dma_wait3A_224] : memref<10240x128xf32, #tpu.memory_space<vmem_shared>> -> memref<10240x128xf32, #tpu.memory_space<vmem_shared>>
        tpu.wait_indirect_dma semaphore(%run_scoped3A : memref<!tpu.dma_semaphore, #tpu.memory_space<semaphore_mem>>) src(%dma_wait3A_222 : memref<128x128xf32, #tpu.memory_space<vmem>>) dst(%dma_wait3A_225 : memref<10240x128xf32, #tpu.memory_space<vmem_shared>>)
        tpu.yield
      }) : () -> ()
      "tpu.region"() ({
        %run_scoped3A = tpu.sem_alloc : memref<!tpu.dma_semaphore, #tpu.memory_space<semaphore_mem>>
        %dma_start3A_214 = arith.constant 0 : i32
        %dma_start3A_215 = tpu.memref_slice %arg22[%dma_start3A_214] : memref<10240xf32, #tpu.memory_space<vmem_shared>> -> memref<10240xf32, #tpu.memory_space<vmem_shared>>
        tpu.enqueue_indirect_dma source(%arg23 : memref<128xf32, #tpu.memory_space<vmem>>) target(%dma_start3A_215 : memref<10240xf32, #tpu.memory_space<vmem_shared>>) offsets(%arg11 : memref<128xi32, #tpu.memory_space<vmem>>) semaphore(%run_scoped3A : memref<!tpu.dma_semaphore, #tpu.memory_space<semaphore_mem>>) {add = true}
        %dma_wait3A_216 = arith.constant 0 : i32
        %dma_wait3A_217 = tpu.memref_slice %arg22[%dma_wait3A_216] : memref<10240xf32, #tpu.memory_space<vmem_shared>> -> memref<10240xf32, #tpu.memory_space<vmem_shared>>
        tpu.wait_indirect_dma semaphore(%run_scoped3A : memref<!tpu.dma_semaphore, #tpu.memory_space<semaphore_mem>>) src(%arg23 : memref<128xf32, #tpu.memory_space<vmem>>) dst(%dma_wait3A_217 : memref<10240xf32, #tpu.memory_space<vmem_shared>>)
        tpu.yield
      }) : () -> ()
      %add3A_206 = arith.constant 2 : i32
      %add3A_207 = arith.addi %add3A_192, %add3A_206 : i32
      %lt3A_208 = arith.constant 78 : i32
      %lt3A_209 = arith.cmpi slt, %add3A_207, %lt3A_208 : i32
      %convert_element_type3A_210 = arith.extui %lt3A_209 : i1 to i32
      %cond3A_211 = arith.constant 0 : i32
      %cond3A_212 = arith.cmpi ne, %convert_element_type3A_210, %cond3A_211 : i32
      scf.if %cond3A_212 {
        %add3A_214 = arith.constant 2 : i32
        %add3A_215 = arith.addi %add3A_192, %add3A_214 : i32
        %mul3A_216 = arith.constant 128 : i32
        %mul3A_217 = arith.muli %add3A_215, %mul3A_216 : i32
        %add3A_218 = arith.addi %mul3A_4, %mul3A_217 : i32
        %dma_start3A_219 = tpu.memref_slice %arg3[%add3A_218] : memref<320000xi32, #tpu.memory_space<hbm>> -> memref<128xi32, #tpu.memory_space<hbm>>
        %dma_start3A_220 = tpu.memref_slice %arg3[%add3A_218] : memref<320000xi32, #tpu.memory_space<hbm>> -> memref<128xi32, #tpu.memory_space<hbm>>
        tpu.enqueue_dma source(%dma_start3A_220 : memref<128xi32, #tpu.memory_space<hbm>>) target(%arg9 : memref<128xi32, #tpu.memory_space<vmem>>) target_semaphore(%arg18 : memref<!tpu.dma_semaphore, #tpu.memory_space<semaphore_mem>>)
        %dma_start3A_221 = tpu.memref_slice %arg4[%add3A_218] : memref<320000xi32, #tpu.memory_space<hbm>> -> memref<128xi32, #tpu.memory_space<hbm>>
        %dma_start3A_222 = tpu.memref_slice %arg4[%add3A_218] : memref<320000xi32, #tpu.memory_space<hbm>> -> memref<128xi32, #tpu.memory_space<hbm>>
        tpu.enqueue_dma source(%dma_start3A_222 : memref<128xi32, #tpu.memory_space<hbm>>) target(%arg11 : memref<128xi32, #tpu.memory_space<vmem>>) target_semaphore(%arg18 : memref<!tpu.dma_semaphore, #tpu.memory_space<semaphore_mem>>)
      } else {
      }
      %scan3A_213 = arith.constant 0 : i32
      scf.yield %scan3A_213 : i32
    }
    %scan3A_140 = arith.constant 39 : i32
    %dma_wait3A_141 = arith.constant 0 : i32
    %dma_wait3A_142 = tpu.memref_slice %arg3[%dma_wait3A_141] : memref<320000xi32, #tpu.memory_space<hbm>> -> memref<16xi32, #tpu.memory_space<hbm>>
    %dma_wait3A_143 = arith.constant 0 : i32
    %dma_wait3A_144 = tpu.memref_slice %arg3[%dma_wait3A_143] : memref<320000xi32, #tpu.memory_space<hbm>> -> memref<16xi32, #tpu.memory_space<hbm>>
    tpu.wait_dma2 semaphore(%arg21 : memref<!tpu.dma_semaphore, #tpu.memory_space<semaphore_mem>>) src(%dma_wait3A_144 : memref<16xi32, #tpu.memory_space<hbm>>) dst(%arg13 : memref<16xi32, #tpu.memory_space<vmem>>)
    %dma_wait3A_145 = arith.constant 0 : i32
    %dma_wait3A_146 = tpu.memref_slice %arg4[%dma_wait3A_145] : memref<320000xi32, #tpu.memory_space<hbm>> -> memref<16xi32, #tpu.memory_space<hbm>>
    %dma_wait3A_147 = arith.constant 0 : i32
    %dma_wait3A_148 = tpu.memref_slice %arg4[%dma_wait3A_147] : memref<320000xi32, #tpu.memory_space<hbm>> -> memref<16xi32, #tpu.memory_space<hbm>>
    tpu.wait_dma2 semaphore(%arg21 : memref<!tpu.dma_semaphore, #tpu.memory_space<semaphore_mem>>) src(%dma_wait3A_148 : memref<16xi32, #tpu.memory_space<hbm>>) dst(%arg14 : memref<16xi32, #tpu.memory_space<vmem>>)
    %dma_start3A_149 = arith.constant 0 : i32
    %dma_start3A_150 = arith.constant 0 : i32
    %dma_start3A_151 = tpu.memref_slice %arg2[%dma_start3A_149, %dma_start3A_150] : memref<10000x128xf32, #tpu.memory_space<hbm>> -> memref<10000x128xf32, #tpu.memory_space<hbm>>
    tpu.enqueue_indirect_dma source(%dma_start3A_151 : memref<10000x128xf32, #tpu.memory_space<hbm>>) target(%arg15 : memref<16x128xf32, #tpu.memory_space<vmem>>) offsets(%arg13 : memref<16xi32, #tpu.memory_space<vmem>>) semaphore(%arg21 : memref<!tpu.dma_semaphore, #tpu.memory_space<semaphore_mem>>)
    %dma_wait3A_152 = arith.constant 0 : i32
    %dma_wait3A_153 = arith.constant 0 : i32
    %dma_wait3A_154 = tpu.memref_slice %arg2[%dma_wait3A_152, %dma_wait3A_153] : memref<10000x128xf32, #tpu.memory_space<hbm>> -> memref<10000x128xf32, #tpu.memory_space<hbm>>
    tpu.wait_indirect_dma semaphore(%arg21 : memref<!tpu.dma_semaphore, #tpu.memory_space<semaphore_mem>>) src(%dma_wait3A_154 : memref<10000x128xf32, #tpu.memory_space<hbm>>) dst(%arg15 : memref<16x128xf32, #tpu.memory_space<vmem>>)
    "tpu.region"() ({
      %run_scoped3A = tpu.sem_alloc : memref<!tpu.dma_semaphore, #tpu.memory_space<semaphore_mem>>
      %dma_start3A_166 = arith.constant 0 : i32
      %dma_start3A_167 = arith.constant 0 : i32
      %dma_start3A_168 = tpu.memref_slice %arg7[%dma_start3A_166, %dma_start3A_167] : memref<10240x128xf32, #tpu.memory_space<vmem_shared>> -> memref<10240x128xf32, #tpu.memory_space<vmem_shared>>
      tpu.enqueue_indirect_dma source(%arg15 : memref<16x128xf32, #tpu.memory_space<vmem>>) target(%dma_start3A_168 : memref<10240x128xf32, #tpu.memory_space<vmem_shared>>) offsets(%arg14 : memref<16xi32, #tpu.memory_space<vmem>>) semaphore(%run_scoped3A : memref<!tpu.dma_semaphore, #tpu.memory_space<semaphore_mem>>) {add = true}
      %dma_wait3A_169 = arith.constant 0 : i32
      %dma_wait3A_170 = arith.constant 0 : i32
      %dma_wait3A_171 = tpu.memref_slice %arg7[%dma_wait3A_169, %dma_wait3A_170] : memref<10240x128xf32, #tpu.memory_space<vmem_shared>> -> memref<10240x128xf32, #tpu.memory_space<vmem_shared>>
      tpu.wait_indirect_dma semaphore(%run_scoped3A : memref<!tpu.dma_semaphore, #tpu.memory_space<semaphore_mem>>) src(%arg15 : memref<16x128xf32, #tpu.memory_space<vmem>>) dst(%dma_wait3A_171 : memref<10240x128xf32, #tpu.memory_space<vmem_shared>>)
      tpu.yield
    }) : () -> ()
    "tpu.region"() ({
      %run_scoped3A = tpu.sem_alloc : memref<!tpu.dma_semaphore, #tpu.memory_space<semaphore_mem>>
      %dma_start3A_166 = arith.constant 0 : i32
      %dma_start3A_167 = tpu.memref_slice %arg23[%dma_start3A_166] : memref<128xf32, #tpu.memory_space<vmem>> -> memref<16xf32, #tpu.memory_space<vmem>>
      %dma_start3A_168 = arith.constant 0 : i32
      %dma_start3A_169 = tpu.memref_slice %arg22[%dma_start3A_168] : memref<10240xf32, #tpu.memory_space<vmem_shared>> -> memref<10240xf32, #tpu.memory_space<vmem_shared>>
      tpu.enqueue_indirect_dma source(%dma_start3A_167 : memref<16xf32, #tpu.memory_space<vmem>>) target(%dma_start3A_169 : memref<10240xf32, #tpu.memory_space<vmem_shared>>) offsets(%arg14 : memref<16xi32, #tpu.memory_space<vmem>>) semaphore(%run_scoped3A : memref<!tpu.dma_semaphore, #tpu.memory_space<semaphore_mem>>) {add = true}
      %dma_wait3A_170 = arith.constant 0 : i32
      %dma_wait3A_171 = tpu.memref_slice %arg23[%dma_wait3A_170] : memref<128xf32, #tpu.memory_space<vmem>> -> memref<16xf32, #tpu.memory_space<vmem>>
      %dma_wait3A_172 = arith.constant 0 : i32
      %dma_wait3A_173 = tpu.memref_slice %arg22[%dma_wait3A_172] : memref<10240xf32, #tpu.memory_space<vmem_shared>> -> memref<10240xf32, #tpu.memory_space<vmem_shared>>
      tpu.wait_indirect_dma semaphore(%run_scoped3A : memref<!tpu.dma_semaphore, #tpu.memory_space<semaphore_mem>>) src(%dma_wait3A_171 : memref<16xf32, #tpu.memory_space<vmem>>) dst(%dma_wait3A_173 : memref<10240xf32, #tpu.memory_space<vmem_shared>>)
      tpu.yield
    }) : () -> ()
    %barrier3A_155 = arith.constant 0 : index
    tpu.barrier barrier_id(%barrier3A_155)
    %add3A_156 = arith.constant 0 : i32
    %add3A_157 = arith.addi %mul3A_2, %add3A_156 : i32
    "tpu.region"() ({
      %run_scoped3A = tpu.sem_alloc : memref<!tpu.dma_semaphore, #tpu.memory_space<semaphore_mem>>
      %dma_start3A_166 = arith.constant 0 : i32
      %dma_start3A_167 = tpu.memref_slice %arg5[%arg0, %add3A_157, %dma_start3A_166] : memref<2x10240x128xf32, #tpu.memory_space<hbm>> -> memref<1x128x128xf32, #tpu.memory_space<hbm>>
      %dma_start3A_168 = tpu.memref_squeeze %dma_start3A_167 : memref<1x128x128xf32, #tpu.memory_space<hbm>> -> memref<128x128xf32, #tpu.memory_space<hbm>>
      %dma_start3A_169 = arith.constant 0 : i32
      %dma_start3A_170 = tpu.memref_slice %arg7[%add3A_157, %dma_start3A_169] : memref<10240x128xf32, #tpu.memory_space<vmem_shared>> -> memref<128x128xf32, #tpu.memory_space<vmem_shared>>
      tpu.enqueue_dma source(%dma_start3A_170 : memref<128x128xf32, #tpu.memory_space<vmem_shared>>) target(%dma_start3A_168 : memref<128x128xf32, #tpu.memory_space<hbm>>) target_semaphore(%run_scoped3A : memref<!tpu.dma_semaphore, #tpu.memory_space<semaphore_mem>>)
      %dma_wait3A_171 = arith.constant 0 : i32
      %dma_wait3A_172 = tpu.memref_slice %arg5[%arg0, %add3A_157, %dma_wait3A_171] : memref<2x10240x128xf32, #tpu.memory_space<hbm>> -> memref<1x128x128xf32, #tpu.memory_space<hbm>>
      %dma_wait3A_173 = tpu.memref_squeeze %dma_wait3A_172 : memref<1x128x128xf32, #tpu.memory_space<hbm>> -> memref<128x128xf32, #tpu.memory_space<hbm>>
      %dma_wait3A_174 = arith.constant 0 : i32
      %dma_wait3A_175 = tpu.memref_slice %arg7[%add3A_157, %dma_wait3A_174] : memref<10240x128xf32, #tpu.memory_space<vmem_shared>> -> memref<128x128xf32, #tpu.memory_space<vmem_shared>>
      tpu.wait_dma2 semaphore(%run_scoped3A : memref<!tpu.dma_semaphore, #tpu.memory_space<semaphore_mem>>) src(%dma_wait3A_175 : memref<128x128xf32, #tpu.memory_space<vmem_shared>>) dst(%dma_wait3A_173 : memref<128x128xf32, #tpu.memory_space<hbm>>)
      tpu.yield
    }) : () -> ()
    %add3A_158 = arith.constant 128 : i32
    %add3A_159 = arith.addi %mul3A_2, %add3A_158 : i32
    "tpu.region"() ({
      %run_scoped3A = tpu.sem_alloc : memref<!tpu.dma_semaphore, #tpu.memory_space<semaphore_mem>>
      %dma_start3A_166 = arith.constant 0 : i32
      %dma_start3A_167 = tpu.memref_slice %arg5[%arg0, %add3A_159, %dma_start3A_166] : memref<2x10240x128xf32, #tpu.memory_space<hbm>> -> memref<1x128x128xf32, #tpu.memory_space<hbm>>
      %dma_start3A_168 = tpu.memref_squeeze %dma_start3A_167 : memref<1x128x128xf32, #tpu.memory_space<hbm>> -> memref<128x128xf32, #tpu.memory_space<hbm>>
      %dma_start3A_169 = arith.constant 0 : i32
      %dma_start3A_170 = tpu.memref_slice %arg7[%add3A_159, %dma_start3A_169] : memref<10240x128xf32, #tpu.memory_space<vmem_shared>> -> memref<128x128xf32, #tpu.memory_space<vmem_shared>>
      tpu.enqueue_dma source(%dma_start3A_170 : memref<128x128xf32, #tpu.memory_space<vmem_shared>>) target(%dma_start3A_168 : memref<128x128xf32, #tpu.memory_space<hbm>>) target_semaphore(%run_scoped3A : memref<!tpu.dma_semaphore, #tpu.memory_space<semaphore_mem>>)
      %dma_wait3A_171 = arith.constant 0 : i32
      %dma_wait3A_172 = tpu.memref_slice %arg5[%arg0, %add3A_159, %dma_wait3A_171] : memref<2x10240x128xf32, #tpu.memory_space<hbm>> -> memref<1x128x128xf32, #tpu.memory_space<hbm>>
      %dma_wait3A_173 = tpu.memref_squeeze %dma_wait3A_172 : memref<1x128x128xf32, #tpu.memory_space<hbm>> -> memref<128x128xf32, #tpu.memory_space<hbm>>
      %dma_wait3A_174 = arith.constant 0 : i32
      %dma_wait3A_175 = tpu.memref_slice %arg7[%add3A_159, %dma_wait3A_174] : memref<10240x128xf32, #tpu.memory_space<vmem_shared>> -> memref<128x128xf32, #tpu.memory_space<vmem_shared>>
      tpu.wait_dma2 semaphore(%run_scoped3A : memref<!tpu.dma_semaphore, #tpu.memory_space<semaphore_mem>>) src(%dma_wait3A_175 : memref<128x128xf32, #tpu.memory_space<vmem_shared>>) dst(%dma_wait3A_173 : memref<128x128xf32, #tpu.memory_space<hbm>>)
      tpu.yield
    }) : () -> ()
    %add3A_160 = arith.constant 256 : i32
    %add3A_161 = arith.addi %mul3A_2, %add3A_160 : i32
    "tpu.region"() ({
      %run_scoped3A = tpu.sem_alloc : memref<!tpu.dma_semaphore, #tpu.memory_space<semaphore_mem>>
      %dma_start3A_166 = arith.constant 0 : i32
      %dma_start3A_167 = tpu.memref_slice %arg5[%arg0, %add3A_161, %dma_start3A_166] : memref<2x10240x128xf32, #tpu.memory_space<hbm>> -> memref<1x128x128xf32, #tpu.memory_space<hbm>>
      %dma_start3A_168 = tpu.memref_squeeze %dma_start3A_167 : memref<1x128x128xf32, #tpu.memory_space<hbm>> -> memref<128x128xf32, #tpu.memory_space<hbm>>
      %dma_start3A_169 = arith.constant 0 : i32
      %dma_start3A_170 = tpu.memref_slice %arg7[%add3A_161, %dma_start3A_169] : memref<10240x128xf32, #tpu.memory_space<vmem_shared>> -> memref<128x128xf32, #tpu.memory_space<vmem_shared>>
      tpu.enqueue_dma source(%dma_start3A_170 : memref<128x128xf32, #tpu.memory_space<vmem_shared>>) target(%dma_start3A_168 : memref<128x128xf32, #tpu.memory_space<hbm>>) target_semaphore(%run_scoped3A : memref<!tpu.dma_semaphore, #tpu.memory_space<semaphore_mem>>)
      %dma_wait3A_171 = arith.constant 0 : i32
      %dma_wait3A_172 = tpu.memref_slice %arg5[%arg0, %add3A_161, %dma_wait3A_171] : memref<2x10240x128xf32, #tpu.memory_space<hbm>> -> memref<1x128x128xf32, #tpu.memory_space<hbm>>
      %dma_wait3A_173 = tpu.memref_squeeze %dma_wait3A_172 : memref<1x128x128xf32, #tpu.memory_space<hbm>> -> memref<128x128xf32, #tpu.memory_space<hbm>>
      %dma_wait3A_174 = arith.constant 0 : i32
      %dma_wait3A_175 = tpu.memref_slice %arg7[%add3A_161, %dma_wait3A_174] : memref<10240x128xf32, #tpu.memory_space<vmem_shared>> -> memref<128x128xf32, #tpu.memory_space<vmem_shared>>
      tpu.wait_dma2 semaphore(%run_scoped3A : memref<!tpu.dma_semaphore, #tpu.memory_space<semaphore_mem>>) src(%dma_wait3A_175 : memref<128x128xf32, #tpu.memory_space<vmem_shared>>) dst(%dma_wait3A_173 : memref<128x128xf32, #tpu.memory_space<hbm>>)
      tpu.yield
    }) : () -> ()
    %add3A_162 = arith.constant 384 : i32
    %add3A_163 = arith.addi %mul3A_2, %add3A_162 : i32
    "tpu.region"() ({
      %run_scoped3A = tpu.sem_alloc : memref<!tpu.dma_semaphore, #tpu.memory_space<semaphore_mem>>
      %dma_start3A_166 = arith.constant 0 : i32
      %dma_start3A_167 = tpu.memref_slice %arg5[%arg0, %add3A_163, %dma_start3A_166] : memref<2x10240x128xf32, #tpu.memory_space<hbm>> -> memref<1x128x128xf32, #tpu.memory_space<hbm>>
      %dma_start3A_168 = tpu.memref_squeeze %dma_start3A_167 : memref<1x128x128xf32, #tpu.memory_space<hbm>> -> memref<128x128xf32, #tpu.memory_space<hbm>>
      %dma_start3A_169 = arith.constant 0 : i32
      %dma_start3A_170 = tpu.memref_slice %arg7[%add3A_163, %dma_start3A_169] : memref<10240x128xf32, #tpu.memory_space<vmem_shared>> -> memref<128x128xf32, #tpu.memory_space<vmem_shared>>
      tpu.enqueue_dma source(%dma_start3A_170 : memref<128x128xf32, #tpu.memory_space<vmem_shared>>) target(%dma_start3A_168 : memref<128x128xf32, #tpu.memory_space<hbm>>) target_semaphore(%run_scoped3A : memref<!tpu.dma_semaphore, #tpu.memory_space<semaphore_mem>>)
      %dma_wait3A_171 = arith.constant 0 : i32
      %dma_wait3A_172 = tpu.memref_slice %arg5[%arg0, %add3A_163, %dma_wait3A_171] : memref<2x10240x128xf32, #tpu.memory_space<hbm>> -> memref<1x128x128xf32, #tpu.memory_space<hbm>>
      %dma_wait3A_173 = tpu.memref_squeeze %dma_wait3A_172 : memref<1x128x128xf32, #tpu.memory_space<hbm>> -> memref<128x128xf32, #tpu.memory_space<hbm>>
      %dma_wait3A_174 = arith.constant 0 : i32
      %dma_wait3A_175 = tpu.memref_slice %arg7[%add3A_163, %dma_wait3A_174] : memref<10240x128xf32, #tpu.memory_space<vmem_shared>> -> memref<128x128xf32, #tpu.memory_space<vmem_shared>>
      tpu.wait_dma2 semaphore(%run_scoped3A : memref<!tpu.dma_semaphore, #tpu.memory_space<semaphore_mem>>) src(%dma_wait3A_175 : memref<128x128xf32, #tpu.memory_space<vmem_shared>>) dst(%dma_wait3A_173 : memref<128x128xf32, #tpu.memory_space<hbm>>)
      tpu.yield
    }) : () -> ()
    %add3A_164 = arith.constant 512 : i32
    %add3A_165 = arith.addi %mul3A_2, %add3A_164 : i32
    "tpu.region"() ({
      %run_scoped3A = tpu.sem_alloc : memref<!tpu.dma_semaphore, #tpu.memory_space<semaphore_mem>>
      %dma_start3A_166 = arith.constant 0 : i32
      %dma_start3A_167 = tpu.memref_slice %arg5[%arg0, %add3A_165, %dma_start3A_166] : memref<2x10240x128xf32, #tpu.memory_space<hbm>> -> memref<1x128x128xf32, #tpu.memory_space<hbm>>
      %dma_start3A_168 = tpu.memref_squeeze %dma_start3A_167 : memref<1x128x128xf32, #tpu.memory_space<hbm>> -> memref<128x128xf32, #tpu.memory_space<hbm>>
      %dma_start3A_169 = arith.constant 0 : i32
      %dma_start3A_170 = tpu.memref_slice %arg7[%add3A_165, %dma_start3A_169] : memref<10240x128xf32, #tpu.memory_space<vmem_shared>> -> memref<128x128xf32, #tpu.memory_space<vmem_shared>>
      tpu.enqueue_dma source(%dma_start3A_170 : memref<128x128xf32, #tpu.memory_space<vmem_shared>>) target(%dma_start3A_168 : memref<128x128xf32, #tpu.memory_space<hbm>>) target_semaphore(%run_scoped3A : memref<!tpu.dma_semaphore, #tpu.memory_space<semaphore_mem>>)
      %dma_wait3A_171 = arith.constant 0 : i32
      %dma_wait3A_172 = tpu.memref_slice %arg5[%arg0, %add3A_165, %dma_wait3A_171] : memref<2x10240x128xf32, #tpu.memory_space<hbm>> -> memref<1x128x128xf32, #tpu.memory_space<hbm>>
      %dma_wait3A_173 = tpu.memref_squeeze %dma_wait3A_172 : memref<1x128x128xf32, #tpu.memory_space<hbm>> -> memref<128x128xf32, #tpu.memory_space<hbm>>
      %dma_wait3A_174 = arith.constant 0 : i32
      %dma_wait3A_175 = tpu.memref_slice %arg7[%add3A_165, %dma_wait3A_174] : memref<10240x128xf32, #tpu.memory_space<vmem_shared>> -> memref<128x128xf32, #tpu.memory_space<vmem_shared>>
      tpu.wait_dma2 semaphore(%run_scoped3A : memref<!tpu.dma_semaphore, #tpu.memory_space<semaphore_mem>>) src(%dma_wait3A_175 : memref<128x128xf32, #tpu.memory_space<vmem_shared>>) dst(%dma_wait3A_173 : memref<128x128xf32, #tpu.memory_space<hbm>>)
      tpu.yield
    }) : () -> ()
    "tpu.region"() ({
      %run_scoped3A = tpu.sem_alloc : memref<!tpu.dma_semaphore, #tpu.memory_space<semaphore_mem>>
      %dma_start3A_166 = tpu.memref_slice %arg6[%arg0, %mul3A_2] : memref<2x10240xf32, #tpu.memory_space<hbm>> -> memref<1x640xf32, #tpu.memory_space<hbm>>
      %dma_start3A_167 = tpu.memref_squeeze %dma_start3A_166 : memref<1x640xf32, #tpu.memory_space<hbm>> -> memref<640xf32, #tpu.memory_space<hbm>>
      %dma_start3A_168 = tpu.memref_slice %arg22[%mul3A_2] : memref<10240xf32, #tpu.memory_space<vmem_shared>> -> memref<640xf32, #tpu.memory_space<vmem_shared>>
      tpu.enqueue_dma source(%dma_start3A_168 : memref<640xf32, #tpu.memory_space<vmem_shared>>) target(%dma_start3A_167 : memref<640xf32, #tpu.memory_space<hbm>>) target_semaphore(%run_scoped3A : memref<!tpu.dma_semaphore, #tpu.memory_space<semaphore_mem>>)
      %dma_wait3A_169 = tpu.memref_slice %arg6[%arg0, %mul3A_2] : memref<2x10240xf32, #tpu.memory_space<hbm>> -> memref<1x640xf32, #tpu.memory_space<hbm>>
      %dma_wait3A_170 = tpu.memref_squeeze %dma_wait3A_169 : memref<1x640xf32, #tpu.memory_space<hbm>> -> memref<640xf32, #tpu.memory_space<hbm>>
      %dma_wait3A_171 = tpu.memref_slice %arg22[%mul3A_2] : memref<10240xf32, #tpu.memory_space<vmem_shared>> -> memref<640xf32, #tpu.memory_space<vmem_shared>>
      tpu.wait_dma2 semaphore(%run_scoped3A : memref<!tpu.dma_semaphore, #tpu.memory_space<semaphore_mem>>) src(%dma_wait3A_171 : memref<640xf32, #tpu.memory_space<vmem_shared>>) dst(%dma_wait3A_170 : memref<640xf32, #tpu.memory_space<hbm>>)
      tpu.yield
    }) : () -> ()
    return
  }
}

#map = affine_map<(d0, d1) -> (0, 0)>
#map1 = affine_map<(d0, d1) -> (0)>
#map2 = affine_map<(d0, d1) -> (0, 0, 0)>
module attributes {stable_mosaic.version = 14 : i64} {
  func.func @body(%arg0: i32, %arg1: i32, %arg2: memref<10000x128xf32, #tpu.memory_space<hbm>>, %arg3: memref<320000xi32, #tpu.memory_space<hbm>>, %arg4: memref<320000xi32, #tpu.memory_space<hbm>>, %arg5: memref<2x10240x128xf32, #tpu.memory_space<hbm>>, %arg6: memref<10240x128xf32, #tpu.memory_space<vmem_shared>>, %arg7: memref<128xi32, #tpu.memory_space<vmem>>, %arg8: memref<128xi32, #tpu.memory_space<vmem>>, %arg9: memref<128xi32, #tpu.memory_space<vmem>>, %arg10: memref<128xi32, #tpu.memory_space<vmem>>, %arg11: memref<256x128xf32, #tpu.memory_space<vmem>>, %arg12: memref<16xi32, #tpu.memory_space<vmem>>, %arg13: memref<16xi32, #tpu.memory_space<vmem>>, %arg14: memref<16x128xf32, #tpu.memory_space<vmem>>, %arg15: memref<32x128xf32, #tpu.memory_space<vmem>>, %arg16: memref<!tpu.dma_semaphore, #tpu.memory_space<semaphore_mem>>, %arg17: memref<!tpu.dma_semaphore, #tpu.memory_space<semaphore_mem>>, %arg18: memref<!tpu.dma_semaphore, #tpu.memory_space<semaphore_mem>>, %arg19: memref<!tpu.dma_semaphore, #tpu.memory_space<semaphore_mem>>, %arg20: memref<!tpu.dma_semaphore, #tpu.memory_space<semaphore_mem>>) attributes {dimension_semantics = [#tpu.dimension_semantics<core_parallel>, #tpu.dimension_semantics<subcore_parallel>], iteration_bounds = array<i64: 2, 16>, scalar_prefetch = 0 : i64, scratch_operands = 15 : i64, tpu.core_type = #tpu.core_type<sc_vector_subcore>, window_params = [{transform_indices = #map}, {transform_indices = #map1}, {transform_indices = #map1}, {transform_indices = #map2}]} {
    %mul3A = arith.constant 2 : i32
    %mul3A_0 = arith.muli %arg1, %mul3A : i32
    %add3A = arith.addi %mul3A_0, %arg0 : i32
    %mul3A_1 = arith.constant 640 : i32
    %mul3A_2 = arith.muli %arg1, %mul3A_1 : i32
    %mul3A_3 = arith.constant 10000 : i32
    %mul3A_4 = arith.muli %add3A, %mul3A_3 : i32
    %add3A_5 = arith.constant 0 : i32
    %add3A_6 = arith.addi %mul3A_4, %add3A_5 : i32
    %dma_start3A = tpu.memref_slice %arg3[%add3A_6] : memref<320000xi32, #tpu.memory_space<hbm>> -> memref<128xi32, #tpu.memory_space<hbm>>
    %dma_start3A_7 = tpu.memref_slice %arg3[%add3A_6] : memref<320000xi32, #tpu.memory_space<hbm>> -> memref<128xi32, #tpu.memory_space<hbm>>
    tpu.enqueue_dma source(%dma_start3A_7 : memref<128xi32, #tpu.memory_space<hbm>>) target(%arg7 : memref<128xi32, #tpu.memory_space<vmem>>) target_semaphore(%arg16 : memref<!tpu.dma_semaphore, #tpu.memory_space<semaphore_mem>>)
    %dma_start3A_8 = tpu.memref_slice %arg4[%add3A_6] : memref<320000xi32, #tpu.memory_space<hbm>> -> memref<128xi32, #tpu.memory_space<hbm>>
    %dma_start3A_9 = tpu.memref_slice %arg4[%add3A_6] : memref<320000xi32, #tpu.memory_space<hbm>> -> memref<128xi32, #tpu.memory_space<hbm>>
    tpu.enqueue_dma source(%dma_start3A_9 : memref<128xi32, #tpu.memory_space<hbm>>) target(%arg9 : memref<128xi32, #tpu.memory_space<vmem>>) target_semaphore(%arg16 : memref<!tpu.dma_semaphore, #tpu.memory_space<semaphore_mem>>)
    %add3A_10 = arith.constant 128 : i32
    %add3A_11 = arith.addi %mul3A_4, %add3A_10 : i32
    %dma_start3A_12 = tpu.memref_slice %arg3[%add3A_11] : memref<320000xi32, #tpu.memory_space<hbm>> -> memref<128xi32, #tpu.memory_space<hbm>>
    %dma_start3A_13 = tpu.memref_slice %arg3[%add3A_11] : memref<320000xi32, #tpu.memory_space<hbm>> -> memref<128xi32, #tpu.memory_space<hbm>>
    tpu.enqueue_dma source(%dma_start3A_13 : memref<128xi32, #tpu.memory_space<hbm>>) target(%arg8 : memref<128xi32, #tpu.memory_space<vmem>>) target_semaphore(%arg17 : memref<!tpu.dma_semaphore, #tpu.memory_space<semaphore_mem>>)
    %dma_start3A_14 = tpu.memref_slice %arg4[%add3A_11] : memref<320000xi32, #tpu.memory_space<hbm>> -> memref<128xi32, #tpu.memory_space<hbm>>
    %dma_start3A_15 = tpu.memref_slice %arg4[%add3A_11] : memref<320000xi32, #tpu.memory_space<hbm>> -> memref<128xi32, #tpu.memory_space<hbm>>
    tpu.enqueue_dma source(%dma_start3A_15 : memref<128xi32, #tpu.memory_space<hbm>>) target(%arg10 : memref<128xi32, #tpu.memory_space<vmem>>) target_semaphore(%arg17 : memref<!tpu.dma_semaphore, #tpu.memory_space<semaphore_mem>>)
    %add3A_16 = arith.constant 9984 : i32
    %add3A_17 = arith.addi %mul3A_4, %add3A_16 : i32
    %dma_start3A_18 = tpu.memref_slice %arg3[%add3A_17] : memref<320000xi32, #tpu.memory_space<hbm>> -> memref<16xi32, #tpu.memory_space<hbm>>
    %dma_start3A_19 = tpu.memref_slice %arg3[%add3A_17] : memref<320000xi32, #tpu.memory_space<hbm>> -> memref<16xi32, #tpu.memory_space<hbm>>
    tpu.enqueue_dma source(%dma_start3A_19 : memref<16xi32, #tpu.memory_space<hbm>>) target(%arg12 : memref<16xi32, #tpu.memory_space<vmem>>) target_semaphore(%arg20 : memref<!tpu.dma_semaphore, #tpu.memory_space<semaphore_mem>>)
    %dma_start3A_20 = tpu.memref_slice %arg4[%add3A_17] : memref<320000xi32, #tpu.memory_space<hbm>> -> memref<16xi32, #tpu.memory_space<hbm>>
    %dma_start3A_21 = tpu.memref_slice %arg4[%add3A_17] : memref<320000xi32, #tpu.memory_space<hbm>> -> memref<16xi32, #tpu.memory_space<hbm>>
    tpu.enqueue_dma source(%dma_start3A_21 : memref<16xi32, #tpu.memory_space<hbm>>) target(%arg13 : memref<16xi32, #tpu.memory_space<vmem>>) target_semaphore(%arg20 : memref<!tpu.dma_semaphore, #tpu.memory_space<semaphore_mem>>)
    %scan3A = arith.constant 0 : i32
    %scan3A_22 = arith.constant 0 : i32
    %scan3A_23 = arith.constant 32 : i32
    %scan3A_24 = arith.addi %scan3A_22, %scan3A_23 : i32
    %scan3A_25 = arith.constant 1 : i32
    %scan3A_26 = scf.for %scan3A_113 = %scan3A_22 to %scan3A_24 step %scan3A_25 iter_args(%scan3A_114 = %scan3A) -> (i32)  : i32 {
      %scan3A_115 = arith.constant 0 : i32
      %scan3A_116 = arith.constant 0 : i32
      %scan3A_117 = arith.constant 8 : i32
      %scan3A_118 = arith.addi %scan3A_116, %scan3A_117 : i32
      %scan3A_119 = arith.constant 1 : i32
      %scan3A_120 = scf.for %scan3A_122 = %scan3A_116 to %scan3A_118 step %scan3A_119 iter_args(%scan3A_123 = %scan3A_115) -> (i32)  : i32 {
        %broadcast_in_dim3A = arith.constant 0.000000e+00 : f32
        %broadcast_in_dim3A_124 = vector.broadcast %broadcast_in_dim3A : f32 to vector<16xf32>
        %mul3A_125 = arith.constant 16 : i32
        %mul3A_126 = arith.muli %scan3A_122, %mul3A_125 : i32
        %swap3A = arith.index_cast %scan3A_113 : i32 to index
        %swap3A_127 = arith.index_cast %mul3A_126 : i32 to index
        %swap3A_128 = tpu.vector_load %arg15[%swap3A, %swap3A_127] {strides = array<i32>} : memref<32x128xf32, #tpu.memory_space<vmem>>, vector<1x16xf32>,
        %swap3A_129 = vector.shape_cast %swap3A_128 : vector<1x16xf32> to vector<16xf32>
        %swap3A_130 = vector.shape_cast %broadcast_in_dim3A_124 : vector<16xf32> to vector<1x16xf32>
        tpu.vector_store %arg15[%swap3A, %swap3A_127], %swap3A_130 {strides = array<i32>} : memref<32x128xf32, #tpu.memory_space<vmem>>, vector<1x16xf32>,
        %scan3A_131 = arith.constant 0 : i32
        scf.yield %scan3A_131 : i32
      }
      %scan3A_121 = arith.constant 8 : i32
      scf.yield %scan3A_120 : i32
    }
    %scan3A_27 = arith.constant 32 : i32
    %add3A_28 = arith.constant 0 : i32
    %add3A_29 = arith.addi %mul3A_2, %add3A_28 : i32
    "tpu.region"() ({
      %run_scoped3A = tpu.sem_alloc : memref<!tpu.dma_semaphore, #tpu.memory_space<semaphore_mem>>
      %dma_start3A_113 = arith.constant 0 : i32
      %dma_start3A_114 = tpu.memref_slice %arg6[%add3A_29, %dma_start3A_113] : memref<10240x128xf32, #tpu.memory_space<vmem_shared>> -> memref<32x128xf32, #tpu.memory_space<vmem_shared>>
      %dma_start3A_115 = arith.constant 0 : i32
      %dma_start3A_116 = tpu.memref_slice %arg6[%add3A_29, %dma_start3A_115] : memref<10240x128xf32, #tpu.memory_space<vmem_shared>> -> memref<32x128xf32, #tpu.memory_space<vmem_shared>>
      tpu.enqueue_dma source(%arg15 : memref<32x128xf32, #tpu.memory_space<vmem>>) target(%dma_start3A_116 : memref<32x128xf32, #tpu.memory_space<vmem_shared>>) target_semaphore(%run_scoped3A : memref<!tpu.dma_semaphore, #tpu.memory_space<semaphore_mem>>)
      %dma_wait3A_117 = arith.constant 0 : i32
      %dma_wait3A_118 = tpu.memref_slice %arg6[%add3A_29, %dma_wait3A_117] : memref<10240x128xf32, #tpu.memory_space<vmem_shared>> -> memref<32x128xf32, #tpu.memory_space<vmem_shared>>
      %dma_wait3A_119 = arith.constant 0 : i32
      %dma_wait3A_120 = tpu.memref_slice %arg6[%add3A_29, %dma_wait3A_119] : memref<10240x128xf32, #tpu.memory_space<vmem_shared>> -> memref<32x128xf32, #tpu.memory_space<vmem_shared>>
      tpu.wait_dma2 semaphore(%run_scoped3A : memref<!tpu.dma_semaphore, #tpu.memory_space<semaphore_mem>>) src(%arg15 : memref<32x128xf32, #tpu.memory_space<vmem>>) dst(%dma_wait3A_120 : memref<32x128xf32, #tpu.memory_space<vmem_shared>>)
      tpu.yield
    }) : () -> ()
    %add3A_30 = arith.constant 32 : i32
    %add3A_31 = arith.addi %mul3A_2, %add3A_30 : i32
    "tpu.region"() ({
      %run_scoped3A = tpu.sem_alloc : memref<!tpu.dma_semaphore, #tpu.memory_space<semaphore_mem>>
      %dma_start3A_113 = arith.constant 0 : i32
      %dma_start3A_114 = tpu.memref_slice %arg6[%add3A_31, %dma_start3A_113] : memref<10240x128xf32, #tpu.memory_space<vmem_shared>> -> memref<32x128xf32, #tpu.memory_space<vmem_shared>>
      %dma_start3A_115 = arith.constant 0 : i32
      %dma_start3A_116 = tpu.memref_slice %arg6[%add3A_31, %dma_start3A_115] : memref<10240x128xf32, #tpu.memory_space<vmem_shared>> -> memref<32x128xf32, #tpu.memory_space<vmem_shared>>
      tpu.enqueue_dma source(%arg15 : memref<32x128xf32, #tpu.memory_space<vmem>>) target(%dma_start3A_116 : memref<32x128xf32, #tpu.memory_space<vmem_shared>>) target_semaphore(%run_scoped3A : memref<!tpu.dma_semaphore, #tpu.memory_space<semaphore_mem>>)
      %dma_wait3A_117 = arith.constant 0 : i32
      %dma_wait3A_118 = tpu.memref_slice %arg6[%add3A_31, %dma_wait3A_117] : memref<10240x128xf32, #tpu.memory_space<vmem_shared>> -> memref<32x128xf32, #tpu.memory_space<vmem_shared>>
      %dma_wait3A_119 = arith.constant 0 : i32
      %dma_wait3A_120 = tpu.memref_slice %arg6[%add3A_31, %dma_wait3A_119] : memref<10240x128xf32, #tpu.memory_space<vmem_shared>> -> memref<32x128xf32, #tpu.memory_space<vmem_shared>>
      tpu.wait_dma2 semaphore(%run_scoped3A : memref<!tpu.dma_semaphore, #tpu.memory_space<semaphore_mem>>) src(%arg15 : memref<32x128xf32, #tpu.memory_space<vmem>>) dst(%dma_wait3A_120 : memref<32x128xf32, #tpu.memory_space<vmem_shared>>)
      tpu.yield
    }) : () -> ()
    %add3A_32 = arith.constant 64 : i32
    %add3A_33 = arith.addi %mul3A_2, %add3A_32 : i32
    "tpu.region"() ({
      %run_scoped3A = tpu.sem_alloc : memref<!tpu.dma_semaphore, #tpu.memory_space<semaphore_mem>>
      %dma_start3A_113 = arith.constant 0 : i32
      %dma_start3A_114 = tpu.memref_slice %arg6[%add3A_33, %dma_start3A_113] : memref<10240x128xf32, #tpu.memory_space<vmem_shared>> -> memref<32x128xf32, #tpu.memory_space<vmem_shared>>
      %dma_start3A_115 = arith.constant 0 : i32
      %dma_start3A_116 = tpu.memref_slice %arg6[%add3A_33, %dma_start3A_115] : memref<10240x128xf32, #tpu.memory_space<vmem_shared>> -> memref<32x128xf32, #tpu.memory_space<vmem_shared>>
      tpu.enqueue_dma source(%arg15 : memref<32x128xf32, #tpu.memory_space<vmem>>) target(%dma_start3A_116 : memref<32x128xf32, #tpu.memory_space<vmem_shared>>) target_semaphore(%run_scoped3A : memref<!tpu.dma_semaphore, #tpu.memory_space<semaphore_mem>>)
      %dma_wait3A_117 = arith.constant 0 : i32
      %dma_wait3A_118 = tpu.memref_slice %arg6[%add3A_33, %dma_wait3A_117] : memref<10240x128xf32, #tpu.memory_space<vmem_shared>> -> memref<32x128xf32, #tpu.memory_space<vmem_shared>>
      %dma_wait3A_119 = arith.constant 0 : i32
      %dma_wait3A_120 = tpu.memref_slice %arg6[%add3A_33, %dma_wait3A_119] : memref<10240x128xf32, #tpu.memory_space<vmem_shared>> -> memref<32x128xf32, #tpu.memory_space<vmem_shared>>
      tpu.wait_dma2 semaphore(%run_scoped3A : memref<!tpu.dma_semaphore, #tpu.memory_space<semaphore_mem>>) src(%arg15 : memref<32x128xf32, #tpu.memory_space<vmem>>) dst(%dma_wait3A_120 : memref<32x128xf32, #tpu.memory_space<vmem_shared>>)
      tpu.yield
    }) : () -> ()
    %add3A_34 = arith.constant 96 : i32
    %add3A_35 = arith.addi %mul3A_2, %add3A_34 : i32
    "tpu.region"() ({
      %run_scoped3A = tpu.sem_alloc : memref<!tpu.dma_semaphore, #tpu.memory_space<semaphore_mem>>
      %dma_start3A_113 = arith.constant 0 : i32
      %dma_start3A_114 = tpu.memref_slice %arg6[%add3A_35, %dma_start3A_113] : memref<10240x128xf32, #tpu.memory_space<vmem_shared>> -> memref<32x128xf32, #tpu.memory_space<vmem_shared>>
      %dma_start3A_115 = arith.constant 0 : i32
      %dma_start3A_116 = tpu.memref_slice %arg6[%add3A_35, %dma_start3A_115] : memref<10240x128xf32, #tpu.memory_space<vmem_shared>> -> memref<32x128xf32, #tpu.memory_space<vmem_shared>>
      tpu.enqueue_dma source(%arg15 : memref<32x128xf32, #tpu.memory_space<vmem>>) target(%dma_start3A_116 : memref<32x128xf32, #tpu.memory_space<vmem_shared>>) target_semaphore(%run_scoped3A : memref<!tpu.dma_semaphore, #tpu.memory_space<semaphore_mem>>)
      %dma_wait3A_117 = arith.constant 0 : i32
      %dma_wait3A_118 = tpu.memref_slice %arg6[%add3A_35, %dma_wait3A_117] : memref<10240x128xf32, #tpu.memory_space<vmem_shared>> -> memref<32x128xf32, #tpu.memory_space<vmem_shared>>
      %dma_wait3A_119 = arith.constant 0 : i32
      %dma_wait3A_120 = tpu.memref_slice %arg6[%add3A_35, %dma_wait3A_119] : memref<10240x128xf32, #tpu.memory_space<vmem_shared>> -> memref<32x128xf32, #tpu.memory_space<vmem_shared>>
      tpu.wait_dma2 semaphore(%run_scoped3A : memref<!tpu.dma_semaphore, #tpu.memory_space<semaphore_mem>>) src(%arg15 : memref<32x128xf32, #tpu.memory_space<vmem>>) dst(%dma_wait3A_120 : memref<32x128xf32, #tpu.memory_space<vmem_shared>>)
      tpu.yield
    }) : () -> ()
    %add3A_36 = arith.constant 128 : i32
    %add3A_37 = arith.addi %mul3A_2, %add3A_36 : i32
    "tpu.region"() ({
      %run_scoped3A = tpu.sem_alloc : memref<!tpu.dma_semaphore, #tpu.memory_space<semaphore_mem>>
      %dma_start3A_113 = arith.constant 0 : i32
      %dma_start3A_114 = tpu.memref_slice %arg6[%add3A_37, %dma_start3A_113] : memref<10240x128xf32, #tpu.memory_space<vmem_shared>> -> memref<32x128xf32, #tpu.memory_space<vmem_shared>>
      %dma_start3A_115 = arith.constant 0 : i32
      %dma_start3A_116 = tpu.memref_slice %arg6[%add3A_37, %dma_start3A_115] : memref<10240x128xf32, #tpu.memory_space<vmem_shared>> -> memref<32x128xf32, #tpu.memory_space<vmem_shared>>
      tpu.enqueue_dma source(%arg15 : memref<32x128xf32, #tpu.memory_space<vmem>>) target(%dma_start3A_116 : memref<32x128xf32, #tpu.memory_space<vmem_shared>>) target_semaphore(%run_scoped3A : memref<!tpu.dma_semaphore, #tpu.memory_space<semaphore_mem>>)
      %dma_wait3A_117 = arith.constant 0 : i32
      %dma_wait3A_118 = tpu.memref_slice %arg6[%add3A_37, %dma_wait3A_117] : memref<10240x128xf32, #tpu.memory_space<vmem_shared>> -> memref<32x128xf32, #tpu.memory_space<vmem_shared>>
      %dma_wait3A_119 = arith.constant 0 : i32
      %dma_wait3A_120 = tpu.memref_slice %arg6[%add3A_37, %dma_wait3A_119] : memref<10240x128xf32, #tpu.memory_space<vmem_shared>> -> memref<32x128xf32, #tpu.memory_space<vmem_shared>>
      tpu.wait_dma2 semaphore(%run_scoped3A : memref<!tpu.dma_semaphore, #tpu.memory_space<semaphore_mem>>) src(%arg15 : memref<32x128xf32, #tpu.memory_space<vmem>>) dst(%dma_wait3A_120 : memref<32x128xf32, #tpu.memory_space<vmem_shared>>)
      tpu.yield
    }) : () -> ()
    %add3A_38 = arith.constant 160 : i32
    %add3A_39 = arith.addi %mul3A_2, %add3A_38 : i32
    "tpu.region"() ({
      %run_scoped3A = tpu.sem_alloc : memref<!tpu.dma_semaphore, #tpu.memory_space<semaphore_mem>>
      %dma_start3A_113 = arith.constant 0 : i32
      %dma_start3A_114 = tpu.memref_slice %arg6[%add3A_39, %dma_start3A_113] : memref<10240x128xf32, #tpu.memory_space<vmem_shared>> -> memref<32x128xf32, #tpu.memory_space<vmem_shared>>
      %dma_start3A_115 = arith.constant 0 : i32
      %dma_start3A_116 = tpu.memref_slice %arg6[%add3A_39, %dma_start3A_115] : memref<10240x128xf32, #tpu.memory_space<vmem_shared>> -> memref<32x128xf32, #tpu.memory_space<vmem_shared>>
      tpu.enqueue_dma source(%arg15 : memref<32x128xf32, #tpu.memory_space<vmem>>) target(%dma_start3A_116 : memref<32x128xf32, #tpu.memory_space<vmem_shared>>) target_semaphore(%run_scoped3A : memref<!tpu.dma_semaphore, #tpu.memory_space<semaphore_mem>>)
      %dma_wait3A_117 = arith.constant 0 : i32
      %dma_wait3A_118 = tpu.memref_slice %arg6[%add3A_39, %dma_wait3A_117] : memref<10240x128xf32, #tpu.memory_space<vmem_shared>> -> memref<32x128xf32, #tpu.memory_space<vmem_shared>>
      %dma_wait3A_119 = arith.constant 0 : i32
      %dma_wait3A_120 = tpu.memref_slice %arg6[%add3A_39, %dma_wait3A_119] : memref<10240x128xf32, #tpu.memory_space<vmem_shared>> -> memref<32x128xf32, #tpu.memory_space<vmem_shared>>
      tpu.wait_dma2 semaphore(%run_scoped3A : memref<!tpu.dma_semaphore, #tpu.memory_space<semaphore_mem>>) src(%arg15 : memref<32x128xf32, #tpu.memory_space<vmem>>) dst(%dma_wait3A_120 : memref<32x128xf32, #tpu.memory_space<vmem_shared>>)
      tpu.yield
    }) : () -> ()
    %add3A_40 = arith.constant 192 : i32
    %add3A_41 = arith.addi %mul3A_2, %add3A_40 : i32
    "tpu.region"() ({
      %run_scoped3A = tpu.sem_alloc : memref<!tpu.dma_semaphore, #tpu.memory_space<semaphore_mem>>
      %dma_start3A_113 = arith.constant 0 : i32
      %dma_start3A_114 = tpu.memref_slice %arg6[%add3A_41, %dma_start3A_113] : memref<10240x128xf32, #tpu.memory_space<vmem_shared>> -> memref<32x128xf32, #tpu.memory_space<vmem_shared>>
      %dma_start3A_115 = arith.constant 0 : i32
      %dma_start3A_116 = tpu.memref_slice %arg6[%add3A_41, %dma_start3A_115] : memref<10240x128xf32, #tpu.memory_space<vmem_shared>> -> memref<32x128xf32, #tpu.memory_space<vmem_shared>>
      tpu.enqueue_dma source(%arg15 : memref<32x128xf32, #tpu.memory_space<vmem>>) target(%dma_start3A_116 : memref<32x128xf32, #tpu.memory_space<vmem_shared>>) target_semaphore(%run_scoped3A : memref<!tpu.dma_semaphore, #tpu.memory_space<semaphore_mem>>)
      %dma_wait3A_117 = arith.constant 0 : i32
      %dma_wait3A_118 = tpu.memref_slice %arg6[%add3A_41, %dma_wait3A_117] : memref<10240x128xf32, #tpu.memory_space<vmem_shared>> -> memref<32x128xf32, #tpu.memory_space<vmem_shared>>
      %dma_wait3A_119 = arith.constant 0 : i32
      %dma_wait3A_120 = tpu.memref_slice %arg6[%add3A_41, %dma_wait3A_119] : memref<10240x128xf32, #tpu.memory_space<vmem_shared>> -> memref<32x128xf32, #tpu.memory_space<vmem_shared>>
      tpu.wait_dma2 semaphore(%run_scoped3A : memref<!tpu.dma_semaphore, #tpu.memory_space<semaphore_mem>>) src(%arg15 : memref<32x128xf32, #tpu.memory_space<vmem>>) dst(%dma_wait3A_120 : memref<32x128xf32, #tpu.memory_space<vmem_shared>>)
      tpu.yield
    }) : () -> ()
    %add3A_42 = arith.constant 224 : i32
    %add3A_43 = arith.addi %mul3A_2, %add3A_42 : i32
    "tpu.region"() ({
      %run_scoped3A = tpu.sem_alloc : memref<!tpu.dma_semaphore, #tpu.memory_space<semaphore_mem>>
      %dma_start3A_113 = arith.constant 0 : i32
      %dma_start3A_114 = tpu.memref_slice %arg6[%add3A_43, %dma_start3A_113] : memref<10240x128xf32, #tpu.memory_space<vmem_shared>> -> memref<32x128xf32, #tpu.memory_space<vmem_shared>>
      %dma_start3A_115 = arith.constant 0 : i32
      %dma_start3A_116 = tpu.memref_slice %arg6[%add3A_43, %dma_start3A_115] : memref<10240x128xf32, #tpu.memory_space<vmem_shared>> -> memref<32x128xf32, #tpu.memory_space<vmem_shared>>
      tpu.enqueue_dma source(%arg15 : memref<32x128xf32, #tpu.memory_space<vmem>>) target(%dma_start3A_116 : memref<32x128xf32, #tpu.memory_space<vmem_shared>>) target_semaphore(%run_scoped3A : memref<!tpu.dma_semaphore, #tpu.memory_space<semaphore_mem>>)
      %dma_wait3A_117 = arith.constant 0 : i32
      %dma_wait3A_118 = tpu.memref_slice %arg6[%add3A_43, %dma_wait3A_117] : memref<10240x128xf32, #tpu.memory_space<vmem_shared>> -> memref<32x128xf32, #tpu.memory_space<vmem_shared>>
      %dma_wait3A_119 = arith.constant 0 : i32
      %dma_wait3A_120 = tpu.memref_slice %arg6[%add3A_43, %dma_wait3A_119] : memref<10240x128xf32, #tpu.memory_space<vmem_shared>> -> memref<32x128xf32, #tpu.memory_space<vmem_shared>>
      tpu.wait_dma2 semaphore(%run_scoped3A : memref<!tpu.dma_semaphore, #tpu.memory_space<semaphore_mem>>) src(%arg15 : memref<32x128xf32, #tpu.memory_space<vmem>>) dst(%dma_wait3A_120 : memref<32x128xf32, #tpu.memory_space<vmem_shared>>)
      tpu.yield
    }) : () -> ()
    %add3A_44 = arith.constant 256 : i32
    %add3A_45 = arith.addi %mul3A_2, %add3A_44 : i32
    "tpu.region"() ({
      %run_scoped3A = tpu.sem_alloc : memref<!tpu.dma_semaphore, #tpu.memory_space<semaphore_mem>>
      %dma_start3A_113 = arith.constant 0 : i32
      %dma_start3A_114 = tpu.memref_slice %arg6[%add3A_45, %dma_start3A_113] : memref<10240x128xf32, #tpu.memory_space<vmem_shared>> -> memref<32x128xf32, #tpu.memory_space<vmem_shared>>
      %dma_start3A_115 = arith.constant 0 : i32
      %dma_start3A_116 = tpu.memref_slice %arg6[%add3A_45, %dma_start3A_115] : memref<10240x128xf32, #tpu.memory_space<vmem_shared>> -> memref<32x128xf32, #tpu.memory_space<vmem_shared>>
      tpu.enqueue_dma source(%arg15 : memref<32x128xf32, #tpu.memory_space<vmem>>) target(%dma_start3A_116 : memref<32x128xf32, #tpu.memory_space<vmem_shared>>) target_semaphore(%run_scoped3A : memref<!tpu.dma_semaphore, #tpu.memory_space<semaphore_mem>>)
      %dma_wait3A_117 = arith.constant 0 : i32
      %dma_wait3A_118 = tpu.memref_slice %arg6[%add3A_45, %dma_wait3A_117] : memref<10240x128xf32, #tpu.memory_space<vmem_shared>> -> memref<32x128xf32, #tpu.memory_space<vmem_shared>>
      %dma_wait3A_119 = arith.constant 0 : i32
      %dma_wait3A_120 = tpu.memref_slice %arg6[%add3A_45, %dma_wait3A_119] : memref<10240x128xf32, #tpu.memory_space<vmem_shared>> -> memref<32x128xf32, #tpu.memory_space<vmem_shared>>
      tpu.wait_dma2 semaphore(%run_scoped3A : memref<!tpu.dma_semaphore, #tpu.memory_space<semaphore_mem>>) src(%arg15 : memref<32x128xf32, #tpu.memory_space<vmem>>) dst(%dma_wait3A_120 : memref<32x128xf32, #tpu.memory_space<vmem_shared>>)
      tpu.yield
    }) : () -> ()
    %add3A_46 = arith.constant 288 : i32
    %add3A_47 = arith.addi %mul3A_2, %add3A_46 : i32
    "tpu.region"() ({
      %run_scoped3A = tpu.sem_alloc : memref<!tpu.dma_semaphore, #tpu.memory_space<semaphore_mem>>
      %dma_start3A_113 = arith.constant 0 : i32
      %dma_start3A_114 = tpu.memref_slice %arg6[%add3A_47, %dma_start3A_113] : memref<10240x128xf32, #tpu.memory_space<vmem_shared>> -> memref<32x128xf32, #tpu.memory_space<vmem_shared>>
      %dma_start3A_115 = arith.constant 0 : i32
      %dma_start3A_116 = tpu.memref_slice %arg6[%add3A_47, %dma_start3A_115] : memref<10240x128xf32, #tpu.memory_space<vmem_shared>> -> memref<32x128xf32, #tpu.memory_space<vmem_shared>>
      tpu.enqueue_dma source(%arg15 : memref<32x128xf32, #tpu.memory_space<vmem>>) target(%dma_start3A_116 : memref<32x128xf32, #tpu.memory_space<vmem_shared>>) target_semaphore(%run_scoped3A : memref<!tpu.dma_semaphore, #tpu.memory_space<semaphore_mem>>)
      %dma_wait3A_117 = arith.constant 0 : i32
      %dma_wait3A_118 = tpu.memref_slice %arg6[%add3A_47, %dma_wait3A_117] : memref<10240x128xf32, #tpu.memory_space<vmem_shared>> -> memref<32x128xf32, #tpu.memory_space<vmem_shared>>
      %dma_wait3A_119 = arith.constant 0 : i32
      %dma_wait3A_120 = tpu.memref_slice %arg6[%add3A_47, %dma_wait3A_119] : memref<10240x128xf32, #tpu.memory_space<vmem_shared>> -> memref<32x128xf32, #tpu.memory_space<vmem_shared>>
      tpu.wait_dma2 semaphore(%run_scoped3A : memref<!tpu.dma_semaphore, #tpu.memory_space<semaphore_mem>>) src(%arg15 : memref<32x128xf32, #tpu.memory_space<vmem>>) dst(%dma_wait3A_120 : memref<32x128xf32, #tpu.memory_space<vmem_shared>>)
      tpu.yield
    }) : () -> ()
    %add3A_48 = arith.constant 320 : i32
    %add3A_49 = arith.addi %mul3A_2, %add3A_48 : i32
    "tpu.region"() ({
      %run_scoped3A = tpu.sem_alloc : memref<!tpu.dma_semaphore, #tpu.memory_space<semaphore_mem>>
      %dma_start3A_113 = arith.constant 0 : i32
      %dma_start3A_114 = tpu.memref_slice %arg6[%add3A_49, %dma_start3A_113] : memref<10240x128xf32, #tpu.memory_space<vmem_shared>> -> memref<32x128xf32, #tpu.memory_space<vmem_shared>>
      %dma_start3A_115 = arith.constant 0 : i32
      %dma_start3A_116 = tpu.memref_slice %arg6[%add3A_49, %dma_start3A_115] : memref<10240x128xf32, #tpu.memory_space<vmem_shared>> -> memref<32x128xf32, #tpu.memory_space<vmem_shared>>
      tpu.enqueue_dma source(%arg15 : memref<32x128xf32, #tpu.memory_space<vmem>>) target(%dma_start3A_116 : memref<32x128xf32, #tpu.memory_space<vmem_shared>>) target_semaphore(%run_scoped3A : memref<!tpu.dma_semaphore, #tpu.memory_space<semaphore_mem>>)
      %dma_wait3A_117 = arith.constant 0 : i32
      %dma_wait3A_118 = tpu.memref_slice %arg6[%add3A_49, %dma_wait3A_117] : memref<10240x128xf32, #tpu.memory_space<vmem_shared>> -> memref<32x128xf32, #tpu.memory_space<vmem_shared>>
      %dma_wait3A_119 = arith.constant 0 : i32
      %dma_wait3A_120 = tpu.memref_slice %arg6[%add3A_49, %dma_wait3A_119] : memref<10240x128xf32, #tpu.memory_space<vmem_shared>> -> memref<32x128xf32, #tpu.memory_space<vmem_shared>>
      tpu.wait_dma2 semaphore(%run_scoped3A : memref<!tpu.dma_semaphore, #tpu.memory_space<semaphore_mem>>) src(%arg15 : memref<32x128xf32, #tpu.memory_space<vmem>>) dst(%dma_wait3A_120 : memref<32x128xf32, #tpu.memory_space<vmem_shared>>)
      tpu.yield
    }) : () -> ()
    %add3A_50 = arith.constant 352 : i32
    %add3A_51 = arith.addi %mul3A_2, %add3A_50 : i32
    "tpu.region"() ({
      %run_scoped3A = tpu.sem_alloc : memref<!tpu.dma_semaphore, #tpu.memory_space<semaphore_mem>>
      %dma_start3A_113 = arith.constant 0 : i32
      %dma_start3A_114 = tpu.memref_slice %arg6[%add3A_51, %dma_start3A_113] : memref<10240x128xf32, #tpu.memory_space<vmem_shared>> -> memref<32x128xf32, #tpu.memory_space<vmem_shared>>
      %dma_start3A_115 = arith.constant 0 : i32
      %dma_start3A_116 = tpu.memref_slice %arg6[%add3A_51, %dma_start3A_115] : memref<10240x128xf32, #tpu.memory_space<vmem_shared>> -> memref<32x128xf32, #tpu.memory_space<vmem_shared>>
      tpu.enqueue_dma source(%arg15 : memref<32x128xf32, #tpu.memory_space<vmem>>) target(%dma_start3A_116 : memref<32x128xf32, #tpu.memory_space<vmem_shared>>) target_semaphore(%run_scoped3A : memref<!tpu.dma_semaphore, #tpu.memory_space<semaphore_mem>>)
      %dma_wait3A_117 = arith.constant 0 : i32
      %dma_wait3A_118 = tpu.memref_slice %arg6[%add3A_51, %dma_wait3A_117] : memref<10240x128xf32, #tpu.memory_space<vmem_shared>> -> memref<32x128xf32, #tpu.memory_space<vmem_shared>>
      %dma_wait3A_119 = arith.constant 0 : i32
      %dma_wait3A_120 = tpu.memref_slice %arg6[%add3A_51, %dma_wait3A_119] : memref<10240x128xf32, #tpu.memory_space<vmem_shared>> -> memref<32x128xf32, #tpu.memory_space<vmem_shared>>
      tpu.wait_dma2 semaphore(%run_scoped3A : memref<!tpu.dma_semaphore, #tpu.memory_space<semaphore_mem>>) src(%arg15 : memref<32x128xf32, #tpu.memory_space<vmem>>) dst(%dma_wait3A_120 : memref<32x128xf32, #tpu.memory_space<vmem_shared>>)
      tpu.yield
    }) : () -> ()
    %add3A_52 = arith.constant 384 : i32
    %add3A_53 = arith.addi %mul3A_2, %add3A_52 : i32
    "tpu.region"() ({
      %run_scoped3A = tpu.sem_alloc : memref<!tpu.dma_semaphore, #tpu.memory_space<semaphore_mem>>
      %dma_start3A_113 = arith.constant 0 : i32
      %dma_start3A_114 = tpu.memref_slice %arg6[%add3A_53, %dma_start3A_113] : memref<10240x128xf32, #tpu.memory_space<vmem_shared>> -> memref<32x128xf32, #tpu.memory_space<vmem_shared>>
      %dma_start3A_115 = arith.constant 0 : i32
      %dma_start3A_116 = tpu.memref_slice %arg6[%add3A_53, %dma_start3A_115] : memref<10240x128xf32, #tpu.memory_space<vmem_shared>> -> memref<32x128xf32, #tpu.memory_space<vmem_shared>>
      tpu.enqueue_dma source(%arg15 : memref<32x128xf32, #tpu.memory_space<vmem>>) target(%dma_start3A_116 : memref<32x128xf32, #tpu.memory_space<vmem_shared>>) target_semaphore(%run_scoped3A : memref<!tpu.dma_semaphore, #tpu.memory_space<semaphore_mem>>)
      %dma_wait3A_117 = arith.constant 0 : i32
      %dma_wait3A_118 = tpu.memref_slice %arg6[%add3A_53, %dma_wait3A_117] : memref<10240x128xf32, #tpu.memory_space<vmem_shared>> -> memref<32x128xf32, #tpu.memory_space<vmem_shared>>
      %dma_wait3A_119 = arith.constant 0 : i32
      %dma_wait3A_120 = tpu.memref_slice %arg6[%add3A_53, %dma_wait3A_119] : memref<10240x128xf32, #tpu.memory_space<vmem_shared>> -> memref<32x128xf32, #tpu.memory_space<vmem_shared>>
      tpu.wait_dma2 semaphore(%run_scoped3A : memref<!tpu.dma_semaphore, #tpu.memory_space<semaphore_mem>>) src(%arg15 : memref<32x128xf32, #tpu.memory_space<vmem>>) dst(%dma_wait3A_120 : memref<32x128xf32, #tpu.memory_space<vmem_shared>>)
      tpu.yield
    }) : () -> ()
    %add3A_54 = arith.constant 416 : i32
    %add3A_55 = arith.addi %mul3A_2, %add3A_54 : i32
    "tpu.region"() ({
      %run_scoped3A = tpu.sem_alloc : memref<!tpu.dma_semaphore, #tpu.memory_space<semaphore_mem>>
      %dma_start3A_113 = arith.constant 0 : i32
      %dma_start3A_114 = tpu.memref_slice %arg6[%add3A_55, %dma_start3A_113] : memref<10240x128xf32, #tpu.memory_space<vmem_shared>> -> memref<32x128xf32, #tpu.memory_space<vmem_shared>>
      %dma_start3A_115 = arith.constant 0 : i32
      %dma_start3A_116 = tpu.memref_slice %arg6[%add3A_55, %dma_start3A_115] : memref<10240x128xf32, #tpu.memory_space<vmem_shared>> -> memref<32x128xf32, #tpu.memory_space<vmem_shared>>
      tpu.enqueue_dma source(%arg15 : memref<32x128xf32, #tpu.memory_space<vmem>>) target(%dma_start3A_116 : memref<32x128xf32, #tpu.memory_space<vmem_shared>>) target_semaphore(%run_scoped3A : memref<!tpu.dma_semaphore, #tpu.memory_space<semaphore_mem>>)
      %dma_wait3A_117 = arith.constant 0 : i32
      %dma_wait3A_118 = tpu.memref_slice %arg6[%add3A_55, %dma_wait3A_117] : memref<10240x128xf32, #tpu.memory_space<vmem_shared>> -> memref<32x128xf32, #tpu.memory_space<vmem_shared>>
      %dma_wait3A_119 = arith.constant 0 : i32
      %dma_wait3A_120 = tpu.memref_slice %arg6[%add3A_55, %dma_wait3A_119] : memref<10240x128xf32, #tpu.memory_space<vmem_shared>> -> memref<32x128xf32, #tpu.memory_space<vmem_shared>>
      tpu.wait_dma2 semaphore(%run_scoped3A : memref<!tpu.dma_semaphore, #tpu.memory_space<semaphore_mem>>) src(%arg15 : memref<32x128xf32, #tpu.memory_space<vmem>>) dst(%dma_wait3A_120 : memref<32x128xf32, #tpu.memory_space<vmem_shared>>)
      tpu.yield
    }) : () -> ()
    %add3A_56 = arith.constant 448 : i32
    %add3A_57 = arith.addi %mul3A_2, %add3A_56 : i32
    "tpu.region"() ({
      %run_scoped3A = tpu.sem_alloc : memref<!tpu.dma_semaphore, #tpu.memory_space<semaphore_mem>>
      %dma_start3A_113 = arith.constant 0 : i32
      %dma_start3A_114 = tpu.memref_slice %arg6[%add3A_57, %dma_start3A_113] : memref<10240x128xf32, #tpu.memory_space<vmem_shared>> -> memref<32x128xf32, #tpu.memory_space<vmem_shared>>
      %dma_start3A_115 = arith.constant 0 : i32
      %dma_start3A_116 = tpu.memref_slice %arg6[%add3A_57, %dma_start3A_115] : memref<10240x128xf32, #tpu.memory_space<vmem_shared>> -> memref<32x128xf32, #tpu.memory_space<vmem_shared>>
      tpu.enqueue_dma source(%arg15 : memref<32x128xf32, #tpu.memory_space<vmem>>) target(%dma_start3A_116 : memref<32x128xf32, #tpu.memory_space<vmem_shared>>) target_semaphore(%run_scoped3A : memref<!tpu.dma_semaphore, #tpu.memory_space<semaphore_mem>>)
      %dma_wait3A_117 = arith.constant 0 : i32
      %dma_wait3A_118 = tpu.memref_slice %arg6[%add3A_57, %dma_wait3A_117] : memref<10240x128xf32, #tpu.memory_space<vmem_shared>> -> memref<32x128xf32, #tpu.memory_space<vmem_shared>>
      %dma_wait3A_119 = arith.constant 0 : i32
      %dma_wait3A_120 = tpu.memref_slice %arg6[%add3A_57, %dma_wait3A_119] : memref<10240x128xf32, #tpu.memory_space<vmem_shared>> -> memref<32x128xf32, #tpu.memory_space<vmem_shared>>
      tpu.wait_dma2 semaphore(%run_scoped3A : memref<!tpu.dma_semaphore, #tpu.memory_space<semaphore_mem>>) src(%arg15 : memref<32x128xf32, #tpu.memory_space<vmem>>) dst(%dma_wait3A_120 : memref<32x128xf32, #tpu.memory_space<vmem_shared>>)
      tpu.yield
    }) : () -> ()
    %add3A_58 = arith.constant 480 : i32
    %add3A_59 = arith.addi %mul3A_2, %add3A_58 : i32
    "tpu.region"() ({
      %run_scoped3A = tpu.sem_alloc : memref<!tpu.dma_semaphore, #tpu.memory_space<semaphore_mem>>
      %dma_start3A_113 = arith.constant 0 : i32
      %dma_start3A_114 = tpu.memref_slice %arg6[%add3A_59, %dma_start3A_113] : memref<10240x128xf32, #tpu.memory_space<vmem_shared>> -> memref<32x128xf32, #tpu.memory_space<vmem_shared>>
      %dma_start3A_115 = arith.constant 0 : i32
      %dma_start3A_116 = tpu.memref_slice %arg6[%add3A_59, %dma_start3A_115] : memref<10240x128xf32, #tpu.memory_space<vmem_shared>> -> memref<32x128xf32, #tpu.memory_space<vmem_shared>>
      tpu.enqueue_dma source(%arg15 : memref<32x128xf32, #tpu.memory_space<vmem>>) target(%dma_start3A_116 : memref<32x128xf32, #tpu.memory_space<vmem_shared>>) target_semaphore(%run_scoped3A : memref<!tpu.dma_semaphore, #tpu.memory_space<semaphore_mem>>)
      %dma_wait3A_117 = arith.constant 0 : i32
      %dma_wait3A_118 = tpu.memref_slice %arg6[%add3A_59, %dma_wait3A_117] : memref<10240x128xf32, #tpu.memory_space<vmem_shared>> -> memref<32x128xf32, #tpu.memory_space<vmem_shared>>
      %dma_wait3A_119 = arith.constant 0 : i32
      %dma_wait3A_120 = tpu.memref_slice %arg6[%add3A_59, %dma_wait3A_119] : memref<10240x128xf32, #tpu.memory_space<vmem_shared>> -> memref<32x128xf32, #tpu.memory_space<vmem_shared>>
      tpu.wait_dma2 semaphore(%run_scoped3A : memref<!tpu.dma_semaphore, #tpu.memory_space<semaphore_mem>>) src(%arg15 : memref<32x128xf32, #tpu.memory_space<vmem>>) dst(%dma_wait3A_120 : memref<32x128xf32, #tpu.memory_space<vmem_shared>>)
      tpu.yield
    }) : () -> ()
    %add3A_60 = arith.constant 512 : i32
    %add3A_61 = arith.addi %mul3A_2, %add3A_60 : i32
    "tpu.region"() ({
      %run_scoped3A = tpu.sem_alloc : memref<!tpu.dma_semaphore, #tpu.memory_space<semaphore_mem>>
      %dma_start3A_113 = arith.constant 0 : i32
      %dma_start3A_114 = tpu.memref_slice %arg6[%add3A_61, %dma_start3A_113] : memref<10240x128xf32, #tpu.memory_space<vmem_shared>> -> memref<32x128xf32, #tpu.memory_space<vmem_shared>>
      %dma_start3A_115 = arith.constant 0 : i32
      %dma_start3A_116 = tpu.memref_slice %arg6[%add3A_61, %dma_start3A_115] : memref<10240x128xf32, #tpu.memory_space<vmem_shared>> -> memref<32x128xf32, #tpu.memory_space<vmem_shared>>
      tpu.enqueue_dma source(%arg15 : memref<32x128xf32, #tpu.memory_space<vmem>>) target(%dma_start3A_116 : memref<32x128xf32, #tpu.memory_space<vmem_shared>>) target_semaphore(%run_scoped3A : memref<!tpu.dma_semaphore, #tpu.memory_space<semaphore_mem>>)
      %dma_wait3A_117 = arith.constant 0 : i32
      %dma_wait3A_118 = tpu.memref_slice %arg6[%add3A_61, %dma_wait3A_117] : memref<10240x128xf32, #tpu.memory_space<vmem_shared>> -> memref<32x128xf32, #tpu.memory_space<vmem_shared>>
      %dma_wait3A_119 = arith.constant 0 : i32
      %dma_wait3A_120 = tpu.memref_slice %arg6[%add3A_61, %dma_wait3A_119] : memref<10240x128xf32, #tpu.memory_space<vmem_shared>> -> memref<32x128xf32, #tpu.memory_space<vmem_shared>>
      tpu.wait_dma2 semaphore(%run_scoped3A : memref<!tpu.dma_semaphore, #tpu.memory_space<semaphore_mem>>) src(%arg15 : memref<32x128xf32, #tpu.memory_space<vmem>>) dst(%dma_wait3A_120 : memref<32x128xf32, #tpu.memory_space<vmem_shared>>)
      tpu.yield
    }) : () -> ()
    %add3A_62 = arith.constant 544 : i32
    %add3A_63 = arith.addi %mul3A_2, %add3A_62 : i32
    "tpu.region"() ({
      %run_scoped3A = tpu.sem_alloc : memref<!tpu.dma_semaphore, #tpu.memory_space<semaphore_mem>>
      %dma_start3A_113 = arith.constant 0 : i32
      %dma_start3A_114 = tpu.memref_slice %arg6[%add3A_63, %dma_start3A_113] : memref<10240x128xf32, #tpu.memory_space<vmem_shared>> -> memref<32x128xf32, #tpu.memory_space<vmem_shared>>
      %dma_start3A_115 = arith.constant 0 : i32
      %dma_start3A_116 = tpu.memref_slice %arg6[%add3A_63, %dma_start3A_115] : memref<10240x128xf32, #tpu.memory_space<vmem_shared>> -> memref<32x128xf32, #tpu.memory_space<vmem_shared>>
      tpu.enqueue_dma source(%arg15 : memref<32x128xf32, #tpu.memory_space<vmem>>) target(%dma_start3A_116 : memref<32x128xf32, #tpu.memory_space<vmem_shared>>) target_semaphore(%run_scoped3A : memref<!tpu.dma_semaphore, #tpu.memory_space<semaphore_mem>>)
      %dma_wait3A_117 = arith.constant 0 : i32
      %dma_wait3A_118 = tpu.memref_slice %arg6[%add3A_63, %dma_wait3A_117] : memref<10240x128xf32, #tpu.memory_space<vmem_shared>> -> memref<32x128xf32, #tpu.memory_space<vmem_shared>>
      %dma_wait3A_119 = arith.constant 0 : i32
      %dma_wait3A_120 = tpu.memref_slice %arg6[%add3A_63, %dma_wait3A_119] : memref<10240x128xf32, #tpu.memory_space<vmem_shared>> -> memref<32x128xf32, #tpu.memory_space<vmem_shared>>
      tpu.wait_dma2 semaphore(%run_scoped3A : memref<!tpu.dma_semaphore, #tpu.memory_space<semaphore_mem>>) src(%arg15 : memref<32x128xf32, #tpu.memory_space<vmem>>) dst(%dma_wait3A_120 : memref<32x128xf32, #tpu.memory_space<vmem_shared>>)
      tpu.yield
    }) : () -> ()
    %add3A_64 = arith.constant 576 : i32
    %add3A_65 = arith.addi %mul3A_2, %add3A_64 : i32
    "tpu.region"() ({
      %run_scoped3A = tpu.sem_alloc : memref<!tpu.dma_semaphore, #tpu.memory_space<semaphore_mem>>
      %dma_start3A_113 = arith.constant 0 : i32
      %dma_start3A_114 = tpu.memref_slice %arg6[%add3A_65, %dma_start3A_113] : memref<10240x128xf32, #tpu.memory_space<vmem_shared>> -> memref<32x128xf32, #tpu.memory_space<vmem_shared>>
      %dma_start3A_115 = arith.constant 0 : i32
      %dma_start3A_116 = tpu.memref_slice %arg6[%add3A_65, %dma_start3A_115] : memref<10240x128xf32, #tpu.memory_space<vmem_shared>> -> memref<32x128xf32, #tpu.memory_space<vmem_shared>>
      tpu.enqueue_dma source(%arg15 : memref<32x128xf32, #tpu.memory_space<vmem>>) target(%dma_start3A_116 : memref<32x128xf32, #tpu.memory_space<vmem_shared>>) target_semaphore(%run_scoped3A : memref<!tpu.dma_semaphore, #tpu.memory_space<semaphore_mem>>)
      %dma_wait3A_117 = arith.constant 0 : i32
      %dma_wait3A_118 = tpu.memref_slice %arg6[%add3A_65, %dma_wait3A_117] : memref<10240x128xf32, #tpu.memory_space<vmem_shared>> -> memref<32x128xf32, #tpu.memory_space<vmem_shared>>
      %dma_wait3A_119 = arith.constant 0 : i32
      %dma_wait3A_120 = tpu.memref_slice %arg6[%add3A_65, %dma_wait3A_119] : memref<10240x128xf32, #tpu.memory_space<vmem_shared>> -> memref<32x128xf32, #tpu.memory_space<vmem_shared>>
      tpu.wait_dma2 semaphore(%run_scoped3A : memref<!tpu.dma_semaphore, #tpu.memory_space<semaphore_mem>>) src(%arg15 : memref<32x128xf32, #tpu.memory_space<vmem>>) dst(%dma_wait3A_120 : memref<32x128xf32, #tpu.memory_space<vmem_shared>>)
      tpu.yield
    }) : () -> ()
    %add3A_66 = arith.constant 608 : i32
    %add3A_67 = arith.addi %mul3A_2, %add3A_66 : i32
    "tpu.region"() ({
      %run_scoped3A = tpu.sem_alloc : memref<!tpu.dma_semaphore, #tpu.memory_space<semaphore_mem>>
      %dma_start3A_113 = arith.constant 0 : i32
      %dma_start3A_114 = tpu.memref_slice %arg6[%add3A_67, %dma_start3A_113] : memref<10240x128xf32, #tpu.memory_space<vmem_shared>> -> memref<32x128xf32, #tpu.memory_space<vmem_shared>>
      %dma_start3A_115 = arith.constant 0 : i32
      %dma_start3A_116 = tpu.memref_slice %arg6[%add3A_67, %dma_start3A_115] : memref<10240x128xf32, #tpu.memory_space<vmem_shared>> -> memref<32x128xf32, #tpu.memory_space<vmem_shared>>
      tpu.enqueue_dma source(%arg15 : memref<32x128xf32, #tpu.memory_space<vmem>>) target(%dma_start3A_116 : memref<32x128xf32, #tpu.memory_space<vmem_shared>>) target_semaphore(%run_scoped3A : memref<!tpu.dma_semaphore, #tpu.memory_space<semaphore_mem>>)
      %dma_wait3A_117 = arith.constant 0 : i32
      %dma_wait3A_118 = tpu.memref_slice %arg6[%add3A_67, %dma_wait3A_117] : memref<10240x128xf32, #tpu.memory_space<vmem_shared>> -> memref<32x128xf32, #tpu.memory_space<vmem_shared>>
      %dma_wait3A_119 = arith.constant 0 : i32
      %dma_wait3A_120 = tpu.memref_slice %arg6[%add3A_67, %dma_wait3A_119] : memref<10240x128xf32, #tpu.memory_space<vmem_shared>> -> memref<32x128xf32, #tpu.memory_space<vmem_shared>>
      tpu.wait_dma2 semaphore(%run_scoped3A : memref<!tpu.dma_semaphore, #tpu.memory_space<semaphore_mem>>) src(%arg15 : memref<32x128xf32, #tpu.memory_space<vmem>>) dst(%dma_wait3A_120 : memref<32x128xf32, #tpu.memory_space<vmem_shared>>)
      tpu.yield
    }) : () -> ()
    %dma_wait3A = arith.constant 0 : i32
    %dma_wait3A_68 = tpu.memref_slice %arg3[%dma_wait3A] : memref<320000xi32, #tpu.memory_space<hbm>> -> memref<128xi32, #tpu.memory_space<hbm>>
    %dma_wait3A_69 = arith.constant 0 : i32
    %dma_wait3A_70 = tpu.memref_slice %arg3[%dma_wait3A_69] : memref<320000xi32, #tpu.memory_space<hbm>> -> memref<128xi32, #tpu.memory_space<hbm>>
    tpu.wait_dma2 semaphore(%arg16 : memref<!tpu.dma_semaphore, #tpu.memory_space<semaphore_mem>>) src(%dma_wait3A_70 : memref<128xi32, #tpu.memory_space<hbm>>) dst(%arg7 : memref<128xi32, #tpu.memory_space<vmem>>)
    %dma_wait3A_71 = arith.constant 0 : i32
    %dma_wait3A_72 = tpu.memref_slice %arg4[%dma_wait3A_71] : memref<320000xi32, #tpu.memory_space<hbm>> -> memref<128xi32, #tpu.memory_space<hbm>>
    %dma_wait3A_73 = arith.constant 0 : i32
    %dma_wait3A_74 = tpu.memref_slice %arg4[%dma_wait3A_73] : memref<320000xi32, #tpu.memory_space<hbm>> -> memref<128xi32, #tpu.memory_space<hbm>>
    tpu.wait_dma2 semaphore(%arg16 : memref<!tpu.dma_semaphore, #tpu.memory_space<semaphore_mem>>) src(%dma_wait3A_74 : memref<128xi32, #tpu.memory_space<hbm>>) dst(%arg9 : memref<128xi32, #tpu.memory_space<vmem>>)
    %dma_start3A_75 = arith.constant 0 : i32
    %dma_start3A_76 = arith.constant 0 : i32
    %dma_start3A_77 = tpu.memref_slice %arg11[%dma_start3A_75, %dma_start3A_76] : memref<256x128xf32, #tpu.memory_space<vmem>> -> memref<128x128xf32, #tpu.memory_space<vmem>>
    %dma_start3A_78 = arith.constant 0 : i32
    %dma_start3A_79 = arith.constant 0 : i32
    %dma_start3A_80 = tpu.memref_slice %arg2[%dma_start3A_78, %dma_start3A_79] : memref<10000x128xf32, #tpu.memory_space<hbm>> -> memref<10000x128xf32, #tpu.memory_space<hbm>>
    tpu.enqueue_indirect_dma source(%dma_start3A_80 : memref<10000x128xf32, #tpu.memory_space<hbm>>) target(%dma_start3A_77 : memref<128x128xf32, #tpu.memory_space<vmem>>) offsets(%arg7 : memref<128xi32, #tpu.memory_space<vmem>>) semaphore(%arg18 : memref<!tpu.dma_semaphore, #tpu.memory_space<semaphore_mem>>)
    %barrier3A = arith.constant 0 : index
    tpu.barrier barrier_id(%barrier3A)
    %scan3A_81 = arith.constant 0 : i32
    %scan3A_82 = arith.constant 0 : i32
    %scan3A_83 = arith.constant 39 : i32
    %scan3A_84 = arith.addi %scan3A_82, %scan3A_83 : i32
    %scan3A_85 = arith.constant 1 : i32
    %scan3A_86 = scf.for %scan3A_113 = %scan3A_82 to %scan3A_84 step %scan3A_85 iter_args(%scan3A_114 = %scan3A_81) -> (i32)  : i32 {
      %mul3A_115 = arith.constant 2 : i32
      %mul3A_116 = arith.muli %mul3A_115, %scan3A_113 : i32
      %add3A_117 = arith.constant 0 : i32
      %add3A_118 = arith.addi %mul3A_116, %add3A_117 : i32
      %add3A_119 = arith.constant 1 : i32
      %add3A_120 = arith.addi %add3A_118, %add3A_119 : i32
      %lt3A = arith.constant 78 : i32
      %lt3A_121 = arith.cmpi slt, %add3A_120, %lt3A : i32
      %convert_element_type3A = arith.extui %lt3A_121 : i1 to i32
      %cond3A = arith.constant 0 : i32
      %cond3A_122 = arith.cmpi ne, %convert_element_type3A, %cond3A : i32
      scf.if %cond3A_122 {
        %dma_wait3A_161 = arith.constant 0 : i32
        %dma_wait3A_162 = tpu.memref_slice %arg3[%dma_wait3A_161] : memref<320000xi32, #tpu.memory_space<hbm>> -> memref<128xi32, #tpu.memory_space<hbm>>
        %dma_wait3A_163 = arith.constant 0 : i32
        %dma_wait3A_164 = tpu.memref_slice %arg3[%dma_wait3A_163] : memref<320000xi32, #tpu.memory_space<hbm>> -> memref<128xi32, #tpu.memory_space<hbm>>
        tpu.wait_dma2 semaphore(%arg17 : memref<!tpu.dma_semaphore, #tpu.memory_space<semaphore_mem>>) src(%dma_wait3A_164 : memref<128xi32, #tpu.memory_space<hbm>>) dst(%arg8 : memref<128xi32, #tpu.memory_space<vmem>>)
        %dma_wait3A_165 = arith.constant 0 : i32
        %dma_wait3A_166 = tpu.memref_slice %arg4[%dma_wait3A_165] : memref<320000xi32, #tpu.memory_space<hbm>> -> memref<128xi32, #tpu.memory_space<hbm>>
        %dma_wait3A_167 = arith.constant 0 : i32
        %dma_wait3A_168 = tpu.memref_slice %arg4[%dma_wait3A_167] : memref<320000xi32, #tpu.memory_space<hbm>> -> memref<128xi32, #tpu.memory_space<hbm>>
        tpu.wait_dma2 semaphore(%arg17 : memref<!tpu.dma_semaphore, #tpu.memory_space<semaphore_mem>>) src(%dma_wait3A_168 : memref<128xi32, #tpu.memory_space<hbm>>) dst(%arg10 : memref<128xi32, #tpu.memory_space<vmem>>)
        %dma_start3A_169 = arith.constant 128 : i32
        %dma_start3A_170 = arith.constant 0 : i32
        %dma_start3A_171 = tpu.memref_slice %arg11[%dma_start3A_169, %dma_start3A_170] : memref<256x128xf32, #tpu.memory_space<vmem>> -> memref<128x128xf32, #tpu.memory_space<vmem>>
        %dma_start3A_172 = arith.constant 0 : i32
        %dma_start3A_173 = arith.constant 0 : i32
        %dma_start3A_174 = tpu.memref_slice %arg2[%dma_start3A_172, %dma_start3A_173] : memref<10000x128xf32, #tpu.memory_space<hbm>> -> memref<10000x128xf32, #tpu.memory_space<hbm>>
        tpu.enqueue_indirect_dma source(%dma_start3A_174 : memref<10000x128xf32, #tpu.memory_space<hbm>>) target(%dma_start3A_171 : memref<128x128xf32, #tpu.memory_space<vmem>>) offsets(%arg8 : memref<128xi32, #tpu.memory_space<vmem>>) semaphore(%arg19 : memref<!tpu.dma_semaphore, #tpu.memory_space<semaphore_mem>>)
      } else {
      }
      %dma_wait3A_123 = arith.constant 0 : i32
      %dma_wait3A_124 = arith.constant 0 : i32
      %dma_wait3A_125 = tpu.memref_slice %arg11[%dma_wait3A_123, %dma_wait3A_124] : memref<256x128xf32, #tpu.memory_space<vmem>> -> memref<128x128xf32, #tpu.memory_space<vmem>>
      %dma_wait3A_126 = arith.constant 0 : i32
      %dma_wait3A_127 = arith.constant 0 : i32
      %dma_wait3A_128 = tpu.memref_slice %arg2[%dma_wait3A_126, %dma_wait3A_127] : memref<10000x128xf32, #tpu.memory_space<hbm>> -> memref<10000x128xf32, #tpu.memory_space<hbm>>
      tpu.wait_indirect_dma semaphore(%arg18 : memref<!tpu.dma_semaphore, #tpu.memory_space<semaphore_mem>>) src(%dma_wait3A_128 : memref<10000x128xf32, #tpu.memory_space<hbm>>) dst(%dma_wait3A_125 : memref<128x128xf32, #tpu.memory_space<vmem>>)
      "tpu.region"() ({
        %run_scoped3A = tpu.sem_alloc : memref<!tpu.dma_semaphore, #tpu.memory_space<semaphore_mem>>
        %dma_start3A_161 = arith.constant 0 : i32
        %dma_start3A_162 = arith.constant 0 : i32
        %dma_start3A_163 = tpu.memref_slice %arg11[%dma_start3A_161, %dma_start3A_162] : memref<256x128xf32, #tpu.memory_space<vmem>> -> memref<128x128xf32, #tpu.memory_space<vmem>>
        %dma_start3A_164 = arith.constant 0 : i32
        %dma_start3A_165 = arith.constant 0 : i32
        %dma_start3A_166 = tpu.memref_slice %arg6[%dma_start3A_164, %dma_start3A_165] : memref<10240x128xf32, #tpu.memory_space<vmem_shared>> -> memref<10240x128xf32, #tpu.memory_space<vmem_shared>>
        tpu.enqueue_indirect_dma source(%dma_start3A_163 : memref<128x128xf32, #tpu.memory_space<vmem>>) target(%dma_start3A_166 : memref<10240x128xf32, #tpu.memory_space<vmem_shared>>) offsets(%arg9 : memref<128xi32, #tpu.memory_space<vmem>>) semaphore(%run_scoped3A : memref<!tpu.dma_semaphore, #tpu.memory_space<semaphore_mem>>) {add = true}
        %dma_wait3A_167 = arith.constant 0 : i32
        %dma_wait3A_168 = arith.constant 0 : i32
        %dma_wait3A_169 = tpu.memref_slice %arg11[%dma_wait3A_167, %dma_wait3A_168] : memref<256x128xf32, #tpu.memory_space<vmem>> -> memref<128x128xf32, #tpu.memory_space<vmem>>
        %dma_wait3A_170 = arith.constant 0 : i32
        %dma_wait3A_171 = arith.constant 0 : i32
        %dma_wait3A_172 = tpu.memref_slice %arg6[%dma_wait3A_170, %dma_wait3A_171] : memref<10240x128xf32, #tpu.memory_space<vmem_shared>> -> memref<10240x128xf32, #tpu.memory_space<vmem_shared>>
        tpu.wait_indirect_dma semaphore(%run_scoped3A : memref<!tpu.dma_semaphore, #tpu.memory_space<semaphore_mem>>) src(%dma_wait3A_169 : memref<128x128xf32, #tpu.memory_space<vmem>>) dst(%dma_wait3A_172 : memref<10240x128xf32, #tpu.memory_space<vmem_shared>>)
        tpu.yield
      }) : () -> ()
      %add3A_129 = arith.constant 2 : i32
      %add3A_130 = arith.addi %add3A_118, %add3A_129 : i32
      %lt3A_131 = arith.constant 78 : i32
      %lt3A_132 = arith.cmpi slt, %add3A_130, %lt3A_131 : i32
      %convert_element_type3A_133 = arith.extui %lt3A_132 : i1 to i32
      %cond3A_134 = arith.constant 0 : i32
      %cond3A_135 = arith.cmpi ne, %convert_element_type3A_133, %cond3A_134 : i32
      scf.if %cond3A_135 {
        %add3A_161 = arith.constant 2 : i32
        %add3A_162 = arith.addi %add3A_118, %add3A_161 : i32
        %mul3A_163 = arith.constant 128 : i32
        %mul3A_164 = arith.muli %add3A_162, %mul3A_163 : i32
        %add3A_165 = arith.addi %mul3A_4, %mul3A_164 : i32
        %dma_start3A_166 = tpu.memref_slice %arg3[%add3A_165] : memref<320000xi32, #tpu.memory_space<hbm>> -> memref<128xi32, #tpu.memory_space<hbm>>
        %dma_start3A_167 = tpu.memref_slice %arg3[%add3A_165] : memref<320000xi32, #tpu.memory_space<hbm>> -> memref<128xi32, #tpu.memory_space<hbm>>
        tpu.enqueue_dma source(%dma_start3A_167 : memref<128xi32, #tpu.memory_space<hbm>>) target(%arg7 : memref<128xi32, #tpu.memory_space<vmem>>) target_semaphore(%arg16 : memref<!tpu.dma_semaphore, #tpu.memory_space<semaphore_mem>>)
        %dma_start3A_168 = tpu.memref_slice %arg4[%add3A_165] : memref<320000xi32, #tpu.memory_space<hbm>> -> memref<128xi32, #tpu.memory_space<hbm>>
        %dma_start3A_169 = tpu.memref_slice %arg4[%add3A_165] : memref<320000xi32, #tpu.memory_space<hbm>> -> memref<128xi32, #tpu.memory_space<hbm>>
        tpu.enqueue_dma source(%dma_start3A_169 : memref<128xi32, #tpu.memory_space<hbm>>) target(%arg9 : memref<128xi32, #tpu.memory_space<vmem>>) target_semaphore(%arg16 : memref<!tpu.dma_semaphore, #tpu.memory_space<semaphore_mem>>)
      } else {
      }
      %mul3A_136 = arith.constant 2 : i32
      %mul3A_137 = arith.muli %mul3A_136, %scan3A_113 : i32
      %add3A_138 = arith.constant 1 : i32
      %add3A_139 = arith.addi %mul3A_137, %add3A_138 : i32
      %add3A_140 = arith.constant 1 : i32
      %add3A_141 = arith.addi %add3A_139, %add3A_140 : i32
      %lt3A_142 = arith.constant 78 : i32
      %lt3A_143 = arith.cmpi slt, %add3A_141, %lt3A_142 : i32
      %convert_element_type3A_144 = arith.extui %lt3A_143 : i1 to i32
      %cond3A_145 = arith.constant 0 : i32
      %cond3A_146 = arith.cmpi ne, %convert_element_type3A_144, %cond3A_145 : i32
      scf.if %cond3A_146 {
        %dma_wait3A_161 = arith.constant 0 : i32
        %dma_wait3A_162 = tpu.memref_slice %arg3[%dma_wait3A_161] : memref<320000xi32, #tpu.memory_space<hbm>> -> memref<128xi32, #tpu.memory_space<hbm>>
        %dma_wait3A_163 = arith.constant 0 : i32
        %dma_wait3A_164 = tpu.memref_slice %arg3[%dma_wait3A_163] : memref<320000xi32, #tpu.memory_space<hbm>> -> memref<128xi32, #tpu.memory_space<hbm>>
        tpu.wait_dma2 semaphore(%arg16 : memref<!tpu.dma_semaphore, #tpu.memory_space<semaphore_mem>>) src(%dma_wait3A_164 : memref<128xi32, #tpu.memory_space<hbm>>) dst(%arg7 : memref<128xi32, #tpu.memory_space<vmem>>)
        %dma_wait3A_165 = arith.constant 0 : i32
        %dma_wait3A_166 = tpu.memref_slice %arg4[%dma_wait3A_165] : memref<320000xi32, #tpu.memory_space<hbm>> -> memref<128xi32, #tpu.memory_space<hbm>>
        %dma_wait3A_167 = arith.constant 0 : i32
        %dma_wait3A_168 = tpu.memref_slice %arg4[%dma_wait3A_167] : memref<320000xi32, #tpu.memory_space<hbm>> -> memref<128xi32, #tpu.memory_space<hbm>>
        tpu.wait_dma2 semaphore(%arg16 : memref<!tpu.dma_semaphore, #tpu.memory_space<semaphore_mem>>) src(%dma_wait3A_168 : memref<128xi32, #tpu.memory_space<hbm>>) dst(%arg9 : memref<128xi32, #tpu.memory_space<vmem>>)
        %dma_start3A_169 = arith.constant 0 : i32
        %dma_start3A_170 = arith.constant 0 : i32
        %dma_start3A_171 = tpu.memref_slice %arg11[%dma_start3A_169, %dma_start3A_170] : memref<256x128xf32, #tpu.memory_space<vmem>> -> memref<128x128xf32, #tpu.memory_space<vmem>>
        %dma_start3A_172 = arith.constant 0 : i32
        %dma_start3A_173 = arith.constant 0 : i32
        %dma_start3A_174 = tpu.memref_slice %arg2[%dma_start3A_172, %dma_start3A_173] : memref<10000x128xf32, #tpu.memory_space<hbm>> -> memref<10000x128xf32, #tpu.memory_space<hbm>>
        tpu.enqueue_indirect_dma source(%dma_start3A_174 : memref<10000x128xf32, #tpu.memory_space<hbm>>) target(%dma_start3A_171 : memref<128x128xf32, #tpu.memory_space<vmem>>) offsets(%arg7 : memref<128xi32, #tpu.memory_space<vmem>>) semaphore(%arg18 : memref<!tpu.dma_semaphore, #tpu.memory_space<semaphore_mem>>)
      } else {
      }
      %dma_wait3A_147 = arith.constant 128 : i32
      %dma_wait3A_148 = arith.constant 0 : i32
      %dma_wait3A_149 = tpu.memref_slice %arg11[%dma_wait3A_147, %dma_wait3A_148] : memref<256x128xf32, #tpu.memory_space<vmem>> -> memref<128x128xf32, #tpu.memory_space<vmem>>
      %dma_wait3A_150 = arith.constant 0 : i32
      %dma_wait3A_151 = arith.constant 0 : i32
      %dma_wait3A_152 = tpu.memref_slice %arg2[%dma_wait3A_150, %dma_wait3A_151] : memref<10000x128xf32, #tpu.memory_space<hbm>> -> memref<10000x128xf32, #tpu.memory_space<hbm>>
      tpu.wait_indirect_dma semaphore(%arg19 : memref<!tpu.dma_semaphore, #tpu.memory_space<semaphore_mem>>) src(%dma_wait3A_152 : memref<10000x128xf32, #tpu.memory_space<hbm>>) dst(%dma_wait3A_149 : memref<128x128xf32, #tpu.memory_space<vmem>>)
      "tpu.region"() ({
        %run_scoped3A = tpu.sem_alloc : memref<!tpu.dma_semaphore, #tpu.memory_space<semaphore_mem>>
        %dma_start3A_161 = arith.constant 128 : i32
        %dma_start3A_162 = arith.constant 0 : i32
        %dma_start3A_163 = tpu.memref_slice %arg11[%dma_start3A_161, %dma_start3A_162] : memref<256x128xf32, #tpu.memory_space<vmem>> -> memref<128x128xf32, #tpu.memory_space<vmem>>
        %dma_start3A_164 = arith.constant 0 : i32
        %dma_start3A_165 = arith.constant 0 : i32
        %dma_start3A_166 = tpu.memref_slice %arg6[%dma_start3A_164, %dma_start3A_165] : memref<10240x128xf32, #tpu.memory_space<vmem_shared>> -> memref<10240x128xf32, #tpu.memory_space<vmem_shared>>
        tpu.enqueue_indirect_dma source(%dma_start3A_163 : memref<128x128xf32, #tpu.memory_space<vmem>>) target(%dma_start3A_166 : memref<10240x128xf32, #tpu.memory_space<vmem_shared>>) offsets(%arg10 : memref<128xi32, #tpu.memory_space<vmem>>) semaphore(%run_scoped3A : memref<!tpu.dma_semaphore, #tpu.memory_space<semaphore_mem>>) {add = true}
        %dma_wait3A_167 = arith.constant 128 : i32
        %dma_wait3A_168 = arith.constant 0 : i32
        %dma_wait3A_169 = tpu.memref_slice %arg11[%dma_wait3A_167, %dma_wait3A_168] : memref<256x128xf32, #tpu.memory_space<vmem>> -> memref<128x128xf32, #tpu.memory_space<vmem>>
        %dma_wait3A_170 = arith.constant 0 : i32
        %dma_wait3A_171 = arith.constant 0 : i32
        %dma_wait3A_172 = tpu.memref_slice %arg6[%dma_wait3A_170, %dma_wait3A_171] : memref<10240x128xf32, #tpu.memory_space<vmem_shared>> -> memref<10240x128xf32, #tpu.memory_space<vmem_shared>>
        tpu.wait_indirect_dma semaphore(%run_scoped3A : memref<!tpu.dma_semaphore, #tpu.memory_space<semaphore_mem>>) src(%dma_wait3A_169 : memref<128x128xf32, #tpu.memory_space<vmem>>) dst(%dma_wait3A_172 : memref<10240x128xf32, #tpu.memory_space<vmem_shared>>)
        tpu.yield
      }) : () -> ()
      %add3A_153 = arith.constant 2 : i32
      %add3A_154 = arith.addi %add3A_139, %add3A_153 : i32
      %lt3A_155 = arith.constant 78 : i32
      %lt3A_156 = arith.cmpi slt, %add3A_154, %lt3A_155 : i32
      %convert_element_type3A_157 = arith.extui %lt3A_156 : i1 to i32
      %cond3A_158 = arith.constant 0 : i32
      %cond3A_159 = arith.cmpi ne, %convert_element_type3A_157, %cond3A_158 : i32
      scf.if %cond3A_159 {
        %add3A_161 = arith.constant 2 : i32
        %add3A_162 = arith.addi %add3A_139, %add3A_161 : i32
        %mul3A_163 = arith.constant 128 : i32
        %mul3A_164 = arith.muli %add3A_162, %mul3A_163 : i32
        %add3A_165 = arith.addi %mul3A_4, %mul3A_164 : i32
        %dma_start3A_166 = tpu.memref_slice %arg3[%add3A_165] : memref<320000xi32, #tpu.memory_space<hbm>> -> memref<128xi32, #tpu.memory_space<hbm>>
        %dma_start3A_167 = tpu.memref_slice %arg3[%add3A_165] : memref<320000xi32, #tpu.memory_space<hbm>> -> memref<128xi32, #tpu.memory_space<hbm>>
        tpu.enqueue_dma source(%dma_start3A_167 : memref<128xi32, #tpu.memory_space<hbm>>) target(%arg8 : memref<128xi32, #tpu.memory_space<vmem>>) target_semaphore(%arg17 : memref<!tpu.dma_semaphore, #tpu.memory_space<semaphore_mem>>)
        %dma_start3A_168 = tpu.memref_slice %arg4[%add3A_165] : memref<320000xi32, #tpu.memory_space<hbm>> -> memref<128xi32, #tpu.memory_space<hbm>>
        %dma_start3A_169 = tpu.memref_slice %arg4[%add3A_165] : memref<320000xi32, #tpu.memory_space<hbm>> -> memref<128xi32, #tpu.memory_space<hbm>>
        tpu.enqueue_dma source(%dma_start3A_169 : memref<128xi32, #tpu.memory_space<hbm>>) target(%arg10 : memref<128xi32, #tpu.memory_space<vmem>>) target_semaphore(%arg17 : memref<!tpu.dma_semaphore, #tpu.memory_space<semaphore_mem>>)
      } else {
      }
      %scan3A_160 = arith.constant 0 : i32
      scf.yield %scan3A_160 : i32
    }
    %scan3A_87 = arith.constant 39 : i32
    %dma_wait3A_88 = arith.constant 0 : i32
    %dma_wait3A_89 = tpu.memref_slice %arg3[%dma_wait3A_88] : memref<320000xi32, #tpu.memory_space<hbm>> -> memref<16xi32, #tpu.memory_space<hbm>>
    %dma_wait3A_90 = arith.constant 0 : i32
    %dma_wait3A_91 = tpu.memref_slice %arg3[%dma_wait3A_90] : memref<320000xi32, #tpu.memory_space<hbm>> -> memref<16xi32, #tpu.memory_space<hbm>>
    tpu.wait_dma2 semaphore(%arg20 : memref<!tpu.dma_semaphore, #tpu.memory_space<semaphore_mem>>) src(%dma_wait3A_91 : memref<16xi32, #tpu.memory_space<hbm>>) dst(%arg12 : memref<16xi32, #tpu.memory_space<vmem>>)
    %dma_wait3A_92 = arith.constant 0 : i32
    %dma_wait3A_93 = tpu.memref_slice %arg4[%dma_wait3A_92] : memref<320000xi32, #tpu.memory_space<hbm>> -> memref<16xi32, #tpu.memory_space<hbm>>
    %dma_wait3A_94 = arith.constant 0 : i32
    %dma_wait3A_95 = tpu.memref_slice %arg4[%dma_wait3A_94] : memref<320000xi32, #tpu.memory_space<hbm>> -> memref<16xi32, #tpu.memory_space<hbm>>
    tpu.wait_dma2 semaphore(%arg20 : memref<!tpu.dma_semaphore, #tpu.memory_space<semaphore_mem>>) src(%dma_wait3A_95 : memref<16xi32, #tpu.memory_space<hbm>>) dst(%arg13 : memref<16xi32, #tpu.memory_space<vmem>>)
    %dma_start3A_96 = arith.constant 0 : i32
    %dma_start3A_97 = arith.constant 0 : i32
    %dma_start3A_98 = tpu.memref_slice %arg2[%dma_start3A_96, %dma_start3A_97] : memref<10000x128xf32, #tpu.memory_space<hbm>> -> memref<10000x128xf32, #tpu.memory_space<hbm>>
    tpu.enqueue_indirect_dma source(%dma_start3A_98 : memref<10000x128xf32, #tpu.memory_space<hbm>>) target(%arg14 : memref<16x128xf32, #tpu.memory_space<vmem>>) offsets(%arg12 : memref<16xi32, #tpu.memory_space<vmem>>) semaphore(%arg20 : memref<!tpu.dma_semaphore, #tpu.memory_space<semaphore_mem>>)
    %dma_wait3A_99 = arith.constant 0 : i32
    %dma_wait3A_100 = arith.constant 0 : i32
    %dma_wait3A_101 = tpu.memref_slice %arg2[%dma_wait3A_99, %dma_wait3A_100] : memref<10000x128xf32, #tpu.memory_space<hbm>> -> memref<10000x128xf32, #tpu.memory_space<hbm>>
    tpu.wait_indirect_dma semaphore(%arg20 : memref<!tpu.dma_semaphore, #tpu.memory_space<semaphore_mem>>) src(%dma_wait3A_101 : memref<10000x128xf32, #tpu.memory_space<hbm>>) dst(%arg14 : memref<16x128xf32, #tpu.memory_space<vmem>>)
    "tpu.region"() ({
      %run_scoped3A = tpu.sem_alloc : memref<!tpu.dma_semaphore, #tpu.memory_space<semaphore_mem>>
      %dma_start3A_113 = arith.constant 0 : i32
      %dma_start3A_114 = arith.constant 0 : i32
      %dma_start3A_115 = tpu.memref_slice %arg6[%dma_start3A_113, %dma_start3A_114] : memref<10240x128xf32, #tpu.memory_space<vmem_shared>> -> memref<10240x128xf32, #tpu.memory_space<vmem_shared>>
      tpu.enqueue_indirect_dma source(%arg14 : memref<16x128xf32, #tpu.memory_space<vmem>>) target(%dma_start3A_115 : memref<10240x128xf32, #tpu.memory_space<vmem_shared>>) offsets(%arg13 : memref<16xi32, #tpu.memory_space<vmem>>) semaphore(%run_scoped3A : memref<!tpu.dma_semaphore, #tpu.memory_space<semaphore_mem>>) {add = true}
      %dma_wait3A_116 = arith.constant 0 : i32
      %dma_wait3A_117 = arith.constant 0 : i32
      %dma_wait3A_118 = tpu.memref_slice %arg6[%dma_wait3A_116, %dma_wait3A_117] : memref<10240x128xf32, #tpu.memory_space<vmem_shared>> -> memref<10240x128xf32, #tpu.memory_space<vmem_shared>>
      tpu.wait_indirect_dma semaphore(%run_scoped3A : memref<!tpu.dma_semaphore, #tpu.memory_space<semaphore_mem>>) src(%arg14 : memref<16x128xf32, #tpu.memory_space<vmem>>) dst(%dma_wait3A_118 : memref<10240x128xf32, #tpu.memory_space<vmem_shared>>)
      tpu.yield
    }) : () -> ()
    %barrier3A_102 = arith.constant 0 : index
    tpu.barrier barrier_id(%barrier3A_102)
    %add3A_103 = arith.constant 0 : i32
    %add3A_104 = arith.addi %mul3A_2, %add3A_103 : i32
    "tpu.region"() ({
      %run_scoped3A = tpu.sem_alloc : memref<!tpu.dma_semaphore, #tpu.memory_space<semaphore_mem>>
      %dma_start3A_113 = arith.constant 0 : i32
      %dma_start3A_114 = tpu.memref_slice %arg5[%arg0, %add3A_104, %dma_start3A_113] : memref<2x10240x128xf32, #tpu.memory_space<hbm>> -> memref<1x128x128xf32, #tpu.memory_space<hbm>>
      %dma_start3A_115 = tpu.memref_squeeze %dma_start3A_114 : memref<1x128x128xf32, #tpu.memory_space<hbm>> -> memref<128x128xf32, #tpu.memory_space<hbm>>
      %dma_start3A_116 = arith.constant 0 : i32
      %dma_start3A_117 = tpu.memref_slice %arg6[%add3A_104, %dma_start3A_116] : memref<10240x128xf32, #tpu.memory_space<vmem_shared>> -> memref<128x128xf32, #tpu.memory_space<vmem_shared>>
      tpu.enqueue_dma source(%dma_start3A_117 : memref<128x128xf32, #tpu.memory_space<vmem_shared>>) target(%dma_start3A_115 : memref<128x128xf32, #tpu.memory_space<hbm>>) target_semaphore(%run_scoped3A : memref<!tpu.dma_semaphore, #tpu.memory_space<semaphore_mem>>)
      %dma_wait3A_118 = arith.constant 0 : i32
      %dma_wait3A_119 = tpu.memref_slice %arg5[%arg0, %add3A_104, %dma_wait3A_118] : memref<2x10240x128xf32, #tpu.memory_space<hbm>> -> memref<1x128x128xf32, #tpu.memory_space<hbm>>
      %dma_wait3A_120 = tpu.memref_squeeze %dma_wait3A_119 : memref<1x128x128xf32, #tpu.memory_space<hbm>> -> memref<128x128xf32, #tpu.memory_space<hbm>>
      %dma_wait3A_121 = arith.constant 0 : i32
      %dma_wait3A_122 = tpu.memref_slice %arg6[%add3A_104, %dma_wait3A_121] : memref<10240x128xf32, #tpu.memory_space<vmem_shared>> -> memref<128x128xf32, #tpu.memory_space<vmem_shared>>
      tpu.wait_dma2 semaphore(%run_scoped3A : memref<!tpu.dma_semaphore, #tpu.memory_space<semaphore_mem>>) src(%dma_wait3A_122 : memref<128x128xf32, #tpu.memory_space<vmem_shared>>) dst(%dma_wait3A_120 : memref<128x128xf32, #tpu.memory_space<hbm>>)
      tpu.yield
    }) : () -> ()
    %add3A_105 = arith.constant 128 : i32
    %add3A_106 = arith.addi %mul3A_2, %add3A_105 : i32
    "tpu.region"() ({
      %run_scoped3A = tpu.sem_alloc : memref<!tpu.dma_semaphore, #tpu.memory_space<semaphore_mem>>
      %dma_start3A_113 = arith.constant 0 : i32
      %dma_start3A_114 = tpu.memref_slice %arg5[%arg0, %add3A_106, %dma_start3A_113] : memref<2x10240x128xf32, #tpu.memory_space<hbm>> -> memref<1x128x128xf32, #tpu.memory_space<hbm>>
      %dma_start3A_115 = tpu.memref_squeeze %dma_start3A_114 : memref<1x128x128xf32, #tpu.memory_space<hbm>> -> memref<128x128xf32, #tpu.memory_space<hbm>>
      %dma_start3A_116 = arith.constant 0 : i32
      %dma_start3A_117 = tpu.memref_slice %arg6[%add3A_106, %dma_start3A_116] : memref<10240x128xf32, #tpu.memory_space<vmem_shared>> -> memref<128x128xf32, #tpu.memory_space<vmem_shared>>
      tpu.enqueue_dma source(%dma_start3A_117 : memref<128x128xf32, #tpu.memory_space<vmem_shared>>) target(%dma_start3A_115 : memref<128x128xf32, #tpu.memory_space<hbm>>) target_semaphore(%run_scoped3A : memref<!tpu.dma_semaphore, #tpu.memory_space<semaphore_mem>>)
      %dma_wait3A_118 = arith.constant 0 : i32
      %dma_wait3A_119 = tpu.memref_slice %arg5[%arg0, %add3A_106, %dma_wait3A_118] : memref<2x10240x128xf32, #tpu.memory_space<hbm>> -> memref<1x128x128xf32, #tpu.memory_space<hbm>>
      %dma_wait3A_120 = tpu.memref_squeeze %dma_wait3A_119 : memref<1x128x128xf32, #tpu.memory_space<hbm>> -> memref<128x128xf32, #tpu.memory_space<hbm>>
      %dma_wait3A_121 = arith.constant 0 : i32
      %dma_wait3A_122 = tpu.memref_slice %arg6[%add3A_106, %dma_wait3A_121] : memref<10240x128xf32, #tpu.memory_space<vmem_shared>> -> memref<128x128xf32, #tpu.memory_space<vmem_shared>>
      tpu.wait_dma2 semaphore(%run_scoped3A : memref<!tpu.dma_semaphore, #tpu.memory_space<semaphore_mem>>) src(%dma_wait3A_122 : memref<128x128xf32, #tpu.memory_space<vmem_shared>>) dst(%dma_wait3A_120 : memref<128x128xf32, #tpu.memory_space<hbm>>)
      tpu.yield
    }) : () -> ()
    %add3A_107 = arith.constant 256 : i32
    %add3A_108 = arith.addi %mul3A_2, %add3A_107 : i32
    "tpu.region"() ({
      %run_scoped3A = tpu.sem_alloc : memref<!tpu.dma_semaphore, #tpu.memory_space<semaphore_mem>>
      %dma_start3A_113 = arith.constant 0 : i32
      %dma_start3A_114 = tpu.memref_slice %arg5[%arg0, %add3A_108, %dma_start3A_113] : memref<2x10240x128xf32, #tpu.memory_space<hbm>> -> memref<1x128x128xf32, #tpu.memory_space<hbm>>
      %dma_start3A_115 = tpu.memref_squeeze %dma_start3A_114 : memref<1x128x128xf32, #tpu.memory_space<hbm>> -> memref<128x128xf32, #tpu.memory_space<hbm>>
      %dma_start3A_116 = arith.constant 0 : i32
      %dma_start3A_117 = tpu.memref_slice %arg6[%add3A_108, %dma_start3A_116] : memref<10240x128xf32, #tpu.memory_space<vmem_shared>> -> memref<128x128xf32, #tpu.memory_space<vmem_shared>>
      tpu.enqueue_dma source(%dma_start3A_117 : memref<128x128xf32, #tpu.memory_space<vmem_shared>>) target(%dma_start3A_115 : memref<128x128xf32, #tpu.memory_space<hbm>>) target_semaphore(%run_scoped3A : memref<!tpu.dma_semaphore, #tpu.memory_space<semaphore_mem>>)
      %dma_wait3A_118 = arith.constant 0 : i32
      %dma_wait3A_119 = tpu.memref_slice %arg5[%arg0, %add3A_108, %dma_wait3A_118] : memref<2x10240x128xf32, #tpu.memory_space<hbm>> -> memref<1x128x128xf32, #tpu.memory_space<hbm>>
      %dma_wait3A_120 = tpu.memref_squeeze %dma_wait3A_119 : memref<1x128x128xf32, #tpu.memory_space<hbm>> -> memref<128x128xf32, #tpu.memory_space<hbm>>
      %dma_wait3A_121 = arith.constant 0 : i32
      %dma_wait3A_122 = tpu.memref_slice %arg6[%add3A_108, %dma_wait3A_121] : memref<10240x128xf32, #tpu.memory_space<vmem_shared>> -> memref<128x128xf32, #tpu.memory_space<vmem_shared>>
      tpu.wait_dma2 semaphore(%run_scoped3A : memref<!tpu.dma_semaphore, #tpu.memory_space<semaphore_mem>>) src(%dma_wait3A_122 : memref<128x128xf32, #tpu.memory_space<vmem_shared>>) dst(%dma_wait3A_120 : memref<128x128xf32, #tpu.memory_space<hbm>>)
      tpu.yield
    }) : () -> ()
    %add3A_109 = arith.constant 384 : i32
    %add3A_110 = arith.addi %mul3A_2, %add3A_109 : i32
    "tpu.region"() ({
      %run_scoped3A = tpu.sem_alloc : memref<!tpu.dma_semaphore, #tpu.memory_space<semaphore_mem>>
      %dma_start3A_113 = arith.constant 0 : i32
      %dma_start3A_114 = tpu.memref_slice %arg5[%arg0, %add3A_110, %dma_start3A_113] : memref<2x10240x128xf32, #tpu.memory_space<hbm>> -> memref<1x128x128xf32, #tpu.memory_space<hbm>>
      %dma_start3A_115 = tpu.memref_squeeze %dma_start3A_114 : memref<1x128x128xf32, #tpu.memory_space<hbm>> -> memref<128x128xf32, #tpu.memory_space<hbm>>
      %dma_start3A_116 = arith.constant 0 : i32
      %dma_start3A_117 = tpu.memref_slice %arg6[%add3A_110, %dma_start3A_116] : memref<10240x128xf32, #tpu.memory_space<vmem_shared>> -> memref<128x128xf32, #tpu.memory_space<vmem_shared>>
      tpu.enqueue_dma source(%dma_start3A_117 : memref<128x128xf32, #tpu.memory_space<vmem_shared>>) target(%dma_start3A_115 : memref<128x128xf32, #tpu.memory_space<hbm>>) target_semaphore(%run_scoped3A : memref<!tpu.dma_semaphore, #tpu.memory_space<semaphore_mem>>)
      %dma_wait3A_118 = arith.constant 0 : i32
      %dma_wait3A_119 = tpu.memref_slice %arg5[%arg0, %add3A_110, %dma_wait3A_118] : memref<2x10240x128xf32, #tpu.memory_space<hbm>> -> memref<1x128x128xf32, #tpu.memory_space<hbm>>
      %dma_wait3A_120 = tpu.memref_squeeze %dma_wait3A_119 : memref<1x128x128xf32, #tpu.memory_space<hbm>> -> memref<128x128xf32, #tpu.memory_space<hbm>>
      %dma_wait3A_121 = arith.constant 0 : i32
      %dma_wait3A_122 = tpu.memref_slice %arg6[%add3A_110, %dma_wait3A_121] : memref<10240x128xf32, #tpu.memory_space<vmem_shared>> -> memref<128x128xf32, #tpu.memory_space<vmem_shared>>
      tpu.wait_dma2 semaphore(%run_scoped3A : memref<!tpu.dma_semaphore, #tpu.memory_space<semaphore_mem>>) src(%dma_wait3A_122 : memref<128x128xf32, #tpu.memory_space<vmem_shared>>) dst(%dma_wait3A_120 : memref<128x128xf32, #tpu.memory_space<hbm>>)
      tpu.yield
    }) : () -> ()
    %add3A_111 = arith.constant 512 : i32
    %add3A_112 = arith.addi %mul3A_2, %add3A_111 : i32
    "tpu.region"() ({
      %run_scoped3A = tpu.sem_alloc : memref<!tpu.dma_semaphore, #tpu.memory_space<semaphore_mem>>
      %dma_start3A_113 = arith.constant 0 : i32
      %dma_start3A_114 = tpu.memref_slice %arg5[%arg0, %add3A_112, %dma_start3A_113] : memref<2x10240x128xf32, #tpu.memory_space<hbm>> -> memref<1x128x128xf32, #tpu.memory_space<hbm>>
      %dma_start3A_115 = tpu.memref_squeeze %dma_start3A_114 : memref<1x128x128xf32, #tpu.memory_space<hbm>> -> memref<128x128xf32, #tpu.memory_space<hbm>>
      %dma_start3A_116 = arith.constant 0 : i32
      %dma_start3A_117 = tpu.memref_slice %arg6[%add3A_112, %dma_start3A_116] : memref<10240x128xf32, #tpu.memory_space<vmem_shared>> -> memref<128x128xf32, #tpu.memory_space<vmem_shared>>
      tpu.enqueue_dma source(%dma_start3A_117 : memref<128x128xf32, #tpu.memory_space<vmem_shared>>) target(%dma_start3A_115 : memref<128x128xf32, #tpu.memory_space<hbm>>) target_semaphore(%run_scoped3A : memref<!tpu.dma_semaphore, #tpu.memory_space<semaphore_mem>>)
      %dma_wait3A_118 = arith.constant 0 : i32
      %dma_wait3A_119 = tpu.memref_slice %arg5[%arg0, %add3A_112, %dma_wait3A_118] : memref<2x10240x128xf32, #tpu.memory_space<hbm>> -> memref<1x128x128xf32, #tpu.memory_space<hbm>>
      %dma_wait3A_120 = tpu.memref_squeeze %dma_wait3A_119 : memref<1x128x128xf32, #tpu.memory_space<hbm>> -> memref<128x128xf32, #tpu.memory_space<hbm>>
      %dma_wait3A_121 = arith.constant 0 : i32
      %dma_wait3A_122 = tpu.memref_slice %arg6[%add3A_112, %dma_wait3A_121] : memref<10240x128xf32, #tpu.memory_space<vmem_shared>> -> memref<128x128xf32, #tpu.memory_space<vmem_shared>>
      tpu.wait_dma2 semaphore(%run_scoped3A : memref<!tpu.dma_semaphore, #tpu.memory_space<semaphore_mem>>) src(%dma_wait3A_122 : memref<128x128xf32, #tpu.memory_space<vmem_shared>>) dst(%dma_wait3A_120 : memref<128x128xf32, #tpu.memory_space<hbm>>)
      tpu.yield
    }) : () -> ()
    return
  }
}

#map = affine_map<(d0, d1) -> (0, 0)>
#map1 = affine_map<(d0, d1) -> (0)>
#map2 = affine_map<(d0, d1) -> (0, 0, 0)>
module attributes {stable_mosaic.version = 14 : i64} {
  func.func @body(%arg0: i32, %arg1: i32, %arg2: memref<10000x128xf32, #tpu.memory_space<hbm>>, %arg3: memref<320000xi32, #tpu.memory_space<hbm>>, %arg4: memref<320000xi32, #tpu.memory_space<hbm>>, %arg5: memref<2x10240x128xf32, #tpu.memory_space<hbm>>, %arg6: memref<10240x128xf32, #tpu.memory_space<vmem_shared>>, %arg7: memref<128xi32, #tpu.memory_space<vmem>>, %arg8: memref<128xi32, #tpu.memory_space<vmem>>, %arg9: memref<128xi32, #tpu.memory_space<vmem>>, %arg10: memref<128xi32, #tpu.memory_space<vmem>>, %arg11: memref<256x128xf32, #tpu.memory_space<vmem>>, %arg12: memref<16xi32, #tpu.memory_space<vmem>>, %arg13: memref<16xi32, #tpu.memory_space<vmem>>, %arg14: memref<16x128xf32, #tpu.memory_space<vmem>>, %arg15: memref<32x128xf32, #tpu.memory_space<vmem>>, %arg16: memref<!tpu.dma_semaphore, #tpu.memory_space<semaphore_mem>>, %arg17: memref<!tpu.dma_semaphore, #tpu.memory_space<semaphore_mem>>, %arg18: memref<!tpu.dma_semaphore, #tpu.memory_space<semaphore_mem>>, %arg19: memref<!tpu.dma_semaphore, #tpu.memory_space<semaphore_mem>>, %arg20: memref<!tpu.dma_semaphore, #tpu.memory_space<semaphore_mem>>) attributes {dimension_semantics = [#tpu.dimension_semantics<core_parallel>, #tpu.dimension_semantics<subcore_parallel>], iteration_bounds = array<i64: 2, 16>, scalar_prefetch = 0 : i64, scratch_operands = 15 : i64, tpu.core_type = #tpu.core_type<sc_vector_subcore>, window_params = [{transform_indices = #map}, {transform_indices = #map1}, {transform_indices = #map1}, {transform_indices = #map2}]} {
    %mul3A = arith.constant 2 : i32
    %mul3A_0 = arith.muli %arg1, %mul3A : i32
    %add3A = arith.addi %mul3A_0, %arg0 : i32
    %mul3A_1 = arith.constant 640 : i32
    %mul3A_2 = arith.muli %arg1, %mul3A_1 : i32
    %mul3A_3 = arith.constant 10000 : i32
    %mul3A_4 = arith.muli %add3A, %mul3A_3 : i32
    %add3A_5 = arith.constant 0 : i32
    %add3A_6 = arith.addi %mul3A_4, %add3A_5 : i32
    %dma_start3A = tpu.memref_slice %arg3[%add3A_6] : memref<320000xi32, #tpu.memory_space<hbm>> -> memref<128xi32, #tpu.memory_space<hbm>>
    %dma_start3A_7 = tpu.memref_slice %arg3[%add3A_6] : memref<320000xi32, #tpu.memory_space<hbm>> -> memref<128xi32, #tpu.memory_space<hbm>>
    tpu.enqueue_dma source(%dma_start3A_7 : memref<128xi32, #tpu.memory_space<hbm>>) target(%arg7 : memref<128xi32, #tpu.memory_space<vmem>>) target_semaphore(%arg16 : memref<!tpu.dma_semaphore, #tpu.memory_space<semaphore_mem>>)
    %dma_start3A_8 = tpu.memref_slice %arg4[%add3A_6] : memref<320000xi32, #tpu.memory_space<hbm>> -> memref<128xi32, #tpu.memory_space<hbm>>
    %dma_start3A_9 = tpu.memref_slice %arg4[%add3A_6] : memref<320000xi32, #tpu.memory_space<hbm>> -> memref<128xi32, #tpu.memory_space<hbm>>
    tpu.enqueue_dma source(%dma_start3A_9 : memref<128xi32, #tpu.memory_space<hbm>>) target(%arg9 : memref<128xi32, #tpu.memory_space<vmem>>) target_semaphore(%arg16 : memref<!tpu.dma_semaphore, #tpu.memory_space<semaphore_mem>>)
    %add3A_10 = arith.constant 128 : i32
    %add3A_11 = arith.addi %mul3A_4, %add3A_10 : i32
    %dma_start3A_12 = tpu.memref_slice %arg3[%add3A_11] : memref<320000xi32, #tpu.memory_space<hbm>> -> memref<128xi32, #tpu.memory_space<hbm>>
    %dma_start3A_13 = tpu.memref_slice %arg3[%add3A_11] : memref<320000xi32, #tpu.memory_space<hbm>> -> memref<128xi32, #tpu.memory_space<hbm>>
    tpu.enqueue_dma source(%dma_start3A_13 : memref<128xi32, #tpu.memory_space<hbm>>) target(%arg8 : memref<128xi32, #tpu.memory_space<vmem>>) target_semaphore(%arg17 : memref<!tpu.dma_semaphore, #tpu.memory_space<semaphore_mem>>)
    %dma_start3A_14 = tpu.memref_slice %arg4[%add3A_11] : memref<320000xi32, #tpu.memory_space<hbm>> -> memref<128xi32, #tpu.memory_space<hbm>>
    %dma_start3A_15 = tpu.memref_slice %arg4[%add3A_11] : memref<320000xi32, #tpu.memory_space<hbm>> -> memref<128xi32, #tpu.memory_space<hbm>>
    tpu.enqueue_dma source(%dma_start3A_15 : memref<128xi32, #tpu.memory_space<hbm>>) target(%arg10 : memref<128xi32, #tpu.memory_space<vmem>>) target_semaphore(%arg17 : memref<!tpu.dma_semaphore, #tpu.memory_space<semaphore_mem>>)
    %add3A_16 = arith.constant 9984 : i32
    %add3A_17 = arith.addi %mul3A_4, %add3A_16 : i32
    %dma_start3A_18 = tpu.memref_slice %arg3[%add3A_17] : memref<320000xi32, #tpu.memory_space<hbm>> -> memref<16xi32, #tpu.memory_space<hbm>>
    %dma_start3A_19 = tpu.memref_slice %arg3[%add3A_17] : memref<320000xi32, #tpu.memory_space<hbm>> -> memref<16xi32, #tpu.memory_space<hbm>>
    tpu.enqueue_dma source(%dma_start3A_19 : memref<16xi32, #tpu.memory_space<hbm>>) target(%arg12 : memref<16xi32, #tpu.memory_space<vmem>>) target_semaphore(%arg20 : memref<!tpu.dma_semaphore, #tpu.memory_space<semaphore_mem>>)
    %dma_start3A_20 = tpu.memref_slice %arg4[%add3A_17] : memref<320000xi32, #tpu.memory_space<hbm>> -> memref<16xi32, #tpu.memory_space<hbm>>
    %dma_start3A_21 = tpu.memref_slice %arg4[%add3A_17] : memref<320000xi32, #tpu.memory_space<hbm>> -> memref<16xi32, #tpu.memory_space<hbm>>
    tpu.enqueue_dma source(%dma_start3A_21 : memref<16xi32, #tpu.memory_space<hbm>>) target(%arg13 : memref<16xi32, #tpu.memory_space<vmem>>) target_semaphore(%arg20 : memref<!tpu.dma_semaphore, #tpu.memory_space<semaphore_mem>>)
    %scan3A = arith.constant 0 : i32
    %scan3A_22 = arith.constant 0 : i32
    %scan3A_23 = arith.constant 32 : i32
    %scan3A_24 = arith.addi %scan3A_22, %scan3A_23 : i32
    %scan3A_25 = arith.constant 1 : i32
    %scan3A_26 = scf.for %scan3A_113 = %scan3A_22 to %scan3A_24 step %scan3A_25 iter_args(%scan3A_114 = %scan3A) -> (i32)  : i32 {
      %scan3A_115 = arith.constant 0 : i32
      %scan3A_116 = arith.constant 0 : i32
      %scan3A_117 = arith.constant 8 : i32
      %scan3A_118 = arith.addi %scan3A_116, %scan3A_117 : i32
      %scan3A_119 = arith.constant 1 : i32
      %scan3A_120 = scf.for %scan3A_122 = %scan3A_116 to %scan3A_118 step %scan3A_119 iter_args(%scan3A_123 = %scan3A_115) -> (i32)  : i32 {
        %broadcast_in_dim3A = arith.constant 0.000000e+00 : f32
        %broadcast_in_dim3A_124 = vector.broadcast %broadcast_in_dim3A : f32 to vector<16xf32>
        %mul3A_125 = arith.constant 16 : i32
        %mul3A_126 = arith.muli %scan3A_122, %mul3A_125 : i32
        %swap3A = arith.index_cast %scan3A_113 : i32 to index
        %swap3A_127 = arith.index_cast %mul3A_126 : i32 to index
        %swap3A_128 = tpu.vector_load %arg15[%swap3A, %swap3A_127] {strides = array<i32>} : memref<32x128xf32, #tpu.memory_space<vmem>>, vector<1x16xf32>,
        %swap3A_129 = vector.shape_cast %swap3A_128 : vector<1x16xf32> to vector<16xf32>
        %swap3A_130 = vector.shape_cast %broadcast_in_dim3A_124 : vector<16xf32> to vector<1x16xf32>
        tpu.vector_store %arg15[%swap3A, %swap3A_127], %swap3A_130 {strides = array<i32>} : memref<32x128xf32, #tpu.memory_space<vmem>>, vector<1x16xf32>,
        %scan3A_131 = arith.constant 0 : i32
        scf.yield %scan3A_131 : i32
      }
      %scan3A_121 = arith.constant 8 : i32
      scf.yield %scan3A_120 : i32
    }
    %scan3A_27 = arith.constant 32 : i32
    %add3A_28 = arith.constant 0 : i32
    %add3A_29 = arith.addi %mul3A_2, %add3A_28 : i32
    "tpu.region"() ({
      %run_scoped3A = tpu.sem_alloc : memref<!tpu.dma_semaphore, #tpu.memory_space<semaphore_mem>>
      %dma_start3A_113 = arith.constant 0 : i32
      %dma_start3A_114 = tpu.memref_slice %arg6[%add3A_29, %dma_start3A_113] : memref<10240x128xf32, #tpu.memory_space<vmem_shared>> -> memref<32x128xf32, #tpu.memory_space<vmem_shared>>
      %dma_start3A_115 = arith.constant 0 : i32
      %dma_start3A_116 = tpu.memref_slice %arg6[%add3A_29, %dma_start3A_115] : memref<10240x128xf32, #tpu.memory_space<vmem_shared>> -> memref<32x128xf32, #tpu.memory_space<vmem_shared>>
      tpu.enqueue_dma source(%arg15 : memref<32x128xf32, #tpu.memory_space<vmem>>) target(%dma_start3A_116 : memref<32x128xf32, #tpu.memory_space<vmem_shared>>) target_semaphore(%run_scoped3A : memref<!tpu.dma_semaphore, #tpu.memory_space<semaphore_mem>>)
      %dma_wait3A_117 = arith.constant 0 : i32
      %dma_wait3A_118 = tpu.memref_slice %arg6[%add3A_29, %dma_wait3A_117] : memref<10240x128xf32, #tpu.memory_space<vmem_shared>> -> memref<32x128xf32, #tpu.memory_space<vmem_shared>>
      %dma_wait3A_119 = arith.constant 0 : i32
      %dma_wait3A_120 = tpu.memref_slice %arg6[%add3A_29, %dma_wait3A_119] : memref<10240x128xf32, #tpu.memory_space<vmem_shared>> -> memref<32x128xf32, #tpu.memory_space<vmem_shared>>
      tpu.wait_dma2 semaphore(%run_scoped3A : memref<!tpu.dma_semaphore, #tpu.memory_space<semaphore_mem>>) src(%arg15 : memref<32x128xf32, #tpu.memory_space<vmem>>) dst(%dma_wait3A_120 : memref<32x128xf32, #tpu.memory_space<vmem_shared>>)
      tpu.yield
    }) : () -> ()
    %add3A_30 = arith.constant 32 : i32
    %add3A_31 = arith.addi %mul3A_2, %add3A_30 : i32
    "tpu.region"() ({
      %run_scoped3A = tpu.sem_alloc : memref<!tpu.dma_semaphore, #tpu.memory_space<semaphore_mem>>
      %dma_start3A_113 = arith.constant 0 : i32
      %dma_start3A_114 = tpu.memref_slice %arg6[%add3A_31, %dma_start3A_113] : memref<10240x128xf32, #tpu.memory_space<vmem_shared>> -> memref<32x128xf32, #tpu.memory_space<vmem_shared>>
      %dma_start3A_115 = arith.constant 0 : i32
      %dma_start3A_116 = tpu.memref_slice %arg6[%add3A_31, %dma_start3A_115] : memref<10240x128xf32, #tpu.memory_space<vmem_shared>> -> memref<32x128xf32, #tpu.memory_space<vmem_shared>>
      tpu.enqueue_dma source(%arg15 : memref<32x128xf32, #tpu.memory_space<vmem>>) target(%dma_start3A_116 : memref<32x128xf32, #tpu.memory_space<vmem_shared>>) target_semaphore(%run_scoped3A : memref<!tpu.dma_semaphore, #tpu.memory_space<semaphore_mem>>)
      %dma_wait3A_117 = arith.constant 0 : i32
      %dma_wait3A_118 = tpu.memref_slice %arg6[%add3A_31, %dma_wait3A_117] : memref<10240x128xf32, #tpu.memory_space<vmem_shared>> -> memref<32x128xf32, #tpu.memory_space<vmem_shared>>
      %dma_wait3A_119 = arith.constant 0 : i32
      %dma_wait3A_120 = tpu.memref_slice %arg6[%add3A_31, %dma_wait3A_119] : memref<10240x128xf32, #tpu.memory_space<vmem_shared>> -> memref<32x128xf32, #tpu.memory_space<vmem_shared>>
      tpu.wait_dma2 semaphore(%run_scoped3A : memref<!tpu.dma_semaphore, #tpu.memory_space<semaphore_mem>>) src(%arg15 : memref<32x128xf32, #tpu.memory_space<vmem>>) dst(%dma_wait3A_120 : memref<32x128xf32, #tpu.memory_space<vmem_shared>>)
      tpu.yield
    }) : () -> ()
    %add3A_32 = arith.constant 64 : i32
    %add3A_33 = arith.addi %mul3A_2, %add3A_32 : i32
    "tpu.region"() ({
      %run_scoped3A = tpu.sem_alloc : memref<!tpu.dma_semaphore, #tpu.memory_space<semaphore_mem>>
      %dma_start3A_113 = arith.constant 0 : i32
      %dma_start3A_114 = tpu.memref_slice %arg6[%add3A_33, %dma_start3A_113] : memref<10240x128xf32, #tpu.memory_space<vmem_shared>> -> memref<32x128xf32, #tpu.memory_space<vmem_shared>>
      %dma_start3A_115 = arith.constant 0 : i32
      %dma_start3A_116 = tpu.memref_slice %arg6[%add3A_33, %dma_start3A_115] : memref<10240x128xf32, #tpu.memory_space<vmem_shared>> -> memref<32x128xf32, #tpu.memory_space<vmem_shared>>
      tpu.enqueue_dma source(%arg15 : memref<32x128xf32, #tpu.memory_space<vmem>>) target(%dma_start3A_116 : memref<32x128xf32, #tpu.memory_space<vmem_shared>>) target_semaphore(%run_scoped3A : memref<!tpu.dma_semaphore, #tpu.memory_space<semaphore_mem>>)
      %dma_wait3A_117 = arith.constant 0 : i32
      %dma_wait3A_118 = tpu.memref_slice %arg6[%add3A_33, %dma_wait3A_117] : memref<10240x128xf32, #tpu.memory_space<vmem_shared>> -> memref<32x128xf32, #tpu.memory_space<vmem_shared>>
      %dma_wait3A_119 = arith.constant 0 : i32
      %dma_wait3A_120 = tpu.memref_slice %arg6[%add3A_33, %dma_wait3A_119] : memref<10240x128xf32, #tpu.memory_space<vmem_shared>> -> memref<32x128xf32, #tpu.memory_space<vmem_shared>>
      tpu.wait_dma2 semaphore(%run_scoped3A : memref<!tpu.dma_semaphore, #tpu.memory_space<semaphore_mem>>) src(%arg15 : memref<32x128xf32, #tpu.memory_space<vmem>>) dst(%dma_wait3A_120 : memref<32x128xf32, #tpu.memory_space<vmem_shared>>)
      tpu.yield
    }) : () -> ()
    %add3A_34 = arith.constant 96 : i32
    %add3A_35 = arith.addi %mul3A_2, %add3A_34 : i32
    "tpu.region"() ({
      %run_scoped3A = tpu.sem_alloc : memref<!tpu.dma_semaphore, #tpu.memory_space<semaphore_mem>>
      %dma_start3A_113 = arith.constant 0 : i32
      %dma_start3A_114 = tpu.memref_slice %arg6[%add3A_35, %dma_start3A_113] : memref<10240x128xf32, #tpu.memory_space<vmem_shared>> -> memref<32x128xf32, #tpu.memory_space<vmem_shared>>
      %dma_start3A_115 = arith.constant 0 : i32
      %dma_start3A_116 = tpu.memref_slice %arg6[%add3A_35, %dma_start3A_115] : memref<10240x128xf32, #tpu.memory_space<vmem_shared>> -> memref<32x128xf32, #tpu.memory_space<vmem_shared>>
      tpu.enqueue_dma source(%arg15 : memref<32x128xf32, #tpu.memory_space<vmem>>) target(%dma_start3A_116 : memref<32x128xf32, #tpu.memory_space<vmem_shared>>) target_semaphore(%run_scoped3A : memref<!tpu.dma_semaphore, #tpu.memory_space<semaphore_mem>>)
      %dma_wait3A_117 = arith.constant 0 : i32
      %dma_wait3A_118 = tpu.memref_slice %arg6[%add3A_35, %dma_wait3A_117] : memref<10240x128xf32, #tpu.memory_space<vmem_shared>> -> memref<32x128xf32, #tpu.memory_space<vmem_shared>>
      %dma_wait3A_119 = arith.constant 0 : i32
      %dma_wait3A_120 = tpu.memref_slice %arg6[%add3A_35, %dma_wait3A_119] : memref<10240x128xf32, #tpu.memory_space<vmem_shared>> -> memref<32x128xf32, #tpu.memory_space<vmem_shared>>
      tpu.wait_dma2 semaphore(%run_scoped3A : memref<!tpu.dma_semaphore, #tpu.memory_space<semaphore_mem>>) src(%arg15 : memref<32x128xf32, #tpu.memory_space<vmem>>) dst(%dma_wait3A_120 : memref<32x128xf32, #tpu.memory_space<vmem_shared>>)
      tpu.yield
    }) : () -> ()
    %add3A_36 = arith.constant 128 : i32
    %add3A_37 = arith.addi %mul3A_2, %add3A_36 : i32
    "tpu.region"() ({
      %run_scoped3A = tpu.sem_alloc : memref<!tpu.dma_semaphore, #tpu.memory_space<semaphore_mem>>
      %dma_start3A_113 = arith.constant 0 : i32
      %dma_start3A_114 = tpu.memref_slice %arg6[%add3A_37, %dma_start3A_113] : memref<10240x128xf32, #tpu.memory_space<vmem_shared>> -> memref<32x128xf32, #tpu.memory_space<vmem_shared>>
      %dma_start3A_115 = arith.constant 0 : i32
      %dma_start3A_116 = tpu.memref_slice %arg6[%add3A_37, %dma_start3A_115] : memref<10240x128xf32, #tpu.memory_space<vmem_shared>> -> memref<32x128xf32, #tpu.memory_space<vmem_shared>>
      tpu.enqueue_dma source(%arg15 : memref<32x128xf32, #tpu.memory_space<vmem>>) target(%dma_start3A_116 : memref<32x128xf32, #tpu.memory_space<vmem_shared>>) target_semaphore(%run_scoped3A : memref<!tpu.dma_semaphore, #tpu.memory_space<semaphore_mem>>)
      %dma_wait3A_117 = arith.constant 0 : i32
      %dma_wait3A_118 = tpu.memref_slice %arg6[%add3A_37, %dma_wait3A_117] : memref<10240x128xf32, #tpu.memory_space<vmem_shared>> -> memref<32x128xf32, #tpu.memory_space<vmem_shared>>
      %dma_wait3A_119 = arith.constant 0 : i32
      %dma_wait3A_120 = tpu.memref_slice %arg6[%add3A_37, %dma_wait3A_119] : memref<10240x128xf32, #tpu.memory_space<vmem_shared>> -> memref<32x128xf32, #tpu.memory_space<vmem_shared>>
      tpu.wait_dma2 semaphore(%run_scoped3A : memref<!tpu.dma_semaphore, #tpu.memory_space<semaphore_mem>>) src(%arg15 : memref<32x128xf32, #tpu.memory_space<vmem>>) dst(%dma_wait3A_120 : memref<32x128xf32, #tpu.memory_space<vmem_shared>>)
      tpu.yield
    }) : () -> ()
    %add3A_38 = arith.constant 160 : i32
    %add3A_39 = arith.addi %mul3A_2, %add3A_38 : i32
    "tpu.region"() ({
      %run_scoped3A = tpu.sem_alloc : memref<!tpu.dma_semaphore, #tpu.memory_space<semaphore_mem>>
      %dma_start3A_113 = arith.constant 0 : i32
      %dma_start3A_114 = tpu.memref_slice %arg6[%add3A_39, %dma_start3A_113] : memref<10240x128xf32, #tpu.memory_space<vmem_shared>> -> memref<32x128xf32, #tpu.memory_space<vmem_shared>>
      %dma_start3A_115 = arith.constant 0 : i32
      %dma_start3A_116 = tpu.memref_slice %arg6[%add3A_39, %dma_start3A_115] : memref<10240x128xf32, #tpu.memory_space<vmem_shared>> -> memref<32x128xf32, #tpu.memory_space<vmem_shared>>
      tpu.enqueue_dma source(%arg15 : memref<32x128xf32, #tpu.memory_space<vmem>>) target(%dma_start3A_116 : memref<32x128xf32, #tpu.memory_space<vmem_shared>>) target_semaphore(%run_scoped3A : memref<!tpu.dma_semaphore, #tpu.memory_space<semaphore_mem>>)
      %dma_wait3A_117 = arith.constant 0 : i32
      %dma_wait3A_118 = tpu.memref_slice %arg6[%add3A_39, %dma_wait3A_117] : memref<10240x128xf32, #tpu.memory_space<vmem_shared>> -> memref<32x128xf32, #tpu.memory_space<vmem_shared>>
      %dma_wait3A_119 = arith.constant 0 : i32
      %dma_wait3A_120 = tpu.memref_slice %arg6[%add3A_39, %dma_wait3A_119] : memref<10240x128xf32, #tpu.memory_space<vmem_shared>> -> memref<32x128xf32, #tpu.memory_space<vmem_shared>>
      tpu.wait_dma2 semaphore(%run_scoped3A : memref<!tpu.dma_semaphore, #tpu.memory_space<semaphore_mem>>) src(%arg15 : memref<32x128xf32, #tpu.memory_space<vmem>>) dst(%dma_wait3A_120 : memref<32x128xf32, #tpu.memory_space<vmem_shared>>)
      tpu.yield
    }) : () -> ()
    %add3A_40 = arith.constant 192 : i32
    %add3A_41 = arith.addi %mul3A_2, %add3A_40 : i32
    "tpu.region"() ({
      %run_scoped3A = tpu.sem_alloc : memref<!tpu.dma_semaphore, #tpu.memory_space<semaphore_mem>>
      %dma_start3A_113 = arith.constant 0 : i32
      %dma_start3A_114 = tpu.memref_slice %arg6[%add3A_41, %dma_start3A_113] : memref<10240x128xf32, #tpu.memory_space<vmem_shared>> -> memref<32x128xf32, #tpu.memory_space<vmem_shared>>
      %dma_start3A_115 = arith.constant 0 : i32
      %dma_start3A_116 = tpu.memref_slice %arg6[%add3A_41, %dma_start3A_115] : memref<10240x128xf32, #tpu.memory_space<vmem_shared>> -> memref<32x128xf32, #tpu.memory_space<vmem_shared>>
      tpu.enqueue_dma source(%arg15 : memref<32x128xf32, #tpu.memory_space<vmem>>) target(%dma_start3A_116 : memref<32x128xf32, #tpu.memory_space<vmem_shared>>) target_semaphore(%run_scoped3A : memref<!tpu.dma_semaphore, #tpu.memory_space<semaphore_mem>>)
      %dma_wait3A_117 = arith.constant 0 : i32
      %dma_wait3A_118 = tpu.memref_slice %arg6[%add3A_41, %dma_wait3A_117] : memref<10240x128xf32, #tpu.memory_space<vmem_shared>> -> memref<32x128xf32, #tpu.memory_space<vmem_shared>>
      %dma_wait3A_119 = arith.constant 0 : i32
      %dma_wait3A_120 = tpu.memref_slice %arg6[%add3A_41, %dma_wait3A_119] : memref<10240x128xf32, #tpu.memory_space<vmem_shared>> -> memref<32x128xf32, #tpu.memory_space<vmem_shared>>
      tpu.wait_dma2 semaphore(%run_scoped3A : memref<!tpu.dma_semaphore, #tpu.memory_space<semaphore_mem>>) src(%arg15 : memref<32x128xf32, #tpu.memory_space<vmem>>) dst(%dma_wait3A_120 : memref<32x128xf32, #tpu.memory_space<vmem_shared>>)
      tpu.yield
    }) : () -> ()
    %add3A_42 = arith.constant 224 : i32
    %add3A_43 = arith.addi %mul3A_2, %add3A_42 : i32
    "tpu.region"() ({
      %run_scoped3A = tpu.sem_alloc : memref<!tpu.dma_semaphore, #tpu.memory_space<semaphore_mem>>
      %dma_start3A_113 = arith.constant 0 : i32
      %dma_start3A_114 = tpu.memref_slice %arg6[%add3A_43, %dma_start3A_113] : memref<10240x128xf32, #tpu.memory_space<vmem_shared>> -> memref<32x128xf32, #tpu.memory_space<vmem_shared>>
      %dma_start3A_115 = arith.constant 0 : i32
      %dma_start3A_116 = tpu.memref_slice %arg6[%add3A_43, %dma_start3A_115] : memref<10240x128xf32, #tpu.memory_space<vmem_shared>> -> memref<32x128xf32, #tpu.memory_space<vmem_shared>>
      tpu.enqueue_dma source(%arg15 : memref<32x128xf32, #tpu.memory_space<vmem>>) target(%dma_start3A_116 : memref<32x128xf32, #tpu.memory_space<vmem_shared>>) target_semaphore(%run_scoped3A : memref<!tpu.dma_semaphore, #tpu.memory_space<semaphore_mem>>)
      %dma_wait3A_117 = arith.constant 0 : i32
      %dma_wait3A_118 = tpu.memref_slice %arg6[%add3A_43, %dma_wait3A_117] : memref<10240x128xf32, #tpu.memory_space<vmem_shared>> -> memref<32x128xf32, #tpu.memory_space<vmem_shared>>
      %dma_wait3A_119 = arith.constant 0 : i32
      %dma_wait3A_120 = tpu.memref_slice %arg6[%add3A_43, %dma_wait3A_119] : memref<10240x128xf32, #tpu.memory_space<vmem_shared>> -> memref<32x128xf32, #tpu.memory_space<vmem_shared>>
      tpu.wait_dma2 semaphore(%run_scoped3A : memref<!tpu.dma_semaphore, #tpu.memory_space<semaphore_mem>>) src(%arg15 : memref<32x128xf32, #tpu.memory_space<vmem>>) dst(%dma_wait3A_120 : memref<32x128xf32, #tpu.memory_space<vmem_shared>>)
      tpu.yield
    }) : () -> ()
    %add3A_44 = arith.constant 256 : i32
    %add3A_45 = arith.addi %mul3A_2, %add3A_44 : i32
    "tpu.region"() ({
      %run_scoped3A = tpu.sem_alloc : memref<!tpu.dma_semaphore, #tpu.memory_space<semaphore_mem>>
      %dma_start3A_113 = arith.constant 0 : i32
      %dma_start3A_114 = tpu.memref_slice %arg6[%add3A_45, %dma_start3A_113] : memref<10240x128xf32, #tpu.memory_space<vmem_shared>> -> memref<32x128xf32, #tpu.memory_space<vmem_shared>>
      %dma_start3A_115 = arith.constant 0 : i32
      %dma_start3A_116 = tpu.memref_slice %arg6[%add3A_45, %dma_start3A_115] : memref<10240x128xf32, #tpu.memory_space<vmem_shared>> -> memref<32x128xf32, #tpu.memory_space<vmem_shared>>
      tpu.enqueue_dma source(%arg15 : memref<32x128xf32, #tpu.memory_space<vmem>>) target(%dma_start3A_116 : memref<32x128xf32, #tpu.memory_space<vmem_shared>>) target_semaphore(%run_scoped3A : memref<!tpu.dma_semaphore, #tpu.memory_space<semaphore_mem>>)
      %dma_wait3A_117 = arith.constant 0 : i32
      %dma_wait3A_118 = tpu.memref_slice %arg6[%add3A_45, %dma_wait3A_117] : memref<10240x128xf32, #tpu.memory_space<vmem_shared>> -> memref<32x128xf32, #tpu.memory_space<vmem_shared>>
      %dma_wait3A_119 = arith.constant 0 : i32
      %dma_wait3A_120 = tpu.memref_slice %arg6[%add3A_45, %dma_wait3A_119] : memref<10240x128xf32, #tpu.memory_space<vmem_shared>> -> memref<32x128xf32, #tpu.memory_space<vmem_shared>>
      tpu.wait_dma2 semaphore(%run_scoped3A : memref<!tpu.dma_semaphore, #tpu.memory_space<semaphore_mem>>) src(%arg15 : memref<32x128xf32, #tpu.memory_space<vmem>>) dst(%dma_wait3A_120 : memref<32x128xf32, #tpu.memory_space<vmem_shared>>)
      tpu.yield
    }) : () -> ()
    %add3A_46 = arith.constant 288 : i32
    %add3A_47 = arith.addi %mul3A_2, %add3A_46 : i32
    "tpu.region"() ({
      %run_scoped3A = tpu.sem_alloc : memref<!tpu.dma_semaphore, #tpu.memory_space<semaphore_mem>>
      %dma_start3A_113 = arith.constant 0 : i32
      %dma_start3A_114 = tpu.memref_slice %arg6[%add3A_47, %dma_start3A_113] : memref<10240x128xf32, #tpu.memory_space<vmem_shared>> -> memref<32x128xf32, #tpu.memory_space<vmem_shared>>
      %dma_start3A_115 = arith.constant 0 : i32
      %dma_start3A_116 = tpu.memref_slice %arg6[%add3A_47, %dma_start3A_115] : memref<10240x128xf32, #tpu.memory_space<vmem_shared>> -> memref<32x128xf32, #tpu.memory_space<vmem_shared>>
      tpu.enqueue_dma source(%arg15 : memref<32x128xf32, #tpu.memory_space<vmem>>) target(%dma_start3A_116 : memref<32x128xf32, #tpu.memory_space<vmem_shared>>) target_semaphore(%run_scoped3A : memref<!tpu.dma_semaphore, #tpu.memory_space<semaphore_mem>>)
      %dma_wait3A_117 = arith.constant 0 : i32
      %dma_wait3A_118 = tpu.memref_slice %arg6[%add3A_47, %dma_wait3A_117] : memref<10240x128xf32, #tpu.memory_space<vmem_shared>> -> memref<32x128xf32, #tpu.memory_space<vmem_shared>>
      %dma_wait3A_119 = arith.constant 0 : i32
      %dma_wait3A_120 = tpu.memref_slice %arg6[%add3A_47, %dma_wait3A_119] : memref<10240x128xf32, #tpu.memory_space<vmem_shared>> -> memref<32x128xf32, #tpu.memory_space<vmem_shared>>
      tpu.wait_dma2 semaphore(%run_scoped3A : memref<!tpu.dma_semaphore, #tpu.memory_space<semaphore_mem>>) src(%arg15 : memref<32x128xf32, #tpu.memory_space<vmem>>) dst(%dma_wait3A_120 : memref<32x128xf32, #tpu.memory_space<vmem_shared>>)
      tpu.yield
    }) : () -> ()
    %add3A_48 = arith.constant 320 : i32
    %add3A_49 = arith.addi %mul3A_2, %add3A_48 : i32
    "tpu.region"() ({
      %run_scoped3A = tpu.sem_alloc : memref<!tpu.dma_semaphore, #tpu.memory_space<semaphore_mem>>
      %dma_start3A_113 = arith.constant 0 : i32
      %dma_start3A_114 = tpu.memref_slice %arg6[%add3A_49, %dma_start3A_113] : memref<10240x128xf32, #tpu.memory_space<vmem_shared>> -> memref<32x128xf32, #tpu.memory_space<vmem_shared>>
      %dma_start3A_115 = arith.constant 0 : i32
      %dma_start3A_116 = tpu.memref_slice %arg6[%add3A_49, %dma_start3A_115] : memref<10240x128xf32, #tpu.memory_space<vmem_shared>> -> memref<32x128xf32, #tpu.memory_space<vmem_shared>>
      tpu.enqueue_dma source(%arg15 : memref<32x128xf32, #tpu.memory_space<vmem>>) target(%dma_start3A_116 : memref<32x128xf32, #tpu.memory_space<vmem_shared>>) target_semaphore(%run_scoped3A : memref<!tpu.dma_semaphore, #tpu.memory_space<semaphore_mem>>)
      %dma_wait3A_117 = arith.constant 0 : i32
      %dma_wait3A_118 = tpu.memref_slice %arg6[%add3A_49, %dma_wait3A_117] : memref<10240x128xf32, #tpu.memory_space<vmem_shared>> -> memref<32x128xf32, #tpu.memory_space<vmem_shared>>
      %dma_wait3A_119 = arith.constant 0 : i32
      %dma_wait3A_120 = tpu.memref_slice %arg6[%add3A_49, %dma_wait3A_119] : memref<10240x128xf32, #tpu.memory_space<vmem_shared>> -> memref<32x128xf32, #tpu.memory_space<vmem_shared>>
      tpu.wait_dma2 semaphore(%run_scoped3A : memref<!tpu.dma_semaphore, #tpu.memory_space<semaphore_mem>>) src(%arg15 : memref<32x128xf32, #tpu.memory_space<vmem>>) dst(%dma_wait3A_120 : memref<32x128xf32, #tpu.memory_space<vmem_shared>>)
      tpu.yield
    }) : () -> ()
    %add3A_50 = arith.constant 352 : i32
    %add3A_51 = arith.addi %mul3A_2, %add3A_50 : i32
    "tpu.region"() ({
      %run_scoped3A = tpu.sem_alloc : memref<!tpu.dma_semaphore, #tpu.memory_space<semaphore_mem>>
      %dma_start3A_113 = arith.constant 0 : i32
      %dma_start3A_114 = tpu.memref_slice %arg6[%add3A_51, %dma_start3A_113] : memref<10240x128xf32, #tpu.memory_space<vmem_shared>> -> memref<32x128xf32, #tpu.memory_space<vmem_shared>>
      %dma_start3A_115 = arith.constant 0 : i32
      %dma_start3A_116 = tpu.memref_slice %arg6[%add3A_51, %dma_start3A_115] : memref<10240x128xf32, #tpu.memory_space<vmem_shared>> -> memref<32x128xf32, #tpu.memory_space<vmem_shared>>
      tpu.enqueue_dma source(%arg15 : memref<32x128xf32, #tpu.memory_space<vmem>>) target(%dma_start3A_116 : memref<32x128xf32, #tpu.memory_space<vmem_shared>>) target_semaphore(%run_scoped3A : memref<!tpu.dma_semaphore, #tpu.memory_space<semaphore_mem>>)
      %dma_wait3A_117 = arith.constant 0 : i32
      %dma_wait3A_118 = tpu.memref_slice %arg6[%add3A_51, %dma_wait3A_117] : memref<10240x128xf32, #tpu.memory_space<vmem_shared>> -> memref<32x128xf32, #tpu.memory_space<vmem_shared>>
      %dma_wait3A_119 = arith.constant 0 : i32
      %dma_wait3A_120 = tpu.memref_slice %arg6[%add3A_51, %dma_wait3A_119] : memref<10240x128xf32, #tpu.memory_space<vmem_shared>> -> memref<32x128xf32, #tpu.memory_space<vmem_shared>>
      tpu.wait_dma2 semaphore(%run_scoped3A : memref<!tpu.dma_semaphore, #tpu.memory_space<semaphore_mem>>) src(%arg15 : memref<32x128xf32, #tpu.memory_space<vmem>>) dst(%dma_wait3A_120 : memref<32x128xf32, #tpu.memory_space<vmem_shared>>)
      tpu.yield
    }) : () -> ()
    %add3A_52 = arith.constant 384 : i32
    %add3A_53 = arith.addi %mul3A_2, %add3A_52 : i32
    "tpu.region"() ({
      %run_scoped3A = tpu.sem_alloc : memref<!tpu.dma_semaphore, #tpu.memory_space<semaphore_mem>>
      %dma_start3A_113 = arith.constant 0 : i32
      %dma_start3A_114 = tpu.memref_slice %arg6[%add3A_53, %dma_start3A_113] : memref<10240x128xf32, #tpu.memory_space<vmem_shared>> -> memref<32x128xf32, #tpu.memory_space<vmem_shared>>
      %dma_start3A_115 = arith.constant 0 : i32
      %dma_start3A_116 = tpu.memref_slice %arg6[%add3A_53, %dma_start3A_115] : memref<10240x128xf32, #tpu.memory_space<vmem_shared>> -> memref<32x128xf32, #tpu.memory_space<vmem_shared>>
      tpu.enqueue_dma source(%arg15 : memref<32x128xf32, #tpu.memory_space<vmem>>) target(%dma_start3A_116 : memref<32x128xf32, #tpu.memory_space<vmem_shared>>) target_semaphore(%run_scoped3A : memref<!tpu.dma_semaphore, #tpu.memory_space<semaphore_mem>>)
      %dma_wait3A_117 = arith.constant 0 : i32
      %dma_wait3A_118 = tpu.memref_slice %arg6[%add3A_53, %dma_wait3A_117] : memref<10240x128xf32, #tpu.memory_space<vmem_shared>> -> memref<32x128xf32, #tpu.memory_space<vmem_shared>>
      %dma_wait3A_119 = arith.constant 0 : i32
      %dma_wait3A_120 = tpu.memref_slice %arg6[%add3A_53, %dma_wait3A_119] : memref<10240x128xf32, #tpu.memory_space<vmem_shared>> -> memref<32x128xf32, #tpu.memory_space<vmem_shared>>
      tpu.wait_dma2 semaphore(%run_scoped3A : memref<!tpu.dma_semaphore, #tpu.memory_space<semaphore_mem>>) src(%arg15 : memref<32x128xf32, #tpu.memory_space<vmem>>) dst(%dma_wait3A_120 : memref<32x128xf32, #tpu.memory_space<vmem_shared>>)
      tpu.yield
    }) : () -> ()
    %add3A_54 = arith.constant 416 : i32
    %add3A_55 = arith.addi %mul3A_2, %add3A_54 : i32
    "tpu.region"() ({
      %run_scoped3A = tpu.sem_alloc : memref<!tpu.dma_semaphore, #tpu.memory_space<semaphore_mem>>
      %dma_start3A_113 = arith.constant 0 : i32
      %dma_start3A_114 = tpu.memref_slice %arg6[%add3A_55, %dma_start3A_113] : memref<10240x128xf32, #tpu.memory_space<vmem_shared>> -> memref<32x128xf32, #tpu.memory_space<vmem_shared>>
      %dma_start3A_115 = arith.constant 0 : i32
      %dma_start3A_116 = tpu.memref_slice %arg6[%add3A_55, %dma_start3A_115] : memref<10240x128xf32, #tpu.memory_space<vmem_shared>> -> memref<32x128xf32, #tpu.memory_space<vmem_shared>>
      tpu.enqueue_dma source(%arg15 : memref<32x128xf32, #tpu.memory_space<vmem>>) target(%dma_start3A_116 : memref<32x128xf32, #tpu.memory_space<vmem_shared>>) target_semaphore(%run_scoped3A : memref<!tpu.dma_semaphore, #tpu.memory_space<semaphore_mem>>)
      %dma_wait3A_117 = arith.constant 0 : i32
      %dma_wait3A_118 = tpu.memref_slice %arg6[%add3A_55, %dma_wait3A_117] : memref<10240x128xf32, #tpu.memory_space<vmem_shared>> -> memref<32x128xf32, #tpu.memory_space<vmem_shared>>
      %dma_wait3A_119 = arith.constant 0 : i32
      %dma_wait3A_120 = tpu.memref_slice %arg6[%add3A_55, %dma_wait3A_119] : memref<10240x128xf32, #tpu.memory_space<vmem_shared>> -> memref<32x128xf32, #tpu.memory_space<vmem_shared>>
      tpu.wait_dma2 semaphore(%run_scoped3A : memref<!tpu.dma_semaphore, #tpu.memory_space<semaphore_mem>>) src(%arg15 : memref<32x128xf32, #tpu.memory_space<vmem>>) dst(%dma_wait3A_120 : memref<32x128xf32, #tpu.memory_space<vmem_shared>>)
      tpu.yield
    }) : () -> ()
    %add3A_56 = arith.constant 448 : i32
    %add3A_57 = arith.addi %mul3A_2, %add3A_56 : i32
    "tpu.region"() ({
      %run_scoped3A = tpu.sem_alloc : memref<!tpu.dma_semaphore, #tpu.memory_space<semaphore_mem>>
      %dma_start3A_113 = arith.constant 0 : i32
      %dma_start3A_114 = tpu.memref_slice %arg6[%add3A_57, %dma_start3A_113] : memref<10240x128xf32, #tpu.memory_space<vmem_shared>> -> memref<32x128xf32, #tpu.memory_space<vmem_shared>>
      %dma_start3A_115 = arith.constant 0 : i32
      %dma_start3A_116 = tpu.memref_slice %arg6[%add3A_57, %dma_start3A_115] : memref<10240x128xf32, #tpu.memory_space<vmem_shared>> -> memref<32x128xf32, #tpu.memory_space<vmem_shared>>
      tpu.enqueue_dma source(%arg15 : memref<32x128xf32, #tpu.memory_space<vmem>>) target(%dma_start3A_116 : memref<32x128xf32, #tpu.memory_space<vmem_shared>>) target_semaphore(%run_scoped3A : memref<!tpu.dma_semaphore, #tpu.memory_space<semaphore_mem>>)
      %dma_wait3A_117 = arith.constant 0 : i32
      %dma_wait3A_118 = tpu.memref_slice %arg6[%add3A_57, %dma_wait3A_117] : memref<10240x128xf32, #tpu.memory_space<vmem_shared>> -> memref<32x128xf32, #tpu.memory_space<vmem_shared>>
      %dma_wait3A_119 = arith.constant 0 : i32
      %dma_wait3A_120 = tpu.memref_slice %arg6[%add3A_57, %dma_wait3A_119] : memref<10240x128xf32, #tpu.memory_space<vmem_shared>> -> memref<32x128xf32, #tpu.memory_space<vmem_shared>>
      tpu.wait_dma2 semaphore(%run_scoped3A : memref<!tpu.dma_semaphore, #tpu.memory_space<semaphore_mem>>) src(%arg15 : memref<32x128xf32, #tpu.memory_space<vmem>>) dst(%dma_wait3A_120 : memref<32x128xf32, #tpu.memory_space<vmem_shared>>)
      tpu.yield
    }) : () -> ()
    %add3A_58 = arith.constant 480 : i32
    %add3A_59 = arith.addi %mul3A_2, %add3A_58 : i32
    "tpu.region"() ({
      %run_scoped3A = tpu.sem_alloc : memref<!tpu.dma_semaphore, #tpu.memory_space<semaphore_mem>>
      %dma_start3A_113 = arith.constant 0 : i32
      %dma_start3A_114 = tpu.memref_slice %arg6[%add3A_59, %dma_start3A_113] : memref<10240x128xf32, #tpu.memory_space<vmem_shared>> -> memref<32x128xf32, #tpu.memory_space<vmem_shared>>
      %dma_start3A_115 = arith.constant 0 : i32
      %dma_start3A_116 = tpu.memref_slice %arg6[%add3A_59, %dma_start3A_115] : memref<10240x128xf32, #tpu.memory_space<vmem_shared>> -> memref<32x128xf32, #tpu.memory_space<vmem_shared>>
      tpu.enqueue_dma source(%arg15 : memref<32x128xf32, #tpu.memory_space<vmem>>) target(%dma_start3A_116 : memref<32x128xf32, #tpu.memory_space<vmem_shared>>) target_semaphore(%run_scoped3A : memref<!tpu.dma_semaphore, #tpu.memory_space<semaphore_mem>>)
      %dma_wait3A_117 = arith.constant 0 : i32
      %dma_wait3A_118 = tpu.memref_slice %arg6[%add3A_59, %dma_wait3A_117] : memref<10240x128xf32, #tpu.memory_space<vmem_shared>> -> memref<32x128xf32, #tpu.memory_space<vmem_shared>>
      %dma_wait3A_119 = arith.constant 0 : i32
      %dma_wait3A_120 = tpu.memref_slice %arg6[%add3A_59, %dma_wait3A_119] : memref<10240x128xf32, #tpu.memory_space<vmem_shared>> -> memref<32x128xf32, #tpu.memory_space<vmem_shared>>
      tpu.wait_dma2 semaphore(%run_scoped3A : memref<!tpu.dma_semaphore, #tpu.memory_space<semaphore_mem>>) src(%arg15 : memref<32x128xf32, #tpu.memory_space<vmem>>) dst(%dma_wait3A_120 : memref<32x128xf32, #tpu.memory_space<vmem_shared>>)
      tpu.yield
    }) : () -> ()
    %add3A_60 = arith.constant 512 : i32
    %add3A_61 = arith.addi %mul3A_2, %add3A_60 : i32
    "tpu.region"() ({
      %run_scoped3A = tpu.sem_alloc : memref<!tpu.dma_semaphore, #tpu.memory_space<semaphore_mem>>
      %dma_start3A_113 = arith.constant 0 : i32
      %dma_start3A_114 = tpu.memref_slice %arg6[%add3A_61, %dma_start3A_113] : memref<10240x128xf32, #tpu.memory_space<vmem_shared>> -> memref<32x128xf32, #tpu.memory_space<vmem_shared>>
      %dma_start3A_115 = arith.constant 0 : i32
      %dma_start3A_116 = tpu.memref_slice %arg6[%add3A_61, %dma_start3A_115] : memref<10240x128xf32, #tpu.memory_space<vmem_shared>> -> memref<32x128xf32, #tpu.memory_space<vmem_shared>>
      tpu.enqueue_dma source(%arg15 : memref<32x128xf32, #tpu.memory_space<vmem>>) target(%dma_start3A_116 : memref<32x128xf32, #tpu.memory_space<vmem_shared>>) target_semaphore(%run_scoped3A : memref<!tpu.dma_semaphore, #tpu.memory_space<semaphore_mem>>)
      %dma_wait3A_117 = arith.constant 0 : i32
      %dma_wait3A_118 = tpu.memref_slice %arg6[%add3A_61, %dma_wait3A_117] : memref<10240x128xf32, #tpu.memory_space<vmem_shared>> -> memref<32x128xf32, #tpu.memory_space<vmem_shared>>
      %dma_wait3A_119 = arith.constant 0 : i32
      %dma_wait3A_120 = tpu.memref_slice %arg6[%add3A_61, %dma_wait3A_119] : memref<10240x128xf32, #tpu.memory_space<vmem_shared>> -> memref<32x128xf32, #tpu.memory_space<vmem_shared>>
      tpu.wait_dma2 semaphore(%run_scoped3A : memref<!tpu.dma_semaphore, #tpu.memory_space<semaphore_mem>>) src(%arg15 : memref<32x128xf32, #tpu.memory_space<vmem>>) dst(%dma_wait3A_120 : memref<32x128xf32, #tpu.memory_space<vmem_shared>>)
      tpu.yield
    }) : () -> ()
    %add3A_62 = arith.constant 544 : i32
    %add3A_63 = arith.addi %mul3A_2, %add3A_62 : i32
    "tpu.region"() ({
      %run_scoped3A = tpu.sem_alloc : memref<!tpu.dma_semaphore, #tpu.memory_space<semaphore_mem>>
      %dma_start3A_113 = arith.constant 0 : i32
      %dma_start3A_114 = tpu.memref_slice %arg6[%add3A_63, %dma_start3A_113] : memref<10240x128xf32, #tpu.memory_space<vmem_shared>> -> memref<32x128xf32, #tpu.memory_space<vmem_shared>>
      %dma_start3A_115 = arith.constant 0 : i32
      %dma_start3A_116 = tpu.memref_slice %arg6[%add3A_63, %dma_start3A_115] : memref<10240x128xf32, #tpu.memory_space<vmem_shared>> -> memref<32x128xf32, #tpu.memory_space<vmem_shared>>
      tpu.enqueue_dma source(%arg15 : memref<32x128xf32, #tpu.memory_space<vmem>>) target(%dma_start3A_116 : memref<32x128xf32, #tpu.memory_space<vmem_shared>>) target_semaphore(%run_scoped3A : memref<!tpu.dma_semaphore, #tpu.memory_space<semaphore_mem>>)
      %dma_wait3A_117 = arith.constant 0 : i32
      %dma_wait3A_118 = tpu.memref_slice %arg6[%add3A_63, %dma_wait3A_117] : memref<10240x128xf32, #tpu.memory_space<vmem_shared>> -> memref<32x128xf32, #tpu.memory_space<vmem_shared>>
      %dma_wait3A_119 = arith.constant 0 : i32
      %dma_wait3A_120 = tpu.memref_slice %arg6[%add3A_63, %dma_wait3A_119] : memref<10240x128xf32, #tpu.memory_space<vmem_shared>> -> memref<32x128xf32, #tpu.memory_space<vmem_shared>>
      tpu.wait_dma2 semaphore(%run_scoped3A : memref<!tpu.dma_semaphore, #tpu.memory_space<semaphore_mem>>) src(%arg15 : memref<32x128xf32, #tpu.memory_space<vmem>>) dst(%dma_wait3A_120 : memref<32x128xf32, #tpu.memory_space<vmem_shared>>)
      tpu.yield
    }) : () -> ()
    %add3A_64 = arith.constant 576 : i32
    %add3A_65 = arith.addi %mul3A_2, %add3A_64 : i32
    "tpu.region"() ({
      %run_scoped3A = tpu.sem_alloc : memref<!tpu.dma_semaphore, #tpu.memory_space<semaphore_mem>>
      %dma_start3A_113 = arith.constant 0 : i32
      %dma_start3A_114 = tpu.memref_slice %arg6[%add3A_65, %dma_start3A_113] : memref<10240x128xf32, #tpu.memory_space<vmem_shared>> -> memref<32x128xf32, #tpu.memory_space<vmem_shared>>
      %dma_start3A_115 = arith.constant 0 : i32
      %dma_start3A_116 = tpu.memref_slice %arg6[%add3A_65, %dma_start3A_115] : memref<10240x128xf32, #tpu.memory_space<vmem_shared>> -> memref<32x128xf32, #tpu.memory_space<vmem_shared>>
      tpu.enqueue_dma source(%arg15 : memref<32x128xf32, #tpu.memory_space<vmem>>) target(%dma_start3A_116 : memref<32x128xf32, #tpu.memory_space<vmem_shared>>) target_semaphore(%run_scoped3A : memref<!tpu.dma_semaphore, #tpu.memory_space<semaphore_mem>>)
      %dma_wait3A_117 = arith.constant 0 : i32
      %dma_wait3A_118 = tpu.memref_slice %arg6[%add3A_65, %dma_wait3A_117] : memref<10240x128xf32, #tpu.memory_space<vmem_shared>> -> memref<32x128xf32, #tpu.memory_space<vmem_shared>>
      %dma_wait3A_119 = arith.constant 0 : i32
      %dma_wait3A_120 = tpu.memref_slice %arg6[%add3A_65, %dma_wait3A_119] : memref<10240x128xf32, #tpu.memory_space<vmem_shared>> -> memref<32x128xf32, #tpu.memory_space<vmem_shared>>
      tpu.wait_dma2 semaphore(%run_scoped3A : memref<!tpu.dma_semaphore, #tpu.memory_space<semaphore_mem>>) src(%arg15 : memref<32x128xf32, #tpu.memory_space<vmem>>) dst(%dma_wait3A_120 : memref<32x128xf32, #tpu.memory_space<vmem_shared>>)
      tpu.yield
    }) : () -> ()
    %add3A_66 = arith.constant 608 : i32
    %add3A_67 = arith.addi %mul3A_2, %add3A_66 : i32
    "tpu.region"() ({
      %run_scoped3A = tpu.sem_alloc : memref<!tpu.dma_semaphore, #tpu.memory_space<semaphore_mem>>
      %dma_start3A_113 = arith.constant 0 : i32
      %dma_start3A_114 = tpu.memref_slice %arg6[%add3A_67, %dma_start3A_113] : memref<10240x128xf32, #tpu.memory_space<vmem_shared>> -> memref<32x128xf32, #tpu.memory_space<vmem_shared>>
      %dma_start3A_115 = arith.constant 0 : i32
      %dma_start3A_116 = tpu.memref_slice %arg6[%add3A_67, %dma_start3A_115] : memref<10240x128xf32, #tpu.memory_space<vmem_shared>> -> memref<32x128xf32, #tpu.memory_space<vmem_shared>>
      tpu.enqueue_dma source(%arg15 : memref<32x128xf32, #tpu.memory_space<vmem>>) target(%dma_start3A_116 : memref<32x128xf32, #tpu.memory_space<vmem_shared>>) target_semaphore(%run_scoped3A : memref<!tpu.dma_semaphore, #tpu.memory_space<semaphore_mem>>)
      %dma_wait3A_117 = arith.constant 0 : i32
      %dma_wait3A_118 = tpu.memref_slice %arg6[%add3A_67, %dma_wait3A_117] : memref<10240x128xf32, #tpu.memory_space<vmem_shared>> -> memref<32x128xf32, #tpu.memory_space<vmem_shared>>
      %dma_wait3A_119 = arith.constant 0 : i32
      %dma_wait3A_120 = tpu.memref_slice %arg6[%add3A_67, %dma_wait3A_119] : memref<10240x128xf32, #tpu.memory_space<vmem_shared>> -> memref<32x128xf32, #tpu.memory_space<vmem_shared>>
      tpu.wait_dma2 semaphore(%run_scoped3A : memref<!tpu.dma_semaphore, #tpu.memory_space<semaphore_mem>>) src(%arg15 : memref<32x128xf32, #tpu.memory_space<vmem>>) dst(%dma_wait3A_120 : memref<32x128xf32, #tpu.memory_space<vmem_shared>>)
      tpu.yield
    }) : () -> ()
    %dma_wait3A = arith.constant 0 : i32
    %dma_wait3A_68 = tpu.memref_slice %arg3[%dma_wait3A] : memref<320000xi32, #tpu.memory_space<hbm>> -> memref<128xi32, #tpu.memory_space<hbm>>
    %dma_wait3A_69 = arith.constant 0 : i32
    %dma_wait3A_70 = tpu.memref_slice %arg3[%dma_wait3A_69] : memref<320000xi32, #tpu.memory_space<hbm>> -> memref<128xi32, #tpu.memory_space<hbm>>
    tpu.wait_dma2 semaphore(%arg16 : memref<!tpu.dma_semaphore, #tpu.memory_space<semaphore_mem>>) src(%dma_wait3A_70 : memref<128xi32, #tpu.memory_space<hbm>>) dst(%arg7 : memref<128xi32, #tpu.memory_space<vmem>>)
    %dma_wait3A_71 = arith.constant 0 : i32
    %dma_wait3A_72 = tpu.memref_slice %arg4[%dma_wait3A_71] : memref<320000xi32, #tpu.memory_space<hbm>> -> memref<128xi32, #tpu.memory_space<hbm>>
    %dma_wait3A_73 = arith.constant 0 : i32
    %dma_wait3A_74 = tpu.memref_slice %arg4[%dma_wait3A_73] : memref<320000xi32, #tpu.memory_space<hbm>> -> memref<128xi32, #tpu.memory_space<hbm>>
    tpu.wait_dma2 semaphore(%arg16 : memref<!tpu.dma_semaphore, #tpu.memory_space<semaphore_mem>>) src(%dma_wait3A_74 : memref<128xi32, #tpu.memory_space<hbm>>) dst(%arg9 : memref<128xi32, #tpu.memory_space<vmem>>)
    %dma_start3A_75 = arith.constant 0 : i32
    %dma_start3A_76 = arith.constant 0 : i32
    %dma_start3A_77 = tpu.memref_slice %arg11[%dma_start3A_75, %dma_start3A_76] : memref<256x128xf32, #tpu.memory_space<vmem>> -> memref<128x128xf32, #tpu.memory_space<vmem>>
    %dma_start3A_78 = arith.constant 0 : i32
    %dma_start3A_79 = arith.constant 0 : i32
    %dma_start3A_80 = tpu.memref_slice %arg2[%dma_start3A_78, %dma_start3A_79] : memref<10000x128xf32, #tpu.memory_space<hbm>> -> memref<10000x128xf32, #tpu.memory_space<hbm>>
    tpu.enqueue_indirect_dma source(%dma_start3A_80 : memref<10000x128xf32, #tpu.memory_space<hbm>>) target(%dma_start3A_77 : memref<128x128xf32, #tpu.memory_space<vmem>>) offsets(%arg7 : memref<128xi32, #tpu.memory_space<vmem>>) semaphore(%arg18 : memref<!tpu.dma_semaphore, #tpu.memory_space<semaphore_mem>>)
    %barrier3A = arith.constant 0 : index
    tpu.barrier barrier_id(%barrier3A)
    %scan3A_81 = arith.constant 0 : i32
    %scan3A_82 = arith.constant 0 : i32
    %scan3A_83 = arith.constant 39 : i32
    %scan3A_84 = arith.addi %scan3A_82, %scan3A_83 : i32
    %scan3A_85 = arith.constant 1 : i32
    %scan3A_86 = scf.for %scan3A_113 = %scan3A_82 to %scan3A_84 step %scan3A_85 iter_args(%scan3A_114 = %scan3A_81) -> (i32)  : i32 {
      %mul3A_115 = arith.constant 2 : i32
      %mul3A_116 = arith.muli %mul3A_115, %scan3A_113 : i32
      %add3A_117 = arith.constant 0 : i32
      %add3A_118 = arith.addi %mul3A_116, %add3A_117 : i32
      %add3A_119 = arith.constant 1 : i32
      %add3A_120 = arith.addi %add3A_118, %add3A_119 : i32
      %lt3A = arith.constant 78 : i32
      %lt3A_121 = arith.cmpi slt, %add3A_120, %lt3A : i32
      %convert_element_type3A = arith.extui %lt3A_121 : i1 to i32
      %cond3A = arith.constant 0 : i32
      %cond3A_122 = arith.cmpi ne, %convert_element_type3A, %cond3A : i32
      scf.if %cond3A_122 {
        %dma_wait3A_161 = arith.constant 0 : i32
        %dma_wait3A_162 = tpu.memref_slice %arg3[%dma_wait3A_161] : memref<320000xi32, #tpu.memory_space<hbm>> -> memref<128xi32, #tpu.memory_space<hbm>>
        %dma_wait3A_163 = arith.constant 0 : i32
        %dma_wait3A_164 = tpu.memref_slice %arg3[%dma_wait3A_163] : memref<320000xi32, #tpu.memory_space<hbm>> -> memref<128xi32, #tpu.memory_space<hbm>>
        tpu.wait_dma2 semaphore(%arg17 : memref<!tpu.dma_semaphore, #tpu.memory_space<semaphore_mem>>) src(%dma_wait3A_164 : memref<128xi32, #tpu.memory_space<hbm>>) dst(%arg8 : memref<128xi32, #tpu.memory_space<vmem>>)
        %dma_wait3A_165 = arith.constant 0 : i32
        %dma_wait3A_166 = tpu.memref_slice %arg4[%dma_wait3A_165] : memref<320000xi32, #tpu.memory_space<hbm>> -> memref<128xi32, #tpu.memory_space<hbm>>
        %dma_wait3A_167 = arith.constant 0 : i32
        %dma_wait3A_168 = tpu.memref_slice %arg4[%dma_wait3A_167] : memref<320000xi32, #tpu.memory_space<hbm>> -> memref<128xi32, #tpu.memory_space<hbm>>
        tpu.wait_dma2 semaphore(%arg17 : memref<!tpu.dma_semaphore, #tpu.memory_space<semaphore_mem>>) src(%dma_wait3A_168 : memref<128xi32, #tpu.memory_space<hbm>>) dst(%arg10 : memref<128xi32, #tpu.memory_space<vmem>>)
        %dma_start3A_169 = arith.constant 128 : i32
        %dma_start3A_170 = arith.constant 0 : i32
        %dma_start3A_171 = tpu.memref_slice %arg11[%dma_start3A_169, %dma_start3A_170] : memref<256x128xf32, #tpu.memory_space<vmem>> -> memref<128x128xf32, #tpu.memory_space<vmem>>
        %dma_start3A_172 = arith.constant 0 : i32
        %dma_start3A_173 = arith.constant 0 : i32
        %dma_start3A_174 = tpu.memref_slice %arg2[%dma_start3A_172, %dma_start3A_173] : memref<10000x128xf32, #tpu.memory_space<hbm>> -> memref<10000x128xf32, #tpu.memory_space<hbm>>
        tpu.enqueue_indirect_dma source(%dma_start3A_174 : memref<10000x128xf32, #tpu.memory_space<hbm>>) target(%dma_start3A_171 : memref<128x128xf32, #tpu.memory_space<vmem>>) offsets(%arg8 : memref<128xi32, #tpu.memory_space<vmem>>) semaphore(%arg19 : memref<!tpu.dma_semaphore, #tpu.memory_space<semaphore_mem>>)
      } else {
      }
      %dma_wait3A_123 = arith.constant 0 : i32
      %dma_wait3A_124 = arith.constant 0 : i32
      %dma_wait3A_125 = tpu.memref_slice %arg11[%dma_wait3A_123, %dma_wait3A_124] : memref<256x128xf32, #tpu.memory_space<vmem>> -> memref<128x128xf32, #tpu.memory_space<vmem>>
      %dma_wait3A_126 = arith.constant 0 : i32
      %dma_wait3A_127 = arith.constant 0 : i32
      %dma_wait3A_128 = tpu.memref_slice %arg2[%dma_wait3A_126, %dma_wait3A_127] : memref<10000x128xf32, #tpu.memory_space<hbm>> -> memref<10000x128xf32, #tpu.memory_space<hbm>>
      tpu.wait_indirect_dma semaphore(%arg18 : memref<!tpu.dma_semaphore, #tpu.memory_space<semaphore_mem>>) src(%dma_wait3A_128 : memref<10000x128xf32, #tpu.memory_space<hbm>>) dst(%dma_wait3A_125 : memref<128x128xf32, #tpu.memory_space<vmem>>)
      "tpu.region"() ({
        %run_scoped3A = tpu.sem_alloc : memref<!tpu.dma_semaphore, #tpu.memory_space<semaphore_mem>>
        %dma_start3A_161 = arith.constant 0 : i32
        %dma_start3A_162 = arith.constant 0 : i32
        %dma_start3A_163 = tpu.memref_slice %arg11[%dma_start3A_161, %dma_start3A_162] : memref<256x128xf32, #tpu.memory_space<vmem>> -> memref<128x128xf32, #tpu.memory_space<vmem>>
        %dma_start3A_164 = arith.constant 0 : i32
        %dma_start3A_165 = arith.constant 0 : i32
        %dma_start3A_166 = tpu.memref_slice %arg6[%dma_start3A_164, %dma_start3A_165] : memref<10240x128xf32, #tpu.memory_space<vmem_shared>> -> memref<10240x128xf32, #tpu.memory_space<vmem_shared>>
        tpu.enqueue_indirect_dma source(%dma_start3A_163 : memref<128x128xf32, #tpu.memory_space<vmem>>) target(%dma_start3A_166 : memref<10240x128xf32, #tpu.memory_space<vmem_shared>>) offsets(%arg9 : memref<128xi32, #tpu.memory_space<vmem>>) semaphore(%run_scoped3A : memref<!tpu.dma_semaphore, #tpu.memory_space<semaphore_mem>>) {add = true}
        %dma_wait3A_167 = arith.constant 0 : i32
        %dma_wait3A_168 = arith.constant 0 : i32
        %dma_wait3A_169 = tpu.memref_slice %arg11[%dma_wait3A_167, %dma_wait3A_168] : memref<256x128xf32, #tpu.memory_space<vmem>> -> memref<128x128xf32, #tpu.memory_space<vmem>>
        %dma_wait3A_170 = arith.constant 0 : i32
        %dma_wait3A_171 = arith.constant 0 : i32
        %dma_wait3A_172 = tpu.memref_slice %arg6[%dma_wait3A_170, %dma_wait3A_171] : memref<10240x128xf32, #tpu.memory_space<vmem_shared>> -> memref<10240x128xf32, #tpu.memory_space<vmem_shared>>
        tpu.wait_indirect_dma semaphore(%run_scoped3A : memref<!tpu.dma_semaphore, #tpu.memory_space<semaphore_mem>>) src(%dma_wait3A_169 : memref<128x128xf32, #tpu.memory_space<vmem>>) dst(%dma_wait3A_172 : memref<10240x128xf32, #tpu.memory_space<vmem_shared>>)
        tpu.yield
      }) : () -> ()
      %add3A_129 = arith.constant 2 : i32
      %add3A_130 = arith.addi %add3A_118, %add3A_129 : i32
      %lt3A_131 = arith.constant 78 : i32
      %lt3A_132 = arith.cmpi slt, %add3A_130, %lt3A_131 : i32
      %convert_element_type3A_133 = arith.extui %lt3A_132 : i1 to i32
      %cond3A_134 = arith.constant 0 : i32
      %cond3A_135 = arith.cmpi ne, %convert_element_type3A_133, %cond3A_134 : i32
      scf.if %cond3A_135 {
        %add3A_161 = arith.constant 2 : i32
        %add3A_162 = arith.addi %add3A_118, %add3A_161 : i32
        %mul3A_163 = arith.constant 128 : i32
        %mul3A_164 = arith.muli %add3A_162, %mul3A_163 : i32
        %add3A_165 = arith.addi %mul3A_4, %mul3A_164 : i32
        %dma_start3A_166 = tpu.memref_slice %arg3[%add3A_165] : memref<320000xi32, #tpu.memory_space<hbm>> -> memref<128xi32, #tpu.memory_space<hbm>>
        %dma_start3A_167 = tpu.memref_slice %arg3[%add3A_165] : memref<320000xi32, #tpu.memory_space<hbm>> -> memref<128xi32, #tpu.memory_space<hbm>>
        tpu.enqueue_dma source(%dma_start3A_167 : memref<128xi32, #tpu.memory_space<hbm>>) target(%arg7 : memref<128xi32, #tpu.memory_space<vmem>>) target_semaphore(%arg16 : memref<!tpu.dma_semaphore, #tpu.memory_space<semaphore_mem>>)
        %dma_start3A_168 = tpu.memref_slice %arg4[%add3A_165] : memref<320000xi32, #tpu.memory_space<hbm>> -> memref<128xi32, #tpu.memory_space<hbm>>
        %dma_start3A_169 = tpu.memref_slice %arg4[%add3A_165] : memref<320000xi32, #tpu.memory_space<hbm>> -> memref<128xi32, #tpu.memory_space<hbm>>
        tpu.enqueue_dma source(%dma_start3A_169 : memref<128xi32, #tpu.memory_space<hbm>>) target(%arg9 : memref<128xi32, #tpu.memory_space<vmem>>) target_semaphore(%arg16 : memref<!tpu.dma_semaphore, #tpu.memory_space<semaphore_mem>>)
      } else {
      }
      %mul3A_136 = arith.constant 2 : i32
      %mul3A_137 = arith.muli %mul3A_136, %scan3A_113 : i32
      %add3A_138 = arith.constant 1 : i32
      %add3A_139 = arith.addi %mul3A_137, %add3A_138 : i32
      %add3A_140 = arith.constant 1 : i32
      %add3A_141 = arith.addi %add3A_139, %add3A_140 : i32
      %lt3A_142 = arith.constant 78 : i32
      %lt3A_143 = arith.cmpi slt, %add3A_141, %lt3A_142 : i32
      %convert_element_type3A_144 = arith.extui %lt3A_143 : i1 to i32
      %cond3A_145 = arith.constant 0 : i32
      %cond3A_146 = arith.cmpi ne, %convert_element_type3A_144, %cond3A_145 : i32
      scf.if %cond3A_146 {
        %dma_wait3A_161 = arith.constant 0 : i32
        %dma_wait3A_162 = tpu.memref_slice %arg3[%dma_wait3A_161] : memref<320000xi32, #tpu.memory_space<hbm>> -> memref<128xi32, #tpu.memory_space<hbm>>
        %dma_wait3A_163 = arith.constant 0 : i32
        %dma_wait3A_164 = tpu.memref_slice %arg3[%dma_wait3A_163] : memref<320000xi32, #tpu.memory_space<hbm>> -> memref<128xi32, #tpu.memory_space<hbm>>
        tpu.wait_dma2 semaphore(%arg16 : memref<!tpu.dma_semaphore, #tpu.memory_space<semaphore_mem>>) src(%dma_wait3A_164 : memref<128xi32, #tpu.memory_space<hbm>>) dst(%arg7 : memref<128xi32, #tpu.memory_space<vmem>>)
        %dma_wait3A_165 = arith.constant 0 : i32
        %dma_wait3A_166 = tpu.memref_slice %arg4[%dma_wait3A_165] : memref<320000xi32, #tpu.memory_space<hbm>> -> memref<128xi32, #tpu.memory_space<hbm>>
        %dma_wait3A_167 = arith.constant 0 : i32
        %dma_wait3A_168 = tpu.memref_slice %arg4[%dma_wait3A_167] : memref<320000xi32, #tpu.memory_space<hbm>> -> memref<128xi32, #tpu.memory_space<hbm>>
        tpu.wait_dma2 semaphore(%arg16 : memref<!tpu.dma_semaphore, #tpu.memory_space<semaphore_mem>>) src(%dma_wait3A_168 : memref<128xi32, #tpu.memory_space<hbm>>) dst(%arg9 : memref<128xi32, #tpu.memory_space<vmem>>)
        %dma_start3A_169 = arith.constant 0 : i32
        %dma_start3A_170 = arith.constant 0 : i32
        %dma_start3A_171 = tpu.memref_slice %arg11[%dma_start3A_169, %dma_start3A_170] : memref<256x128xf32, #tpu.memory_space<vmem>> -> memref<128x128xf32, #tpu.memory_space<vmem>>
        %dma_start3A_172 = arith.constant 0 : i32
        %dma_start3A_173 = arith.constant 0 : i32
        %dma_start3A_174 = tpu.memref_slice %arg2[%dma_start3A_172, %dma_start3A_173] : memref<10000x128xf32, #tpu.memory_space<hbm>> -> memref<10000x128xf32, #tpu.memory_space<hbm>>
        tpu.enqueue_indirect_dma source(%dma_start3A_174 : memref<10000x128xf32, #tpu.memory_space<hbm>>) target(%dma_start3A_171 : memref<128x128xf32, #tpu.memory_space<vmem>>) offsets(%arg7 : memref<128xi32, #tpu.memory_space<vmem>>) semaphore(%arg18 : memref<!tpu.dma_semaphore, #tpu.memory_space<semaphore_mem>>)
      } else {
      }
      %dma_wait3A_147 = arith.constant 128 : i32
      %dma_wait3A_148 = arith.constant 0 : i32
      %dma_wait3A_149 = tpu.memref_slice %arg11[%dma_wait3A_147, %dma_wait3A_148] : memref<256x128xf32, #tpu.memory_space<vmem>> -> memref<128x128xf32, #tpu.memory_space<vmem>>
      %dma_wait3A_150 = arith.constant 0 : i32
      %dma_wait3A_151 = arith.constant 0 : i32
      %dma_wait3A_152 = tpu.memref_slice %arg2[%dma_wait3A_150, %dma_wait3A_151] : memref<10000x128xf32, #tpu.memory_space<hbm>> -> memref<10000x128xf32, #tpu.memory_space<hbm>>
      tpu.wait_indirect_dma semaphore(%arg19 : memref<!tpu.dma_semaphore, #tpu.memory_space<semaphore_mem>>) src(%dma_wait3A_152 : memref<10000x128xf32, #tpu.memory_space<hbm>>) dst(%dma_wait3A_149 : memref<128x128xf32, #tpu.memory_space<vmem>>)
      "tpu.region"() ({
        %run_scoped3A = tpu.sem_alloc : memref<!tpu.dma_semaphore, #tpu.memory_space<semaphore_mem>>
        %dma_start3A_161 = arith.constant 128 : i32
        %dma_start3A_162 = arith.constant 0 : i32
        %dma_start3A_163 = tpu.memref_slice %arg11[%dma_start3A_161, %dma_start3A_162] : memref<256x128xf32, #tpu.memory_space<vmem>> -> memref<128x128xf32, #tpu.memory_space<vmem>>
        %dma_start3A_164 = arith.constant 0 : i32
        %dma_start3A_165 = arith.constant 0 : i32
        %dma_start3A_166 = tpu.memref_slice %arg6[%dma_start3A_164, %dma_start3A_165] : memref<10240x128xf32, #tpu.memory_space<vmem_shared>> -> memref<10240x128xf32, #tpu.memory_space<vmem_shared>>
        tpu.enqueue_indirect_dma source(%dma_start3A_163 : memref<128x128xf32, #tpu.memory_space<vmem>>) target(%dma_start3A_166 : memref<10240x128xf32, #tpu.memory_space<vmem_shared>>) offsets(%arg10 : memref<128xi32, #tpu.memory_space<vmem>>) semaphore(%run_scoped3A : memref<!tpu.dma_semaphore, #tpu.memory_space<semaphore_mem>>) {add = true}
        %dma_wait3A_167 = arith.constant 128 : i32
        %dma_wait3A_168 = arith.constant 0 : i32
        %dma_wait3A_169 = tpu.memref_slice %arg11[%dma_wait3A_167, %dma_wait3A_168] : memref<256x128xf32, #tpu.memory_space<vmem>> -> memref<128x128xf32, #tpu.memory_space<vmem>>
        %dma_wait3A_170 = arith.constant 0 : i32
        %dma_wait3A_171 = arith.constant 0 : i32
        %dma_wait3A_172 = tpu.memref_slice %arg6[%dma_wait3A_170, %dma_wait3A_171] : memref<10240x128xf32, #tpu.memory_space<vmem_shared>> -> memref<10240x128xf32, #tpu.memory_space<vmem_shared>>
        tpu.wait_indirect_dma semaphore(%run_scoped3A : memref<!tpu.dma_semaphore, #tpu.memory_space<semaphore_mem>>) src(%dma_wait3A_169 : memref<128x128xf32, #tpu.memory_space<vmem>>) dst(%dma_wait3A_172 : memref<10240x128xf32, #tpu.memory_space<vmem_shared>>)
        tpu.yield
      }) : () -> ()
      %add3A_153 = arith.constant 2 : i32
      %add3A_154 = arith.addi %add3A_139, %add3A_153 : i32
      %lt3A_155 = arith.constant 78 : i32
      %lt3A_156 = arith.cmpi slt, %add3A_154, %lt3A_155 : i32
      %convert_element_type3A_157 = arith.extui %lt3A_156 : i1 to i32
      %cond3A_158 = arith.constant 0 : i32
      %cond3A_159 = arith.cmpi ne, %convert_element_type3A_157, %cond3A_158 : i32
      scf.if %cond3A_159 {
        %add3A_161 = arith.constant 2 : i32
        %add3A_162 = arith.addi %add3A_139, %add3A_161 : i32
        %mul3A_163 = arith.constant 128 : i32
        %mul3A_164 = arith.muli %add3A_162, %mul3A_163 : i32
        %add3A_165 = arith.addi %mul3A_4, %mul3A_164 : i32
        %dma_start3A_166 = tpu.memref_slice %arg3[%add3A_165] : memref<320000xi32, #tpu.memory_space<hbm>> -> memref<128xi32, #tpu.memory_space<hbm>>
        %dma_start3A_167 = tpu.memref_slice %arg3[%add3A_165] : memref<320000xi32, #tpu.memory_space<hbm>> -> memref<128xi32, #tpu.memory_space<hbm>>
        tpu.enqueue_dma source(%dma_start3A_167 : memref<128xi32, #tpu.memory_space<hbm>>) target(%arg8 : memref<128xi32, #tpu.memory_space<vmem>>) target_semaphore(%arg17 : memref<!tpu.dma_semaphore, #tpu.memory_space<semaphore_mem>>)
        %dma_start3A_168 = tpu.memref_slice %arg4[%add3A_165] : memref<320000xi32, #tpu.memory_space<hbm>> -> memref<128xi32, #tpu.memory_space<hbm>>
        %dma_start3A_169 = tpu.memref_slice %arg4[%add3A_165] : memref<320000xi32, #tpu.memory_space<hbm>> -> memref<128xi32, #tpu.memory_space<hbm>>
        tpu.enqueue_dma source(%dma_start3A_169 : memref<128xi32, #tpu.memory_space<hbm>>) target(%arg10 : memref<128xi32, #tpu.memory_space<vmem>>) target_semaphore(%arg17 : memref<!tpu.dma_semaphore, #tpu.memory_space<semaphore_mem>>)
      } else {
      }
      %scan3A_160 = arith.constant 0 : i32
      scf.yield %scan3A_160 : i32
    }
    %scan3A_87 = arith.constant 39 : i32
    %dma_wait3A_88 = arith.constant 0 : i32
    %dma_wait3A_89 = tpu.memref_slice %arg3[%dma_wait3A_88] : memref<320000xi32, #tpu.memory_space<hbm>> -> memref<16xi32, #tpu.memory_space<hbm>>
    %dma_wait3A_90 = arith.constant 0 : i32
    %dma_wait3A_91 = tpu.memref_slice %arg3[%dma_wait3A_90] : memref<320000xi32, #tpu.memory_space<hbm>> -> memref<16xi32, #tpu.memory_space<hbm>>
    tpu.wait_dma2 semaphore(%arg20 : memref<!tpu.dma_semaphore, #tpu.memory_space<semaphore_mem>>) src(%dma_wait3A_91 : memref<16xi32, #tpu.memory_space<hbm>>) dst(%arg12 : memref<16xi32, #tpu.memory_space<vmem>>)
    %dma_wait3A_92 = arith.constant 0 : i32
    %dma_wait3A_93 = tpu.memref_slice %arg4[%dma_wait3A_92] : memref<320000xi32, #tpu.memory_space<hbm>> -> memref<16xi32, #tpu.memory_space<hbm>>
    %dma_wait3A_94 = arith.constant 0 : i32
    %dma_wait3A_95 = tpu.memref_slice %arg4[%dma_wait3A_94] : memref<320000xi32, #tpu.memory_space<hbm>> -> memref<16xi32, #tpu.memory_space<hbm>>
    tpu.wait_dma2 semaphore(%arg20 : memref<!tpu.dma_semaphore, #tpu.memory_space<semaphore_mem>>) src(%dma_wait3A_95 : memref<16xi32, #tpu.memory_space<hbm>>) dst(%arg13 : memref<16xi32, #tpu.memory_space<vmem>>)
    %dma_start3A_96 = arith.constant 0 : i32
    %dma_start3A_97 = arith.constant 0 : i32
    %dma_start3A_98 = tpu.memref_slice %arg2[%dma_start3A_96, %dma_start3A_97] : memref<10000x128xf32, #tpu.memory_space<hbm>> -> memref<10000x128xf32, #tpu.memory_space<hbm>>
    tpu.enqueue_indirect_dma source(%dma_start3A_98 : memref<10000x128xf32, #tpu.memory_space<hbm>>) target(%arg14 : memref<16x128xf32, #tpu.memory_space<vmem>>) offsets(%arg12 : memref<16xi32, #tpu.memory_space<vmem>>) semaphore(%arg20 : memref<!tpu.dma_semaphore, #tpu.memory_space<semaphore_mem>>)
    %dma_wait3A_99 = arith.constant 0 : i32
    %dma_wait3A_100 = arith.constant 0 : i32
    %dma_wait3A_101 = tpu.memref_slice %arg2[%dma_wait3A_99, %dma_wait3A_100] : memref<10000x128xf32, #tpu.memory_space<hbm>> -> memref<10000x128xf32, #tpu.memory_space<hbm>>
    tpu.wait_indirect_dma semaphore(%arg20 : memref<!tpu.dma_semaphore, #tpu.memory_space<semaphore_mem>>) src(%dma_wait3A_101 : memref<10000x128xf32, #tpu.memory_space<hbm>>) dst(%arg14 : memref<16x128xf32, #tpu.memory_space<vmem>>)
    "tpu.region"() ({
      %run_scoped3A = tpu.sem_alloc : memref<!tpu.dma_semaphore, #tpu.memory_space<semaphore_mem>>
      %dma_start3A_113 = arith.constant 0 : i32
      %dma_start3A_114 = arith.constant 0 : i32
      %dma_start3A_115 = tpu.memref_slice %arg6[%dma_start3A_113, %dma_start3A_114] : memref<10240x128xf32, #tpu.memory_space<vmem_shared>> -> memref<10240x128xf32, #tpu.memory_space<vmem_shared>>
      tpu.enqueue_indirect_dma source(%arg14 : memref<16x128xf32, #tpu.memory_space<vmem>>) target(%dma_start3A_115 : memref<10240x128xf32, #tpu.memory_space<vmem_shared>>) offsets(%arg13 : memref<16xi32, #tpu.memory_space<vmem>>) semaphore(%run_scoped3A : memref<!tpu.dma_semaphore, #tpu.memory_space<semaphore_mem>>) {add = true}
      %dma_wait3A_116 = arith.constant 0 : i32
      %dma_wait3A_117 = arith.constant 0 : i32
      %dma_wait3A_118 = tpu.memref_slice %arg6[%dma_wait3A_116, %dma_wait3A_117] : memref<10240x128xf32, #tpu.memory_space<vmem_shared>> -> memref<10240x128xf32, #tpu.memory_space<vmem_shared>>
      tpu.wait_indirect_dma semaphore(%run_scoped3A : memref<!tpu.dma_semaphore, #tpu.memory_space<semaphore_mem>>) src(%arg14 : memref<16x128xf32, #tpu.memory_space<vmem>>) dst(%dma_wait3A_118 : memref<10240x128xf32, #tpu.memory_space<vmem_shared>>)
      tpu.yield
    }) : () -> ()
    %barrier3A_102 = arith.constant 0 : index
    tpu.barrier barrier_id(%barrier3A_102)
    %add3A_103 = arith.constant 0 : i32
    %add3A_104 = arith.addi %mul3A_2, %add3A_103 : i32
    "tpu.region"() ({
      %run_scoped3A = tpu.sem_alloc : memref<!tpu.dma_semaphore, #tpu.memory_space<semaphore_mem>>
      %dma_start3A_113 = arith.constant 0 : i32
      %dma_start3A_114 = tpu.memref_slice %arg5[%arg0, %add3A_104, %dma_start3A_113] : memref<2x10240x128xf32, #tpu.memory_space<hbm>> -> memref<1x128x128xf32, #tpu.memory_space<hbm>>
      %dma_start3A_115 = tpu.memref_squeeze %dma_start3A_114 : memref<1x128x128xf32, #tpu.memory_space<hbm>> -> memref<128x128xf32, #tpu.memory_space<hbm>>
      %dma_start3A_116 = arith.constant 0 : i32
      %dma_start3A_117 = tpu.memref_slice %arg6[%add3A_104, %dma_start3A_116] : memref<10240x128xf32, #tpu.memory_space<vmem_shared>> -> memref<128x128xf32, #tpu.memory_space<vmem_shared>>
      tpu.enqueue_dma source(%dma_start3A_117 : memref<128x128xf32, #tpu.memory_space<vmem_shared>>) target(%dma_start3A_115 : memref<128x128xf32, #tpu.memory_space<hbm>>) target_semaphore(%run_scoped3A : memref<!tpu.dma_semaphore, #tpu.memory_space<semaphore_mem>>)
      %dma_wait3A_118 = arith.constant 0 : i32
      %dma_wait3A_119 = tpu.memref_slice %arg5[%arg0, %add3A_104, %dma_wait3A_118] : memref<2x10240x128xf32, #tpu.memory_space<hbm>> -> memref<1x128x128xf32, #tpu.memory_space<hbm>>
      %dma_wait3A_120 = tpu.memref_squeeze %dma_wait3A_119 : memref<1x128x128xf32, #tpu.memory_space<hbm>> -> memref<128x128xf32, #tpu.memory_space<hbm>>
      %dma_wait3A_121 = arith.constant 0 : i32
      %dma_wait3A_122 = tpu.memref_slice %arg6[%add3A_104, %dma_wait3A_121] : memref<10240x128xf32, #tpu.memory_space<vmem_shared>> -> memref<128x128xf32, #tpu.memory_space<vmem_shared>>
      tpu.wait_dma2 semaphore(%run_scoped3A : memref<!tpu.dma_semaphore, #tpu.memory_space<semaphore_mem>>) src(%dma_wait3A_122 : memref<128x128xf32, #tpu.memory_space<vmem_shared>>) dst(%dma_wait3A_120 : memref<128x128xf32, #tpu.memory_space<hbm>>)
      tpu.yield
    }) : () -> ()
    %add3A_105 = arith.constant 128 : i32
    %add3A_106 = arith.addi %mul3A_2, %add3A_105 : i32
    "tpu.region"() ({
      %run_scoped3A = tpu.sem_alloc : memref<!tpu.dma_semaphore, #tpu.memory_space<semaphore_mem>>
      %dma_start3A_113 = arith.constant 0 : i32
      %dma_start3A_114 = tpu.memref_slice %arg5[%arg0, %add3A_106, %dma_start3A_113] : memref<2x10240x128xf32, #tpu.memory_space<hbm>> -> memref<1x128x128xf32, #tpu.memory_space<hbm>>
      %dma_start3A_115 = tpu.memref_squeeze %dma_start3A_114 : memref<1x128x128xf32, #tpu.memory_space<hbm>> -> memref<128x128xf32, #tpu.memory_space<hbm>>
      %dma_start3A_116 = arith.constant 0 : i32
      %dma_start3A_117 = tpu.memref_slice %arg6[%add3A_106, %dma_start3A_116] : memref<10240x128xf32, #tpu.memory_space<vmem_shared>> -> memref<128x128xf32, #tpu.memory_space<vmem_shared>>
      tpu.enqueue_dma source(%dma_start3A_117 : memref<128x128xf32, #tpu.memory_space<vmem_shared>>) target(%dma_start3A_115 : memref<128x128xf32, #tpu.memory_space<hbm>>) target_semaphore(%run_scoped3A : memref<!tpu.dma_semaphore, #tpu.memory_space<semaphore_mem>>)
      %dma_wait3A_118 = arith.constant 0 : i32
      %dma_wait3A_119 = tpu.memref_slice %arg5[%arg0, %add3A_106, %dma_wait3A_118] : memref<2x10240x128xf32, #tpu.memory_space<hbm>> -> memref<1x128x128xf32, #tpu.memory_space<hbm>>
      %dma_wait3A_120 = tpu.memref_squeeze %dma_wait3A_119 : memref<1x128x128xf32, #tpu.memory_space<hbm>> -> memref<128x128xf32, #tpu.memory_space<hbm>>
      %dma_wait3A_121 = arith.constant 0 : i32
      %dma_wait3A_122 = tpu.memref_slice %arg6[%add3A_106, %dma_wait3A_121] : memref<10240x128xf32, #tpu.memory_space<vmem_shared>> -> memref<128x128xf32, #tpu.memory_space<vmem_shared>>
      tpu.wait_dma2 semaphore(%run_scoped3A : memref<!tpu.dma_semaphore, #tpu.memory_space<semaphore_mem>>) src(%dma_wait3A_122 : memref<128x128xf32, #tpu.memory_space<vmem_shared>>) dst(%dma_wait3A_120 : memref<128x128xf32, #tpu.memory_space<hbm>>)
      tpu.yield
    }) : () -> ()
    %add3A_107 = arith.constant 256 : i32
    %add3A_108 = arith.addi %mul3A_2, %add3A_107 : i32
    "tpu.region"() ({
      %run_scoped3A = tpu.sem_alloc : memref<!tpu.dma_semaphore, #tpu.memory_space<semaphore_mem>>
      %dma_start3A_113 = arith.constant 0 : i32
      %dma_start3A_114 = tpu.memref_slice %arg5[%arg0, %add3A_108, %dma_start3A_113] : memref<2x10240x128xf32, #tpu.memory_space<hbm>> -> memref<1x128x128xf32, #tpu.memory_space<hbm>>
      %dma_start3A_115 = tpu.memref_squeeze %dma_start3A_114 : memref<1x128x128xf32, #tpu.memory_space<hbm>> -> memref<128x128xf32, #tpu.memory_space<hbm>>
      %dma_start3A_116 = arith.constant 0 : i32
      %dma_start3A_117 = tpu.memref_slice %arg6[%add3A_108, %dma_start3A_116] : memref<10240x128xf32, #tpu.memory_space<vmem_shared>> -> memref<128x128xf32, #tpu.memory_space<vmem_shared>>
      tpu.enqueue_dma source(%dma_start3A_117 : memref<128x128xf32, #tpu.memory_space<vmem_shared>>) target(%dma_start3A_115 : memref<128x128xf32, #tpu.memory_space<hbm>>) target_semaphore(%run_scoped3A : memref<!tpu.dma_semaphore, #tpu.memory_space<semaphore_mem>>)
      %dma_wait3A_118 = arith.constant 0 : i32
      %dma_wait3A_119 = tpu.memref_slice %arg5[%arg0, %add3A_108, %dma_wait3A_118] : memref<2x10240x128xf32, #tpu.memory_space<hbm>> -> memref<1x128x128xf32, #tpu.memory_space<hbm>>
      %dma_wait3A_120 = tpu.memref_squeeze %dma_wait3A_119 : memref<1x128x128xf32, #tpu.memory_space<hbm>> -> memref<128x128xf32, #tpu.memory_space<hbm>>
      %dma_wait3A_121 = arith.constant 0 : i32
      %dma_wait3A_122 = tpu.memref_slice %arg6[%add3A_108, %dma_wait3A_121] : memref<10240x128xf32, #tpu.memory_space<vmem_shared>> -> memref<128x128xf32, #tpu.memory_space<vmem_shared>>
      tpu.wait_dma2 semaphore(%run_scoped3A : memref<!tpu.dma_semaphore, #tpu.memory_space<semaphore_mem>>) src(%dma_wait3A_122 : memref<128x128xf32, #tpu.memory_space<vmem_shared>>) dst(%dma_wait3A_120 : memref<128x128xf32, #tpu.memory_space<hbm>>)
      tpu.yield
    }) : () -> ()
    %add3A_109 = arith.constant 384 : i32
    %add3A_110 = arith.addi %mul3A_2, %add3A_109 : i32
    "tpu.region"() ({
      %run_scoped3A = tpu.sem_alloc : memref<!tpu.dma_semaphore, #tpu.memory_space<semaphore_mem>>
      %dma_start3A_113 = arith.constant 0 : i32
      %dma_start3A_114 = tpu.memref_slice %arg5[%arg0, %add3A_110, %dma_start3A_113] : memref<2x10240x128xf32, #tpu.memory_space<hbm>> -> memref<1x128x128xf32, #tpu.memory_space<hbm>>
      %dma_start3A_115 = tpu.memref_squeeze %dma_start3A_114 : memref<1x128x128xf32, #tpu.memory_space<hbm>> -> memref<128x128xf32, #tpu.memory_space<hbm>>
      %dma_start3A_116 = arith.constant 0 : i32
      %dma_start3A_117 = tpu.memref_slice %arg6[%add3A_110, %dma_start3A_116] : memref<10240x128xf32, #tpu.memory_space<vmem_shared>> -> memref<128x128xf32, #tpu.memory_space<vmem_shared>>
      tpu.enqueue_dma source(%dma_start3A_117 : memref<128x128xf32, #tpu.memory_space<vmem_shared>>) target(%dma_start3A_115 : memref<128x128xf32, #tpu.memory_space<hbm>>) target_semaphore(%run_scoped3A : memref<!tpu.dma_semaphore, #tpu.memory_space<semaphore_mem>>)
      %dma_wait3A_118 = arith.constant 0 : i32
      %dma_wait3A_119 = tpu.memref_slice %arg5[%arg0, %add3A_110, %dma_wait3A_118] : memref<2x10240x128xf32, #tpu.memory_space<hbm>> -> memref<1x128x128xf32, #tpu.memory_space<hbm>>
      %dma_wait3A_120 = tpu.memref_squeeze %dma_wait3A_119 : memref<1x128x128xf32, #tpu.memory_space<hbm>> -> memref<128x128xf32, #tpu.memory_space<hbm>>
      %dma_wait3A_121 = arith.constant 0 : i32
      %dma_wait3A_122 = tpu.memref_slice %arg6[%add3A_110, %dma_wait3A_121] : memref<10240x128xf32, #tpu.memory_space<vmem_shared>> -> memref<128x128xf32, #tpu.memory_space<vmem_shared>>
      tpu.wait_dma2 semaphore(%run_scoped3A : memref<!tpu.dma_semaphore, #tpu.memory_space<semaphore_mem>>) src(%dma_wait3A_122 : memref<128x128xf32, #tpu.memory_space<vmem_shared>>) dst(%dma_wait3A_120 : memref<128x128xf32, #tpu.memory_space<hbm>>)
      tpu.yield
    }) : () -> ()
    %add3A_111 = arith.constant 512 : i32
    %add3A_112 = arith.addi %mul3A_2, %add3A_111 : i32
    "tpu.region"() ({
      %run_scoped3A = tpu.sem_alloc : memref<!tpu.dma_semaphore, #tpu.memory_space<semaphore_mem>>
      %dma_start3A_113 = arith.constant 0 : i32
      %dma_start3A_114 = tpu.memref_slice %arg5[%arg0, %add3A_112, %dma_start3A_113] : memref<2x10240x128xf32, #tpu.memory_space<hbm>> -> memref<1x128x128xf32, #tpu.memory_space<hbm>>
      %dma_start3A_115 = tpu.memref_squeeze %dma_start3A_114 : memref<1x128x128xf32, #tpu.memory_space<hbm>> -> memref<128x128xf32, #tpu.memory_space<hbm>>
      %dma_start3A_116 = arith.constant 0 : i32
      %dma_start3A_117 = tpu.memref_slice %arg6[%add3A_112, %dma_start3A_116] : memref<10240x128xf32, #tpu.memory_space<vmem_shared>> -> memref<128x128xf32, #tpu.memory_space<vmem_shared>>
      tpu.enqueue_dma source(%dma_start3A_117 : memref<128x128xf32, #tpu.memory_space<vmem_shared>>) target(%dma_start3A_115 : memref<128x128xf32, #tpu.memory_space<hbm>>) target_semaphore(%run_scoped3A : memref<!tpu.dma_semaphore, #tpu.memory_space<semaphore_mem>>)
      %dma_wait3A_118 = arith.constant 0 : i32
      %dma_wait3A_119 = tpu.memref_slice %arg5[%arg0, %add3A_112, %dma_wait3A_118] : memref<2x10240x128xf32, #tpu.memory_space<hbm>> -> memref<1x128x128xf32, #tpu.memory_space<hbm>>
      %dma_wait3A_120 = tpu.memref_squeeze %dma_wait3A_119 : memref<1x128x128xf32, #tpu.memory_space<hbm>> -> memref<128x128xf32, #tpu.memory_space<hbm>>
      %dma_wait3A_121 = arith.constant 0 : i32
      %dma_wait3A_122 = tpu.memref_slice %arg6[%add3A_112, %dma_wait3A_121] : memref<10240x128xf32, #tpu.memory_space<vmem_shared>> -> memref<128x128xf32, #tpu.memory_space<vmem_shared>>
      tpu.wait_dma2 semaphore(%run_scoped3A : memref<!tpu.dma_semaphore, #tpu.memory_space<semaphore_mem>>) src(%dma_wait3A_122 : memref<128x128xf32, #tpu.memory_space<vmem_shared>>) dst(%dma_wait3A_120 : memref<128x128xf32, #tpu.memory_space<hbm>>)
      tpu.yield
    }) : () -> ()
    return
  }
}

module attributes {stable_mosaic.version = 14 : i64} {
  func.func @_mm_body(%arg0: i32, %arg1: memref<1024x128xf32, #tpu.memory_space<vmem>>, %arg2: memref<128x128xf32, #tpu.memory_space<vmem>>, %arg3: memref<1024x128xf32, #tpu.memory_space<vmem>>) attributes {dimension_semantics = [#tpu.dimension_semantics<arbitrary>], iteration_bounds = array<i64: 10>, scalar_prefetch = 0 : i64, scratch_operands = 0 : i64, tpu.core_type = #tpu.core_type<tc>, window_params = [{transform_indices = @transform_0, window_bounds = array<i64: 1024, 128>}, {pipeline_mode = #tpu.pipeline_mode<synchronous>, transform_indices = @transform_1, window_bounds = array<i64: 128, 128>}, {transform_indices = @transform_2, window_bounds = array<i64: 1024, 128>}]} {
    %get3A = arith.constant 0 : index
    %get3A_0 = arith.constant 0 : index
    %get3A_1 = vector.load %arg1[%get3A, %get3A_0] : memref<1024x128xf32, #tpu.memory_space<vmem>>, vector<1024x128xf32>
    %get3A_2 = arith.constant 0 : index
    %get3A_3 = arith.constant 0 : index
    %get3A_4 = vector.load %arg2[%get3A_2, %get3A_3] : memref<128x128xf32, #tpu.memory_space<vmem>>, vector<128x128xf32>
    %dot_general3A = arith.constant dense<0.000000e+00> : vector<1024x128xf32>
    %dot_general3A_5 = tpu.matmul %get3A_1, %get3A_4, %dot_general3A {dimension_numbers = #tpu.dot_dimension_numbers<[1], [0], [0], [1], [0, 0, 1, 1], [], []>, precision = #tpu.contract_precision<fp32>, transpose_lhs_hint = false} : vector<1024x128xf32>, vector<128x128xf32>, vector<1024x128xf32> -> vector<1024x128xf32>
    %swap3A = arith.constant 0 : index
    %swap3A_6 = arith.constant 0 : index
    %swap3A_7 = vector.load %arg3[%swap3A, %swap3A_6] : memref<1024x128xf32, #tpu.memory_space<vmem>>, vector<1024x128xf32>
    tpu.vector_store %arg3[%swap3A, %swap3A_6], %dot_general3A_5 {strides = array<i32>} : memref<1024x128xf32, #tpu.memory_space<vmem>>, vector<1024x128xf32>,
    return
  }
  func.func @transform_0(%arg0: i32) -> (i32, i32) {
    %c0_i32 = arith.constant 0 : i32
    %c0_i32_0 = arith.constant 0 : i32
    return %arg0, %c0_i32 : i32, i32
  }
  func.func @transform_1(%arg0: i32) -> (i32, i32) {
    %c0_i32 = arith.constant 0 : i32
    %c0_i32_0 = arith.constant 0 : i32
    %c0_i32_1 = arith.constant 0 : i32
    return %c0_i32, %c0_i32_0 : i32, i32
  }
  func.func @transform_2(%arg0: i32) -> (i32, i32) {
    %c0_i32 = arith.constant 0 : i32
    %c0_i32_0 = arith.constant 0 : i32
    return %arg0, %c0_i32 : i32, i32
  }
}

module attributes {stable_mosaic.version = 14 : i64} {
  func.func @_final_body(%arg0: i32, %arg1: memref<1024x128xf32, #tpu.memory_space<vmem>>, %arg2: memref<2x1024x128xf32, #tpu.memory_space<vmem>>, %arg3: memref<2x1024xf32, #tpu.memory_space<vmem>>, %arg4: memref<128x128xf32, #tpu.memory_space<vmem>>, %arg5: memref<1x128xf32, #tpu.memory_space<vmem>>, %arg6: memref<1024x128xf32, #tpu.memory_space<vmem>>) attributes {dimension_semantics = [#tpu.dimension_semantics<arbitrary>], iteration_bounds = array<i64: 10>, scalar_prefetch = 0 : i64, scratch_operands = 0 : i64, tpu.core_type = #tpu.core_type<tc>, window_params = [{transform_indices = @transform_0, window_bounds = array<i64: 1024, 128>}, {transform_indices = @transform_1, window_bounds = array<i64: 2, 1024, 128>}, {transform_indices = @transform_2, window_bounds = array<i64: 2, 1024>}, {pipeline_mode = #tpu.pipeline_mode<synchronous>, transform_indices = @transform_3, window_bounds = array<i64: 128, 128>}, {pipeline_mode = #tpu.pipeline_mode<synchronous>, transform_indices = @transform_4, window_bounds = array<i64: 1, 128>}, {transform_indices = @transform_5, window_bounds = array<i64: 1024, 128>}]} {
    %get3A = arith.constant 0 : index
    %get3A_0 = arith.constant 0 : index
    %get3A_1 = arith.constant 0 : index
    %get3A_2 = vector.load %arg2[%get3A, %get3A_0, %get3A_1] : memref<2x1024x128xf32, #tpu.memory_space<vmem>>, vector<1x1024x128xf32>
    %get3A_3 = vector.shape_cast %get3A_2 : vector<1x1024x128xf32> to vector<1024x128xf32>
    %get3A_4 = arith.constant 1 : index
    %get3A_5 = arith.constant 0 : index
    %get3A_6 = arith.constant 0 : index
    %get3A_7 = vector.load %arg2[%get3A_4, %get3A_5, %get3A_6] : memref<2x1024x128xf32, #tpu.memory_space<vmem>>, vector<1x1024x128xf32>
    %get3A_8 = vector.shape_cast %get3A_7 : vector<1x1024x128xf32> to vector<1024x128xf32>
    %add3A = arith.addf %get3A_3, %get3A_8 : vector<1024x128xf32>
    %get3A_9 = arith.constant 0 : index
    %get3A_10 = arith.constant 0 : index
    %get3A_11 = vector.load %arg3[%get3A_9, %get3A_10] : memref<2x1024xf32, #tpu.memory_space<vmem>>, vector<2x1024xf32>
    %reduce_sum3A = arith.constant dense<0.000000e+00> : vector<1024xf32>
    %reduce_sum3A_12 = vector.multi_reduction <add>, %get3A_11, %reduce_sum3A [0] : vector<2x1024xf32> to vector<1024xf32>
    %broadcast_in_dim3A = vector.shape_cast %reduce_sum3A_12 : vector<1024xf32> to vector<1024x1xf32>
    %max3A = arith.constant 1.000000e+00 : f32
    %max3A_13 = vector.broadcast %max3A : f32 to vector<1024x1xf32>
    %max3A_14 = arith.maximumf %broadcast_in_dim3A, %max3A_13 : vector<1024x1xf32>
    %div3A = arith.constant 1.000000e+00 : f32
    %div3A_15 = vector.broadcast %div3A : f32 to vector<1024x1xf32>
    %div3A_16 = arith.divf %div3A_15, %max3A_14 : vector<1024x1xf32>
    %mul3A = vector.broadcast %div3A_16 : vector<1024x1xf32> to vector<1024x128xf32>
    %mul3A_17 = arith.mulf %add3A, %mul3A : vector<1024x128xf32>
    %get3A_18 = arith.constant 0 : index
    %get3A_19 = arith.constant 0 : index
    %get3A_20 = vector.load %arg1[%get3A_18, %get3A_19] : memref<1024x128xf32, #tpu.memory_space<vmem>>, vector<1024x128xf32>
    %get3A_21 = arith.constant 0 : index
    %get3A_22 = arith.constant 0 : index
    %get3A_23 = vector.load %arg4[%get3A_21, %get3A_22] : memref<128x128xf32, #tpu.memory_space<vmem>>, vector<128x128xf32>
    %dot_general3A = arith.constant dense<0.000000e+00> : vector<1024x128xf32>
    %dot_general3A_24 = tpu.matmul %get3A_20, %get3A_23, %dot_general3A {dimension_numbers = #tpu.dot_dimension_numbers<[1], [0], [0], [1], [0, 0, 1, 1], [], []>, precision = #tpu.contract_precision<fp32>, transpose_lhs_hint = false} : vector<1024x128xf32>, vector<128x128xf32>, vector<1024x128xf32> -> vector<1024x128xf32>
    %add3A_25 = arith.addf %dot_general3A_24, %mul3A_17 : vector<1024x128xf32>
    %get3A_26 = arith.constant 0 : index
    %get3A_27 = arith.constant 0 : index
    %get3A_28 = vector.load %arg5[%get3A_26, %get3A_27] : memref<1x128xf32, #tpu.memory_space<vmem>>, vector<1x128xf32>
    %add3A_29 = vector.broadcast %get3A_28 : vector<1x128xf32> to vector<1024x128xf32>
    %add3A_30 = arith.addf %add3A_25, %add3A_29 : vector<1024x128xf32>
    %swap3A = arith.constant 0 : index
    %swap3A_31 = arith.constant 0 : index
    %swap3A_32 = vector.load %arg6[%swap3A, %swap3A_31] : memref<1024x128xf32, #tpu.memory_space<vmem>>, vector<1024x128xf32>
    tpu.vector_store %arg6[%swap3A, %swap3A_31], %add3A_30 {strides = array<i32>} : memref<1024x128xf32, #tpu.memory_space<vmem>>, vector<1024x128xf32>,
    return
  }
  func.func @transform_0(%arg0: i32) -> (i32, i32) {
    %c0_i32 = arith.constant 0 : i32
    %c0_i32_0 = arith.constant 0 : i32
    return %arg0, %c0_i32 : i32, i32
  }
  func.func @transform_1(%arg0: i32) -> (i32, i32, i32) {
    %c0_i32 = arith.constant 0 : i32
    %c0_i32_0 = arith.constant 0 : i32
    %c0_i32_1 = arith.constant 0 : i32
    return %c0_i32, %arg0, %c0_i32_0 : i32, i32, i32
  }
  func.func @transform_2(%arg0: i32) -> (i32, i32) {
    %c0_i32 = arith.constant 0 : i32
    %c0_i32_0 = arith.constant 0 : i32
    return %c0_i32, %arg0 : i32, i32
  }
  func.func @transform_3(%arg0: i32) -> (i32, i32) {
    %c0_i32 = arith.constant 0 : i32
    %c0_i32_0 = arith.constant 0 : i32
    %c0_i32_1 = arith.constant 0 : i32
    return %c0_i32, %c0_i32_0 : i32, i32
  }
  func.func @transform_4(%arg0: i32) -> (i32, i32) {
    %c0_i32 = arith.constant 0 : i32
    %c0_i32_0 = arith.constant 0 : i32
    %c0_i32_1 = arith.constant 0 : i32
    return %c0_i32, %c0_i32_0 : i32, i32
  }
  func.func @transform_5(%arg0: i32) -> (i32, i32) {
    %c0_i32 = arith.constant 0 : i32
    %c0_i32_0 = arith.constant 0 : i32
    return %arg0, %c0_i32 : i32, i32
  }
}

module attributes {stable_mosaic.version = 14 : i64} {
  func.func @_step_body(%arg0: i32, %arg1: memref<1024x128xf32, #tpu.memory_space<vmem>>, %arg2: memref<2x1024x128xf32, #tpu.memory_space<vmem>>, %arg3: memref<2x1024xf32, #tpu.memory_space<vmem>>, %arg4: memref<128x128xf32, #tpu.memory_space<vmem>>, %arg5: memref<128x128xf32, #tpu.memory_space<vmem>>, %arg6: memref<1x128xf32, #tpu.memory_space<vmem>>, %arg7: memref<1024x128xf32, #tpu.memory_space<vmem>>, %arg8: memref<1024x128xf32, #tpu.memory_space<vmem>>) attributes {dimension_semantics = [#tpu.dimension_semantics<arbitrary>], iteration_bounds = array<i64: 10>, scalar_prefetch = 0 : i64, scratch_operands = 0 : i64, tpu.core_type = #tpu.core_type<tc>, window_params = [{transform_indices = @transform_0, window_bounds = array<i64: 1024, 128>}, {transform_indices = @transform_1, window_bounds = array<i64: 2, 1024, 128>}, {transform_indices = @transform_2, window_bounds = array<i64: 2, 1024>}, {pipeline_mode = #tpu.pipeline_mode<synchronous>, transform_indices = @transform_3, window_bounds = array<i64: 128, 128>}, {pipeline_mode = #tpu.pipeline_mode<synchronous>, transform_indices = @transform_4, window_bounds = array<i64: 128, 128>}, {pipeline_mode = #tpu.pipeline_mode<synchronous>, transform_indices = @transform_5, window_bounds = array<i64: 1, 128>}, {transform_indices = @transform_6, window_bounds = array<i64: 1024, 128>}, {transform_indices = @transform_7, window_bounds = array<i64: 1024, 128>}]} {
    %get3A = arith.constant 0 : index
    %get3A_0 = arith.constant 0 : index
    %get3A_1 = arith.constant 0 : index
    %get3A_2 = vector.load %arg2[%get3A, %get3A_0, %get3A_1] : memref<2x1024x128xf32, #tpu.memory_space<vmem>>, vector<1x1024x128xf32>
    %get3A_3 = vector.shape_cast %get3A_2 : vector<1x1024x128xf32> to vector<1024x128xf32>
    %get3A_4 = arith.constant 1 : index
    %get3A_5 = arith.constant 0 : index
    %get3A_6 = arith.constant 0 : index
    %get3A_7 = vector.load %arg2[%get3A_4, %get3A_5, %get3A_6] : memref<2x1024x128xf32, #tpu.memory_space<vmem>>, vector<1x1024x128xf32>
    %get3A_8 = vector.shape_cast %get3A_7 : vector<1x1024x128xf32> to vector<1024x128xf32>
    %add3A = arith.addf %get3A_3, %get3A_8 : vector<1024x128xf32>
    %get3A_9 = arith.constant 0 : index
    %get3A_10 = arith.constant 0 : index
    %get3A_11 = vector.load %arg3[%get3A_9, %get3A_10] : memref<2x1024xf32, #tpu.memory_space<vmem>>, vector<2x1024xf32>
    %reduce_sum3A = arith.constant dense<0.000000e+00> : vector<1024xf32>
    %reduce_sum3A_12 = vector.multi_reduction <add>, %get3A_11, %reduce_sum3A [0] : vector<2x1024xf32> to vector<1024xf32>
    %broadcast_in_dim3A = vector.shape_cast %reduce_sum3A_12 : vector<1024xf32> to vector<1024x1xf32>
    %max3A = arith.constant 1.000000e+00 : f32
    %max3A_13 = vector.broadcast %max3A : f32 to vector<1024x1xf32>
    %max3A_14 = arith.maximumf %broadcast_in_dim3A, %max3A_13 : vector<1024x1xf32>
    %div3A = arith.constant 1.000000e+00 : f32
    %div3A_15 = vector.broadcast %div3A : f32 to vector<1024x1xf32>
    %div3A_16 = arith.divf %div3A_15, %max3A_14 : vector<1024x1xf32>
    %mul3A = vector.broadcast %div3A_16 : vector<1024x1xf32> to vector<1024x128xf32>
    %mul3A_17 = arith.mulf %add3A, %mul3A : vector<1024x128xf32>
    %get3A_18 = arith.constant 0 : index
    %get3A_19 = arith.constant 0 : index
    %get3A_20 = vector.load %arg1[%get3A_18, %get3A_19] : memref<1024x128xf32, #tpu.memory_space<vmem>>, vector<1024x128xf32>
    %get3A_21 = arith.constant 0 : index
    %get3A_22 = arith.constant 0 : index
    %get3A_23 = vector.load %arg4[%get3A_21, %get3A_22] : memref<128x128xf32, #tpu.memory_space<vmem>>, vector<128x128xf32>
    %dot_general3A = arith.constant dense<0.000000e+00> : vector<1024x128xf32>
    %dot_general3A_24 = tpu.matmul %get3A_20, %get3A_23, %dot_general3A {dimension_numbers = #tpu.dot_dimension_numbers<[1], [0], [0], [1], [0, 0, 1, 1], [], []>, precision = #tpu.contract_precision<fp32>, transpose_lhs_hint = false} : vector<1024x128xf32>, vector<128x128xf32>, vector<1024x128xf32> -> vector<1024x128xf32>
    %add3A_25 = arith.addf %dot_general3A_24, %mul3A_17 : vector<1024x128xf32>
    %get3A_26 = arith.constant 0 : index
    %get3A_27 = arith.constant 0 : index
    %get3A_28 = vector.load %arg6[%get3A_26, %get3A_27] : memref<1x128xf32, #tpu.memory_space<vmem>>, vector<1x128xf32>
    %add3A_29 = vector.broadcast %get3A_28 : vector<1x128xf32> to vector<1024x128xf32>
    %add3A_30 = arith.addf %add3A_25, %add3A_29 : vector<1024x128xf32>
    %max3A_31 = arith.constant 0.000000e+00 : f32
    %max3A_32 = vector.broadcast %max3A_31 : f32 to vector<1024x128xf32>
    %max3A_33 = arith.maximumf %add3A_30, %max3A_32 : vector<1024x128xf32>
    %swap3A = arith.constant 0 : index
    %swap3A_34 = arith.constant 0 : index
    %swap3A_35 = vector.load %arg7[%swap3A, %swap3A_34] : memref<1024x128xf32, #tpu.memory_space<vmem>>, vector<1024x128xf32>
    tpu.vector_store %arg7[%swap3A, %swap3A_34], %max3A_33 {strides = array<i32>} : memref<1024x128xf32, #tpu.memory_space<vmem>>, vector<1024x128xf32>,
    %get3A_36 = arith.constant 0 : index
    %get3A_37 = arith.constant 0 : index
    %get3A_38 = vector.load %arg5[%get3A_36, %get3A_37] : memref<128x128xf32, #tpu.memory_space<vmem>>, vector<128x128xf32>
    %dot_general3A_39 = arith.constant dense<0.000000e+00> : vector<1024x128xf32>
    %dot_general3A_40 = tpu.matmul %max3A_33, %get3A_38, %dot_general3A_39 {dimension_numbers = #tpu.dot_dimension_numbers<[1], [0], [0], [1], [0, 0, 1, 1], [], []>, precision = #tpu.contract_precision<fp32>, transpose_lhs_hint = false} : vector<1024x128xf32>, vector<128x128xf32>, vector<1024x128xf32> -> vector<1024x128xf32>
    %swap3A_41 = arith.constant 0 : index
    %swap3A_42 = arith.constant 0 : index
    %swap3A_43 = vector.load %arg8[%swap3A_41, %swap3A_42] : memref<1024x128xf32, #tpu.memory_space<vmem>>, vector<1024x128xf32>
    tpu.vector_store %arg8[%swap3A_41, %swap3A_42], %dot_general3A_40 {strides = array<i32>} : memref<1024x128xf32, #tpu.memory_space<vmem>>, vector<1024x128xf32>,
    return
  }
  func.func @transform_0(%arg0: i32) -> (i32, i32) {
    %c0_i32 = arith.constant 0 : i32
    %c0_i32_0 = arith.constant 0 : i32
    return %arg0, %c0_i32 : i32, i32
  }
  func.func @transform_1(%arg0: i32) -> (i32, i32, i32) {
    %c0_i32 = arith.constant 0 : i32
    %c0_i32_0 = arith.constant 0 : i32
    %c0_i32_1 = arith.constant 0 : i32
    return %c0_i32, %arg0, %c0_i32_0 : i32, i32, i32
  }
  func.func @transform_2(%arg0: i32) -> (i32, i32) {
    %c0_i32 = arith.constant 0 : i32
    %c0_i32_0 = arith.constant 0 : i32
    return %c0_i32, %arg0 : i32, i32
  }
  func.func @transform_3(%arg0: i32) -> (i32, i32) {
    %c0_i32 = arith.constant 0 : i32
    %c0_i32_0 = arith.constant 0 : i32
    %c0_i32_1 = arith.constant 0 : i32
    return %c0_i32, %c0_i32_0 : i32, i32
  }
  func.func @transform_4(%arg0: i32) -> (i32, i32) {
    %c0_i32 = arith.constant 0 : i32
    %c0_i32_0 = arith.constant 0 : i32
    %c0_i32_1 = arith.constant 0 : i32
    return %c0_i32, %c0_i32_0 : i32, i32
  }
  func.func @transform_5(%arg0: i32) -> (i32, i32) {
    %c0_i32 = arith.constant 0 : i32
    %c0_i32_0 = arith.constant 0 : i32
    %c0_i32_1 = arith.constant 0 : i32
    return %c0_i32, %c0_i32_0 : i32, i32
  }
  func.func @transform_6(%arg0: i32) -> (i32, i32) {
    %c0_i32 = arith.constant 0 : i32
    %c0_i32_0 = arith.constant 0 : i32
    return %arg0, %c0_i32 : i32, i32
  }
  func.func @transform_7(%arg0: i32) -> (i32, i32) {
    %c0_i32 = arith.constant 0 : i32
    %c0_i32_0 = arith.constant 0 : i32
    return %arg0, %c0_i32 : i32, i32
  }
}

</mosaic_0001>

<sc_bundles>
// kernel: kernel.12.cloned.1.call-start
scs
__scs_entry_jumppad:
0x0: {  	(pc) =	sbr.rel $0x88, $3  }
0x1: {  	(tag) =	ssettag $0x0;
	lr =	simm.s32 $0x1  }
0x2: {  	[smem:$0x3F96] =	sst lr;
	_ =	strace $0xD0000000  }
0x3: {  	_ = 	snop  }
0x4: {  	_ = 	snop  }
0x5: {  	_ = 	snop  }
0x6: {  	_ = 	snop  }
0x7: {  	_ = 	snop  }
__scs_overlays_trampoline_lowered:
0x8: {  	[smem:$0x3FA5] =	sst s0  }
0x9: {  	[smem:$0x3FA6] =	sst s1  }
0xa: {  	[smem:$0x3FA7] =	sst s2  }
0xb: {  	[smem:$0x3FA8] =	sst s3  }
0xc: {  	[smem:$0x3FA9] =	sst s4  }
0xd: {  	[smem:$0x3FAA] =	sst s5  }
0xe: {  	[smem:$0x3FAB] =	sst s6  }
0xf: {  	[smem:$0x3FAC] =	sst s7  }
0x10: {  	[smem:$0x3FAD] =	sst s8  }
0x11: {  	[smem:$0x3FAE] =	sst s9;
	s0 =	simm.s32 @!p0 $0x0  }
0x12: {  	s1 =	sld [smem:$0x3F94];
	s0 =	simm.s32 @p0 $0x1  }
0x13: {  	[smem:$0x3FAF] =	sst s0;
	s0 =	simm.s32 @!p1 $0x0  }
0x14: {  	s2 =	sld [smem:$0x3F93];
	s0 =	simm.s32 @p1 $0x1  }
0x15: {  	[smem:$0x3FB0] =	sst s0;
	s0 =	simm.s32 @!p2 $0x0  }
0x16: {  	s3 =	sld [smem:$0x3FDB];
	s0 =	simm.s32 @p2 $0x1  }
0x17: {  	s4 =	simm.s32 $0x1BF5;
	[smem:$0x3FB2] =	sst s0  }
0x18: {  	s0 =	sld [smem:$0x3F95];
	_ =	swait.ge [sflag:s4], $0x0  }
0x19: {  	s7 =	sld [smem:$0x3F96]  }
0x1a: {  	s8 =	sadd.s32 $0xFFFFE003, lr  }
0x1b: {  	s9 =	sadd.s32 $0xFFFFFEF7, lr;
	s5 =	simm.s32 $0xFFFFFFFF;
	p2 =	slt.u32 s8, $0xFFFFF086  }
0x1c: {  	p1 =	slt.u32 s9, $0xF7A;
	s5 =	simm.s32 @!p2 $0x0  }
0x1d: {  	s5 =	simm.s32 @p1 $0x1;
	p0 =	seq.s32 s7, s2  }
0x1e: {  	s7 =	smul.u32 @!p0 $0xF7A, s2;
	p2 =	seq.s32 @!p0 s5, $0x0  }
0x1f: {  	s9 =	smul.u32 $0xF7A, s1;
	s8 =	simm.s32 @!p0 $0x1BF5;
	p2 =	por !p2, p0  }
0x20: {  	[sflag:s8] =	ssyncset.s32 @!p0 $0xFFFFF086;
	s6 =	sadd.s32 @!p0 s3, s7;
	s7 =	simm.s32 @!p0 $0x108  }
0x21: {  	s3 =	sadd.s32 s3, s9;
	s6 =	sadd.s32 @!p0 $0x88, s6;
	s7 =	simm.s32 @p2 $0x1082  }
0x22: {  	[simem:s7], [sflag:s8] =	dma.local @!p0 [hbm:s6], $0xF7A  }
0x23: {  	s9 =	sor.u32 $0xD0000000, s2;
	s6 =	simm.s32 $0x108;
	_ =	swait.ge @!p0 [sflag:s8], $0x0  }
0x24: {  	s3 =	sadd.s32 $0x88, s3;
	s6 =	simm.s32 @!p1 $0x1082;
	[sflag:s4] =	ssyncset.s32 $0xFFFFF086  }
0x25: {  	[simem:s6], [sflag:s4] =	dma.local [hbm:s3], $0xF7A  }
0x26: {  	[smem:$0x3F96] =	sst s1;
	(tag) =	ssettag s2;
	_ =	strace s9  }
0x27: {  	s1 =	sld [smem:$0x3FA6]  }
0x28: {  	s2 =	sld [smem:$0x3FA7]  }
0x29: {  	s4 =	sld [smem:$0x3FA9]  }
0x2a: {  	p0 =	seq.s32 s5, $0x0;
	s5 =	sld [smem:$0x3FAA]  }
0x2b: {  	s6 =	sld [smem:$0x3FAB]  }
0x2c: {  	s7 =	sld [smem:$0x3FAC]  }
0x2d: {  	s3 =	simm.s32 $0x108;
	s8 =	sld [smem:$0x3FAD]  }
0x2e: {  	s3 =	simm.s32 @!p0 $0x1082;
	s9 =	sld [smem:$0x3FAE]  }
0x2f: {  	lr =	sadd.s32 s0, s3;
	s0 =	sld [smem:$0x3FA5]  }
0x30: {  	s3 =	sld [smem:$0x3FA8]  }
0x31: {  	[smem:$0x3FB1] =	sst s10  }
0x32: {  	s10 =	sld [smem:$0x3FAF];
	_ =	sdelay $0x3  }
0x33: {  	p0 =	seq.s32 s10, $0x1;
	s10 =	sld [smem:$0x3FB1];
	_ =	sdelay $0x3  }
0x34: {  	[smem:$0x3FB1] =	sst s10  }
0x35: {  	s10 =	sld [smem:$0x3FB0];
	_ =	sdelay $0x3  }
0x36: {  	p1 =	seq.s32 s10, $0x1;
	s10 =	sld [smem:$0x3FB1];
	_ =	sdelay $0x3  }
0x37: {  	[smem:$0x3FB1] =	sst s10  }
0x38: {  	s10 =	sld [smem:$0x3FB2]  }
0x39: {  	_ = 	snop;
	(pc) =	sbr.ind lr, $3  }
0x3a: {  	_ = 	snop  }
0x3b: {  	_ = 	snop  }
0x3c: {  	p2 =	seq.s32 s10, $0x1;
	s10 =	sld [smem:$0x3FB1]  }
0x3d: {  	_ =	shalt  }
0x3e: {  	_ =	shalt  }
0x3f: {  	_ =	shalt  }
0x40: {  	_ =	shalt  }
0x41: {  	_ =	shalt  }
0x42: {  	_ =	shalt  }
0x43: {  	_ =	shalt  }
0x44: {  	_ =	shalt  }
0x45: {  	_ =	shalt  }
0x46: {  	_ =	shalt  }
0x47: {  	_ =	shalt  }
0x48: {  	_ =	shalt  }
0x49: {  	_ =	shalt  }
0x4a: {  	_ =	shalt  }
0x4b: {  	_ =	shalt  }
0x4c: {  	_ =	shalt  }
0x4d: {  	_ =	shalt  }
0x4e: {  	_ =	shalt  }
0x4f: {  	_ =	shalt  }
0x50: {  	_ =	shalt  }
0x51: {  	_ =	shalt  }
0x52: {  	_ =	shalt  }
0x53: {  	_ =	shalt  }
0x54: {  	_ =	shalt  }
0x55: {  	_ =	shalt  }
0x56: {  	_ =	shalt  }
0x57: {  	_ =	shalt  }
0x58: {  	_ =	shalt  }
0x59: {  	_ =	shalt  }
0x5a: {  	_ =	shalt  }
0x5b: {  	_ =	shalt  }
0x5c: {  	_ =	shalt  }
0x5d: {  	_ =	shalt  }
0x5e: {  	_ =	shalt  }
0x5f: {  	_ =	shalt  }
0x60: {  	_ =	shalt  }
0x61: {  	_ =	shalt  }
0x62: {  	_ =	shalt  }
0x63: {  	_ =	shalt  }
0x64: {  	_ =	shalt  }
0x65: {  	_ =	shalt  }
0x66: {  	_ =	shalt  }
0x67: {  	_ =	shalt  }
0x68: {  	_ =	shalt  }
0x69: {  	_ =	shalt  }
0x6a: {  	_ =	shalt  }
0x6b: {  	_ =	shalt  }
0x6c: {  	_ =	shalt  }
0x6d: {  	_ =	shalt  }
0x6e: {  	_ =	shalt  }
0x6f: {  	_ =	shalt  }
0x70: {  	_ =	shalt  }
0x71: {  	_ =	shalt  }
0x72: {  	_ =	shalt  }
0x73: {  	_ =	shalt  }
0x74: {  	_ =	shalt  }
0x75: {  	_ =	shalt  }
0x76: {  	_ =	shalt  }
0x77: {  	_ =	shalt  }
0x78: {  	_ =	shalt  }
0x79: {  	_ =	shalt  }
0x7a: {  	_ =	shalt  }
0x7b: {  	_ =	shalt  }
0x7c: {  	_ =	shalt  }
0x7d: {  	_ =	shalt  }
0x7e: {  	_ =	shalt  }
0x7f: {  	_ =	shalt  }
0x80: {  	_ =	shalt  }
0x81: {  	_ =	shalt  }
0x82: {  	_ =	shalt  }
0x83: {  	_ =	shalt  }
0x84: {  	_ =	shalt  }
0x85: {  	_ =	shalt  }
0x86: {  	_ =	shalt  }
0x87: {  	_ =	shalt  }
.Lfunc_end0:
.L_simem_size_0:
called_computation.1_lowered:
.L_overlay_start_0:
0x88: {  	s2 =	sld [smem:$0x3FD9]  }
0x89: {  	s3 =	sld [smem:$0x3FFE];
	_ =	sdelay $0x1  }
0x8a: {  	s1 =	srdreg.scid  }
0x8b: {  	s0 =	sand.u32 $0x1, s1  }
0x8c: {  	s17 =	sshll.u32 s0, $0xA;
	s2 =	sadd.s32 s3, s2  }
0x8d: {  	s2 =	sadd.s32 s2, s17  }
0x8e: {  	[smem:$0x3FBD] =	sst s2  }
0x8f: {  	_ = 	snop  }
0x90: {  	s2 =	sld [smem:$0x3FD0];
	(tm) =	ssettm $0x1  }
0x91: {  	s18 =	sld [smem:$0x3FFB];
	_ =	sdelay $0x3  }
0x92: {  	_ =	strace s18  }
0x93: {  	s3 =	sld [smem:$0x3FFC];
	_ =	sdelay $0x3  }
0x94: {  	_ =	strace s3  }
0x95: {  	s3 =	sld [smem:$0x3FFD];
	_ =	sdelay $0x3  }
0x96: {  	_ =	strace s3  }
0x97: {  	_ =	strace $0x8FFFFFFF  }
0x98: {  	s19 =	sld [smem:$0x3FDB];
	_ =	sdelay $0x1  }
0x99: {  	s4 =	simm.s32 $_scs_section_size  }
0x9a: {  	s5 =	simm.s32 $_size__tile_overlayer_lowered;
	s6 =	simm.s32 $_tile_overlayer_lowered  }
0x9b: {  	s22 =	simm.s32 $0x1BFF;
	s21 =	sshll.u32 s6, $0x1;
	s3 =	sadd.s32 s4, s19  }
0x9c: {  	s7 =	simm.s32 $0x0;
	s20 =	sshll.u32 s5, $0x1;
	s5 =	sadd.s32 s21, s3  }
0x9d: {  	[timem:s7], [sflag:s22] =	dma.local [hbm:s5], s20  }
0x9e: {  	_ =	swait.ge [sflag:s22], s20  }
0x9f: {  	s4 =	ssub.s32 $0x0, s20;
	[sflag:s22] =	ssyncset.done $0x0  }
0xa0: {  	[sflag:s22] =	ssyncadd.s32 s4;
	_ =	sdelay $0x1  }
0xa1: {  	s23 =	simm.s32 $0x1B8B  }
0xa2: {  	_ =	swait.ge [sflag:s23], $0x1  }
0xa3: {  	[sflag:s23] =	ssyncset.done $0x0  }
0xa4: {  	s25 =	simm.s32 $0x1B8E;
	s24 =	sld [smem:$0x3FFE];
	[sflag:s23] =	ssyncadd.s32 $0xFFFFFFFF  }
0xa5: {  	s26 =	simm.s32 $execute0_lowered;
	[smem:$0x3FD2] =	sst s25  }
0xa6: {  	s5 =	sshll.u32 s26, $0x1;
	_ =	strace $0x80000049;
	[dreg:$0x1] =	wrdreg $0xFFFFFFFF  }
0xa7: {  	s28 =	simm.s32 $_size_execute0_lowered;
	s3 =	sadd.s32 s3, s5;
	[dreg:$0x0] =	wrdreg $0x0  }
0xa8: {  	s5 =	sshll.u32 s28, $0x1;
	[dreg:$0x2] =	wrdreg s3  }
0xa9: {  	[dreg:$0x3] =	wrdreg s5  }
0xaa: {  	[dreg:$0x4] =	wrdreg $0xC0  }
0xab: {  	_ =	task [dreg:s7], $0x5FFFF  }
0xac: {  	[dreg:$0x1] =	wrdreg $0xFFFFFFFF  }
0xad: {  	[dreg:$0x0] =	wrdreg $0x60  }
0xae: {  	[dreg:$0x2] =	wrdreg s2  }
0xaf: {  	[dreg:$0x3] =	wrdreg s24  }
0xb0: {  	[dreg:$0x4] =	wrdreg $0x0  }
0xb1: {  	[dreg:$0x5] =	wrdreg $0x9  }
0xb2: {  	_ =	task.clear_ibuf [dreg:s7], $0x6FFFF;
	_ =	strace $0x90000049  }
0xb3: {  	s29 =	simm.s32 $0x9;
	_ =	strace $0x8000004B  }
0xb4: {  	_ =	swait.ge [sflag:s29], $0x1  }
0xb5: {  	[sflag:s29] =	ssyncadd.s32 $0xFFFFFFFF  }
0xb6: {  	_ =	strace $0x9000004B  }
0xb7: {  	_ =	sfence  }
0xb8: {  	s30 =	sld [smem:$0x0];
	_ =	sdelay $0x2  }
0xb9: {  	s31 =	sshll.u32 s1, $0xD;
	s1 =	sshrl.u32 s1, $0x2  }
0xba: {  	s3 =	sand.u32 $0x4000, s31;
	s1 =	sadd.s32 s1, s30  }
0xbb: {  	s0 =	sor.u32 s3, s0;
	s1 =	sshll.u32 s1, $0x11  }
0xbc: {  	s0 =	sor.u32 s1, s0  }
0xbd: {  	s0 =	sadd.s32 $0x8F2B, s0  }
0xbe: {  	[sflag:s0] =	ssyncadd.remote.s32 $0x1  }
0xbf: {  	_ =	sfence.sel $0xFFFF  }
0xc0: {  	[dreg:$0x0] =	wrdreg $0xFFFFFFFF;
	(pc) =	sbr.abs _section_cstart, $3  }
0xc1: {  	[dreg:$0x1] =	wrdreg $0xFFFFFFFF  }
0xc2: {  	_ =	task.clear_ibuf [dreg:s7], $0x2FFFF;
	_ =	strace $0x9FFFFFFF  }
0xc3: {  	(tm) =	ssettm $0x7FFFFFFF  }
tec
execute0_lowered:
.L_overlay_start_1:
0x0: {  	(tag) =	ssettag $0x1  }
0x1: {  	s1 =	rddreg [dreg:$0x0]  }
0x2: {  	s0 =	rddreg [dreg:$0x1];
	s2 =	srdreg.scid  }
0x3: {  	s14 =	stileid.u32;
	s3 =	rddreg [dreg:$0x2]  }
0x4: {  	s4 =	simm.s32 $0x0;
	s28 =	simm.s32 $0x14180;
	s10 =	smul.u32 $0x50000, s14  }
0x5: {  	s29 =	simm.s32 $0x1C200;
	s31 =	simm.s32 $0x1CB00;
	s22 =	smul.u32 $0x14000, s14  }
0x6: {  	s2 =	sand.u32 $0x1, s2;
	s5 =	sshll.u32 s14, $0x1;
	s16 =	smul.u32 $0x4E20, s14  }
0x7: {  	[smem:$0x7FF] =	sst s4;
	s6 =	sadd.s32 $0x2A00, s0;
	s26 =	smul.u32 $0x140000, s2  }
0x8: {  	s5 =	sor.u32 s2, s5;
	s8 =	ssub.s32 $0x2, s2;
	s2 =	smul.u32 $0x2710, s2  }
0x9: {  	_ =	strace $0x8000004A;
	s7 =	smul.u32 $0x2710, s5;
	s5 =	sadd.s32 $0xC800, s0  }
0xa: {  	s9 =	sshrl.u32 s8, $0x1;
	s0 =	sadd.s32 $0x16600, s0;
	s24 =	sshrl.u32 s10, $0x2  }
0xb: {  	s25 =	sadd.s32 $0x4000, s22;
	s18 =	sadd.s32 $0x8000, s22;
	s12 =	sadd.s32 $0xC000, s22  }
0xc: {  	s15 =	sadd.s32 $0x10000, s22;
	s8 =	ssub.s32 s8, s9;
	s13 =	sadd.s32 s24, s3  }
0xd: {  	s17 =	sadd.s32 s26, s18;
	s2 =	sadd.s32 s2, s16;
	s24 =	sadd.s32 s12, s3  }
0xe: {  	s10 =	sadd.s32 s26, s15;
	[dreg:$0xf] =	wrdreg s24;
	s14 =	sadd.s32 $0x9000, s13  }
0xf: {  	s30 =	sadd.s32 s18, s3;
	s16 =	sadd.s32 $0xB000, s13;
	[dreg:$0x18] =	wrdreg s14  }
0x10: {  	s7 =	sshrl.u32 s7, $0x3;
	s18 =	sadd.s32 $0xE000, s13;
	[dreg:$0x1a] =	wrdreg s16  }
0x11: {  	s10 =	sshrl.u32 s10, $0x3;
	s19 =	sadd.s32 s5, s7;
	[dreg:$0x1c] =	wrdreg s18  }
0x12: {  	s20 =	sadd.s32 s6, s7;
	s21 =	sadd.s32 $0x10, s7;
	[dreg:$0x4] =	wrdreg s19  }
0x13: {  	s7 =	sadd.s32 $0x4E0, s7;
	[dreg:$0x5] =	wrdreg s20;
	s11 =	sadd.s32 s5, s21  }
0x14: {  	s18 =	simm.s32 $0x14000;
	s9 =	sadd.s32 s6, s21;
	[dreg:$0x6] =	wrdreg s11  }
0x15: {  	s16 =	simm.s32 $0x1C280;
	s23 =	sadd.s32 s5, s7;
	[dreg:$0x7] =	wrdreg s9  }
0x16: {  	s7 =	sadd.s32 s6, s7;
	s20 =	sadd.s32 s25, s3;
	[dreg:$0x8] =	wrdreg s23  }
0x17: {  	s21 =	sadd.s32 s26, s12;
	s12 =	sadd.s32 $0x7000, s13;
	[dreg:$0x9] =	wrdreg s7  }
0x18: {  	s19 =	sshrl.u32 s17, $0x3;
	s17 =	sadd.s32 $0xD000, s13;
	[dreg:$0x17] =	wrdreg s12  }
0x19: {  	s9 =	sadd.s32 s26, s25;
	s25 =	sadd.s32 s15, s3;
	[dreg:$0x1b] =	wrdreg s17  }
0x1a: {  	s11 =	sadd.s32 s22, s26;
	s26 =	smax.u32 s8, $0x1;
	[dreg:$0x10] =	wrdreg s25  }
0x1b: {  	s22 =	sshrl.u32 s21, $0x3;
	s7 =	sadd.s32 $0x1000, s13;
	[dreg:$0x11] =	wrdreg s26  }
0x1c: {  	s23 =	sadd.s32 $0x180, s2;
	s8 =	sadd.s32 $0x2000, s13;
	[dreg:$0x12] =	wrdreg s7  }
0x1d: {  	s15 =	sadd.s32 $0xA000, s13;
	s21 =	sadd.s32 $0x11000, s13;
	[dreg:$0x13] =	wrdreg s8  }
0x1e: {  	s12 =	simm.s32 $0x4;
	s11 =	sshrl.u32 s11, $0x3;
	[dreg:$0x19] =	wrdreg s15  }
0x1f: {  	s9 =	sshrl.u32 s9, $0x3;
	[dreg:$0x1e] =	wrdreg s21;
	s11 =	sadd.s32 s0, s11  }
0x20: {  	s17 =	simm.s32 $0x0;
	s9 =	sadd.s32 s0, s9;
	[dreg:$0xa] =	wrdreg s11  }
0x21: {  	s26 =	sadd.s32 $0x100, s2;
	[dreg:$0xb] =	wrdreg s9;
	s9 =	sadd.s32 s0, s19  }
0x22: {  	s2 =	simm.s32 $0x6;
	s11 =	sadd.s32 $0x6000, s13;
	[dreg:$0xc] =	wrdreg s9  }
0x23: {  	s7 =	simm.s32 $0x80;
	s19 =	sadd.s32 $0xF000, s13;
	[dreg:$0x16] =	wrdreg s11  }
0x24: {  	s8 =	simm.s32 $0x14200;
	s9 =	sadd.s32 s0, s22;
	[dreg:$0x1d] =	wrdreg s19  }
0x25: {  	s15 =	simm.s32 $0x5;
	s0 =	sadd.s32 s0, s10;
	[dreg:$0xd] =	wrdreg s9  }
0x26: {  	s10 =	sadd.s32 $0x5000, s13;
	s22 =	sadd.s32 $0x12000, s13;
	[dreg:$0xe] =	wrdreg s0  }
0x27: {  	s19 =	simm.s32 $0x14100;
	s11 =	simm.s32 $0x3;
	[dreg:$0x15] =	wrdreg s10  }
0x28: {  	s0 =	sshrl.u32 s23, $0x3;
	s9 =	sadd.s32 $0x3000, s13;
	[dreg:$0x1f] =	wrdreg s22  }
0x29: {  	s23 =	sadd.s32 $0x13000, s13;
	s10 =	simm.s32 $0x18200;
	[dreg:$0x14] =	wrdreg s9  }
0x2a: {  	s24 =	sadd.s32 s0, s6;
	s25 =	sadd.s32 s0, s5;
	[smem:$0x7FD] =	sst s23  }
0x2b: {  	v0 =	vimm.f32 $0.0e+00;
	s23 =	simm.s32 $0x14080;
	s0 =	simm.s32 $0x1;
	s9 =	simm.s32 $0x2  }
.LBB2_1:
0x2c: {  	s14 =	rddreg [dreg:$0x4]  }
0x2d: {  	[tilespmem:s18], [sflag:$0x1] =	stream.linear.gather [hbm4b:s14+s4], $0x80, $0x38;
	[tilespmem:$0x1DB00] =	vst v63  }
0x2e: {  	s22 =	rddreg [dreg:$0x5]  }
0x2f: {  	[tilespmem:s19], [sflag:$0x1] =	stream.linear.gather [hbm4b:s22+s4], $0x80, $0x38;
	[tilespmem:$0x1DB00] =	vst v63  }
0x30: {  	s21 =	rddreg [dreg:$0x6]  }
0x31: {  	[tilespmem:s23], [sflag:$0x2] =	stream.linear.gather [hbm4b:s21+s4], $0x80, $0x38;
	[tilespmem:$0x1DB00] =	vst v63  }
0x32: {  	s22 =	rddreg [dreg:$0x7]  }
0x33: {  	[tilespmem:s28], [sflag:$0x2] =	stream.linear.gather [hbm4b:s22+s4], $0x80, $0x38;
	[tilespmem:$0x1DB00] =	vst v63  }
0x34: {  	s21 =	rddreg [dreg:$0x8]  }
0x35: {  	[tilespmem:s29], [sflag:$0x5] =	stream.linear.gather [hbm4b:s21+s4], $0x10, $0x38;
	[tilespmem:$0x1DB00] =	vst v63  }
0x36: {  	s22 =	rddreg [dreg:$0x9]  }
0x37: {  	[tilespmem:s16], [sflag:$0x5] =	stream.linear.gather [hbm4b:s22+s4], $0x10, $0x38;
	[tilespmem:$0x1DB00] =	vst v63  }
0x38: {  	s29 =	simm.s32 $0x200;
	s16 =	simm.s32 $0x0  }
.LBB2_2:
0x39: {  	p0 =	sne.s32 s29, $0x3E00;
	[tilespmem:s16+$0x1CB70] =	vst v0  }
0x3a: {  	[tilespmem:s16+$0x1CB00] =	vst v0  }
0x3b: {  	[tilespmem:s16+$0x1CB10] =	vst v0  }
.Ltmp0:
0x3c: {  	[tilespmem:s16+$0x1CB20] =	vst v0;
	(pc) =	sbr.rel @p0 .LBB2_2-.Ltmp0, $4  }
0x3d: {  	[tilespmem:s16+$0x1CB30] =	vst v0  }
0x3e: {  	[tilespmem:s16+$0x1CB40] =	vst v0  }
0x3f: {  	[tilespmem:s16+$0x1CB50] =	vst v0  }
0x40: {  	[tilespmem:s16+$0x1CB60] =	vst v0;
	s16 =	sshra.s32 s29, $0x2;
	s29 =	sadd.s32 $0x200, s29  }
0x41: {  	[tilespmem:s16+$0x1CB70] =	vst v0  }
0x42: {  	[tilespmem:s16+$0x1CB00] =	vst v0  }
0x43: {  	[tilespmem:s16+$0x1CB10] =	vst v0  }
0x44: {  	[tilespmem:s16+$0x1CB20] =	vst v0  }
0x45: {  	[tilespmem:s16+$0x1CB30] =	vst v0  }
0x46: {  	[tilespmem:s16+$0x1CB40] =	vst v0  }
0x47: {  	[tilespmem:s16+$0x1CB50] =	vst v0  }
0x48: {  	[tilespmem:s16+$0x1CB60] =	vst v0  }
0x49: {  	[spmem:s13] =	stream.linear.scatter [tilespmem:s31], [sflag:$0x6], $0x1000, $0x38;
	[tilespmem:$0x1DB00] =	vst v63  }
0x4a: {  	_ =	swait.ge [sflag:s2], $0x1000  }
0x4b: {  	[sflag:s2] =	ssyncset.done $0x0  }
0x4c: {  	s14 =	rddreg [dreg:$0x12];
	[sflag:s2] =	ssyncadd.s32 $0xFFFFF000  }
0x4d: {  	[spmem:s14] =	stream.linear.scatter [tilespmem:s31], [sflag:$0x6], $0x1000, $0x38;
	[tilespmem:$0x1DB00] =	vst v63  }
0x4e: {  	_ =	swait.ge [sflag:s2], $0x1000  }
0x4f: {  	[sflag:s2] =	ssyncset.done $0x0  }
0x50: {  	s22 =	rddreg [dreg:$0x13];
	[sflag:s2] =	ssyncadd.s32 $0xFFFFF000  }
0x51: {  	[spmem:s22] =	stream.linear.scatter [tilespmem:s31], [sflag:$0x6], $0x1000, $0x38;
	[tilespmem:$0x1DB00] =	vst v63  }
0x52: {  	_ =	swait.ge [sflag:s2], $0x1000  }
0x53: {  	[sflag:s2] =	ssyncset.done $0x0  }
0x54: {  	s16 =	rddreg [dreg:$0x14];
	[sflag:s2] =	ssyncadd.s32 $0xFFFFF000  }
0x55: {  	[spmem:s16] =	stream.linear.scatter [tilespmem:s31], [sflag:$0x6], $0x1000, $0x38;
	[tilespmem:$0x1DB00] =	vst v63  }
0x56: {  	_ =	swait.ge [sflag:s2], $0x1000  }
0x57: {  	[sflag:s2] =	ssyncset.done $0x0  }
0x58: {  	[sflag:s2] =	ssyncadd.s32 $0xFFFFF000  }
0x59: {  	[spmem:s20] =	stream.linear.scatter [tilespmem:s31], [sflag:$0x6], $0x1000, $0x38;
	[tilespmem:$0x1DB00] =	vst v63  }
0x5a: {  	_ =	swait.ge [sflag:s2], $0x1000  }
0x5b: {  	[sflag:s2] =	ssyncset.done $0x0  }
0x5c: {  	s21 =	smov.u32 s20;
	s20 =	rddreg [dreg:$0x15];
	[sflag:s2] =	ssyncadd.s32 $0xFFFFF000  }
0x5d: {  	[spmem:s20] =	stream.linear.scatter [tilespmem:s31], [sflag:$0x6], $0x1000, $0x38;
	[tilespmem:$0x1DB00] =	vst v63  }
0x5e: {  	_ =	swait.ge [sflag:s2], $0x1000  }
0x5f: {  	[sflag:s2] =	ssyncset.done $0x0  }
0x60: {  	s22 =	rddreg [dreg:$0x16];
	[sflag:s2] =	ssyncadd.s32 $0xFFFFF000  }
0x61: {  	[spmem:s22] =	stream.linear.scatter [tilespmem:s31], [sflag:$0x6], $0x1000, $0x38;
	[tilespmem:$0x1DB00] =	vst v63  }
0x62: {  	_ =	swait.ge [sflag:s2], $0x1000  }
0x63: {  	[sflag:s2] =	ssyncset.done $0x0  }
0x64: {  	s16 =	rddreg [dreg:$0x17];
	[sflag:s2] =	ssyncadd.s32 $0xFFFFF000  }
0x65: {  	[spmem:s16] =	stream.linear.scatter [tilespmem:s31], [sflag:$0x6], $0x1000, $0x38;
	[tilespmem:$0x1DB00] =	vst v63  }
0x66: {  	_ =	swait.ge [sflag:s2], $0x1000  }
0x67: {  	[sflag:s2] =	ssyncset.done $0x0  }
0x68: {  	[sflag:s2] =	ssyncadd.s32 $0xFFFFF000  }
0x69: {  	[spmem:s30] =	stream.linear.scatter [tilespmem:s31], [sflag:$0x6], $0x1000, $0x38;
	[tilespmem:$0x1DB00] =	vst v63  }
0x6a: {  	_ =	swait.ge [sflag:s2], $0x1000  }
0x6b: {  	[sflag:s2] =	ssyncset.done $0x0  }
0x6c: {  	s20 =	rddreg [dreg:$0x18];
	[sflag:s2] =	ssyncadd.s32 $0xFFFFF000  }
0x6d: {  	[spmem:s20] =	stream.linear.scatter [tilespmem:s31], [sflag:$0x6], $0x1000, $0x38;
	[tilespmem:$0x1DB00] =	vst v63  }
0x6e: {  	_ =	swait.ge [sflag:s2], $0x1000  }
0x6f: {  	[sflag:s2] =	ssyncset.done $0x0  }
0x70: {  	s16 =	rddreg [dreg:$0x19];
	[sflag:s2] =	ssyncadd.s32 $0xFFFFF000  }
0x71: {  	[spmem:s16] =	stream.linear.scatter [tilespmem:s31], [sflag:$0x6], $0x1000, $0x38;
	[tilespmem:$0x1DB00] =	vst v63  }
0x72: {  	_ =	swait.ge [sflag:s2], $0x1000  }
0x73: {  	[sflag:s2] =	ssyncset.done $0x0  }
0x74: {  	s20 =	rddreg [dreg:$0x1a];
	[sflag:s2] =	ssyncadd.s32 $0xFFFFF000  }
0x75: {  	[spmem:s20] =	stream.linear.scatter [tilespmem:s31], [sflag:$0x6], $0x1000, $0x38;
	[tilespmem:$0x1DB00] =	vst v63  }
0x76: {  	_ =	swait.ge [sflag:s2], $0x1000  }
0x77: {  	[sflag:s2] =	ssyncset.done $0x0  }
0x78: {  	s16 =	rddreg [dreg:$0xf];
	[sflag:s2] =	ssyncadd.s32 $0xFFFFF000  }
0x79: {  	[spmem:s16] =	stream.linear.scatter [tilespmem:s31], [sflag:$0x6], $0x1000, $0x38;
	[tilespmem:$0x1DB00] =	vst v63  }
0x7a: {  	_ =	swait.ge [sflag:s2], $0x1000  }
0x7b: {  	[sflag:s2] =	ssyncset.done $0x0  }
0x7c: {  	s20 =	rddreg [dreg:$0x1b];
	[sflag:s2] =	ssyncadd.s32 $0xFFFFF000  }
0x7d: {  	[spmem:s20] =	stream.linear.scatter [tilespmem:s31], [sflag:$0x6], $0x1000, $0x38;
	[tilespmem:$0x1DB00] =	vst v63  }
0x7e: {  	_ =	swait.ge [sflag:s2], $0x1000  }
0x7f: {  	[sflag:s2] =	ssyncset.done $0x0  }
0x80: {  	s16 =	rddreg [dreg:$0x1c];
	[sflag:s2] =	ssyncadd.s32 $0xFFFFF000  }
0x81: {  	[spmem:s16] =	stream.linear.scatter [tilespmem:s31], [sflag:$0x6], $0x1000, $0x38;
	[tilespmem:$0x1DB00] =	vst v63  }
0x82: {  	_ =	swait.ge [sflag:s2], $0x1000  }
0x83: {  	[sflag:s2] =	ssyncset.done $0x0  }
0x84: {  	s20 =	rddreg [dreg:$0x1d];
	[sflag:s2] =	ssyncadd.s32 $0xFFFFF000  }
0x85: {  	[spmem:s20] =	stream.linear.scatter [tilespmem:s31], [sflag:$0x6], $0x1000, $0x38;
	[tilespmem:$0x1DB00] =	vst v63  }
0x86: {  	_ =	swait.ge [sflag:s2], $0x1000  }
0x87: {  	[sflag:s2] =	ssyncset.done $0x0  }
0x88: {  	s16 =	rddreg [dreg:$0x10];
	[sflag:s2] =	ssyncadd.s32 $0xFFFFF000  }
0x89: {  	[spmem:s16] =	stream.linear.scatter [tilespmem:s31], [sflag:$0x6], $0x1000, $0x38;
	[tilespmem:$0x1DB00] =	vst v63  }
0x8a: {  	_ =	swait.ge [sflag:s2], $0x1000  }
0x8b: {  	[sflag:s2] =	ssyncset.done $0x0  }
0x8c: {  	s20 =	rddreg [dreg:$0x1e];
	[sflag:s2] =	ssyncadd.s32 $0xFFFFF000  }
0x8d: {  	[spmem:s20] =	stream.linear.scatter [tilespmem:s31], [sflag:$0x6], $0x1000, $0x38;
	[tilespmem:$0x1DB00] =	vst v63  }
0x8e: {  	_ =	swait.ge [sflag:s2], $0x1000  }
0x8f: {  	[sflag:s2] =	ssyncset.done $0x0  }
0x90: {  	s16 =	rddreg [dreg:$0x1f];
	[sflag:s2] =	ssyncadd.s32 $0xFFFFF000  }
0x91: {  	[spmem:s16] =	stream.linear.scatter [tilespmem:s31], [sflag:$0x6], $0x1000, $0x38;
	[tilespmem:$0x1DB00] =	vst v63  }
0x92: {  	_ =	swait.ge [sflag:s2], $0x1000  }
0x93: {  	s20 =	sld [smem:$0x7FD]  }
0x94: {  	[sflag:s2] =	ssyncset.done $0x0  }
0x95: {  	[sflag:s2] =	ssyncadd.s32 $0xFFFFF000  }
0x96: {  	[spmem:s20] =	stream.linear.scatter [tilespmem:s31], [sflag:$0x6], $0x1000, $0x38;
	[tilespmem:$0x1DB00] =	vst v63  }
0x97: {  	_ =	swait.ge [sflag:s2], $0x1000  }
0x98: {  	[sflag:s2] =	ssyncset.done $0x0  }
0x99: {  	[sflag:s2] =	ssyncadd.s32 $0xFFFFF000  }
0x9a: {  	_ =	swait.ge [sflag:s0], $0x80  }
0x9b: {  	[sflag:s0] =	ssyncset.done $0x0  }
0x9c: {  	[sflag:s0] =	ssyncadd.s32 $0xFFFFFF80  }
0x9d: {  	_ =	swait.ge [sflag:s0], $0x80  }
0x9e: {  	[sflag:s0] =	ssyncset.done $0x0  }
0x9f: {  	[sflag:s0] =	ssyncadd.s32 $0xFFFFFF80  }
0xa0: {  	[tilespmem:s8], [sflag:$0x3] =	stream.indirect.gather [hbm4b:s1+s7], $0x80, s18, s7, $0xb8;
	[tilespmem:$0x1DB00] =	vst v63  }
0xa1: {  	[bflag:$0x0] =	sbarrier.arrive $0xFFFF  }
0xa2: {  	_ =	swait.ge [sflag:s9], $0x80  }
0xa3: {  	[sflag:s9] =	ssyncset.done $0x0  }
0xa4: {  	[sflag:s9] =	ssyncadd.s32 $0xFFFFFF80  }
0xa5: {  	_ =	swait.ge [sflag:s9], $0x80  }
0xa6: {  	[sflag:s9] =	ssyncset.done $0x0  }
0xa7: {  	[sflag:s9] =	ssyncadd.s32 $0xFFFFFF80  }
0xa8: {  	[tilespmem:s10], [sflag:$0x4] =	stream.indirect.gather [hbm4b:s1+s7], $0x80, s23, s7, $0xb8;
	[tilespmem:$0x1DB00] =	vst v63  }
0xa9: {  	_ =	swait.ge [sflag:s11], $0x4000  }
0xaa: {  	[sflag:s11] =	ssyncset.done $0x0  }
0xab: {  	[sflag:s11] =	ssyncadd.s32 $0xFFFFC000  }
0xac: {  	[spmem:s3] =	stream.indirect.scatter.add.f32 [tilespmem:s8], [sflag:$0x6], $0x80, s19, s7, $0xb8;
	[tilespmem:$0x1DB00] =	vst v63  }
0xad: {  	_ =	swait.ge [sflag:s2], $0x4000  }
0xae: {  	s14 =	sshrl.u32 s26, $0x3;
	[sflag:s2] =	ssyncset.done $0x0  }
0xaf: {  	s29 =	sadd.s32 s5, s14;
	[sflag:s2] =	ssyncadd.s32 $0xFFFFC000  }
0xb0: {  	[tilespmem:s18], [sflag:$0x1] =	stream.linear.gather [hbm4b:s29+s4], $0x80, $0x38;
	[tilespmem:$0x1DB00] =	vst v63  }
0xb1: {  	s16 =	sadd.s32 s6, s14  }
0xb2: {  	[tilespmem:s19], [sflag:$0x1] =	stream.linear.gather [hbm4b:s16+s4], $0x80, $0x38;
	[tilespmem:$0x1DB00] =	vst v63  }
0xb3: {  	_ =	swait.ge [sflag:s0], $0x80  }
0xb4: {  	[sflag:s0] =	ssyncset.done $0x0  }
0xb5: {  	[sflag:s0] =	ssyncadd.s32 $0xFFFFFF80  }
0xb6: {  	_ =	swait.ge [sflag:s0], $0x80  }
0xb7: {  	[sflag:s0] =	ssyncset.done $0x0  }
0xb8: {  	[sflag:s0] =	ssyncadd.s32 $0xFFFFFF80  }
0xb9: {  	[tilespmem:s8], [sflag:$0x3] =	stream.indirect.gather [hbm4b:s1+s7], $0x80, s18, s7, $0xb8;
	[tilespmem:$0x1DB00] =	vst v63  }
0xba: {  	_ =	swait.ge [sflag:s12], $0x4000  }
0xbb: {  	[sflag:s12] =	ssyncset.done $0x0  }
0xbc: {  	[sflag:s12] =	ssyncadd.s32 $0xFFFFC000  }
0xbd: {  	[spmem:s3] =	stream.indirect.scatter.add.f32 [tilespmem:s10], [sflag:$0x6], $0x80, s28, s7, $0xb8;
	[tilespmem:$0x1DB00] =	vst v63  }
0xbe: {  	s22 =	smov.u32 s30;
	_ =	swait.ge [sflag:s2], $0x4000  }
0xbf: {  	s30 =	simm.s32 $0x20;
	s20 =	sadd.s32 $0x0, s25;
	[sflag:s2] =	ssyncset.done $0x0  }
0xc0: {  	s29 =	sadd.s32 $0x0, s24;
	s16 =	sadd.s32 $0x100, s26;
	[sflag:s2] =	ssyncadd.s32 $0xFFFFC000  }
0xc1: {  	[tilespmem:s23], [sflag:$0x2] =	stream.linear.gather [hbm4b:s20+s4], $0x80, $0x38;
	[tilespmem:$0x1DB00] =	vst v63  }
.LBB2_4:
0xc2: {  	[tilespmem:s28], [sflag:$0x2] =	stream.linear.gather [hbm4b:s29+s4], $0x80, $0x38;
	[tilespmem:$0x1DB00] =	vst v63  }
0xc3: {  	s29 =	smov.u32 s30  }
0xc4: {  	p0 =	sne.s32 s30, $0x4A0;
	s30 =	sadd.s32 $0x20, s30;
	_ =	swait.ge [sflag:s9], $0x80  }
0xc5: {  	[sflag:s9] =	ssyncset.done $0x0  }
0xc6: {  	[sflag:s9] =	ssyncadd.s32 $0xFFFFFF80  }
0xc7: {  	_ =	swait.ge [sflag:s9], $0x80  }
0xc8: {  	[sflag:s9] =	ssyncset.done $0x0  }
0xc9: {  	[sflag:s9] =	ssyncadd.s32 $0xFFFFFF80  }
0xca: {  	[tilespmem:s10], [sflag:$0x4] =	stream.indirect.gather [hbm4b:s1+s7], $0x80, s23, s7, $0xb8;
	[tilespmem:$0x1DB00] =	vst v63  }
0xcb: {  	_ =	swait.ge [sflag:s11], $0x4000  }
0xcc: {  	[sflag:s11] =	ssyncset.done $0x0  }
0xcd: {  	[sflag:s11] =	ssyncadd.s32 $0xFFFFC000  }
0xce: {  	[spmem:s3] =	stream.indirect.scatter.add.f32 [tilespmem:s8], [sflag:$0x6], $0x80, s19, s7, $0xb8;
	[tilespmem:$0x1DB00] =	vst v63  }
0xcf: {  	_ =	swait.ge [sflag:s2], $0x4000  }
0xd0: {  	s14 =	sshrl.u32 s16, $0x3;
	[sflag:s2] =	ssyncset.done $0x0  }
0xd1: {  	s20 =	sadd.s32 s5, s14;
	[sflag:s2] =	ssyncadd.s32 $0xFFFFC000  }
0xd2: {  	[tilespmem:s18], [sflag:$0x1] =	stream.linear.gather [hbm4b:s20+s4], $0x80, $0x38;
	[tilespmem:$0x1DB00] =	vst v63  }
0xd3: {  	s14 =	sadd.s32 s6, s14  }
0xd4: {  	[tilespmem:s19], [sflag:$0x1] =	stream.linear.gather [hbm4b:s14+s4], $0x80, $0x38;
	[tilespmem:$0x1DB00] =	vst v63  }
0xd5: {  	_ =	swait.ge [sflag:s0], $0x80  }
0xd6: {  	[sflag:s0] =	ssyncset.done $0x0  }
0xd7: {  	[sflag:s0] =	ssyncadd.s32 $0xFFFFFF80  }
0xd8: {  	_ =	swait.ge [sflag:s0], $0x80  }
0xd9: {  	[sflag:s0] =	ssyncset.done $0x0  }
0xda: {  	[sflag:s0] =	ssyncadd.s32 $0xFFFFFF80  }
0xdb: {  	[tilespmem:s8], [sflag:$0x3] =	stream.indirect.gather [hbm4b:s1+s7], $0x80, s18, s7, $0xb8;
	[tilespmem:$0x1DB00] =	vst v63  }
0xdc: {  	_ =	swait.ge [sflag:s12], $0x4000  }
0xdd: {  	[sflag:s12] =	ssyncset.done $0x0  }
0xde: {  	[sflag:s12] =	ssyncadd.s32 $0xFFFFC000  }
0xdf: {  	[spmem:s3] =	stream.indirect.scatter.add.f32 [tilespmem:s10], [sflag:$0x6], $0x80, s28, s7, $0xb8;
	[tilespmem:$0x1DB00] =	vst v63  }
.Ltmp1:
0xe0: {  	_ =	swait.ge [sflag:s2], $0x4000;
	(pc) =	sbr.rel @p0 .LBB2_4-.Ltmp1, $4  }
0xe1: {  	[sflag:s2] =	ssyncset.done $0x0  }
0xe2: {  	s14 =	sadd.s32 s29, s25;
	[sflag:s2] =	ssyncadd.s32 $0xFFFFC000  }
0xe3: {  	[tilespmem:s23], [sflag:$0x2] =	stream.linear.gather [hbm4b:s14+s4], $0x80, $0x38;
	[tilespmem:$0x1DB00] =	vst v63  }
0xe4: {  	s16 =	sadd.s32 $0x100, s16;
	s29 =	sadd.s32 s29, s24  }
0xe5: {  	[tilespmem:s28], [sflag:$0x2] =	stream.linear.gather [hbm4b:s29+s4], $0x80, $0x38;
	[tilespmem:$0x1DB00] =	vst v63  }
0xe6: {  	_ =	swait.ge [sflag:s9], $0x80  }
0xe7: {  	[sflag:s9] =	ssyncset.done $0x0  }
0xe8: {  	[sflag:s9] =	ssyncadd.s32 $0xFFFFFF80  }
0xe9: {  	_ =	swait.ge [sflag:s9], $0x80  }
0xea: {  	[sflag:s9] =	ssyncset.done $0x0  }
0xeb: {  	[sflag:s9] =	ssyncadd.s32 $0xFFFFFF80  }
0xec: {  	[tilespmem:s10], [sflag:$0x4] =	stream.indirect.gather [hbm4b:s1+s7], $0x80, s23, s7, $0xb8;
	[tilespmem:$0x1DB00] =	vst v63  }
0xed: {  	_ =	swait.ge [sflag:s11], $0x4000  }
0xee: {  	[sflag:s11] =	ssyncset.done $0x0  }
0xef: {  	[sflag:s11] =	ssyncadd.s32 $0xFFFFC000  }
0xf0: {  	[spmem:s3] =	stream.indirect.scatter.add.f32 [tilespmem:s8], [sflag:$0x6], $0x80, s19, s7, $0xb8;
	[tilespmem:$0x1DB00] =	vst v63  }
0xf1: {  	_ =	swait.ge [sflag:s2], $0x4000  }
0xf2: {  	[sflag:s2] =	ssyncset.done $0x0  }
0xf3: {  	[sflag:s2] =	ssyncadd.s32 $0xFFFFC000  }
0xf4: {  	_ =	swait.ge [sflag:s12], $0x4000  }
0xf5: {  	[sflag:s12] =	ssyncset.done $0x0  }
0xf6: {  	[sflag:s12] =	ssyncadd.s32 $0xFFFFC000  }
0xf7: {  	[spmem:s3] =	stream.indirect.scatter.add.f32 [tilespmem:s10], [sflag:$0x6], $0x80, s28, s7, $0xb8;
	[tilespmem:$0x1DB00] =	vst v63  }
0xf8: {  	_ =	swait.ge [sflag:s2], $0x4000  }
0xf9: {  	[sflag:s2] =	ssyncset.done $0x0  }
0xfa: {  	[sflag:s2] =	ssyncadd.s32 $0xFFFFC000  }
0xfb: {  	_ =	swait.ge [sflag:s15], $0x10  }
0xfc: {  	[sflag:s15] =	ssyncset.done $0x0  }
0xfd: {  	[sflag:s15] =	ssyncadd.s32 $0xFFFFFFF0  }
0xfe: {  	_ =	swait.ge [sflag:s15], $0x10  }
0xff: {  	s29 =	simm.s32 $0x1C200;
	[sflag:s15] =	ssyncset.done $0x0  }
0x100: {  	s16 =	simm.s32 $0x10;
	s20 =	simm.s32 $0x1C300;
	[sflag:s15] =	ssyncadd.s32 $0xFFFFFFF0  }
0x101: {  	[tilespmem:s20], [sflag:$0x5] =	stream.indirect.gather [hbm4b:s1+s16], $0x80, s29, s16, $0xb8;
	[tilespmem:$0x1DB00] =	vst v63  }
0x102: {  	_ =	swait.ge [sflag:s15], $0x800  }
0x103: {  	[sflag:s15] =	ssyncset.done $0x0  }
0x104: {  	s14 =	simm.s32 $0x1C280;
	[sflag:s15] =	ssyncadd.s32 $0xFFFFF800  }
0x105: {  	[spmem:s3] =	stream.indirect.scatter.add.f32 [tilespmem:s20], [sflag:$0x6], $0x80, s14, s16, $0xb8;
	[tilespmem:$0x1DB00] =	vst v63  }
0x106: {  	_ =	swait.ge [sflag:s2], $0x800  }
0x107: {  	[sflag:s2] =	ssyncset.done $0x0  }
0x108: {  	s20 =	stileid.u32;
	[sflag:s2] =	ssyncadd.s32 $0xFFFFF800  }
0x109: {  	s14 =	sshll.u32 s20, $0x6;
	[bflag:$0x0] =	sbarrier.arrive $0xFFFF  }
0x10a: {  	s16 =	sshrl.u32 s13, $0x3;
	s14 =	sor.u32 $0x1C06, s14;
	s20 =	rddreg [dreg:$0xa]  }
0x10b: {  	[hbm:s20], [sflag:s14] =	dma.local [spmem:s16], $0x800  }
0x10c: {  	_ =	swait.ge [sflag:s2], $0x800  }
0x10d: {  	s20 =	smov.u32 s21;
	[sflag:s2] =	ssyncset.done $0x0  }
0x10e: {  	s16 =	sshrl.u32 s21, $0x3;
	s21 =	rddreg [dreg:$0xb];
	[sflag:s2] =	ssyncadd.s32 $0xFFFFF800  }
0x10f: {  	[hbm:s21], [sflag:s14] =	dma.local [spmem:s16], $0x800  }
0x110: {  	_ =	swait.ge [sflag:s2], $0x800  }
0x111: {  	s30 =	smov.u32 s22;
	[sflag:s2] =	ssyncset.done $0x0  }
0x112: {  	s21 =	sshrl.u32 s22, $0x3;
	s22 =	rddreg [dreg:$0xc];
	[sflag:s2] =	ssyncadd.s32 $0xFFFFF800  }
0x113: {  	[hbm:s22], [sflag:s14] =	dma.local [spmem:s21], $0x800  }
0x114: {  	_ =	swait.ge [sflag:s2], $0x800  }
0x115: {  	[sflag:s2] =	ssyncset.done $0x0;
	s21 =	rddreg [dreg:$0xf]  }
0x116: {  	s22 =	rddreg [dreg:$0xd];
	[sflag:s2] =	ssyncadd.s32 $0xFFFFF800;
	s16 =	sshrl.u32 s21, $0x3  }
0x117: {  	[hbm:s22], [sflag:s14] =	dma.local [spmem:s16], $0x800  }
0x118: {  	_ =	swait.ge [sflag:s2], $0x800  }
0x119: {  	[sflag:s2] =	ssyncset.done $0x0;
	s21 =	rddreg [dreg:$0x10]  }
0x11a: {  	s22 =	rddreg [dreg:$0xe];
	[sflag:s2] =	ssyncadd.s32 $0xFFFFF800;
	s16 =	sshrl.u32 s21, $0x3  }
0x11b: {  	[hbm:s22], [sflag:s14] =	dma.local [spmem:s16], $0x800  }
0x11c: {  	_ =	swait.ge [sflag:s2], $0x800  }
0x11d: {  	s17 =	sadd.s32 $0x1, s17;
	s22 =	rddreg [dreg:$0x11]  }
0x11e: {  	p0 =	sne.s32 s17, s22  }
.Ltmp2:
0x11f: {  	_ = 	snop;
	(pc) =	sbr.rel @p0 .LBB2_1-.Ltmp2, $3  }
0x120: {  	_ =	sdelay $0x1  }
0x121: {  	[sflag:s2] =	ssyncset.done $0x0  }
0x122: {  	s16 =	simm.s32 $0x1C280;
	[sflag:s2] =	ssyncadd.s32 $0xFFFFF800  }
0x123: {  	_ =	sfence.sel $0x180000  }
0x124: {  	[bflag:$0x0] =	sbarrier.arrive $0xFFFF  }
0x125: {  	_ =	strace $0x9000004A  }
0x126: {  	s0 =	stileid.u32;
	[bflag:$0x2] =	sbarrier.arrive $0xFFFF  }
0x127: {  	p0 =	sne.s32 s0, $0x0;
	s0 =	rddreg [dreg:$0x3]  }
0x128: {  	s0 =	sadd.s32 @!p0 $0x100000, s0  }
0x129: {  	[sflag:s0] =	ssyncadd.tile.s32 @!p0 $0x1;
	_ =	shalt  }
.Lfunc_end2:
_tile_overlayer_lowered:
.L_overlay_start_2:
0x12a: {  	(tag) =	ssettag $0x2  }
0x12b: {  	s0 =	rddreg [dreg:$0x0];
	s2 =	stileid.u32  }
0x12c: {  	s1 =	rddreg [dreg:$0x1];
	p0 =	sne.s32 s2, $0x0  }
0x12d: {  	s3 =	rddreg [dreg:$0x2];
	[bflag:$0x3] =	sbarrier.arrive $0xFFFF;
	s2 =	simm.s32 @!p0 $0x1C06  }
0x12e: {  	[timem:s3], [sflag:s2] =	dma.local @!p0 [hbm:s0], s1  }
0x12f: {  	s0 =	simm.s32 @!p0 $0x6  }
0x130: {  	_ =	swait.ge @!p0 [sflag:s0], s1  }
0x131: {  	s1 =	ssub.s32 @!p0 $0x0, s1;
	[sflag:s0] =	ssyncset.done @!p0 $0x0  }
0x132: {  	[sflag:s0] =	ssyncadd.s32 @!p0 s1  }
0x133: {  	[bflag:$0x3] =	sbarrier.arrive $0xFFFF  }
0x134: {  	_ =	shalt  }

// kernel: kernel.15.cloned.1.call-start
scs
__scs_entry_jumppad:
0x0: {  	(pc) =	sbr.rel $0x88, $3  }
0x1: {  	(tag) =	ssettag $0x0;
	lr =	simm.s32 $0x1  }
0x2: {  	[smem:$0x3F96] =	sst lr;
	_ =	strace $0xD0000000  }
0x3: {  	_ = 	snop  }
0x4: {  	_ = 	snop  }
0x5: {  	_ = 	snop  }
0x6: {  	_ = 	snop  }
0x7: {  	_ = 	snop  }
__scs_overlays_trampoline_lowered:
0x8: {  	[smem:$0x3FA5] =	sst s0  }
0x9: {  	[smem:$0x3FA6] =	sst s1  }
0xa: {  	[smem:$0x3FA7] =	sst s2  }
0xb: {  	[smem:$0x3FA8] =	sst s3  }
0xc: {  	[smem:$0x3FA9] =	sst s4  }
0xd: {  	[smem:$0x3FAA] =	sst s5  }
0xe: {  	[smem:$0x3FAB] =	sst s6  }
0xf: {  	[smem:$0x3FAC] =	sst s7  }
0x10: {  	[smem:$0x3FAD] =	sst s8  }
0x11: {  	[smem:$0x3FAE] =	sst s9;
	s0 =	simm.s32 @!p0 $0x0  }
0x12: {  	s1 =	sld [smem:$0x3F94];
	s0 =	simm.s32 @p0 $0x1  }
0x13: {  	[smem:$0x3FAF] =	sst s0;
	s0 =	simm.s32 @!p1 $0x0  }
0x14: {  	s2 =	sld [smem:$0x3F93];
	s0 =	simm.s32 @p1 $0x1  }
0x15: {  	[smem:$0x3FB0] =	sst s0;
	s0 =	simm.s32 @!p2 $0x0  }
0x16: {  	s3 =	sld [smem:$0x3FDB];
	s0 =	simm.s32 @p2 $0x1  }
0x17: {  	s4 =	simm.s32 $0x1BF5;
	[smem:$0x3FB2] =	sst s0  }
0x18: {  	s0 =	sld [smem:$0x3F95];
	_ =	swait.ge [sflag:s4], $0x0  }
0x19: {  	s7 =	sld [smem:$0x3F96]  }
0x1a: {  	s8 =	sadd.s32 $0xFFFFE003, lr  }
0x1b: {  	s9 =	sadd.s32 $0xFFFFFEF7, lr;
	s5 =	simm.s32 $0xFFFFFFFF;
	p2 =	slt.u32 s8, $0xFFFFF086  }
0x1c: {  	p1 =	slt.u32 s9, $0xF7A;
	s5 =	simm.s32 @!p2 $0x0  }
0x1d: {  	s5 =	simm.s32 @p1 $0x1;
	p0 =	seq.s32 s7, s2  }
0x1e: {  	s7 =	smul.u32 @!p0 $0xF7A, s2;
	p2 =	seq.s32 @!p0 s5, $0x0  }
0x1f: {  	s9 =	smul.u32 $0xF7A, s1;
	s8 =	simm.s32 @!p0 $0x1BF5;
	p2 =	por !p2, p0  }
0x20: {  	[sflag:s8] =	ssyncset.s32 @!p0 $0xFFFFF086;
	s6 =	sadd.s32 @!p0 s3, s7;
	s7 =	simm.s32 @!p0 $0x108  }
0x21: {  	s3 =	sadd.s32 s3, s9;
	s6 =	sadd.s32 @!p0 $0x88, s6;
	s7 =	simm.s32 @p2 $0x1082  }
0x22: {  	[simem:s7], [sflag:s8] =	dma.local @!p0 [hbm:s6], $0xF7A  }
0x23: {  	s9 =	sor.u32 $0xD0000000, s2;
	s6 =	simm.s32 $0x108;
	_ =	swait.ge @!p0 [sflag:s8], $0x0  }
0x24: {  	s3 =	sadd.s32 $0x88, s3;
	s6 =	simm.s32 @!p1 $0x1082;
	[sflag:s4] =	ssyncset.s32 $0xFFFFF086  }
0x25: {  	[simem:s6], [sflag:s4] =	dma.local [hbm:s3], $0xF7A  }
0x26: {  	[smem:$0x3F96] =	sst s1;
	(tag) =	ssettag s2;
	_ =	strace s9  }
0x27: {  	s1 =	sld [smem:$0x3FA6]  }
0x28: {  	s2 =	sld [smem:$0x3FA7]  }
0x29: {  	s4 =	sld [smem:$0x3FA9]  }
0x2a: {  	p0 =	seq.s32 s5, $0x0;
	s5 =	sld [smem:$0x3FAA]  }
0x2b: {  	s6 =	sld [smem:$0x3FAB]  }
0x2c: {  	s7 =	sld [smem:$0x3FAC]  }
0x2d: {  	s3 =	simm.s32 $0x108;
	s8 =	sld [smem:$0x3FAD]  }
0x2e: {  	s3 =	simm.s32 @!p0 $0x1082;
	s9 =	sld [smem:$0x3FAE]  }
0x2f: {  	lr =	sadd.s32 s0, s3;
	s0 =	sld [smem:$0x3FA5]  }
0x30: {  	s3 =	sld [smem:$0x3FA8]  }
0x31: {  	[smem:$0x3FB1] =	sst s10  }
0x32: {  	s10 =	sld [smem:$0x3FAF];
	_ =	sdelay $0x3  }
0x33: {  	p0 =	seq.s32 s10, $0x1;
	s10 =	sld [smem:$0x3FB1];
	_ =	sdelay $0x3  }
0x34: {  	[smem:$0x3FB1] =	sst s10  }
0x35: {  	s10 =	sld [smem:$0x3FB0];
	_ =	sdelay $0x3  }
0x36: {  	p1 =	seq.s32 s10, $0x1;
	s10 =	sld [smem:$0x3FB1];
	_ =	sdelay $0x3  }
0x37: {  	[smem:$0x3FB1] =	sst s10  }
0x38: {  	s10 =	sld [smem:$0x3FB2]  }
0x39: {  	_ = 	snop;
	(pc) =	sbr.ind lr, $3  }
0x3a: {  	_ = 	snop  }
0x3b: {  	_ = 	snop  }
0x3c: {  	p2 =	seq.s32 s10, $0x1;
	s10 =	sld [smem:$0x3FB1]  }
0x3d: {  	_ =	shalt  }
0x3e: {  	_ =	shalt  }
0x3f: {  	_ =	shalt  }
0x40: {  	_ =	shalt  }
0x41: {  	_ =	shalt  }
0x42: {  	_ =	shalt  }
0x43: {  	_ =	shalt  }
0x44: {  	_ =	shalt  }
0x45: {  	_ =	shalt  }
0x46: {  	_ =	shalt  }
0x47: {  	_ =	shalt  }
0x48: {  	_ =	shalt  }
0x49: {  	_ =	shalt  }
0x4a: {  	_ =	shalt  }
0x4b: {  	_ =	shalt  }
0x4c: {  	_ =	shalt  }
0x4d: {  	_ =	shalt  }
0x4e: {  	_ =	shalt  }
0x4f: {  	_ =	shalt  }
0x50: {  	_ =	shalt  }
0x51: {  	_ =	shalt  }
0x52: {  	_ =	shalt  }
0x53: {  	_ =	shalt  }
0x54: {  	_ =	shalt  }
0x55: {  	_ =	shalt  }
0x56: {  	_ =	shalt  }
0x57: {  	_ =	shalt  }
0x58: {  	_ =	shalt  }
0x59: {  	_ =	shalt  }
0x5a: {  	_ =	shalt  }
0x5b: {  	_ =	shalt  }
0x5c: {  	_ =	shalt  }
0x5d: {  	_ =	shalt  }
0x5e: {  	_ =	shalt  }
0x5f: {  	_ =	shalt  }
0x60: {  	_ =	shalt  }
0x61: {  	_ =	shalt  }
0x62: {  	_ =	shalt  }
0x63: {  	_ =	shalt  }
0x64: {  	_ =	shalt  }
0x65: {  	_ =	shalt  }
0x66: {  	_ =	shalt  }
0x67: {  	_ =	shalt  }
0x68: {  	_ =	shalt  }
0x69: {  	_ =	shalt  }
0x6a: {  	_ =	shalt  }
0x6b: {  	_ =	shalt  }
0x6c: {  	_ =	shalt  }
0x6d: {  	_ =	shalt  }
0x6e: {  	_ =	shalt  }
0x6f: {  	_ =	shalt  }
0x70: {  	_ =	shalt  }
0x71: {  	_ =	shalt  }
0x72: {  	_ =	shalt  }
0x73: {  	_ =	shalt  }
0x74: {  	_ =	shalt  }
0x75: {  	_ =	shalt  }
0x76: {  	_ =	shalt  }
0x77: {  	_ =	shalt  }
0x78: {  	_ =	shalt  }
0x79: {  	_ =	shalt  }
0x7a: {  	_ =	shalt  }
0x7b: {  	_ =	shalt  }
0x7c: {  	_ =	shalt  }
0x7d: {  	_ =	shalt  }
0x7e: {  	_ =	shalt  }
0x7f: {  	_ =	shalt  }
0x80: {  	_ =	shalt  }
0x81: {  	_ =	shalt  }
0x82: {  	_ =	shalt  }
0x83: {  	_ =	shalt  }
0x84: {  	_ =	shalt  }
0x85: {  	_ =	shalt  }
0x86: {  	_ =	shalt  }
0x87: {  	_ =	shalt  }
.Lfunc_end0:
.L_simem_size_0:
called_computation.2_lowered:
.L_overlay_start_0:
0x88: {  	s2 =	sld [smem:$0x3FD9]  }
0x89: {  	s3 =	sld [smem:$0x3FFE];
	_ =	sdelay $0x1  }
0x8a: {  	s1 =	srdreg.scid  }
0x8b: {  	s0 =	sand.u32 $0x1, s1  }
0x8c: {  	s17 =	sshll.u32 s0, $0xA;
	s2 =	sadd.s32 s3, s2  }
0x8d: {  	s2 =	sadd.s32 s2, s17  }
0x8e: {  	[smem:$0x3FBD] =	sst s2  }
0x8f: {  	_ = 	snop  }
0x90: {  	s2 =	sld [smem:$0x3FD0];
	(tm) =	ssettm $0x1  }
0x91: {  	s18 =	sld [smem:$0x3FFB];
	_ =	sdelay $0x3  }
0x92: {  	_ =	strace s18  }
0x93: {  	s3 =	sld [smem:$0x3FFC];
	_ =	sdelay $0x3  }
0x94: {  	_ =	strace s3  }
0x95: {  	s3 =	sld [smem:$0x3FFD];
	_ =	sdelay $0x3  }
0x96: {  	_ =	strace s3  }
0x97: {  	_ =	strace $0x8FFFFFFF  }
0x98: {  	s19 =	sld [smem:$0x3FDB];
	_ =	sdelay $0x1  }
0x99: {  	s4 =	simm.s32 $_scs_section_size  }
0x9a: {  	s5 =	simm.s32 $_size__tile_overlayer_lowered;
	s6 =	simm.s32 $_tile_overlayer_lowered  }
0x9b: {  	s22 =	simm.s32 $0x1BFF;
	s21 =	sshll.u32 s6, $0x1;
	s3 =	sadd.s32 s4, s19  }
0x9c: {  	s7 =	simm.s32 $0x0;
	s20 =	sshll.u32 s5, $0x1;
	s5 =	sadd.s32 s21, s3  }
0x9d: {  	[timem:s7], [sflag:s22] =	dma.local [hbm:s5], s20  }
0x9e: {  	_ =	swait.ge [sflag:s22], s20  }
0x9f: {  	s4 =	ssub.s32 $0x0, s20;
	[sflag:s22] =	ssyncset.done $0x0  }
0xa0: {  	[sflag:s22] =	ssyncadd.s32 s4;
	_ =	sdelay $0x1  }
0xa1: {  	s23 =	simm.s32 $0x1B8B  }
0xa2: {  	_ =	swait.ge [sflag:s23], $0x1  }
0xa3: {  	[sflag:s23] =	ssyncset.done $0x0  }
0xa4: {  	s25 =	simm.s32 $0x1B8E;
	s24 =	sld [smem:$0x3FFE];
	[sflag:s23] =	ssyncadd.s32 $0xFFFFFFFF  }
0xa5: {  	s26 =	simm.s32 $execute0_lowered;
	[smem:$0x3FD2] =	sst s25  }
0xa6: {  	s5 =	sshll.u32 s26, $0x1;
	_ =	strace $0x8000004C;
	[dreg:$0x1] =	wrdreg $0xFFFFFFFF  }
0xa7: {  	s28 =	simm.s32 $_size_execute0_lowered;
	s3 =	sadd.s32 s3, s5;
	[dreg:$0x0] =	wrdreg $0x0  }
0xa8: {  	s5 =	sshll.u32 s28, $0x1;
	[dreg:$0x2] =	wrdreg s3  }
0xa9: {  	[dreg:$0x3] =	wrdreg s5  }
0xaa: {  	[dreg:$0x4] =	wrdreg $0xC0  }
0xab: {  	_ =	task [dreg:s7], $0x5FFFF  }
0xac: {  	[dreg:$0x1] =	wrdreg $0xFFFFFFFF  }
0xad: {  	[dreg:$0x0] =	wrdreg $0x60  }
0xae: {  	[dreg:$0x2] =	wrdreg s2  }
0xaf: {  	[dreg:$0x3] =	wrdreg s24  }
0xb0: {  	[dreg:$0x4] =	wrdreg $0x0  }
0xb1: {  	[dreg:$0x5] =	wrdreg $0x9  }
0xb2: {  	_ =	task.clear_ibuf [dreg:s7], $0x6FFFF;
	_ =	strace $0x9000004C  }
0xb3: {  	s29 =	simm.s32 $0x9;
	_ =	strace $0x8000004E  }
0xb4: {  	_ =	swait.ge [sflag:s29], $0x1  }
0xb5: {  	[sflag:s29] =	ssyncadd.s32 $0xFFFFFFFF  }
0xb6: {  	_ =	strace $0x9000004E  }
0xb7: {  	_ =	sfence  }
0xb8: {  	s30 =	sld [smem:$0x0];
	_ =	sdelay $0x2  }
0xb9: {  	s31 =	sshll.u32 s1, $0xD;
	s1 =	sshrl.u32 s1, $0x2  }
0xba: {  	s3 =	sand.u32 $0x4000, s31;
	s1 =	sadd.s32 s1, s30  }
0xbb: {  	s0 =	sor.u32 s3, s0;
	s1 =	sshll.u32 s1, $0x11  }
0xbc: {  	s0 =	sor.u32 s1, s0  }
0xbd: {  	s0 =	sadd.s32 $0x8F2B, s0  }
0xbe: {  	[sflag:s0] =	ssyncadd.remote.s32 $0x1  }
0xbf: {  	_ =	sfence.sel $0xFFFF  }
0xc0: {  	[dreg:$0x0] =	wrdreg $0xFFFFFFFF;
	(pc) =	sbr.abs _section_cstart, $3  }
0xc1: {  	[dreg:$0x1] =	wrdreg $0xFFFFFFFF  }
0xc2: {  	_ =	task.clear_ibuf [dreg:s7], $0x2FFFF;
	_ =	strace $0x9FFFFFFF  }
0xc3: {  	(tm) =	ssettm $0x7FFFFFFF  }
tec
execute0_lowered:
.L_overlay_start_1:
0x0: {  	(tag) =	ssettag $0x1  }
0x1: {  	s1 =	rddreg [dreg:$0x0]  }
0x2: {  	s0 =	rddreg [dreg:$0x1];
	s2 =	srdreg.scid  }
0x3: {  	s14 =	stileid.u32;
	s3 =	rddreg [dreg:$0x2]  }
0x4: {  	s4 =	simm.s32 $0x0;
	s28 =	simm.s32 $0x14180;
	s10 =	smul.u32 $0x50000, s14  }
0x5: {  	s29 =	simm.s32 $0x1C200;
	s31 =	simm.s32 $0x1CB00;
	s22 =	smul.u32 $0x14000, s14  }
0x6: {  	s2 =	sand.u32 $0x1, s2;
	s5 =	sshll.u32 s14, $0x1;
	s16 =	smul.u32 $0x4E20, s14  }
0x7: {  	[smem:$0x7FF] =	sst s4;
	s6 =	sadd.s32 $0x2A00, s0;
	s26 =	smul.u32 $0x140000, s2  }
0x8: {  	s5 =	sor.u32 s2, s5;
	s8 =	ssub.s32 $0x2, s2;
	s2 =	smul.u32 $0x2710, s2  }
0x9: {  	_ =	strace $0x8000004D;
	s7 =	smul.u32 $0x2710, s5;
	s5 =	sadd.s32 $0xC800, s0  }
0xa: {  	s9 =	sshrl.u32 s8, $0x1;
	s0 =	sadd.s32 $0x16600, s0;
	s24 =	sshrl.u32 s10, $0x2  }
0xb: {  	s25 =	sadd.s32 $0x4000, s22;
	s18 =	sadd.s32 $0x8000, s22;
	s12 =	sadd.s32 $0xC000, s22  }
0xc: {  	s15 =	sadd.s32 $0x10000, s22;
	s8 =	ssub.s32 s8, s9;
	s13 =	sadd.s32 s24, s3  }
0xd: {  	s17 =	sadd.s32 s26, s18;
	s2 =	sadd.s32 s2, s16;
	s24 =	sadd.s32 s12, s3  }
0xe: {  	s10 =	sadd.s32 s26, s15;
	[dreg:$0xf] =	wrdreg s24;
	s14 =	sadd.s32 $0x9000, s13  }
0xf: {  	s30 =	sadd.s32 s18, s3;
	s16 =	sadd.s32 $0xB000, s13;
	[dreg:$0x18] =	wrdreg s14  }
0x10: {  	s7 =	sshrl.u32 s7, $0x3;
	s18 =	sadd.s32 $0xE000, s13;
	[dreg:$0x1a] =	wrdreg s16  }
0x11: {  	s10 =	sshrl.u32 s10, $0x3;
	s19 =	sadd.s32 s5, s7;
	[dreg:$0x1c] =	wrdreg s18  }
0x12: {  	s20 =	sadd.s32 s6, s7;
	s21 =	sadd.s32 $0x10, s7;
	[dreg:$0x4] =	wrdreg s19  }
0x13: {  	s7 =	sadd.s32 $0x4E0, s7;
	[dreg:$0x5] =	wrdreg s20;
	s11 =	sadd.s32 s5, s21  }
0x14: {  	s18 =	simm.s32 $0x14000;
	s9 =	sadd.s32 s6, s21;
	[dreg:$0x6] =	wrdreg s11  }
0x15: {  	s16 =	simm.s32 $0x1C280;
	s23 =	sadd.s32 s5, s7;
	[dreg:$0x7] =	wrdreg s9  }
0x16: {  	s7 =	sadd.s32 s6, s7;
	s20 =	sadd.s32 s25, s3;
	[dreg:$0x8] =	wrdreg s23  }
0x17: {  	s21 =	sadd.s32 s26, s12;
	s12 =	sadd.s32 $0x7000, s13;
	[dreg:$0x9] =	wrdreg s7  }
0x18: {  	s19 =	sshrl.u32 s17, $0x3;
	s17 =	sadd.s32 $0xD000, s13;
	[dreg:$0x17] =	wrdreg s12  }
0x19: {  	s9 =	sadd.s32 s26, s25;
	s25 =	sadd.s32 s15, s3;
	[dreg:$0x1b] =	wrdreg s17  }
0x1a: {  	s11 =	sadd.s32 s22, s26;
	s26 =	smax.u32 s8, $0x1;
	[dreg:$0x10] =	wrdreg s25  }
0x1b: {  	s22 =	sshrl.u32 s21, $0x3;
	s7 =	sadd.s32 $0x1000, s13;
	[dreg:$0x11] =	wrdreg s26  }
0x1c: {  	s23 =	sadd.s32 $0x180, s2;
	s8 =	sadd.s32 $0x2000, s13;
	[dreg:$0x12] =	wrdreg s7  }
0x1d: {  	s15 =	sadd.s32 $0xA000, s13;
	s21 =	sadd.s32 $0x11000, s13;
	[dreg:$0x13] =	wrdreg s8  }
0x1e: {  	s12 =	simm.s32 $0x4;
	s11 =	sshrl.u32 s11, $0x3;
	[dreg:$0x19] =	wrdreg s15  }
0x1f: {  	s9 =	sshrl.u32 s9, $0x3;
	[dreg:$0x1e] =	wrdreg s21;
	s11 =	sadd.s32 s0, s11  }
0x20: {  	s17 =	simm.s32 $0x0;
	s9 =	sadd.s32 s0, s9;
	[dreg:$0xa] =	wrdreg s11  }
0x21: {  	s26 =	sadd.s32 $0x100, s2;
	[dreg:$0xb] =	wrdreg s9;
	s9 =	sadd.s32 s0, s19  }
0x22: {  	s2 =	simm.s32 $0x6;
	s11 =	sadd.s32 $0x6000, s13;
	[dreg:$0xc] =	wrdreg s9  }
0x23: {  	s7 =	simm.s32 $0x80;
	s19 =	sadd.s32 $0xF000, s13;
	[dreg:$0x16] =	wrdreg s11  }
0x24: {  	s8 =	simm.s32 $0x14200;
	s9 =	sadd.s32 s0, s22;
	[dreg:$0x1d] =	wrdreg s19  }
0x25: {  	s15 =	simm.s32 $0x5;
	s0 =	sadd.s32 s0, s10;
	[dreg:$0xd] =	wrdreg s9  }
0x26: {  	s10 =	sadd.s32 $0x5000, s13;
	s22 =	sadd.s32 $0x12000, s13;
	[dreg:$0xe] =	wrdreg s0  }
0x27: {  	s19 =	simm.s32 $0x14100;
	s11 =	simm.s32 $0x3;
	[dreg:$0x15] =	wrdreg s10  }
0x28: {  	s0 =	sshrl.u32 s23, $0x3;
	s9 =	sadd.s32 $0x3000, s13;
	[dreg:$0x1f] =	wrdreg s22  }
0x29: {  	s23 =	sadd.s32 $0x13000, s13;
	s10 =	simm.s32 $0x18200;
	[dreg:$0x14] =	wrdreg s9  }
0x2a: {  	s24 =	sadd.s32 s0, s6;
	s25 =	sadd.s32 s0, s5;
	[smem:$0x7FD] =	sst s23  }
0x2b: {  	v0 =	vimm.f32 $0.0e+00;
	s23 =	simm.s32 $0x14080;
	s0 =	simm.s32 $0x1;
	s9 =	simm.s32 $0x2  }
.LBB2_1:
0x2c: {  	s14 =	rddreg [dreg:$0x4]  }
0x2d: {  	[tilespmem:s18], [sflag:$0x1] =	stream.linear.gather [hbm4b:s14+s4], $0x80, $0x38;
	[tilespmem:$0x1DB00] =	vst v63  }
0x2e: {  	s22 =	rddreg [dreg:$0x5]  }
0x2f: {  	[tilespmem:s19], [sflag:$0x1] =	stream.linear.gather [hbm4b:s22+s4], $0x80, $0x38;
	[tilespmem:$0x1DB00] =	vst v63  }
0x30: {  	s21 =	rddreg [dreg:$0x6]  }
0x31: {  	[tilespmem:s23], [sflag:$0x2] =	stream.linear.gather [hbm4b:s21+s4], $0x80, $0x38;
	[tilespmem:$0x1DB00] =	vst v63  }
0x32: {  	s22 =	rddreg [dreg:$0x7]  }
0x33: {  	[tilespmem:s28], [sflag:$0x2] =	stream.linear.gather [hbm4b:s22+s4], $0x80, $0x38;
	[tilespmem:$0x1DB00] =	vst v63  }
0x34: {  	s21 =	rddreg [dreg:$0x8]  }
0x35: {  	[tilespmem:s29], [sflag:$0x5] =	stream.linear.gather [hbm4b:s21+s4], $0x10, $0x38;
	[tilespmem:$0x1DB00] =	vst v63  }
0x36: {  	s22 =	rddreg [dreg:$0x9]  }
0x37: {  	[tilespmem:s16], [sflag:$0x5] =	stream.linear.gather [hbm4b:s22+s4], $0x10, $0x38;
	[tilespmem:$0x1DB00] =	vst v63  }
0x38: {  	s29 =	simm.s32 $0x200;
	s16 =	simm.s32 $0x0  }
.LBB2_2:
0x39: {  	p0 =	sne.s32 s29, $0x3E00;
	[tilespmem:s16+$0x1CB70] =	vst v0  }
0x3a: {  	[tilespmem:s16+$0x1CB00] =	vst v0  }
0x3b: {  	[tilespmem:s16+$0x1CB10] =	vst v0  }
.Ltmp0:
0x3c: {  	[tilespmem:s16+$0x1CB20] =	vst v0;
	(pc) =	sbr.rel @p0 .LBB2_2-.Ltmp0, $4  }
0x3d: {  	[tilespmem:s16+$0x1CB30] =	vst v0  }
0x3e: {  	[tilespmem:s16+$0x1CB40] =	vst v0  }
0x3f: {  	[tilespmem:s16+$0x1CB50] =	vst v0  }
0x40: {  	[tilespmem:s16+$0x1CB60] =	vst v0;
	s16 =	sshra.s32 s29, $0x2;
	s29 =	sadd.s32 $0x200, s29  }
0x41: {  	[tilespmem:s16+$0x1CB70] =	vst v0  }
0x42: {  	[tilespmem:s16+$0x1CB00] =	vst v0  }
0x43: {  	[tilespmem:s16+$0x1CB10] =	vst v0  }
0x44: {  	[tilespmem:s16+$0x1CB20] =	vst v0  }
0x45: {  	[tilespmem:s16+$0x1CB30] =	vst v0  }
0x46: {  	[tilespmem:s16+$0x1CB40] =	vst v0  }
0x47: {  	[tilespmem:s16+$0x1CB50] =	vst v0  }
0x48: {  	[tilespmem:s16+$0x1CB60] =	vst v0  }
0x49: {  	[spmem:s13] =	stream.linear.scatter [tilespmem:s31], [sflag:$0x6], $0x1000, $0x38;
	[tilespmem:$0x1DB00] =	vst v63  }
0x4a: {  	_ =	swait.ge [sflag:s2], $0x1000  }
0x4b: {  	[sflag:s2] =	ssyncset.done $0x0  }
0x4c: {  	s14 =	rddreg [dreg:$0x12];
	[sflag:s2] =	ssyncadd.s32 $0xFFFFF000  }
0x4d: {  	[spmem:s14] =	stream.linear.scatter [tilespmem:s31], [sflag:$0x6], $0x1000, $0x38;
	[tilespmem:$0x1DB00] =	vst v63  }
0x4e: {  	_ =	swait.ge [sflag:s2], $0x1000  }
0x4f: {  	[sflag:s2] =	ssyncset.done $0x0  }
0x50: {  	s22 =	rddreg [dreg:$0x13];
	[sflag:s2] =	ssyncadd.s32 $0xFFFFF000  }
0x51: {  	[spmem:s22] =	stream.linear.scatter [tilespmem:s31], [sflag:$0x6], $0x1000, $0x38;
	[tilespmem:$0x1DB00] =	vst v63  }
0x52: {  	_ =	swait.ge [sflag:s2], $0x1000  }
0x53: {  	[sflag:s2] =	ssyncset.done $0x0  }
0x54: {  	s16 =	rddreg [dreg:$0x14];
	[sflag:s2] =	ssyncadd.s32 $0xFFFFF000  }
0x55: {  	[spmem:s16] =	stream.linear.scatter [tilespmem:s31], [sflag:$0x6], $0x1000, $0x38;
	[tilespmem:$0x1DB00] =	vst v63  }
0x56: {  	_ =	swait.ge [sflag:s2], $0x1000  }
0x57: {  	[sflag:s2] =	ssyncset.done $0x0  }
0x58: {  	[sflag:s2] =	ssyncadd.s32 $0xFFFFF000  }
0x59: {  	[spmem:s20] =	stream.linear.scatter [tilespmem:s31], [sflag:$0x6], $0x1000, $0x38;
	[tilespmem:$0x1DB00] =	vst v63  }
0x5a: {  	_ =	swait.ge [sflag:s2], $0x1000  }
0x5b: {  	[sflag:s2] =	ssyncset.done $0x0  }
0x5c: {  	s21 =	smov.u32 s20;
	s20 =	rddreg [dreg:$0x15];
	[sflag:s2] =	ssyncadd.s32 $0xFFFFF000  }
0x5d: {  	[spmem:s20] =	stream.linear.scatter [tilespmem:s31], [sflag:$0x6], $0x1000, $0x38;
	[tilespmem:$0x1DB00] =	vst v63  }
0x5e: {  	_ =	swait.ge [sflag:s2], $0x1000  }
0x5f: {  	[sflag:s2] =	ssyncset.done $0x0  }
0x60: {  	s22 =	rddreg [dreg:$0x16];
	[sflag:s2] =	ssyncadd.s32 $0xFFFFF000  }
0x61: {  	[spmem:s22] =	stream.linear.scatter [tilespmem:s31], [sflag:$0x6], $0x1000, $0x38;
	[tilespmem:$0x1DB00] =	vst v63  }
0x62: {  	_ =	swait.ge [sflag:s2], $0x1000  }
0x63: {  	[sflag:s2] =	ssyncset.done $0x0  }
0x64: {  	s16 =	rddreg [dreg:$0x17];
	[sflag:s2] =	ssyncadd.s32 $0xFFFFF000  }
0x65: {  	[spmem:s16] =	stream.linear.scatter [tilespmem:s31], [sflag:$0x6], $0x1000, $0x38;
	[tilespmem:$0x1DB00] =	vst v63  }
0x66: {  	_ =	swait.ge [sflag:s2], $0x1000  }
0x67: {  	[sflag:s2] =	ssyncset.done $0x0  }
0x68: {  	[sflag:s2] =	ssyncadd.s32 $0xFFFFF000  }
0x69: {  	[spmem:s30] =	stream.linear.scatter [tilespmem:s31], [sflag:$0x6], $0x1000, $0x38;
	[tilespmem:$0x1DB00] =	vst v63  }
0x6a: {  	_ =	swait.ge [sflag:s2], $0x1000  }
0x6b: {  	[sflag:s2] =	ssyncset.done $0x0  }
0x6c: {  	s20 =	rddreg [dreg:$0x18];
	[sflag:s2] =	ssyncadd.s32 $0xFFFFF000  }
0x6d: {  	[spmem:s20] =	stream.linear.scatter [tilespmem:s31], [sflag:$0x6], $0x1000, $0x38;
	[tilespmem:$0x1DB00] =	vst v63  }
0x6e: {  	_ =	swait.ge [sflag:s2], $0x1000  }
0x6f: {  	[sflag:s2] =	ssyncset.done $0x0  }
0x70: {  	s16 =	rddreg [dreg:$0x19];
	[sflag:s2] =	ssyncadd.s32 $0xFFFFF000  }
0x71: {  	[spmem:s16] =	stream.linear.scatter [tilespmem:s31], [sflag:$0x6], $0x1000, $0x38;
	[tilespmem:$0x1DB00] =	vst v63  }
0x72: {  	_ =	swait.ge [sflag:s2], $0x1000  }
0x73: {  	[sflag:s2] =	ssyncset.done $0x0  }
0x74: {  	s20 =	rddreg [dreg:$0x1a];
	[sflag:s2] =	ssyncadd.s32 $0xFFFFF000  }
0x75: {  	[spmem:s20] =	stream.linear.scatter [tilespmem:s31], [sflag:$0x6], $0x1000, $0x38;
	[tilespmem:$0x1DB00] =	vst v63  }
0x76: {  	_ =	swait.ge [sflag:s2], $0x1000  }
0x77: {  	[sflag:s2] =	ssyncset.done $0x0  }
0x78: {  	s16 =	rddreg [dreg:$0xf];
	[sflag:s2] =	ssyncadd.s32 $0xFFFFF000  }
0x79: {  	[spmem:s16] =	stream.linear.scatter [tilespmem:s31], [sflag:$0x6], $0x1000, $0x38;
	[tilespmem:$0x1DB00] =	vst v63  }
0x7a: {  	_ =	swait.ge [sflag:s2], $0x1000  }
0x7b: {  	[sflag:s2] =	ssyncset.done $0x0  }
0x7c: {  	s20 =	rddreg [dreg:$0x1b];
	[sflag:s2] =	ssyncadd.s32 $0xFFFFF000  }
0x7d: {  	[spmem:s20] =	stream.linear.scatter [tilespmem:s31], [sflag:$0x6], $0x1000, $0x38;
	[tilespmem:$0x1DB00] =	vst v63  }
0x7e: {  	_ =	swait.ge [sflag:s2], $0x1000  }
0x7f: {  	[sflag:s2] =	ssyncset.done $0x0  }
0x80: {  	s16 =	rddreg [dreg:$0x1c];
	[sflag:s2] =	ssyncadd.s32 $0xFFFFF000  }
0x81: {  	[spmem:s16] =	stream.linear.scatter [tilespmem:s31], [sflag:$0x6], $0x1000, $0x38;
	[tilespmem:$0x1DB00] =	vst v63  }
0x82: {  	_ =	swait.ge [sflag:s2], $0x1000  }
0x83: {  	[sflag:s2] =	ssyncset.done $0x0  }
0x84: {  	s20 =	rddreg [dreg:$0x1d];
	[sflag:s2] =	ssyncadd.s32 $0xFFFFF000  }
0x85: {  	[spmem:s20] =	stream.linear.scatter [tilespmem:s31], [sflag:$0x6], $0x1000, $0x38;
	[tilespmem:$0x1DB00] =	vst v63  }
0x86: {  	_ =	swait.ge [sflag:s2], $0x1000  }
0x87: {  	[sflag:s2] =	ssyncset.done $0x0  }
0x88: {  	s16 =	rddreg [dreg:$0x10];
	[sflag:s2] =	ssyncadd.s32 $0xFFFFF000  }
0x89: {  	[spmem:s16] =	stream.linear.scatter [tilespmem:s31], [sflag:$0x6], $0x1000, $0x38;
	[tilespmem:$0x1DB00] =	vst v63  }
0x8a: {  	_ =	swait.ge [sflag:s2], $0x1000  }
0x8b: {  	[sflag:s2] =	ssyncset.done $0x0  }
0x8c: {  	s20 =	rddreg [dreg:$0x1e];
	[sflag:s2] =	ssyncadd.s32 $0xFFFFF000  }
0x8d: {  	[spmem:s20] =	stream.linear.scatter [tilespmem:s31], [sflag:$0x6], $0x1000, $0x38;
	[tilespmem:$0x1DB00] =	vst v63  }
0x8e: {  	_ =	swait.ge [sflag:s2], $0x1000  }
0x8f: {  	[sflag:s2] =	ssyncset.done $0x0  }
0x90: {  	s16 =	rddreg [dreg:$0x1f];
	[sflag:s2] =	ssyncadd.s32 $0xFFFFF000  }
0x91: {  	[spmem:s16] =	stream.linear.scatter [tilespmem:s31], [sflag:$0x6], $0x1000, $0x38;
	[tilespmem:$0x1DB00] =	vst v63  }
0x92: {  	_ =	swait.ge [sflag:s2], $0x1000  }
0x93: {  	s20 =	sld [smem:$0x7FD]  }
0x94: {  	[sflag:s2] =	ssyncset.done $0x0  }
0x95: {  	[sflag:s2] =	ssyncadd.s32 $0xFFFFF000  }
0x96: {  	[spmem:s20] =	stream.linear.scatter [tilespmem:s31], [sflag:$0x6], $0x1000, $0x38;
	[tilespmem:$0x1DB00] =	vst v63  }
0x97: {  	_ =	swait.ge [sflag:s2], $0x1000  }
0x98: {  	[sflag:s2] =	ssyncset.done $0x0  }
0x99: {  	[sflag:s2] =	ssyncadd.s32 $0xFFFFF000  }
0x9a: {  	_ =	swait.ge [sflag:s0], $0x80  }
0x9b: {  	[sflag:s0] =	ssyncset.done $0x0  }
0x9c: {  	[sflag:s0] =	ssyncadd.s32 $0xFFFFFF80  }
0x9d: {  	_ =	swait.ge [sflag:s0], $0x80  }
0x9e: {  	[sflag:s0] =	ssyncset.done $0x0  }
0x9f: {  	[sflag:s0] =	ssyncadd.s32 $0xFFFFFF80  }
0xa0: {  	[tilespmem:s8], [sflag:$0x3] =	stream.indirect.gather [hbm4b:s1+s7], $0x80, s18, s7, $0xb8;
	[tilespmem:$0x1DB00] =	vst v63  }
0xa1: {  	[bflag:$0x0] =	sbarrier.arrive $0xFFFF  }
0xa2: {  	_ =	swait.ge [sflag:s9], $0x80  }
0xa3: {  	[sflag:s9] =	ssyncset.done $0x0  }
0xa4: {  	[sflag:s9] =	ssyncadd.s32 $0xFFFFFF80  }
0xa5: {  	_ =	swait.ge [sflag:s9], $0x80  }
0xa6: {  	[sflag:s9] =	ssyncset.done $0x0  }
0xa7: {  	[sflag:s9] =	ssyncadd.s32 $0xFFFFFF80  }
0xa8: {  	[tilespmem:s10], [sflag:$0x4] =	stream.indirect.gather [hbm4b:s1+s7], $0x80, s23, s7, $0xb8;
	[tilespmem:$0x1DB00] =	vst v63  }
0xa9: {  	_ =	swait.ge [sflag:s11], $0x4000  }
0xaa: {  	[sflag:s11] =	ssyncset.done $0x0  }
0xab: {  	[sflag:s11] =	ssyncadd.s32 $0xFFFFC000  }
0xac: {  	[spmem:s3] =	stream.indirect.scatter.add.f32 [tilespmem:s8], [sflag:$0x6], $0x80, s19, s7, $0xb8;
	[tilespmem:$0x1DB00] =	vst v63  }
0xad: {  	_ =	swait.ge [sflag:s2], $0x4000  }
0xae: {  	s14 =	sshrl.u32 s26, $0x3;
	[sflag:s2] =	ssyncset.done $0x0  }
0xaf: {  	s29 =	sadd.s32 s5, s14;
	[sflag:s2] =	ssyncadd.s32 $0xFFFFC000  }
0xb0: {  	[tilespmem:s18], [sflag:$0x1] =	stream.linear.gather [hbm4b:s29+s4], $0x80, $0x38;
	[tilespmem:$0x1DB00] =	vst v63  }
0xb1: {  	s16 =	sadd.s32 s6, s14  }
0xb2: {  	[tilespmem:s19], [sflag:$0x1] =	stream.linear.gather [hbm4b:s16+s4], $0x80, $0x38;
	[tilespmem:$0x1DB00] =	vst v63  }
0xb3: {  	_ =	swait.ge [sflag:s0], $0x80  }
0xb4: {  	[sflag:s0] =	ssyncset.done $0x0  }
0xb5: {  	[sflag:s0] =	ssyncadd.s32 $0xFFFFFF80  }
0xb6: {  	_ =	swait.ge [sflag:s0], $0x80  }
0xb7: {  	[sflag:s0] =	ssyncset.done $0x0  }
0xb8: {  	[sflag:s0] =	ssyncadd.s32 $0xFFFFFF80  }
0xb9: {  	[tilespmem:s8], [sflag:$0x3] =	stream.indirect.gather [hbm4b:s1+s7], $0x80, s18, s7, $0xb8;
	[tilespmem:$0x1DB00] =	vst v63  }
0xba: {  	_ =	swait.ge [sflag:s12], $0x4000  }
0xbb: {  	[sflag:s12] =	ssyncset.done $0x0  }
0xbc: {  	[sflag:s12] =	ssyncadd.s32 $0xFFFFC000  }
0xbd: {  	[spmem:s3] =	stream.indirect.scatter.add.f32 [tilespmem:s10], [sflag:$0x6], $0x80, s28, s7, $0xb8;
	[tilespmem:$0x1DB00] =	vst v63  }
0xbe: {  	s22 =	smov.u32 s30;
	_ =	swait.ge [sflag:s2], $0x4000  }
0xbf: {  	s30 =	simm.s32 $0x20;
	s20 =	sadd.s32 $0x0, s25;
	[sflag:s2] =	ssyncset.done $0x0  }
0xc0: {  	s29 =	sadd.s32 $0x0, s24;
	s16 =	sadd.s32 $0x100, s26;
	[sflag:s2] =	ssyncadd.s32 $0xFFFFC000  }
0xc1: {  	[tilespmem:s23], [sflag:$0x2] =	stream.linear.gather [hbm4b:s20+s4], $0x80, $0x38;
	[tilespmem:$0x1DB00] =	vst v63  }
.LBB2_4:
0xc2: {  	[tilespmem:s28], [sflag:$0x2] =	stream.linear.gather [hbm4b:s29+s4], $0x80, $0x38;
	[tilespmem:$0x1DB00] =	vst v63  }
0xc3: {  	s29 =	smov.u32 s30  }
0xc4: {  	p0 =	sne.s32 s30, $0x4A0;
	s30 =	sadd.s32 $0x20, s30;
	_ =	swait.ge [sflag:s9], $0x80  }
0xc5: {  	[sflag:s9] =	ssyncset.done $0x0  }
0xc6: {  	[sflag:s9] =	ssyncadd.s32 $0xFFFFFF80  }
0xc7: {  	_ =	swait.ge [sflag:s9], $0x80  }
0xc8: {  	[sflag:s9] =	ssyncset.done $0x0  }
0xc9: {  	[sflag:s9] =	ssyncadd.s32 $0xFFFFFF80  }
0xca: {  	[tilespmem:s10], [sflag:$0x4] =	stream.indirect.gather [hbm4b:s1+s7], $0x80, s23, s7, $0xb8;
	[tilespmem:$0x1DB00] =	vst v63  }
0xcb: {  	_ =	swait.ge [sflag:s11], $0x4000  }
0xcc: {  	[sflag:s11] =	ssyncset.done $0x0  }
0xcd: {  	[sflag:s11] =	ssyncadd.s32 $0xFFFFC000  }
0xce: {  	[spmem:s3] =	stream.indirect.scatter.add.f32 [tilespmem:s8], [sflag:$0x6], $0x80, s19, s7, $0xb8;
	[tilespmem:$0x1DB00] =	vst v63  }
0xcf: {  	_ =	swait.ge [sflag:s2], $0x4000  }
0xd0: {  	s14 =	sshrl.u32 s16, $0x3;
	[sflag:s2] =	ssyncset.done $0x0  }
0xd1: {  	s20 =	sadd.s32 s5, s14;
	[sflag:s2] =	ssyncadd.s32 $0xFFFFC000  }
0xd2: {  	[tilespmem:s18], [sflag:$0x1] =	stream.linear.gather [hbm4b:s20+s4], $0x80, $0x38;
	[tilespmem:$0x1DB00] =	vst v63  }
0xd3: {  	s14 =	sadd.s32 s6, s14  }
0xd4: {  	[tilespmem:s19], [sflag:$0x1] =	stream.linear.gather [hbm4b:s14+s4], $0x80, $0x38;
	[tilespmem:$0x1DB00] =	vst v63  }
0xd5: {  	_ =	swait.ge [sflag:s0], $0x80  }
0xd6: {  	[sflag:s0] =	ssyncset.done $0x0  }
0xd7: {  	[sflag:s0] =	ssyncadd.s32 $0xFFFFFF80  }
0xd8: {  	_ =	swait.ge [sflag:s0], $0x80  }
0xd9: {  	[sflag:s0] =	ssyncset.done $0x0  }
0xda: {  	[sflag:s0] =	ssyncadd.s32 $0xFFFFFF80  }
0xdb: {  	[tilespmem:s8], [sflag:$0x3] =	stream.indirect.gather [hbm4b:s1+s7], $0x80, s18, s7, $0xb8;
	[tilespmem:$0x1DB00] =	vst v63  }
0xdc: {  	_ =	swait.ge [sflag:s12], $0x4000  }
0xdd: {  	[sflag:s12] =	ssyncset.done $0x0  }
0xde: {  	[sflag:s12] =	ssyncadd.s32 $0xFFFFC000  }
0xdf: {  	[spmem:s3] =	stream.indirect.scatter.add.f32 [tilespmem:s10], [sflag:$0x6], $0x80, s28, s7, $0xb8;
	[tilespmem:$0x1DB00] =	vst v63  }
.Ltmp1:
0xe0: {  	_ =	swait.ge [sflag:s2], $0x4000;
	(pc) =	sbr.rel @p0 .LBB2_4-.Ltmp1, $4  }
0xe1: {  	[sflag:s2] =	ssyncset.done $0x0  }
0xe2: {  	s14 =	sadd.s32 s29, s25;
	[sflag:s2] =	ssyncadd.s32 $0xFFFFC000  }
0xe3: {  	[tilespmem:s23], [sflag:$0x2] =	stream.linear.gather [hbm4b:s14+s4], $0x80, $0x38;
	[tilespmem:$0x1DB00] =	vst v63  }
0xe4: {  	s16 =	sadd.s32 $0x100, s16;
	s29 =	sadd.s32 s29, s24  }
0xe5: {  	[tilespmem:s28], [sflag:$0x2] =	stream.linear.gather [hbm4b:s29+s4], $0x80, $0x38;
	[tilespmem:$0x1DB00] =	vst v63  }
0xe6: {  	_ =	swait.ge [sflag:s9], $0x80  }
0xe7: {  	[sflag:s9] =	ssyncset.done $0x0  }
0xe8: {  	[sflag:s9] =	ssyncadd.s32 $0xFFFFFF80  }
0xe9: {  	_ =	swait.ge [sflag:s9], $0x80  }
0xea: {  	[sflag:s9] =	ssyncset.done $0x0  }
0xeb: {  	[sflag:s9] =	ssyncadd.s32 $0xFFFFFF80  }
0xec: {  	[tilespmem:s10], [sflag:$0x4] =	stream.indirect.gather [hbm4b:s1+s7], $0x80, s23, s7, $0xb8;
	[tilespmem:$0x1DB00] =	vst v63  }
0xed: {  	_ =	swait.ge [sflag:s11], $0x4000  }
0xee: {  	[sflag:s11] =	ssyncset.done $0x0  }
0xef: {  	[sflag:s11] =	ssyncadd.s32 $0xFFFFC000  }
0xf0: {  	[spmem:s3] =	stream.indirect.scatter.add.f32 [tilespmem:s8], [sflag:$0x6], $0x80, s19, s7, $0xb8;
	[tilespmem:$0x1DB00] =	vst v63  }
0xf1: {  	_ =	swait.ge [sflag:s2], $0x4000  }
0xf2: {  	[sflag:s2] =	ssyncset.done $0x0  }
0xf3: {  	[sflag:s2] =	ssyncadd.s32 $0xFFFFC000  }
0xf4: {  	_ =	swait.ge [sflag:s12], $0x4000  }
0xf5: {  	[sflag:s12] =	ssyncset.done $0x0  }
0xf6: {  	[sflag:s12] =	ssyncadd.s32 $0xFFFFC000  }
0xf7: {  	[spmem:s3] =	stream.indirect.scatter.add.f32 [tilespmem:s10], [sflag:$0x6], $0x80, s28, s7, $0xb8;
	[tilespmem:$0x1DB00] =	vst v63  }
0xf8: {  	_ =	swait.ge [sflag:s2], $0x4000  }
0xf9: {  	[sflag:s2] =	ssyncset.done $0x0  }
0xfa: {  	[sflag:s2] =	ssyncadd.s32 $0xFFFFC000  }
0xfb: {  	_ =	swait.ge [sflag:s15], $0x10  }
0xfc: {  	[sflag:s15] =	ssyncset.done $0x0  }
0xfd: {  	[sflag:s15] =	ssyncadd.s32 $0xFFFFFFF0  }
0xfe: {  	_ =	swait.ge [sflag:s15], $0x10  }
0xff: {  	s29 =	simm.s32 $0x1C200;
	[sflag:s15] =	ssyncset.done $0x0  }
0x100: {  	s16 =	simm.s32 $0x10;
	s20 =	simm.s32 $0x1C300;
	[sflag:s15] =	ssyncadd.s32 $0xFFFFFFF0  }
0x101: {  	[tilespmem:s20], [sflag:$0x5] =	stream.indirect.gather [hbm4b:s1+s16], $0x80, s29, s16, $0xb8;
	[tilespmem:$0x1DB00] =	vst v63  }
0x102: {  	_ =	swait.ge [sflag:s15], $0x800  }
0x103: {  	[sflag:s15] =	ssyncset.done $0x0  }
0x104: {  	s14 =	simm.s32 $0x1C280;
	[sflag:s15] =	ssyncadd.s32 $0xFFFFF800  }
0x105: {  	[spmem:s3] =	stream.indirect.scatter.add.f32 [tilespmem:s20], [sflag:$0x6], $0x80, s14, s16, $0xb8;
	[tilespmem:$0x1DB00] =	vst v63  }
0x106: {  	_ =	swait.ge [sflag:s2], $0x800  }
0x107: {  	[sflag:s2] =	ssyncset.done $0x0  }
0x108: {  	s20 =	stileid.u32;
	[sflag:s2] =	ssyncadd.s32 $0xFFFFF800  }
0x109: {  	s14 =	sshll.u32 s20, $0x6;
	[bflag:$0x0] =	sbarrier.arrive $0xFFFF  }
0x10a: {  	s16 =	sshrl.u32 s13, $0x3;
	s14 =	sor.u32 $0x1C06, s14;
	s20 =	rddreg [dreg:$0xa]  }
0x10b: {  	[hbm:s20], [sflag:s14] =	dma.local [spmem:s16], $0x800  }
0x10c: {  	_ =	swait.ge [sflag:s2], $0x800  }
0x10d: {  	s20 =	smov.u32 s21;
	[sflag:s2] =	ssyncset.done $0x0  }
0x10e: {  	s16 =	sshrl.u32 s21, $0x3;
	s21 =	rddreg [dreg:$0xb];
	[sflag:s2] =	ssyncadd.s32 $0xFFFFF800  }
0x10f: {  	[hbm:s21], [sflag:s14] =	dma.local [spmem:s16], $0x800  }
0x110: {  	_ =	swait.ge [sflag:s2], $0x800  }
0x111: {  	s30 =	smov.u32 s22;
	[sflag:s2] =	ssyncset.done $0x0  }
0x112: {  	s21 =	sshrl.u32 s22, $0x3;
	s22 =	rddreg [dreg:$0xc];
	[sflag:s2] =	ssyncadd.s32 $0xFFFFF800  }
0x113: {  	[hbm:s22], [sflag:s14] =	dma.local [spmem:s21], $0x800  }
0x114: {  	_ =	swait.ge [sflag:s2], $0x800  }
0x115: {  	[sflag:s2] =	ssyncset.done $0x0;
	s21 =	rddreg [dreg:$0xf]  }
0x116: {  	s22 =	rddreg [dreg:$0xd];
	[sflag:s2] =	ssyncadd.s32 $0xFFFFF800;
	s16 =	sshrl.u32 s21, $0x3  }
0x117: {  	[hbm:s22], [sflag:s14] =	dma.local [spmem:s16], $0x800  }
0x118: {  	_ =	swait.ge [sflag:s2], $0x800  }
0x119: {  	[sflag:s2] =	ssyncset.done $0x0;
	s21 =	rddreg [dreg:$0x10]  }
0x11a: {  	s22 =	rddreg [dreg:$0xe];
	[sflag:s2] =	ssyncadd.s32 $0xFFFFF800;
	s16 =	sshrl.u32 s21, $0x3  }
0x11b: {  	[hbm:s22], [sflag:s14] =	dma.local [spmem:s16], $0x800  }
0x11c: {  	_ =	swait.ge [sflag:s2], $0x800  }
0x11d: {  	s17 =	sadd.s32 $0x1, s17;
	s22 =	rddreg [dreg:$0x11]  }
0x11e: {  	p0 =	sne.s32 s17, s22  }
.Ltmp2:
0x11f: {  	_ = 	snop;
	(pc) =	sbr.rel @p0 .LBB2_1-.Ltmp2, $3  }
0x120: {  	_ =	sdelay $0x1  }
0x121: {  	[sflag:s2] =	ssyncset.done $0x0  }
0x122: {  	s16 =	simm.s32 $0x1C280;
	[sflag:s2] =	ssyncadd.s32 $0xFFFFF800  }
0x123: {  	_ =	sfence.sel $0x180000  }
0x124: {  	[bflag:$0x0] =	sbarrier.arrive $0xFFFF  }
0x125: {  	_ =	strace $0x9000004D  }
0x126: {  	s0 =	stileid.u32;
	[bflag:$0x2] =	sbarrier.arrive $0xFFFF  }
0x127: {  	p0 =	sne.s32 s0, $0x0;
	s0 =	rddreg [dreg:$0x3]  }
0x128: {  	s0 =	sadd.s32 @!p0 $0x100000, s0  }
0x129: {  	[sflag:s0] =	ssyncadd.tile.s32 @!p0 $0x1;
	_ =	shalt  }
.Lfunc_end2:
_tile_overlayer_lowered:
.L_overlay_start_2:
0x12a: {  	(tag) =	ssettag $0x2  }
0x12b: {  	s0 =	rddreg [dreg:$0x0];
	s2 =	stileid.u32  }
0x12c: {  	s1 =	rddreg [dreg:$0x1];
	p0 =	sne.s32 s2, $0x0  }
0x12d: {  	s3 =	rddreg [dreg:$0x2];
	[bflag:$0x3] =	sbarrier.arrive $0xFFFF;
	s2 =	simm.s32 @!p0 $0x1C06  }
0x12e: {  	[timem:s3], [sflag:s2] =	dma.local @!p0 [hbm:s0], s1  }
0x12f: {  	s0 =	simm.s32 @!p0 $0x6  }
0x130: {  	_ =	swait.ge @!p0 [sflag:s0], s1  }
0x131: {  	s1 =	ssub.s32 @!p0 $0x0, s1;
	[sflag:s0] =	ssyncset.done @!p0 $0x0  }
0x132: {  	[sflag:s0] =	ssyncadd.s32 @!p0 s1  }
0x133: {  	[bflag:$0x3] =	sbarrier.arrive $0xFFFF  }
0x134: {  	_ =	shalt  }

// kernel: kernel.9.cloned.1.call-start
scs
__scs_entry_jumppad:
0x0: {  	(pc) =	sbr.rel $0x88, $3  }
0x1: {  	(tag) =	ssettag $0x0;
	lr =	simm.s32 $0x1  }
0x2: {  	[smem:$0x3F96] =	sst lr;
	_ =	strace $0xD0000000  }
0x3: {  	_ = 	snop  }
0x4: {  	_ = 	snop  }
0x5: {  	_ = 	snop  }
0x6: {  	_ = 	snop  }
0x7: {  	_ = 	snop  }
__scs_overlays_trampoline_lowered:
0x8: {  	[smem:$0x3FA5] =	sst s0  }
0x9: {  	[smem:$0x3FA6] =	sst s1  }
0xa: {  	[smem:$0x3FA7] =	sst s2  }
0xb: {  	[smem:$0x3FA8] =	sst s3  }
0xc: {  	[smem:$0x3FA9] =	sst s4  }
0xd: {  	[smem:$0x3FAA] =	sst s5  }
0xe: {  	[smem:$0x3FAB] =	sst s6  }
0xf: {  	[smem:$0x3FAC] =	sst s7  }
0x10: {  	[smem:$0x3FAD] =	sst s8  }
0x11: {  	[smem:$0x3FAE] =	sst s9;
	s0 =	simm.s32 @!p0 $0x0  }
0x12: {  	s1 =	sld [smem:$0x3F94];
	s0 =	simm.s32 @p0 $0x1  }
0x13: {  	[smem:$0x3FAF] =	sst s0;
	s0 =	simm.s32 @!p1 $0x0  }
0x14: {  	s2 =	sld [smem:$0x3F93];
	s0 =	simm.s32 @p1 $0x1  }
0x15: {  	[smem:$0x3FB0] =	sst s0;
	s0 =	simm.s32 @!p2 $0x0  }
0x16: {  	s3 =	sld [smem:$0x3FDB];
	s0 =	simm.s32 @p2 $0x1  }
0x17: {  	s4 =	simm.s32 $0x1BF5;
	[smem:$0x3FB2] =	sst s0  }
0x18: {  	s0 =	sld [smem:$0x3F95];
	_ =	swait.ge [sflag:s4], $0x0  }
0x19: {  	s7 =	sld [smem:$0x3F96]  }
0x1a: {  	s8 =	sadd.s32 $0xFFFFE003, lr  }
0x1b: {  	s9 =	sadd.s32 $0xFFFFFEF7, lr;
	s5 =	simm.s32 $0xFFFFFFFF;
	p2 =	slt.u32 s8, $0xFFFFF086  }
0x1c: {  	p1 =	slt.u32 s9, $0xF7A;
	s5 =	simm.s32 @!p2 $0x0  }
0x1d: {  	s5 =	simm.s32 @p1 $0x1;
	p0 =	seq.s32 s7, s2  }
0x1e: {  	s7 =	smul.u32 @!p0 $0xF7A, s2;
	p2 =	seq.s32 @!p0 s5, $0x0  }
0x1f: {  	s9 =	smul.u32 $0xF7A, s1;
	s8 =	simm.s32 @!p0 $0x1BF5;
	p2 =	por !p2, p0  }
0x20: {  	[sflag:s8] =	ssyncset.s32 @!p0 $0xFFFFF086;
	s6 =	sadd.s32 @!p0 s3, s7;
	s7 =	simm.s32 @!p0 $0x108  }
0x21: {  	s3 =	sadd.s32 s3, s9;
	s6 =	sadd.s32 @!p0 $0x88, s6;
	s7 =	simm.s32 @p2 $0x1082  }
0x22: {  	[simem:s7], [sflag:s8] =	dma.local @!p0 [hbm:s6], $0xF7A  }
0x23: {  	s9 =	sor.u32 $0xD0000000, s2;
	s6 =	simm.s32 $0x108;
	_ =	swait.ge @!p0 [sflag:s8], $0x0  }
0x24: {  	s3 =	sadd.s32 $0x88, s3;
	s6 =	simm.s32 @!p1 $0x1082;
	[sflag:s4] =	ssyncset.s32 $0xFFFFF086  }
0x25: {  	[simem:s6], [sflag:s4] =	dma.local [hbm:s3], $0xF7A  }
0x26: {  	[smem:$0x3F96] =	sst s1;
	(tag) =	ssettag s2;
	_ =	strace s9  }
0x27: {  	s1 =	sld [smem:$0x3FA6]  }
0x28: {  	s2 =	sld [smem:$0x3FA7]  }
0x29: {  	s4 =	sld [smem:$0x3FA9]  }
0x2a: {  	p0 =	seq.s32 s5, $0x0;
	s5 =	sld [smem:$0x3FAA]  }
0x2b: {  	s6 =	sld [smem:$0x3FAB]  }
0x2c: {  	s7 =	sld [smem:$0x3FAC]  }
0x2d: {  	s3 =	simm.s32 $0x108;
	s8 =	sld [smem:$0x3FAD]  }
0x2e: {  	s3 =	simm.s32 @!p0 $0x1082;
	s9 =	sld [smem:$0x3FAE]  }
0x2f: {  	lr =	sadd.s32 s0, s3;
	s0 =	sld [smem:$0x3FA5]  }
0x30: {  	s3 =	sld [smem:$0x3FA8]  }
0x31: {  	[smem:$0x3FB1] =	sst s10  }
0x32: {  	s10 =	sld [smem:$0x3FAF];
	_ =	sdelay $0x3  }
0x33: {  	p0 =	seq.s32 s10, $0x1;
	s10 =	sld [smem:$0x3FB1];
	_ =	sdelay $0x3  }
0x34: {  	[smem:$0x3FB1] =	sst s10  }
0x35: {  	s10 =	sld [smem:$0x3FB0];
	_ =	sdelay $0x3  }
0x36: {  	p1 =	seq.s32 s10, $0x1;
	s10 =	sld [smem:$0x3FB1];
	_ =	sdelay $0x3  }
0x37: {  	[smem:$0x3FB1] =	sst s10  }
0x38: {  	s10 =	sld [smem:$0x3FB2]  }
0x39: {  	_ = 	snop;
	(pc) =	sbr.ind lr, $3  }
0x3a: {  	_ = 	snop  }
0x3b: {  	_ = 	snop  }
0x3c: {  	p2 =	seq.s32 s10, $0x1;
	s10 =	sld [smem:$0x3FB1]  }
0x3d: {  	_ =	shalt  }
0x3e: {  	_ =	shalt  }
0x3f: {  	_ =	shalt  }
0x40: {  	_ =	shalt  }
0x41: {  	_ =	shalt  }
0x42: {  	_ =	shalt  }
0x43: {  	_ =	shalt  }
0x44: {  	_ =	shalt  }
0x45: {  	_ =	shalt  }
0x46: {  	_ =	shalt  }
0x47: {  	_ =	shalt  }
0x48: {  	_ =	shalt  }
0x49: {  	_ =	shalt  }
0x4a: {  	_ =	shalt  }
0x4b: {  	_ =	shalt  }
0x4c: {  	_ =	shalt  }
0x4d: {  	_ =	shalt  }
0x4e: {  	_ =	shalt  }
0x4f: {  	_ =	shalt  }
0x50: {  	_ =	shalt  }
0x51: {  	_ =	shalt  }
0x52: {  	_ =	shalt  }
0x53: {  	_ =	shalt  }
0x54: {  	_ =	shalt  }
0x55: {  	_ =	shalt  }
0x56: {  	_ =	shalt  }
0x57: {  	_ =	shalt  }
0x58: {  	_ =	shalt  }
0x59: {  	_ =	shalt  }
0x5a: {  	_ =	shalt  }
0x5b: {  	_ =	shalt  }
0x5c: {  	_ =	shalt  }
0x5d: {  	_ =	shalt  }
0x5e: {  	_ =	shalt  }
0x5f: {  	_ =	shalt  }
0x60: {  	_ =	shalt  }
0x61: {  	_ =	shalt  }
0x62: {  	_ =	shalt  }
0x63: {  	_ =	shalt  }
0x64: {  	_ =	shalt  }
0x65: {  	_ =	shalt  }
0x66: {  	_ =	shalt  }
0x67: {  	_ =	shalt  }
0x68: {  	_ =	shalt  }
0x69: {  	_ =	shalt  }
0x6a: {  	_ =	shalt  }
0x6b: {  	_ =	shalt  }
0x6c: {  	_ =	shalt  }
0x6d: {  	_ =	shalt  }
0x6e: {  	_ =	shalt  }
0x6f: {  	_ =	shalt  }
0x70: {  	_ =	shalt  }
0x71: {  	_ =	shalt  }
0x72: {  	_ =	shalt  }
0x73: {  	_ =	shalt  }
0x74: {  	_ =	shalt  }
0x75: {  	_ =	shalt  }
0x76: {  	_ =	shalt  }
0x77: {  	_ =	shalt  }
0x78: {  	_ =	shalt  }
0x79: {  	_ =	shalt  }
0x7a: {  	_ =	shalt  }
0x7b: {  	_ =	shalt  }
0x7c: {  	_ =	shalt  }
0x7d: {  	_ =	shalt  }
0x7e: {  	_ =	shalt  }
0x7f: {  	_ =	shalt  }
0x80: {  	_ =	shalt  }
0x81: {  	_ =	shalt  }
0x82: {  	_ =	shalt  }
0x83: {  	_ =	shalt  }
0x84: {  	_ =	shalt  }
0x85: {  	_ =	shalt  }
0x86: {  	_ =	shalt  }
0x87: {  	_ =	shalt  }
.Lfunc_end0:
.L_simem_size_0:
called_computation_lowered:
.L_overlay_start_0:
0x88: {  	s2 =	sld [smem:$0x3FD9]  }
0x89: {  	s3 =	sld [smem:$0x3FFE];
	_ =	sdelay $0x1  }
0x8a: {  	s1 =	srdreg.scid  }
0x8b: {  	s0 =	sand.u32 $0x1, s1  }
0x8c: {  	s17 =	sshll.u32 s0, $0xA;
	s2 =	sadd.s32 s3, s2  }
0x8d: {  	s2 =	sadd.s32 s2, s17  }
0x8e: {  	[smem:$0x3FBD] =	sst s2  }
0x8f: {  	_ = 	snop  }
0x90: {  	s2 =	sld [smem:$0x3FD0];
	(tm) =	ssettm $0x1  }
0x91: {  	s18 =	sld [smem:$0x3FFB];
	_ =	sdelay $0x3  }
0x92: {  	_ =	strace s18  }
0x93: {  	s3 =	sld [smem:$0x3FFC];
	_ =	sdelay $0x3  }
0x94: {  	_ =	strace s3  }
0x95: {  	s3 =	sld [smem:$0x3FFD];
	_ =	sdelay $0x3  }
0x96: {  	_ =	strace s3  }
0x97: {  	_ =	strace $0x8FFFFFFF  }
0x98: {  	s19 =	sld [smem:$0x3FDB];
	_ =	sdelay $0x1  }
0x99: {  	s4 =	simm.s32 $_scs_section_size  }
0x9a: {  	s5 =	simm.s32 $_size__tile_overlayer_lowered;
	s6 =	simm.s32 $_tile_overlayer_lowered  }
0x9b: {  	s22 =	simm.s32 $0x1BFF;
	s21 =	sshll.u32 s6, $0x1;
	s3 =	sadd.s32 s4, s19  }
0x9c: {  	s7 =	simm.s32 $0x0;
	s20 =	sshll.u32 s5, $0x1;
	s5 =	sadd.s32 s21, s3  }
0x9d: {  	[timem:s7], [sflag:s22] =	dma.local [hbm:s5], s20  }
0x9e: {  	_ =	swait.ge [sflag:s22], s20  }
0x9f: {  	s4 =	ssub.s32 $0x0, s20;
	[sflag:s22] =	ssyncset.done $0x0  }
0xa0: {  	[sflag:s22] =	ssyncadd.s32 s4;
	_ =	sdelay $0x1  }
0xa1: {  	s23 =	simm.s32 $0x1B8B  }
0xa2: {  	_ =	swait.ge [sflag:s23], $0x1  }
0xa3: {  	[sflag:s23] =	ssyncset.done $0x0  }
0xa4: {  	s25 =	simm.s32 $0x1B8E;
	s24 =	sld [smem:$0x3FFE];
	[sflag:s23] =	ssyncadd.s32 $0xFFFFFFFF  }
0xa5: {  	s26 =	simm.s32 $execute0_lowered;
	[smem:$0x3FD2] =	sst s25  }
0xa6: {  	s5 =	sshll.u32 s26, $0x1;
	_ =	strace $0x80000046;
	[dreg:$0x1] =	wrdreg $0xFFFFFFFF  }
0xa7: {  	s28 =	simm.s32 $_size_execute0_lowered;
	s3 =	sadd.s32 s3, s5;
	[dreg:$0x0] =	wrdreg $0x0  }
0xa8: {  	s5 =	sshll.u32 s28, $0x1;
	[dreg:$0x2] =	wrdreg s3  }
0xa9: {  	[dreg:$0x3] =	wrdreg s5  }
0xaa: {  	[dreg:$0x4] =	wrdreg $0xC0  }
0xab: {  	_ =	task [dreg:s7], $0x5FFFF  }
0xac: {  	[dreg:$0x1] =	wrdreg $0xFFFFFFFF  }
0xad: {  	[dreg:$0x0] =	wrdreg $0x60  }
0xae: {  	[dreg:$0x2] =	wrdreg s2  }
0xaf: {  	[dreg:$0x3] =	wrdreg s24  }
0xb0: {  	[dreg:$0x4] =	wrdreg $0x0  }
0xb1: {  	[dreg:$0x5] =	wrdreg $0x1DB000  }
0xb2: {  	[dreg:$0x6] =	wrdreg $0x9  }
0xb3: {  	_ =	task.clear_ibuf [dreg:s7], $0x7FFFF;
	_ =	strace $0x90000046  }
0xb4: {  	s29 =	simm.s32 $0x9;
	_ =	strace $0x80000048  }
0xb5: {  	_ =	swait.ge [sflag:s29], $0x1  }
0xb6: {  	[sflag:s29] =	ssyncadd.s32 $0xFFFFFFFF  }
0xb7: {  	_ =	strace $0x90000048  }
0xb8: {  	_ =	sfence  }
0xb9: {  	s30 =	sld [smem:$0x0];
	_ =	sdelay $0x2  }
0xba: {  	s31 =	sshll.u32 s1, $0xD;
	s1 =	sshrl.u32 s1, $0x2  }
0xbb: {  	s3 =	sand.u32 $0x4000, s31;
	s1 =	sadd.s32 s1, s30  }
0xbc: {  	s0 =	sor.u32 s3, s0;
	s1 =	sshll.u32 s1, $0x11  }
0xbd: {  	s0 =	sor.u32 s1, s0  }
0xbe: {  	s0 =	sadd.s32 $0x8F2B, s0  }
0xbf: {  	[sflag:s0] =	ssyncadd.remote.s32 $0x1  }
0xc0: {  	_ =	sfence.sel $0xFFFF  }
0xc1: {  	[dreg:$0x0] =	wrdreg $0xFFFFFFFF;
	(pc) =	sbr.abs _section_cstart, $3  }
0xc2: {  	[dreg:$0x1] =	wrdreg $0xFFFFFFFF  }
0xc3: {  	_ =	task.clear_ibuf [dreg:s7], $0x2FFFF;
	_ =	strace $0x9FFFFFFF  }
0xc4: {  	(tm) =	ssettm $0x7FFFFFFF  }
0xc5: {  	_ =	shalt  }
tec
execute0_lowered:
.L_overlay_start_1:
0x0: {  	(tag) =	ssettag $0x1  }
0x1: {  	s1 =	rddreg [dreg:$0x0]  }
0x2: {  	s0 =	rddreg [dreg:$0x1]  }
0x3: {  	s2 =	rddreg [dreg:$0x2]  }
0x4: {  	s3 =	rddreg [dreg:$0x3];
	s5 =	simm.s32 $0x0;
	s4 =	srdreg.scid  }
0x5: {  	s21 =	stileid.u32;
	[smem:$0x7FF] =	sst s5  }
0x6: {  	s6 =	sadd.s32 $0xC800, s0;
	s4 =	sand.u32 $0x1, s4;
	s8 =	smul.u32 $0x500, s21  }
0x7: {  	s7 =	sadd.s32 $0x2A00, s0;
	s10 =	sshll.u32 s21, $0x1;
	s12 =	smul.u32 $0x280, s21  }
0x8: {  	s11 =	sadd.s32 $0x17000, s0;
	s14 =	smul.u32 $0x14000, s21;
	_ =	strace $0x80000047  }
0x9: {  	s9 =	sshll.u32 s4, $0x7;
	s22 =	sor.u32 s4, s10;
	s25 =	smul.u32 $0x140000, s4  }
0xa: {  	s23 =	ssub.s32 $0x2, s4;
	s8 =	sor.u32 s9, s8;
	s9 =	smul.u32 $0x2710, s22  }
0xb: {  	s24 =	sshrl.u32 s23, $0x1;
	s26 =	sshll.u32 s12, $0x7;
	s8 =	sshrl.u32 s8, $0x3  }
0xc: {  	s16 =	sadd.s32 $0x4000, s26;
	s17 =	sadd.s32 $0x8000, s26;
	s18 =	sadd.s32 $0xC000, s26  }
0xd: {  	s14 =	sadd.s32 s14, s25;
	s0 =	sadd.s32 s8, s0;
	s8 =	ssub.s32 s23, s24  }
0xe: {  	s9 =	sshrl.u32 s9, $0x3;
	s19 =	sadd.s32 s25, s16;
	s14 =	sshrl.u32 s14, $0x3  }
0xf: {  	s22 =	sadd.s32 s25, s17;
	s23 =	sadd.s32 s25, s18;
	s13 =	sadd.s32 s6, s9  }
0x10: {  	s15 =	sadd.s32 $0x10, s9;
	s14 =	sadd.s32 s11, s14;
	[dreg:$0x5] =	wrdreg s13  }
0x11: {  	s19 =	sshrl.u32 s19, $0x3;
	s0 =	sadd.s32 $0x16600, s0;
	[dreg:$0x6] =	wrdreg s14  }
0x12: {  	s13 =	sadd.s32 $0x10000, s26;
	s20 =	sadd.s32 s11, s19;
	[dreg:$0x14] =	wrdreg s0  }
0x13: {  	s14 =	sshrl.u32 s22, $0x3;
	s26 =	sadd.s32 s7, s9;
	[dreg:$0x7] =	wrdreg s20  }
0x14: {  	s19 =	sshrl.u32 s23, $0x3;
	s14 =	sadd.s32 s11, s14;
	[dreg:$0xb] =	wrdreg s26  }
0x15: {  	s20 =	smul.u32 $0x4E20, s21;
	s24 =	sadd.s32 s11, s19;
	[dreg:$0x8] =	wrdreg s14  }
0x16: {  	s10 =	sadd.s32 s25, s13;
	s19 =	sadd.s32 s7, s15;
	[dreg:$0x9] =	wrdreg s24  }
0x17: {  	s25 =	smul.u32 $0x50000, s21;
	s21 =	sadd.s32 s18, s2;
	[dreg:$0xd] =	wrdreg s19  }
0x18: {  	s26 =	smax.u32 s8, $0x1;
	[dreg:$0x11] =	wrdreg s21  }
0x19: {  	s4 =	smul.u32 $0x2710, s4;
	s14 =	sadd.s32 s6, s15;
	[dreg:$0x15] =	wrdreg s26  }
0x1a: {  	s10 =	sshrl.u32 s10, $0x3;
	s24 =	sadd.s32 s16, s2;
	[dreg:$0xc] =	wrdreg s14  }
0x1b: {  	s9 =	sadd.s32 $0x4E0, s9;
	s10 =	sadd.s32 s11, s10;
	[dreg:$0x13] =	wrdreg s24  }
0x1c: {  	s4 =	sadd.s32 s4, s20;
	s20 =	sadd.s32 s6, s9;
	[dreg:$0xa] =	wrdreg s10  }
0x1d: {  	s9 =	sadd.s32 s7, s9;
	s10 =	sshrl.u32 s25, $0x2;
	[dreg:$0xe] =	wrdreg s20  }
0x1e: {  	[dreg:$0xf] =	wrdreg s9;
	s22 =	sadd.s32 $0x180, s4;
	s25 =	sadd.s32 s13, s2  }
0x1f: {  	s8 =	sadd.s32 $0x100, s4;
	[dreg:$0x12] =	wrdreg s25;
	s9 =	sshrl.u32 s22, $0x3  }
0x20: {  	s10 =	sadd.s32 s10, s2;
	[dreg:$0x16] =	wrdreg s8;
	s28 =	sadd.s32 s9, s7  }
0x21: {  	s29 =	sadd.s32 s9, s6;
	s9 =	sadd.s32 $0x1000, s10;
	[dreg:$0x10] =	wrdreg s10  }
0x22: {  	s11 =	sadd.s32 $0x2000, s10;
	[dreg:$0x17] =	wrdreg s9  }
0x23: {  	s23 =	sadd.s32 s12, s3;
	s12 =	sadd.s32 $0x3000, s10;
	[dreg:$0x18] =	wrdreg s11  }
0x24: {  	s13 =	sadd.s32 $0x5000, s10;
	[dreg:$0x19] =	wrdreg s12  }
0x25: {  	s14 =	sadd.s32 $0x6000, s10;
	[dreg:$0x1a] =	wrdreg s13  }
0x26: {  	s15 =	sadd.s32 $0x7000, s10;
	[dreg:$0x1b] =	wrdreg s14  }
0x27: {  	s16 =	sadd.s32 $0x9000, s10;
	[dreg:$0x1c] =	wrdreg s15  }
0x28: {  	s30 =	sadd.s32 s17, s2;
	s17 =	sadd.s32 $0xA000, s10;
	[dreg:$0x1d] =	wrdreg s16  }
0x29: {  	s18 =	sadd.s32 $0xB000, s10;
	[dreg:$0x1e] =	wrdreg s17  }
0x2a: {  	s19 =	sadd.s32 $0xD000, s10;
	[dreg:$0x1f] =	wrdreg s18  }
0x2b: {  	s20 =	sadd.s32 $0xE000, s10;
	[smem:$0x7F8] =	sst s19  }
0x2c: {  	s31 =	simm.s32 $0x14100;
	s21 =	sadd.s32 $0xF000, s10;
	[smem:$0x7F9] =	sst s20  }
0x2d: {  	s0 =	simm.s32 $0x14080;
	s22 =	sadd.s32 $0x11000, s10;
	[smem:$0x7FA] =	sst s21  }
0x2e: {  	s4 =	simm.s32 $0x14180;
	s25 =	sadd.s32 $0x12000, s10;
	[smem:$0x7FB] =	sst s22  }
0x2f: {  	s8 =	simm.s32 $0x1DD80;
	s26 =	sadd.s32 $0x13000, s10;
	[smem:$0x7FC] =	sst s25  }
0x30: {  	s10 =	simm.s32 $0x1CB00;
	[smem:$0x7FD] =	sst s26;
	s26 =	simm.s32 $0x14000  }
0x31: {  	s9 =	simm.s32 $0x1C200;
	s19 =	simm.s32 $0x1C280;
	s11 =	simm.s32 $0x6  }
0x32: {  	s12 =	simm.s32 $0x1;
	s13 =	simm.s32 $0x80;
	s14 =	simm.s32 $0x14200  }
0x33: {  	s15 =	simm.s32 $0x2;
	s16 =	simm.s32 $0x18200;
	s17 =	simm.s32 $0x3  }
0x34: {  	v0 =	vimm.f32 $0.0e+00;
	v1 =	vimm.f32 $1.000000000e+00;
	s18 =	simm.s32 $0x4;
	s20 =	simm.s32 $0x0;
	s25 =	simm.s32 $0x10  }
.LBB2_1:
0x35: {  	s21 =	rddreg [dreg:$0x5]  }
0x36: {  	[tilespmem:s26], [sflag:$0x1] =	stream.linear.gather [hbm4b:s21+s5], $0x80, $0x38;
	[tilespmem:$0x1E080] =	vst v63  }
0x37: {  	s22 =	rddreg [dreg:$0xb]  }
0x38: {  	[tilespmem:s31], [sflag:$0x1] =	stream.linear.gather [hbm4b:s22+s5], $0x80, $0x38;
	[tilespmem:$0x1E080] =	vst v63  }
0x39: {  	s22 =	rddreg [dreg:$0xc]  }
0x3a: {  	[tilespmem:s0], [sflag:$0x2] =	stream.linear.gather [hbm4b:s22+s5], $0x80, $0x38;
	[tilespmem:$0x1E080] =	vst v63  }
0x3b: {  	s22 =	rddreg [dreg:$0xd]  }
0x3c: {  	[tilespmem:s4], [sflag:$0x2] =	stream.linear.gather [hbm4b:s22+s5], $0x80, $0x38;
	[tilespmem:$0x1E080] =	vst v63  }
0x3d: {  	s22 =	rddreg [dreg:$0xe]  }
0x3e: {  	[tilespmem:s9], [sflag:$0x5] =	stream.linear.gather [hbm4b:s22+s5], $0x10, $0x38;
	[tilespmem:$0x1E080] =	vst v63  }
0x3f: {  	s22 =	rddreg [dreg:$0xf]  }
0x40: {  	[tilespmem:s19], [sflag:$0x5] =	stream.linear.gather [hbm4b:s22+s5], $0x10, $0x38;
	[tilespmem:$0x1E080] =	vst v63  }
0x41: {  	s21 =	simm.s32 $0x0;
	s22 =	simm.s32 $0x200  }
.LBB2_2:
0x42: {  	p0 =	sne.s32 s22, $0x3E00;
	[tilespmem:s21+$0x1CB70] =	vst v0  }
0x43: {  	[tilespmem:s21+$0x1CB00] =	vst v0  }
0x44: {  	[tilespmem:s21+$0x1CB10] =	vst v0  }
.Ltmp0:
0x45: {  	[tilespmem:s21+$0x1CB20] =	vst v0;
	(pc) =	sbr.rel @p0 .LBB2_2-.Ltmp0, $4  }
0x46: {  	[tilespmem:s21+$0x1CB30] =	vst v0  }
0x47: {  	[tilespmem:s21+$0x1CB40] =	vst v0  }
0x48: {  	[tilespmem:s21+$0x1CB50] =	vst v0  }
0x49: {  	[tilespmem:s21+$0x1CB60] =	vst v0;
	s21 =	sshra.s32 s22, $0x2;
	s22 =	sadd.s32 $0x200, s22  }
0x4a: {  	[tilespmem:s21+$0x1CB70] =	vst v0  }
0x4b: {  	[tilespmem:s21+$0x1CB00] =	vst v0  }
0x4c: {  	[tilespmem:s21+$0x1CB10] =	vst v0  }
0x4d: {  	[tilespmem:s21+$0x1CB20] =	vst v0  }
0x4e: {  	[tilespmem:s21+$0x1CB30] =	vst v0  }
0x4f: {  	[tilespmem:s21+$0x1CB40] =	vst v0  }
0x50: {  	[smem:$0x7F7] =	sst s20;
	[tilespmem:s21+$0x1CB50] =	vst v0  }
0x51: {  	[tilespmem:s21+$0x1CB60] =	vst v0;
	s9 =	rddreg [dreg:$0x10]  }
0x52: {  	[spmem:s9] =	stream.linear.scatter [tilespmem:s10], [sflag:$0x6], $0x1000, $0x38;
	[tilespmem:$0x1E080] =	vst v63  }
0x53: {  	_ =	swait.ge [sflag:s11], $0x1000  }
0x54: {  	[sflag:s11] =	ssyncset.done $0x0  }
0x55: {  	s21 =	rddreg [dreg:$0x17];
	[sflag:s11] =	ssyncadd.s32 $0xFFFFF000  }
0x56: {  	[spmem:s21] =	stream.linear.scatter [tilespmem:s10], [sflag:$0x6], $0x1000, $0x38;
	[tilespmem:$0x1E080] =	vst v63  }
0x57: {  	_ =	swait.ge [sflag:s11], $0x1000  }
0x58: {  	[sflag:s11] =	ssyncset.done $0x0  }
0x59: {  	s22 =	rddreg [dreg:$0x18];
	[sflag:s11] =	ssyncadd.s32 $0xFFFFF000  }
0x5a: {  	[spmem:s22] =	stream.linear.scatter [tilespmem:s10], [sflag:$0x6], $0x1000, $0x38;
	[tilespmem:$0x1E080] =	vst v63  }
0x5b: {  	_ =	swait.ge [sflag:s11], $0x1000  }
0x5c: {  	[sflag:s11] =	ssyncset.done $0x0  }
0x5d: {  	s19 =	rddreg [dreg:$0x19];
	[sflag:s11] =	ssyncadd.s32 $0xFFFFF000  }
0x5e: {  	[spmem:s19] =	stream.linear.scatter [tilespmem:s10], [sflag:$0x6], $0x1000, $0x38;
	[tilespmem:$0x1E080] =	vst v63  }
0x5f: {  	_ =	swait.ge [sflag:s11], $0x1000  }
0x60: {  	[sflag:s11] =	ssyncset.done $0x0  }
0x61: {  	[sflag:s11] =	ssyncadd.s32 $0xFFFFF000  }
0x62: {  	[spmem:s24] =	stream.linear.scatter [tilespmem:s10], [sflag:$0x6], $0x1000, $0x38;
	[tilespmem:$0x1E080] =	vst v63  }
0x63: {  	_ =	swait.ge [sflag:s11], $0x1000  }
0x64: {  	[sflag:s11] =	ssyncset.done $0x0  }
0x65: {  	s20 =	rddreg [dreg:$0x1a];
	[sflag:s11] =	ssyncadd.s32 $0xFFFFF000  }
0x66: {  	[spmem:s20] =	stream.linear.scatter [tilespmem:s10], [sflag:$0x6], $0x1000, $0x38;
	[tilespmem:$0x1E080] =	vst v63  }
0x67: {  	_ =	swait.ge [sflag:s11], $0x1000  }
0x68: {  	[sflag:s11] =	ssyncset.done $0x0  }
0x69: {  	s21 =	rddreg [dreg:$0x1b];
	[sflag:s11] =	ssyncadd.s32 $0xFFFFF000  }
0x6a: {  	[spmem:s21] =	stream.linear.scatter [tilespmem:s10], [sflag:$0x6], $0x1000, $0x38;
	[tilespmem:$0x1E080] =	vst v63  }
0x6b: {  	_ =	swait.ge [sflag:s11], $0x1000  }
0x6c: {  	[sflag:s11] =	ssyncset.done $0x0  }
0x6d: {  	s22 =	rddreg [dreg:$0x1c];
	[sflag:s11] =	ssyncadd.s32 $0xFFFFF000  }
0x6e: {  	[spmem:s22] =	stream.linear.scatter [tilespmem:s10], [sflag:$0x6], $0x1000, $0x38;
	[tilespmem:$0x1E080] =	vst v63  }
0x6f: {  	_ =	swait.ge [sflag:s11], $0x1000  }
0x70: {  	[sflag:s11] =	ssyncset.done $0x0  }
0x71: {  	[sflag:s11] =	ssyncadd.s32 $0xFFFFF000  }
0x72: {  	[spmem:s30] =	stream.linear.scatter [tilespmem:s10], [sflag:$0x6], $0x1000, $0x38;
	[tilespmem:$0x1E080] =	vst v63  }
0x73: {  	_ =	swait.ge [sflag:s11], $0x1000  }
0x74: {  	[sflag:s11] =	ssyncset.done $0x0  }
0x75: {  	s19 =	rddreg [dreg:$0x1d];
	[sflag:s11] =	ssyncadd.s32 $0xFFFFF000  }
0x76: {  	[spmem:s19] =	stream.linear.scatter [tilespmem:s10], [sflag:$0x6], $0x1000, $0x38;
	[tilespmem:$0x1E080] =	vst v63  }
0x77: {  	_ =	swait.ge [sflag:s11], $0x1000  }
0x78: {  	[sflag:s11] =	ssyncset.done $0x0  }
0x79: {  	s24 =	rddreg [dreg:$0x1e];
	[sflag:s11] =	ssyncadd.s32 $0xFFFFF000  }
0x7a: {  	[spmem:s24] =	stream.linear.scatter [tilespmem:s10], [sflag:$0x6], $0x1000, $0x38;
	[tilespmem:$0x1E080] =	vst v63  }
0x7b: {  	_ =	swait.ge [sflag:s11], $0x1000  }
0x7c: {  	[sflag:s11] =	ssyncset.done $0x0  }
0x7d: {  	s9 =	smov.u32 s30;
	s30 =	rddreg [dreg:$0x1f];
	[sflag:s11] =	ssyncadd.s32 $0xFFFFF000  }
0x7e: {  	[spmem:s30] =	stream.linear.scatter [tilespmem:s10], [sflag:$0x6], $0x1000, $0x38;
	[tilespmem:$0x1E080] =	vst v63  }
0x7f: {  	_ =	swait.ge [sflag:s11], $0x1000  }
0x80: {  	[sflag:s11] =	ssyncset.done $0x0  }
0x81: {  	s20 =	rddreg [dreg:$0x11];
	[sflag:s11] =	ssyncadd.s32 $0xFFFFF000  }
0x82: {  	[spmem:s20] =	stream.linear.scatter [tilespmem:s10], [sflag:$0x6], $0x1000, $0x38;
	[tilespmem:$0x1E080] =	vst v63  }
0x83: {  	_ =	swait.ge [sflag:s11], $0x1000  }
0x84: {  	s22 =	sld [smem:$0x7F8]  }
0x85: {  	[sflag:s11] =	ssyncset.done $0x0  }
0x86: {  	[sflag:s11] =	ssyncadd.s32 $0xFFFFF000  }
0x87: {  	[spmem:s22] =	stream.linear.scatter [tilespmem:s10], [sflag:$0x6], $0x1000, $0x38;
	[tilespmem:$0x1E080] =	vst v63  }
0x88: {  	_ =	swait.ge [sflag:s11], $0x1000  }
0x89: {  	s24 =	sld [smem:$0x7F9]  }
0x8a: {  	[sflag:s11] =	ssyncset.done $0x0  }
0x8b: {  	[sflag:s11] =	ssyncadd.s32 $0xFFFFF000  }
0x8c: {  	[spmem:s24] =	stream.linear.scatter [tilespmem:s10], [sflag:$0x6], $0x1000, $0x38;
	[tilespmem:$0x1E080] =	vst v63  }
0x8d: {  	_ =	swait.ge [sflag:s11], $0x1000  }
0x8e: {  	s30 =	sld [smem:$0x7FA]  }
0x8f: {  	[sflag:s11] =	ssyncset.done $0x0  }
0x90: {  	[sflag:s11] =	ssyncadd.s32 $0xFFFFF000  }
0x91: {  	[spmem:s30] =	stream.linear.scatter [tilespmem:s10], [sflag:$0x6], $0x1000, $0x38;
	[tilespmem:$0x1E080] =	vst v63  }
0x92: {  	_ =	swait.ge [sflag:s11], $0x1000  }
0x93: {  	[sflag:s11] =	ssyncset.done $0x0  }
0x94: {  	s20 =	rddreg [dreg:$0x12];
	[sflag:s11] =	ssyncadd.s32 $0xFFFFF000  }
0x95: {  	[spmem:s20] =	stream.linear.scatter [tilespmem:s10], [sflag:$0x6], $0x1000, $0x38;
	[tilespmem:$0x1E080] =	vst v63  }
0x96: {  	_ =	swait.ge [sflag:s11], $0x1000  }
0x97: {  	s21 =	sld [smem:$0x7FB]  }
0x98: {  	[sflag:s11] =	ssyncset.done $0x0  }
0x99: {  	[sflag:s11] =	ssyncadd.s32 $0xFFFFF000  }
0x9a: {  	[spmem:s21] =	stream.linear.scatter [tilespmem:s10], [sflag:$0x6], $0x1000, $0x38;
	[tilespmem:$0x1E080] =	vst v63  }
0x9b: {  	_ =	swait.ge [sflag:s11], $0x1000  }
0x9c: {  	s22 =	sld [smem:$0x7FC]  }
0x9d: {  	[sflag:s11] =	ssyncset.done $0x0  }
0x9e: {  	[sflag:s11] =	ssyncadd.s32 $0xFFFFF000  }
0x9f: {  	[spmem:s22] =	stream.linear.scatter [tilespmem:s10], [sflag:$0x6], $0x1000, $0x38;
	[tilespmem:$0x1E080] =	vst v63  }
0xa0: {  	_ =	swait.ge [sflag:s11], $0x1000  }
0xa1: {  	s24 =	sld [smem:$0x7FD]  }
0xa2: {  	[sflag:s11] =	ssyncset.done $0x0  }
0xa3: {  	[sflag:s11] =	ssyncadd.s32 $0xFFFFF000  }
0xa4: {  	[spmem:s24] =	stream.linear.scatter [tilespmem:s10], [sflag:$0x6], $0x1000, $0x38;
	[tilespmem:$0x1E080] =	vst v63  }
0xa5: {  	_ =	swait.ge [sflag:s11], $0x1000  }
0xa6: {  	[sflag:s11] =	ssyncset.done $0x0  }
0xa7: {  	[sflag:s11] =	ssyncadd.s32 $0xFFFFF000  }
0xa8: {  	[tilespmem:$0x1DE00] =	vst v0  }
0xa9: {  	[tilespmem:$0x1DE10] =	vst v0  }
0xaa: {  	[tilespmem:$0x1DE20] =	vst v0  }
0xab: {  	[tilespmem:$0x1DE30] =	vst v0  }
0xac: {  	[tilespmem:$0x1DE40] =	vst v0  }
0xad: {  	[tilespmem:$0x1DE50] =	vst v0  }
0xae: {  	[tilespmem:$0x1DE60] =	vst v0  }
0xaf: {  	[tilespmem:$0x1DE70] =	vst v0  }
0xb0: {  	[tilespmem:$0x1DE80] =	vst v0  }
0xb1: {  	[tilespmem:$0x1DE90] =	vst v0  }
0xb2: {  	[tilespmem:$0x1DEA0] =	vst v0  }
0xb3: {  	[tilespmem:$0x1DEB0] =	vst v0  }
0xb4: {  	[tilespmem:$0x1DEC0] =	vst v0  }
0xb5: {  	[tilespmem:$0x1DED0] =	vst v0  }
0xb6: {  	[tilespmem:$0x1DEE0] =	vst v0  }
0xb7: {  	[tilespmem:$0x1DEF0] =	vst v0  }
0xb8: {  	[tilespmem:$0x1DF00] =	vst v0  }
0xb9: {  	[tilespmem:$0x1DF10] =	vst v0  }
0xba: {  	[tilespmem:$0x1DF20] =	vst v0  }
0xbb: {  	[tilespmem:$0x1DF30] =	vst v0  }
0xbc: {  	[tilespmem:$0x1DF40] =	vst v0  }
0xbd: {  	[tilespmem:$0x1DF50] =	vst v0  }
0xbe: {  	[tilespmem:$0x1DF60] =	vst v0  }
0xbf: {  	[tilespmem:$0x1DF70] =	vst v0  }
0xc0: {  	[tilespmem:$0x1DF80] =	vst v0  }
0xc1: {  	[tilespmem:$0x1DF90] =	vst v0  }
0xc2: {  	[tilespmem:$0x1DFA0] =	vst v0  }
0xc3: {  	[tilespmem:$0x1DFB0] =	vst v0  }
0xc4: {  	[tilespmem:$0x1DFC0] =	vst v0  }
0xc5: {  	[tilespmem:$0x1DFD0] =	vst v0  }
0xc6: {  	[tilespmem:$0x1DFE0] =	vst v0  }
0xc7: {  	[tilespmem:$0x1DFF0] =	vst v0  }
0xc8: {  	[tilespmem:$0x1E000] =	vst v0  }
0xc9: {  	[tilespmem:$0x1E010] =	vst v0  }
0xca: {  	[tilespmem:$0x1E020] =	vst v0  }
0xcb: {  	[tilespmem:$0x1E030] =	vst v0  }
0xcc: {  	[tilespmem:$0x1E040] =	vst v0  }
0xcd: {  	[tilespmem:$0x1E050] =	vst v0  }
0xce: {  	[tilespmem:$0x1E060] =	vst v0  }
0xcf: {  	[tilespmem:$0x1E070] =	vst v0  }
0xd0: {  	[tilespmem:$0x1DD80] =	vst v1  }
0xd1: {  	[tilespmem:$0x1DD90] =	vst v1  }
0xd2: {  	[tilespmem:$0x1DDA0] =	vst v1  }
0xd3: {  	[tilespmem:$0x1DDB0] =	vst v1  }
0xd4: {  	[tilespmem:$0x1DDC0] =	vst v1  }
0xd5: {  	[tilespmem:$0x1DDD0] =	vst v1  }
0xd6: {  	[tilespmem:$0x1DDE0] =	vst v1  }
0xd7: {  	s30 =	simm.s32 $0x1DE00;
	[tilespmem:$0x1DDF0] =	vst v1  }
0xd8: {  	[spmem:s23] =	stream.linear.scatter [tilespmem:s30], [sflag:$0x6], $0x280, $0x38;
	[tilespmem:$0x1E080] =	vst v63  }
0xd9: {  	_ =	swait.ge [sflag:s11], $0x280  }
0xda: {  	[sflag:s11] =	ssyncset.done $0x0  }
0xdb: {  	[sflag:s11] =	ssyncadd.s32 $0xFFFFFD80  }
0xdc: {  	_ =	swait.ge [sflag:s12], $0x80  }
0xdd: {  	[sflag:s12] =	ssyncset.done $0x0  }
0xde: {  	[sflag:s12] =	ssyncadd.s32 $0xFFFFFF80  }
0xdf: {  	_ =	swait.ge [sflag:s12], $0x80  }
0xe0: {  	[sflag:s12] =	ssyncset.done $0x0  }
0xe1: {  	[sflag:s12] =	ssyncadd.s32 $0xFFFFFF80  }
0xe2: {  	[tilespmem:s14], [sflag:$0x3] =	stream.indirect.gather [hbm4b:s1+s13], $0x80, s26, s13, $0xb8;
	[tilespmem:$0x1E080] =	vst v63  }
0xe3: {  	[bflag:$0x0] =	sbarrier.arrive $0xFFFF  }
0xe4: {  	_ =	swait.ge [sflag:s15], $0x80  }
0xe5: {  	[sflag:s15] =	ssyncset.done $0x0  }
0xe6: {  	[sflag:s15] =	ssyncadd.s32 $0xFFFFFF80  }
0xe7: {  	_ =	swait.ge [sflag:s15], $0x80  }
0xe8: {  	[sflag:s15] =	ssyncset.done $0x0  }
0xe9: {  	[sflag:s15] =	ssyncadd.s32 $0xFFFFFF80  }
0xea: {  	[tilespmem:s16], [sflag:$0x4] =	stream.indirect.gather [hbm4b:s1+s13], $0x80, s0, s13, $0xb8;
	[tilespmem:$0x1E080] =	vst v63  }
0xeb: {  	_ =	swait.ge [sflag:s17], $0x4000  }
0xec: {  	[sflag:s17] =	ssyncset.done $0x0  }
0xed: {  	[sflag:s17] =	ssyncadd.s32 $0xFFFFC000  }
0xee: {  	[spmem:s2] =	stream.indirect.scatter.add.f32 [tilespmem:s14], [sflag:$0x6], $0x80, s31, s13, $0xb8;
	[tilespmem:$0x1E080] =	vst v63  }
0xef: {  	_ =	swait.ge [sflag:s11], $0x4000  }
0xf0: {  	[sflag:s11] =	ssyncset.done $0x0  }
0xf1: {  	[sflag:s11] =	ssyncadd.s32 $0xFFFFC000  }
0xf2: {  	[spmem:s3] =	stream.indirect.scatter.add.f32 [tilespmem:s8], [sflag:$0x6], $0x1, s31, s13, $0xb8;
	[tilespmem:$0x1E080] =	vst v63  }
0xf3: {  	_ =	swait.ge [sflag:s11], $0x80  }
0xf4: {  	s20 =	rddreg [dreg:$0x16]  }
0xf5: {  	s19 =	smov.u32 s23;
	[sflag:s11] =	ssyncset.done $0x0;
	s23 =	sshrl.u32 s20, $0x3  }
0xf6: {  	[sflag:s11] =	ssyncadd.s32 $0xFFFFFF80;
	s22 =	sadd.s32 s6, s23  }
0xf7: {  	[tilespmem:s26], [sflag:$0x1] =	stream.linear.gather [hbm4b:s22+s5], $0x80, $0x38;
	[tilespmem:$0x1E080] =	vst v63  }
0xf8: {  	s21 =	sadd.s32 s7, s23  }
0xf9: {  	[tilespmem:s31], [sflag:$0x1] =	stream.linear.gather [hbm4b:s21+s5], $0x80, $0x38;
	[tilespmem:$0x1E080] =	vst v63  }
0xfa: {  	_ =	swait.ge [sflag:s12], $0x80  }
0xfb: {  	[sflag:s12] =	ssyncset.done $0x0  }
0xfc: {  	[sflag:s12] =	ssyncadd.s32 $0xFFFFFF80  }
0xfd: {  	_ =	swait.ge [sflag:s12], $0x80  }
0xfe: {  	[sflag:s12] =	ssyncset.done $0x0  }
0xff: {  	[sflag:s12] =	ssyncadd.s32 $0xFFFFFF80  }
0x100: {  	[tilespmem:s14], [sflag:$0x3] =	stream.indirect.gather [hbm4b:s1+s13], $0x80, s26, s13, $0xb8;
	[tilespmem:$0x1E080] =	vst v63  }
0x101: {  	_ =	swait.ge [sflag:s18], $0x4000  }
0x102: {  	[sflag:s18] =	ssyncset.done $0x0  }
0x103: {  	[sflag:s18] =	ssyncadd.s32 $0xFFFFC000  }
0x104: {  	[spmem:s2] =	stream.indirect.scatter.add.f32 [tilespmem:s16], [sflag:$0x6], $0x80, s4, s13, $0xb8;
	[tilespmem:$0x1E080] =	vst v63  }
0x105: {  	_ =	swait.ge [sflag:s11], $0x4000  }
0x106: {  	[sflag:s11] =	ssyncset.done $0x0  }
0x107: {  	[sflag:s11] =	ssyncadd.s32 $0xFFFFC000  }
0x108: {  	[spmem:s3] =	stream.indirect.scatter.add.f32 [tilespmem:s8], [sflag:$0x6], $0x1, s4, s13, $0xb8;
	[tilespmem:$0x1E080] =	vst v63  }
0x109: {  	_ =	swait.ge [sflag:s11], $0x80  }
0x10a: {  	s30 =	sadd.s32 $0x0, s29;
	s23 =	sadd.s32 $0x0, s28;
	[sflag:s11] =	ssyncset.done $0x0  }
0x10b: {  	s22 =	sadd.s32 $0x100, s20;
	s21 =	simm.s32 $0x20;
	[sflag:s11] =	ssyncadd.s32 $0xFFFFFF80  }
0x10c: {  	[tilespmem:s0], [sflag:$0x2] =	stream.linear.gather [hbm4b:s30+s5], $0x80, $0x38;
	[tilespmem:$0x1E080] =	vst v63  }
.LBB2_4:
0x10d: {  	[tilespmem:s4], [sflag:$0x2] =	stream.linear.gather [hbm4b:s23+s5], $0x80, $0x38;
	[tilespmem:$0x1E080] =	vst v63  }
0x10e: {  	s23 =	smov.u32 s21  }
0x10f: {  	p0 =	sne.s32 s21, $0x4A0;
	s21 =	sadd.s32 $0x20, s21;
	_ =	swait.ge [sflag:s15], $0x80  }
0x110: {  	[sflag:s15] =	ssyncset.done $0x0  }
0x111: {  	[sflag:s15] =	ssyncadd.s32 $0xFFFFFF80  }
0x112: {  	_ =	swait.ge [sflag:s15], $0x80  }
0x113: {  	[sflag:s15] =	ssyncset.done $0x0  }
0x114: {  	[sflag:s15] =	ssyncadd.s32 $0xFFFFFF80  }
0x115: {  	[tilespmem:s16], [sflag:$0x4] =	stream.indirect.gather [hbm4b:s1+s13], $0x80, s0, s13, $0xb8;
	[tilespmem:$0x1E080] =	vst v63  }
0x116: {  	_ =	swait.ge [sflag:s17], $0x4000  }
0x117: {  	[sflag:s17] =	ssyncset.done $0x0  }
0x118: {  	[sflag:s17] =	ssyncadd.s32 $0xFFFFC000  }
0x119: {  	[spmem:s2] =	stream.indirect.scatter.add.f32 [tilespmem:s14], [sflag:$0x6], $0x80, s31, s13, $0xb8;
	[tilespmem:$0x1E080] =	vst v63  }
0x11a: {  	_ =	swait.ge [sflag:s11], $0x4000  }
0x11b: {  	[sflag:s11] =	ssyncset.done $0x0  }
0x11c: {  	[sflag:s11] =	ssyncadd.s32 $0xFFFFC000  }
0x11d: {  	[spmem:s3] =	stream.indirect.scatter.add.f32 [tilespmem:s8], [sflag:$0x6], $0x1, s31, s13, $0xb8;
	[tilespmem:$0x1E080] =	vst v63  }
0x11e: {  	_ =	swait.ge [sflag:s11], $0x80  }
0x11f: {  	s24 =	sshrl.u32 s22, $0x3;
	[sflag:s11] =	ssyncset.done $0x0  }
0x120: {  	s30 =	sadd.s32 s6, s24;
	[sflag:s11] =	ssyncadd.s32 $0xFFFFFF80  }
0x121: {  	[tilespmem:s26], [sflag:$0x1] =	stream.linear.gather [hbm4b:s30+s5], $0x80, $0x38;
	[tilespmem:$0x1E080] =	vst v63  }
0x122: {  	s24 =	sadd.s32 s7, s24  }
0x123: {  	[tilespmem:s31], [sflag:$0x1] =	stream.linear.gather [hbm4b:s24+s5], $0x80, $0x38;
	[tilespmem:$0x1E080] =	vst v63  }
0x124: {  	_ =	swait.ge [sflag:s12], $0x80  }
0x125: {  	[sflag:s12] =	ssyncset.done $0x0  }
0x126: {  	[sflag:s12] =	ssyncadd.s32 $0xFFFFFF80  }
0x127: {  	_ =	swait.ge [sflag:s12], $0x80  }
0x128: {  	[sflag:s12] =	ssyncset.done $0x0  }
0x129: {  	[sflag:s12] =	ssyncadd.s32 $0xFFFFFF80  }
0x12a: {  	[tilespmem:s14], [sflag:$0x3] =	stream.indirect.gather [hbm4b:s1+s13], $0x80, s26, s13, $0xb8;
	[tilespmem:$0x1E080] =	vst v63  }
0x12b: {  	_ =	swait.ge [sflag:s18], $0x4000  }
0x12c: {  	[sflag:s18] =	ssyncset.done $0x0  }
0x12d: {  	[sflag:s18] =	ssyncadd.s32 $0xFFFFC000  }
0x12e: {  	[spmem:s2] =	stream.indirect.scatter.add.f32 [tilespmem:s16], [sflag:$0x6], $0x80, s4, s13, $0xb8;
	[tilespmem:$0x1E080] =	vst v63  }
0x12f: {  	_ =	swait.ge [sflag:s11], $0x4000  }
0x130: {  	[sflag:s11] =	ssyncset.done $0x0  }
0x131: {  	[sflag:s11] =	ssyncadd.s32 $0xFFFFC000  }
0x132: {  	[spmem:s3] =	stream.indirect.scatter.add.f32 [tilespmem:s8], [sflag:$0x6], $0x1, s4, s13, $0xb8;
	[tilespmem:$0x1E080] =	vst v63  }
.Ltmp1:
0x133: {  	_ =	swait.ge [sflag:s11], $0x80;
	(pc) =	sbr.rel @p0 .LBB2_4-.Ltmp1, $4  }
0x134: {  	[sflag:s11] =	ssyncset.done $0x0  }
0x135: {  	s24 =	sadd.s32 s23, s29;
	[sflag:s11] =	ssyncadd.s32 $0xFFFFFF80  }
0x136: {  	[tilespmem:s0], [sflag:$0x2] =	stream.linear.gather [hbm4b:s24+s5], $0x80, $0x38;
	[tilespmem:$0x1E080] =	vst v63  }
0x137: {  	s22 =	sadd.s32 $0x100, s22;
	s23 =	sadd.s32 s23, s28  }
0x138: {  	[tilespmem:s4], [sflag:$0x2] =	stream.linear.gather [hbm4b:s23+s5], $0x80, $0x38;
	[tilespmem:$0x1E080] =	vst v63  }
0x139: {  	_ =	swait.ge [sflag:s15], $0x80  }
0x13a: {  	[sflag:s15] =	ssyncset.done $0x0  }
0x13b: {  	[sflag:s15] =	ssyncadd.s32 $0xFFFFFF80  }
0x13c: {  	_ =	swait.ge [sflag:s15], $0x80  }
0x13d: {  	[sflag:s15] =	ssyncset.done $0x0  }
0x13e: {  	[sflag:s15] =	ssyncadd.s32 $0xFFFFFF80  }
0x13f: {  	[tilespmem:s16], [sflag:$0x4] =	stream.indirect.gather [hbm4b:s1+s13], $0x80, s0, s13, $0xb8;
	[tilespmem:$0x1E080] =	vst v63  }
0x140: {  	_ =	swait.ge [sflag:s17], $0x4000  }
0x141: {  	[sflag:s17] =	ssyncset.done $0x0  }
0x142: {  	[sflag:s17] =	ssyncadd.s32 $0xFFFFC000  }
0x143: {  	[spmem:s2] =	stream.indirect.scatter.add.f32 [tilespmem:s14], [sflag:$0x6], $0x80, s31, s13, $0xb8;
	[tilespmem:$0x1E080] =	vst v63  }
0x144: {  	_ =	swait.ge [sflag:s11], $0x4000  }
0x145: {  	[sflag:s11] =	ssyncset.done $0x0  }
0x146: {  	[sflag:s11] =	ssyncadd.s32 $0xFFFFC000  }
0x147: {  	[spmem:s3] =	stream.indirect.scatter.add.f32 [tilespmem:s8], [sflag:$0x6], $0x1, s31, s13, $0xb8;
	[tilespmem:$0x1E080] =	vst v63  }
0x148: {  	_ =	swait.ge [sflag:s11], $0x80  }
0x149: {  	[sflag:s11] =	ssyncset.done $0x0  }
0x14a: {  	[sflag:s11] =	ssyncadd.s32 $0xFFFFFF80  }
0x14b: {  	_ =	swait.ge [sflag:s18], $0x4000  }
0x14c: {  	[sflag:s18] =	ssyncset.done $0x0  }
0x14d: {  	[sflag:s18] =	ssyncadd.s32 $0xFFFFC000  }
0x14e: {  	[spmem:s2] =	stream.indirect.scatter.add.f32 [tilespmem:s16], [sflag:$0x6], $0x80, s4, s13, $0xb8;
	[tilespmem:$0x1E080] =	vst v63  }
0x14f: {  	_ =	swait.ge [sflag:s11], $0x4000  }
0x150: {  	[sflag:s11] =	ssyncset.done $0x0  }
0x151: {  	[sflag:s11] =	ssyncadd.s32 $0xFFFFC000  }
0x152: {  	[spmem:s3] =	stream.indirect.scatter.add.f32 [tilespmem:s8], [sflag:$0x6], $0x1, s4, s13, $0xb8;
	[tilespmem:$0x1E080] =	vst v63  }
0x153: {  	_ =	swait.ge [sflag:s11], $0x80  }
0x154: {  	[sflag:s11] =	ssyncset.done $0x0  }
0x155: {  	s22 =	simm.s32 $0x5;
	[sflag:s11] =	ssyncadd.s32 $0xFFFFFF80  }
0x156: {  	_ =	swait.ge [sflag:s22], $0x10  }
0x157: {  	[sflag:s22] =	ssyncset.done $0x0  }
0x158: {  	[sflag:s22] =	ssyncadd.s32 $0xFFFFFFF0  }
0x159: {  	_ =	swait.ge [sflag:s22], $0x10  }
0x15a: {  	[sflag:s22] =	ssyncset.done $0x0  }
0x15b: {  	s21 =	simm.s32 $0x1C200;
	s20 =	simm.s32 $0x1C300;
	[sflag:s22] =	ssyncadd.s32 $0xFFFFFFF0  }
0x15c: {  	[tilespmem:s20], [sflag:$0x5] =	stream.indirect.gather [hbm4b:s1+s25], $0x80, s21, s25, $0xb8;
	[tilespmem:$0x1E080] =	vst v63  }
0x15d: {  	_ =	swait.ge [sflag:s22], $0x800  }
0x15e: {  	[sflag:s22] =	ssyncset.done $0x0  }
0x15f: {  	[sflag:s22] =	ssyncadd.s32 $0xFFFFF800;
	s22 =	simm.s32 $0x1C280  }
0x160: {  	[spmem:s2] =	stream.indirect.scatter.add.f32 [tilespmem:s20], [sflag:$0x6], $0x80, s22, s25, $0xb8;
	[tilespmem:$0x1E080] =	vst v63  }
0x161: {  	_ =	swait.ge [sflag:s11], $0x800  }
0x162: {  	[sflag:s11] =	ssyncset.done $0x0  }
0x163: {  	[sflag:s11] =	ssyncadd.s32 $0xFFFFF800  }
0x164: {  	[spmem:s3] =	stream.indirect.scatter.add.f32 [tilespmem:s8], [sflag:$0x6], $0x1, s22, s25, $0xb8;
	[tilespmem:$0x1E080] =	vst v63  }
0x165: {  	_ =	swait.ge [sflag:s11], $0x10  }
0x166: {  	[sflag:s11] =	ssyncset.done $0x0  }
0x167: {  	[sflag:s11] =	ssyncadd.s32 $0xFFFFFFF0  }
0x168: {  	s23 =	stileid.u32;
	[bflag:$0x0] =	sbarrier.arrive $0xFFFF  }
0x169: {  	s21 =	sshll.u32 s23, $0x6;
	s24 =	rddreg [dreg:$0x10]  }
0x16a: {  	s21 =	sor.u32 $0x1C06, s21;
	s20 =	rddreg [dreg:$0x6];
	s22 =	sshrl.u32 s24, $0x3  }
0x16b: {  	[hbm:s20], [sflag:s21] =	dma.local [spmem:s22], $0x800  }
0x16c: {  	_ =	swait.ge [sflag:s11], $0x800  }
0x16d: {  	[sflag:s11] =	ssyncset.done $0x0;
	s24 =	rddreg [dreg:$0x13]  }
0x16e: {  	s20 =	rddreg [dreg:$0x7];
	[sflag:s11] =	ssyncadd.s32 $0xFFFFF800;
	s23 =	sshrl.u32 s24, $0x3  }
0x16f: {  	[hbm:s20], [sflag:s21] =	dma.local [spmem:s23], $0x800  }
0x170: {  	_ =	swait.ge [sflag:s11], $0x800  }
0x171: {  	s30 =	smov.u32 s9;
	[sflag:s11] =	ssyncset.done $0x0  }
0x172: {  	s9 =	sshrl.u32 s9, $0x3;
	s20 =	rddreg [dreg:$0x8];
	[sflag:s11] =	ssyncadd.s32 $0xFFFFF800  }
0x173: {  	[hbm:s20], [sflag:s21] =	dma.local [spmem:s9], $0x800  }
0x174: {  	_ =	swait.ge [sflag:s11], $0x800  }
0x175: {  	[sflag:s11] =	ssyncset.done $0x0;
	s23 =	rddreg [dreg:$0x11]  }
0x176: {  	s20 =	rddreg [dreg:$0x9];
	[sflag:s11] =	ssyncadd.s32 $0xFFFFF800;
	s9 =	sshrl.u32 s23, $0x3  }
0x177: {  	[hbm:s20], [sflag:s21] =	dma.local [spmem:s9], $0x800  }
0x178: {  	_ =	swait.ge [sflag:s11], $0x800  }
0x179: {  	[sflag:s11] =	ssyncset.done $0x0;
	s23 =	rddreg [dreg:$0x12]  }
0x17a: {  	s20 =	rddreg [dreg:$0xa];
	[sflag:s11] =	ssyncadd.s32 $0xFFFFF800;
	s9 =	sshrl.u32 s23, $0x3  }
0x17b: {  	[hbm:s20], [sflag:s21] =	dma.local [spmem:s9], $0x800  }
0x17c: {  	s23 =	smov.u32 s19;
	_ =	swait.ge [sflag:s11], $0x800  }
0x17d: {  	s22 =	sshrl.u32 s23, $0x3;
	[sflag:s11] =	ssyncset.done $0x0  }
0x17e: {  	s20 =	simm.s32 $0x20;
	s9 =	rddreg [dreg:$0x14];
	[sflag:s11] =	ssyncadd.s32 $0xFFFFF800  }
0x17f: {  	[hbm:s9@s20], [sflag:s21] =	dma.strided [spmem:s22@s25], $0x50, s12, $0x10   }
0x180: {  	_ =	swait.ge [sflag:s11], $0x50  }
0x181: {  	s21 =	sld [smem:$0x7F7];
	_ =	sdelay $0x2  }
0x182: {  	s22 =	rddreg [dreg:$0x15];
	s20 =	sadd.s32 $0x1, s21  }
0x183: {  	p0 =	sne.s32 s20, s22  }
.Ltmp2:
0x184: {  	_ = 	snop;
	(pc) =	sbr.rel @p0 .LBB2_1-.Ltmp2, $3  }
0x185: {  	_ =	sdelay $0x1  }
0x186: {  	[sflag:s11] =	ssyncset.done $0x0  }
0x187: {  	s19 =	simm.s32 $0x1C280;
	s9 =	simm.s32 $0x1C200;
	[sflag:s11] =	ssyncadd.s32 $0xFFFFFFB0  }
0x188: {  	_ =	sfence.sel $0x180000  }
0x189: {  	[bflag:$0x0] =	sbarrier.arrive $0xFFFF  }
0x18a: {  	_ =	strace $0x90000047  }
0x18b: {  	s0 =	stileid.u32;
	[bflag:$0x2] =	sbarrier.arrive $0xFFFF  }
0x18c: {  	p0 =	sne.s32 s0, $0x0;
	s0 =	rddreg [dreg:$0x4]  }
0x18d: {  	s0 =	sadd.s32 @!p0 $0x100000, s0  }
0x18e: {  	[sflag:s0] =	ssyncadd.tile.s32 @!p0 $0x1;
	_ =	shalt  }
.Lfunc_end2:
_tile_overlayer_lowered:
.L_overlay_start_2:
0x18f: {  	(tag) =	ssettag $0x2  }
0x190: {  	s0 =	rddreg [dreg:$0x0];
	s2 =	stileid.u32  }
0x191: {  	s1 =	rddreg [dreg:$0x1];
	p0 =	sne.s32 s2, $0x0  }
0x192: {  	s3 =	rddreg [dreg:$0x2];
	[bflag:$0x3] =	sbarrier.arrive $0xFFFF;
	s2 =	simm.s32 @!p0 $0x1C06  }
0x193: {  	[timem:s3], [sflag:s2] =	dma.local @!p0 [hbm:s0], s1  }
0x194: {  	s0 =	simm.s32 @!p0 $0x6  }
0x195: {  	_ =	swait.ge @!p0 [sflag:s0], s1  }
0x196: {  	s1 =	ssub.s32 @!p0 $0x0, s1;
	[sflag:s0] =	ssyncset.done @!p0 $0x0  }
0x197: {  	[sflag:s0] =	ssyncadd.s32 @!p0 s1  }
0x198: {  	[bflag:$0x3] =	sbarrier.arrive $0xFFFF  }
0x199: {  	_ =	shalt  }

</sc_bundles>
